<compile_context>
chip_gen: v7x
topology: tpu7x:2x2x1
jax: 0.10.2.dev20260603
libtpu: 0.0.44.dev20260713+nightly
codegen_flags: <defaults>
</compile_context>

<pallas_src>
import functools

import jax
import jax.numpy as jnp
from jax import lax
from jax.experimental import pallas as pl
from jax.experimental.pallas import tpu as pltpu
from jax.experimental.pallas import tpu_sc as plsc

N_NODES = 10000
D_FEAT = 128
HIDDEN = 16
D_OUT = 128

NC = 2
NS = 16
NW = NC * NS
CH = 128
GC = 8
CHG = CH * GC
NBF = 4
RPS = 632
NROWS = RPS * NS


def _sc_segsum_body(n_edges, n_groups, with_count, table, ei, *rest):
    if with_count:
        (agg_out, cnt_out, acc_sh, cnt_sh, src_v, dst_v, rows_v,
         ones_v, bounce_v, gsems, ssems) = rest
    else:
        (agg_out, acc_sh, src_v, dst_v, rows_v, bounce_v,
         gsems, ssems) = rest
    c = lax.axis_index("c")
    s = lax.axis_index("s")
    wid = c * NS + s
    epw = n_edges // NW
    epw_pad = n_groups * CHG

    z16 = jnp.zeros((HIDDEN,), jnp.float32)

    def zrow(i, carry):
        bounce_v[i] = z16
        return carry

    lax.fori_loop(0, RPS, zrow, 0)
    pltpu.sync_copy(bounce_v, acc_sh.at[pl.ds(s * RPS, RPS)])
    if with_count:
        pltpu.sync_copy(bounce_v, cnt_sh.at[pl.ds(s * RPS, RPS)])
        o16 = jnp.ones((HIDDEN,), jnp.float32)

        def orow(i, carry):
            ones_v[i] = o16
            return carry

        lax.fori_loop(0, CH, orow, 0)

    pltpu.sync_copy(ei.at[pl.ds(wid * epw, epw)], src_v.at[pl.ds(0, epw)])
    pltpu.sync_copy(ei.at[pl.ds(n_edges + wid * epw, epw)],
                    dst_v.at[pl.ds(0, epw)])
    dummy = jnp.full((16,), N_NODES, jnp.int32) + s
    zi16 = jnp.zeros((16,), jnp.int32)
    for k in range(epw, epw_pad, 16):
        src_v[pl.ds(k, 16)] = zi16
        dst_v[pl.ds(k, 16)] = dummy
    plsc.subcore_barrier()

    n_sc = GC * (2 if with_count else 1)

    def fire(g, b):
        pltpu.async_copy(table.at[src_v.at[pl.ds(g * CHG, CHG)]],
                         rows_v.at[b], gsems.at[b])

    def gdrain(b):
        pltpu.make_async_copy(table.at[src_v.at[pl.ds(0, CHG)]],
                              rows_v.at[b], gsems.at[b]).wait()

    def scatter(g, b):
        for t in range(GC):
            rows_t = rows_v.at[b].at[pl.ds(t * CH, CH)]
            idx = dst_v.at[pl.ds((g * GC + t) * CH, CH)]
            pltpu.async_copy(rows_t, acc_sh.at[idx], ssems.at[b], add=True)
            if with_count:
                pltpu.async_copy(ones_v, cnt_sh.at[idx], ssems.at[b],
                                 add=True)

    def sdrain(b):
        for _ in range(n_sc):
            pltpu.make_async_copy(rows_v.at[b].at[pl.ds(0, CH)],
                                  acc_sh.at[dst_v.at[pl.ds(0, CH)]],
                                  ssems.at[b]).wait()

    for g in range(min(NBF - 1, n_groups)):
        fire(g, g)

    def step(g, carry):
        b = g % NBF
        gdrain(b)
        scatter(g, b)

        @pl.when(g + NBF - 1 < n_groups)
        def _():
            bn = (g + NBF - 1) % NBF

            @pl.when(g >= 1)
            def _():
                sdrain(bn)

            fire(g + NBF - 1, bn)

        return carry

    lax.fori_loop(0, n_groups, step, 0)
    for k in range(min(NBF, n_groups)):
        sdrain((n_groups - 1 - k) % NBF)
    plsc.subcore_barrier()

    pltpu.sync_copy(acc_sh.at[pl.ds(s * RPS, RPS)], bounce_v)
    pltpu.sync_copy(bounce_v, agg_out.at[c].at[pl.ds(s * RPS, RPS)])
    if with_count:
        pltpu.sync_copy(cnt_sh.at[pl.ds(s * RPS, RPS)], bounce_v)
        pltpu.sync_copy(bounce_v, cnt_out.at[c].at[pl.ds(s * RPS, RPS)])


@functools.lru_cache(maxsize=None)
def _make_sc_pass(n_edges, n_groups, with_count):
    mesh = plsc.VectorSubcoreMesh(core_axis_name="c", subcore_axis_name="s",
                                  num_cores=NC, num_subcores=NS)
    acc_t = jax.ShapeDtypeStruct((NC, NROWS, HIDDEN), jnp.float32)
    out_type = [acc_t, acc_t] if with_count else [acc_t]
    scratch = [pltpu.VMEM_SHARED((NROWS, HIDDEN), jnp.float32)]
    if with_count:
        scratch.append(pltpu.VMEM_SHARED((NROWS, HIDDEN), jnp.float32))
    scratch += [
        pltpu.VMEM((n_groups * CHG,), jnp.int32),
        pltpu.VMEM((n_groups * CHG,), jnp.int32),
        pltpu.VMEM((NBF, CHG, HIDDEN), jnp.float32),
    ]
    if with_count:
        scratch.append(pltpu.VMEM((CH, HIDDEN), jnp.float32))
    scratch += [
        pltpu.VMEM((RPS, HIDDEN), jnp.float32),
        pltpu.SemaphoreType.DMA((NBF,)),
        pltpu.SemaphoreType.DMA((NBF,)),
    ]
    body = functools.partial(_sc_segsum_body, n_edges, n_groups, with_count)
    return pl.kernel(body, out_type=out_type, mesh=mesh,
                     scratch_types=scratch,
                     compiler_params=pltpu.CompilerParams(
                         use_tc_tiling_on_sc=False))


NPK = N_NODES // 8
APK = NROWS // 8


def _proj1_body(x_ref, vl_ref, vr_ref, p_ref, r_ref):
    xp = jnp.reshape(x_ref[...], (NPK, 8 * D_FEAT))
    p_ref[...] = jnp.dot(xp, vl_ref[...], preferred_element_type=jnp.float32)
    r_ref[...] = jnp.dot(xp, vr_ref[...], preferred_element_type=jnp.float32)


def _h_body(agg_ref, cnt_ref, xr_ref, b1_ref, h_ref):
    a = agg_ref[0] + agg_ref[1]
    cw = cnt_ref[0] + cnt_ref[1]
    m = a[:NPK] / jnp.maximum(cw[:NPK], 1.0)
    h_ref[...] = jnp.maximum(m + xr_ref[...] + b1_ref[...], 0.0)


def _out_body(agg_ref, cnt_ref, h_ref, vl_ref, vr_ref, b2_ref, out_ref):
    a = agg_ref[0] + agg_ref[1]
    cw = cnt_ref[0] + cnt_ref[1]
    m = a[:NPK] / jnp.maximum(cw[:NPK], 1.0)
    outp = (jnp.dot(m, vl_ref[...], preferred_element_type=jnp.float32)
            + jnp.dot(h_ref[...], vr_ref[...], preferred_element_type=jnp.float32)
            + b2_ref[...])
    out_ref[...] = jnp.reshape(outp, (N_NODES, D_OUT))


_proj1 = pl.pallas_call(
    _proj1_body,
    out_shape=[jax.ShapeDtypeStruct((NPK, 8 * HIDDEN), jnp.float32),
               jax.ShapeDtypeStruct((NPK, 8 * HIDDEN), jnp.float32)])

_hstep = pl.pallas_call(
    _h_body,
    out_shape=jax.ShapeDtypeStruct((NPK, 8 * HIDDEN), jnp.float32))

_outstep = pl.pallas_call(
    _out_body,
    out_shape=jax.ShapeDtypeStruct((N_NODES, D_OUT), jnp.float32))


def _blockdiag(w, reps=8):
    return jax.scipy.linalg.block_diag(*([w] * reps))


def kernel(x, edge_index, W1l, b1, W1r, W2l, b2, W2r):
    n_edges = edge_index.shape[1]
    assert n_edges % (NW * 16) == 0
    epw = n_edges // NW
    n_groups = -(-epw // CHG)
    n_groups += n_groups % 2

    ei = edge_index.astype(jnp.int32).reshape(2 * n_edges)

    v1l = _blockdiag(W1l.T)
    v1r = _blockdiag(W1r.T)
    v2l = _blockdiag(W2l.T)
    v2r = _blockdiag(W2r.T)
    b1t = jnp.tile(b1, 8).reshape(1, 8 * HIDDEN)
    b2t = jnp.tile(b2, 8).reshape(1, 8 * D_OUT)

    p1p, xrp = _proj1(x, v1l, v1r)
    sc1 = _make_sc_pass(n_edges, n_groups, True)
    agg1, cntw = sc1(p1p.reshape(N_NODES, HIDDEN), ei)
    agg1p = agg1.reshape(NC, APK, 8 * HIDDEN)
    cntp = cntw.reshape(NC, APK, 8 * HIDDEN)
    hp = _hstep(agg1p, cntp, xrp, b1t)
    sc2 = _make_sc_pass(n_edges, n_groups, False)
    agg2, = sc2(hp.reshape(N_NODES, HIDDEN), ei)
    agg2p = agg2.reshape(NC, APK, 8 * HIDDEN)
    out = _outstep(agg2p, cntp, hp, v2l, v2r, b2t)
    return out

# --- scband reference (transcript-rebuilt; emitter-appended) ---
"""Pipeline reference for scband-sagemodel-17222818857594 (READ-ONLY COPY).

The authoritative reference and input builder live on the scoring server;
editing this copy changes nothing except your own understanding.
"""

import jax, jax.numpy as jnp
import numpy as np

N_NODES = 10000
N_EDGES = 320000
D_FEAT = 128
HIDDEN = 16
D_OUT = 128


def setup_inputs(seed: int = 0) -> dict:
    key = jax.random.key(seed)
    ks = jax.random.split(key, 8)
    x = jax.random.normal(ks[0], (N_NODES, D_FEAT), dtype=jnp.float32)
    edge_index = jax.random.randint(ks[1], (2, N_EDGES), 0, N_NODES, dtype=jnp.int64)
    # SAGEConv(feature_num=128, 16): lin_l (neighbor agg, with bias) + lin_r (root, no bias)
    s1 = 1.0 / np.sqrt(D_FEAT)
    W1l = jax.random.uniform(ks[2], (HIDDEN, D_FEAT), jnp.float32, -s1, s1)
    b1 = jnp.zeros((HIDDEN,), jnp.float32)
    W1r = jax.random.uniform(ks[3], (HIDDEN, D_FEAT), jnp.float32, -s1, s1)
    # SAGEConv(16, output_num=128)
    s2 = 1.0 / np.sqrt(HIDDEN)
    W2l = jax.random.uniform(ks[4], (D_OUT, HIDDEN), jnp.float32, -s2, s2)
    b2 = jnp.zeros((D_OUT,), jnp.float32)
    W2r = jax.random.uniform(ks[5], (D_OUT, HIDDEN), jnp.float32, -s2, s2)
    return {"x": x, "edge_index": edge_index, "W1l": W1l, "b1": b1, "W1r": W1r,
            "W2l": W2l, "b2": b2, "W2r": W2r}


def _sage_conv(x, edge_index, Wl, bl, Wr):
    src = edge_index[0]
    dst = edge_index[1]
    msg = jnp.take(x, src, axis=0)                      # gather x_j
    agg = jax.ops.segment_sum(msg, dst, num_segments=x.shape[0])
    cnt = jax.ops.segment_sum(jnp.ones((edge_index.shape[1],), x.dtype), dst,
                              num_segments=x.shape[0])
    mean = agg / jnp.clip(cnt, 1.0, None)[:, None]      # mean aggregation
    return mean @ Wl.T + bl + x @ Wr.T


def reference(x, edge_index, W1l, b1, W1r, W2l, b2, W2r):
    h = _sage_conv(x, edge_index, W1l, b1, W1r)
    h = jax.nn.relu(h)
    # F.dropout(training=self.training): identity in eval mode
    out = _sage_conv(h, edge_index, W2l, b2, W2r)
    return out

if __name__ == "__main__":
    import jax
    _d = setup_inputs()
    print(jax.jit(kernel)(*tuple(_d.values())))

</pallas_src>

<mosaic_0001>
#map = affine_map<(d0, d1) -> (0, 0)>
#map1 = affine_map<(d0, d1) -> (0)>
#map2 = affine_map<(d0, d1) -> (0, 0, 0)>
module attributes {stable_mosaic.version = 14 : i64} {
  func.func @_sc_segsum_body(%arg0: i32, %arg1: i32, %arg2: memref<10000x16xf32, #tpu.memory_space<hbm>>, %arg3: memref<640000xi32, #tpu.memory_space<hbm>>, %arg4: memref<2x10112x16xf32, #tpu.memory_space<hbm>>, %arg5: memref<10112x16xf32, #tpu.memory_space<vmem_shared>>, %arg6: memref<10240xi32, #tpu.memory_space<vmem>>, %arg7: memref<10240xi32, #tpu.memory_space<vmem>>, %arg8: memref<4x1024x16xf32, #tpu.memory_space<vmem>>, %arg9: memref<632x16xf32, #tpu.memory_space<vmem>>, %arg10: memref<4x!tpu.dma_semaphore, #tpu.memory_space<semaphore_mem>>, %arg11: memref<4x!tpu.dma_semaphore, #tpu.memory_space<semaphore_mem>>) attributes {dimension_semantics = [#tpu.dimension_semantics<core_parallel>, #tpu.dimension_semantics<subcore_parallel>], iteration_bounds = array<i64: 2, 16>, scalar_prefetch = 0 : i64, scratch_operands = 7 : i64, tpu.core_type = #tpu.core_type<sc_vector_subcore>, window_params = [{transform_indices = #map}, {transform_indices = #map1}, {transform_indices = #map2}]} {
    %mul3A = arith.constant 16 : i32
    %mul3A_0 = arith.muli %arg0, %mul3A : i32
    %add3A = arith.addi %mul3A_0, %arg1 : i32
    %broadcast_in_dim3A = arith.constant 0.000000e+00 : f32
    %broadcast_in_dim3A_1 = vector.broadcast %broadcast_in_dim3A : f32 to vector<16xf32>
    %scan3A = arith.constant 0 : i32
    %scan3A_2 = arith.constant 0 : i32
    %scan3A_3 = arith.constant 632 : i32
    %scan3A_4 = arith.addi %scan3A_2, %scan3A_3 : i32
    %scan3A_5 = arith.constant 1 : i32
    scf.for %scan3A_700 = %scan3A_2 to %scan3A_4 step %scan3A_5  : i32 {
      %swap3A_701 = arith.index_cast %scan3A_700 : i32 to index
      %swap3A_702 = arith.constant 0 : index
      %swap3A_703 = tpu.vector_load %arg9[%swap3A_701, %swap3A_702] {strides = array<i32>} : memref<632x16xf32, #tpu.memory_space<vmem>>, vector<1x16xf32>,
      %swap3A_704 = vector.shape_cast %swap3A_703 : vector<1x16xf32> to vector<16xf32>
      %swap3A_705 = vector.shape_cast %broadcast_in_dim3A_1 : vector<16xf32> to vector<1x16xf32>
      tpu.vector_store %arg9[%swap3A_701, %swap3A_702], %swap3A_705 {strides = array<i32>} : memref<632x16xf32, #tpu.memory_space<vmem>>, vector<1x16xf32>,
    }
    %scan3A_6 = arith.constant 632 : i32
    %mul3A_7 = arith.constant 632 : i32
    %mul3A_8 = arith.muli %arg1, %mul3A_7 : i32
    "tpu.region"() ({
      %run_scoped3A = tpu.sem_alloc : memref<!tpu.dma_semaphore, #tpu.memory_space<semaphore_mem>>
      %dma_start3A_700 = arith.constant 0 : i32
      %dma_start3A_701 = tpu.memref_slice %arg5[%mul3A_8, %dma_start3A_700] : memref<10112x16xf32, #tpu.memory_space<vmem_shared>> -> memref<632x16xf32, #tpu.memory_space<vmem_shared>>
      %dma_start3A_702 = arith.constant 0 : i32
      %dma_start3A_703 = tpu.memref_slice %arg5[%mul3A_8, %dma_start3A_702] : memref<10112x16xf32, #tpu.memory_space<vmem_shared>> -> memref<632x16xf32, #tpu.memory_space<vmem_shared>>
      tpu.enqueue_dma source(%arg9 : memref<632x16xf32, #tpu.memory_space<vmem>>) target(%dma_start3A_703 : memref<632x16xf32, #tpu.memory_space<vmem_shared>>) target_semaphore(%run_scoped3A : memref<!tpu.dma_semaphore, #tpu.memory_space<semaphore_mem>>)
      %dma_wait3A_704 = arith.constant 0 : i32
      %dma_wait3A_705 = tpu.memref_slice %arg5[%mul3A_8, %dma_wait3A_704] : memref<10112x16xf32, #tpu.memory_space<vmem_shared>> -> memref<632x16xf32, #tpu.memory_space<vmem_shared>>
      %dma_wait3A_706 = arith.constant 0 : i32
      %dma_wait3A_707 = tpu.memref_slice %arg5[%mul3A_8, %dma_wait3A_706] : memref<10112x16xf32, #tpu.memory_space<vmem_shared>> -> memref<632x16xf32, #tpu.memory_space<vmem_shared>>
      tpu.wait_dma2 semaphore(%run_scoped3A : memref<!tpu.dma_semaphore, #tpu.memory_space<semaphore_mem>>) src(%arg9 : memref<632x16xf32, #tpu.memory_space<vmem>>) dst(%dma_wait3A_707 : memref<632x16xf32, #tpu.memory_space<vmem_shared>>)
      tpu.yield
    }) : () -> ()
    %mul3A_9 = arith.constant 10000 : i32
    %mul3A_10 = arith.muli %add3A, %mul3A_9 : i32
    "tpu.region"() ({
      %run_scoped3A = tpu.sem_alloc : memref<!tpu.dma_semaphore, #tpu.memory_space<semaphore_mem>>
      %dma_start3A_700 = arith.constant 0 : i32
      %dma_start3A_701 = tpu.memref_slice %arg6[%dma_start3A_700] : memref<10240xi32, #tpu.memory_space<vmem>> -> memref<10000xi32, #tpu.memory_space<vmem>>
      %dma_start3A_702 = tpu.memref_slice %arg3[%mul3A_10] : memref<640000xi32, #tpu.memory_space<hbm>> -> memref<10000xi32, #tpu.memory_space<hbm>>
      %dma_start3A_703 = arith.constant 0 : i32
      %dma_start3A_704 = tpu.memref_slice %arg6[%dma_start3A_703] : memref<10240xi32, #tpu.memory_space<vmem>> -> memref<10000xi32, #tpu.memory_space<vmem>>
      %dma_start3A_705 = tpu.memref_slice %arg3[%mul3A_10] : memref<640000xi32, #tpu.memory_space<hbm>> -> memref<10000xi32, #tpu.memory_space<hbm>>
      tpu.enqueue_dma source(%dma_start3A_705 : memref<10000xi32, #tpu.memory_space<hbm>>) target(%dma_start3A_704 : memref<10000xi32, #tpu.memory_space<vmem>>) target_semaphore(%run_scoped3A : memref<!tpu.dma_semaphore, #tpu.memory_space<semaphore_mem>>)
      %dma_wait3A_706 = arith.constant 0 : i32
      %dma_wait3A_707 = tpu.memref_slice %arg6[%dma_wait3A_706] : memref<10240xi32, #tpu.memory_space<vmem>> -> memref<10000xi32, #tpu.memory_space<vmem>>
      %dma_wait3A_708 = tpu.memref_slice %arg3[%mul3A_10] : memref<640000xi32, #tpu.memory_space<hbm>> -> memref<10000xi32, #tpu.memory_space<hbm>>
      %dma_wait3A_709 = arith.constant 0 : i32
      %dma_wait3A_710 = tpu.memref_slice %arg6[%dma_wait3A_709] : memref<10240xi32, #tpu.memory_space<vmem>> -> memref<10000xi32, #tpu.memory_space<vmem>>
      %dma_wait3A_711 = tpu.memref_slice %arg3[%mul3A_10] : memref<640000xi32, #tpu.memory_space<hbm>> -> memref<10000xi32, #tpu.memory_space<hbm>>
      tpu.wait_dma2 semaphore(%run_scoped3A : memref<!tpu.dma_semaphore, #tpu.memory_space<semaphore_mem>>) src(%dma_wait3A_711 : memref<10000xi32, #tpu.memory_space<hbm>>) dst(%dma_wait3A_710 : memref<10000xi32, #tpu.memory_space<vmem>>)
      tpu.yield
    }) : () -> ()
    %mul3A_11 = arith.constant 10000 : i32
    %mul3A_12 = arith.muli %add3A, %mul3A_11 : i32
    %add3A_13 = arith.constant 320000 : i32
    %add3A_14 = arith.addi %add3A_13, %mul3A_12 : i32
    "tpu.region"() ({
      %run_scoped3A = tpu.sem_alloc : memref<!tpu.dma_semaphore, #tpu.memory_space<semaphore_mem>>
      %dma_start3A_700 = arith.constant 0 : i32
      %dma_start3A_701 = tpu.memref_slice %arg7[%dma_start3A_700] : memref<10240xi32, #tpu.memory_space<vmem>> -> memref<10000xi32, #tpu.memory_space<vmem>>
      %dma_start3A_702 = tpu.memref_slice %arg3[%add3A_14] : memref<640000xi32, #tpu.memory_space<hbm>> -> memref<10000xi32, #tpu.memory_space<hbm>>
      %dma_start3A_703 = arith.constant 0 : i32
      %dma_start3A_704 = tpu.memref_slice %arg7[%dma_start3A_703] : memref<10240xi32, #tpu.memory_space<vmem>> -> memref<10000xi32, #tpu.memory_space<vmem>>
      %dma_start3A_705 = tpu.memref_slice %arg3[%add3A_14] : memref<640000xi32, #tpu.memory_space<hbm>> -> memref<10000xi32, #tpu.memory_space<hbm>>
      tpu.enqueue_dma source(%dma_start3A_705 : memref<10000xi32, #tpu.memory_space<hbm>>) target(%dma_start3A_704 : memref<10000xi32, #tpu.memory_space<vmem>>) target_semaphore(%run_scoped3A : memref<!tpu.dma_semaphore, #tpu.memory_space<semaphore_mem>>)
      %dma_wait3A_706 = arith.constant 0 : i32
      %dma_wait3A_707 = tpu.memref_slice %arg7[%dma_wait3A_706] : memref<10240xi32, #tpu.memory_space<vmem>> -> memref<10000xi32, #tpu.memory_space<vmem>>
      %dma_wait3A_708 = tpu.memref_slice %arg3[%add3A_14] : memref<640000xi32, #tpu.memory_space<hbm>> -> memref<10000xi32, #tpu.memory_space<hbm>>
      %dma_wait3A_709 = arith.constant 0 : i32
      %dma_wait3A_710 = tpu.memref_slice %arg7[%dma_wait3A_709] : memref<10240xi32, #tpu.memory_space<vmem>> -> memref<10000xi32, #tpu.memory_space<vmem>>
      %dma_wait3A_711 = tpu.memref_slice %arg3[%add3A_14] : memref<640000xi32, #tpu.memory_space<hbm>> -> memref<10000xi32, #tpu.memory_space<hbm>>
      tpu.wait_dma2 semaphore(%run_scoped3A : memref<!tpu.dma_semaphore, #tpu.memory_space<semaphore_mem>>) src(%dma_wait3A_711 : memref<10000xi32, #tpu.memory_space<hbm>>) dst(%dma_wait3A_710 : memref<10000xi32, #tpu.memory_space<vmem>>)
      tpu.yield
    }) : () -> ()
    %broadcast_in_dim3A_15 = arith.constant 10000 : i32
    %broadcast_in_dim3A_16 = vector.broadcast %broadcast_in_dim3A_15 : i32 to vector<16xi32>
    %add3A_17 = vector.broadcast %arg1 : i32 to vector<16xi32>
    %add3A_18 = arith.addi %broadcast_in_dim3A_16, %add3A_17 : vector<16xi32>
    %broadcast_in_dim3A_19 = arith.constant 0 : i32
    %broadcast_in_dim3A_20 = vector.broadcast %broadcast_in_dim3A_19 : i32 to vector<16xi32>
    %swap3A = arith.constant 10000 : index
    %swap3A_21 = tpu.vector_load %arg6[%swap3A] {strides = array<i32>} : memref<10240xi32, #tpu.memory_space<vmem>>, vector<16xi32>,
    %swap3A_22 = vector.shape_cast %swap3A_21 : vector<16xi32> to vector<16xi32>
    %swap3A_23 = vector.shape_cast %broadcast_in_dim3A_20 : vector<16xi32> to vector<16xi32>
    tpu.vector_store %arg6[%swap3A], %swap3A_23 {strides = array<i32>} : memref<10240xi32, #tpu.memory_space<vmem>>, vector<16xi32>,
    %swap3A_24 = arith.constant 10000 : index
    %swap3A_25 = tpu.vector_load %arg7[%swap3A_24] {strides = array<i32>} : memref<10240xi32, #tpu.memory_space<vmem>>, vector<16xi32>,
    %swap3A_26 = vector.shape_cast %swap3A_25 : vector<16xi32> to vector<16xi32>
    %swap3A_27 = vector.shape_cast %add3A_18 : vector<16xi32> to vector<16xi32>
    tpu.vector_store %arg7[%swap3A_24], %swap3A_27 {strides = array<i32>} : memref<10240xi32, #tpu.memory_space<vmem>>, vector<16xi32>,
    %swap3A_28 = arith.constant 10016 : index
    %swap3A_29 = tpu.vector_load %arg6[%swap3A_28] {strides = array<i32>} : memref<10240xi32, #tpu.memory_space<vmem>>, vector<16xi32>,
    %swap3A_30 = vector.shape_cast %swap3A_29 : vector<16xi32> to vector<16xi32>
    %swap3A_31 = vector.shape_cast %broadcast_in_dim3A_20 : vector<16xi32> to vector<16xi32>
    tpu.vector_store %arg6[%swap3A_28], %swap3A_31 {strides = array<i32>} : memref<10240xi32, #tpu.memory_space<vmem>>, vector<16xi32>,
    %swap3A_32 = arith.constant 10016 : index
    %swap3A_33 = tpu.vector_load %arg7[%swap3A_32] {strides = array<i32>} : memref<10240xi32, #tpu.memory_space<vmem>>, vector<16xi32>,
    %swap3A_34 = vector.shape_cast %swap3A_33 : vector<16xi32> to vector<16xi32>
    %swap3A_35 = vector.shape_cast %add3A_18 : vector<16xi32> to vector<16xi32>
    tpu.vector_store %arg7[%swap3A_32], %swap3A_35 {strides = array<i32>} : memref<10240xi32, #tpu.memory_space<vmem>>, vector<16xi32>,
    %swap3A_36 = arith.constant 10032 : index
    %swap3A_37 = tpu.vector_load %arg6[%swap3A_36] {strides = array<i32>} : memref<10240xi32, #tpu.memory_space<vmem>>, vector<16xi32>,
    %swap3A_38 = vector.shape_cast %swap3A_37 : vector<16xi32> to vector<16xi32>
    %swap3A_39 = vector.shape_cast %broadcast_in_dim3A_20 : vector<16xi32> to vector<16xi32>
    tpu.vector_store %arg6[%swap3A_36], %swap3A_39 {strides = array<i32>} : memref<10240xi32, #tpu.memory_space<vmem>>, vector<16xi32>,
    %swap3A_40 = arith.constant 10032 : index
    %swap3A_41 = tpu.vector_load %arg7[%swap3A_40] {strides = array<i32>} : memref<10240xi32, #tpu.memory_space<vmem>>, vector<16xi32>,
    %swap3A_42 = vector.shape_cast %swap3A_41 : vector<16xi32> to vector<16xi32>
    %swap3A_43 = vector.shape_cast %add3A_18 : vector<16xi32> to vector<16xi32>
    tpu.vector_store %arg7[%swap3A_40], %swap3A_43 {strides = array<i32>} : memref<10240xi32, #tpu.memory_space<vmem>>, vector<16xi32>,
    %swap3A_44 = arith.constant 10048 : index
    %swap3A_45 = tpu.vector_load %arg6[%swap3A_44] {strides = array<i32>} : memref<10240xi32, #tpu.memory_space<vmem>>, vector<16xi32>,
    %swap3A_46 = vector.shape_cast %swap3A_45 : vector<16xi32> to vector<16xi32>
    %swap3A_47 = vector.shape_cast %broadcast_in_dim3A_20 : vector<16xi32> to vector<16xi32>
    tpu.vector_store %arg6[%swap3A_44], %swap3A_47 {strides = array<i32>} : memref<10240xi32, #tpu.memory_space<vmem>>, vector<16xi32>,
    %swap3A_48 = arith.constant 10048 : index
    %swap3A_49 = tpu.vector_load %arg7[%swap3A_48] {strides = array<i32>} : memref<10240xi32, #tpu.memory_space<vmem>>, vector<16xi32>,
    %swap3A_50 = vector.shape_cast %swap3A_49 : vector<16xi32> to vector<16xi32>
    %swap3A_51 = vector.shape_cast %add3A_18 : vector<16xi32> to vector<16xi32>
    tpu.vector_store %arg7[%swap3A_48], %swap3A_51 {strides = array<i32>} : memref<10240xi32, #tpu.memory_space<vmem>>, vector<16xi32>,
    %swap3A_52 = arith.constant 10064 : index
    %swap3A_53 = tpu.vector_load %arg6[%swap3A_52] {strides = array<i32>} : memref<10240xi32, #tpu.memory_space<vmem>>, vector<16xi32>,
    %swap3A_54 = vector.shape_cast %swap3A_53 : vector<16xi32> to vector<16xi32>
    %swap3A_55 = vector.shape_cast %broadcast_in_dim3A_20 : vector<16xi32> to vector<16xi32>
    tpu.vector_store %arg6[%swap3A_52], %swap3A_55 {strides = array<i32>} : memref<10240xi32, #tpu.memory_space<vmem>>, vector<16xi32>,
    %swap3A_56 = arith.constant 10064 : index
    %swap3A_57 = tpu.vector_load %arg7[%swap3A_56] {strides = array<i32>} : memref<10240xi32, #tpu.memory_space<vmem>>, vector<16xi32>,
    %swap3A_58 = vector.shape_cast %swap3A_57 : vector<16xi32> to vector<16xi32>
    %swap3A_59 = vector.shape_cast %add3A_18 : vector<16xi32> to vector<16xi32>
    tpu.vector_store %arg7[%swap3A_56], %swap3A_59 {strides = array<i32>} : memref<10240xi32, #tpu.memory_space<vmem>>, vector<16xi32>,
    %swap3A_60 = arith.constant 10080 : index
    %swap3A_61 = tpu.vector_load %arg6[%swap3A_60] {strides = array<i32>} : memref<10240xi32, #tpu.memory_space<vmem>>, vector<16xi32>,
    %swap3A_62 = vector.shape_cast %swap3A_61 : vector<16xi32> to vector<16xi32>
    %swap3A_63 = vector.shape_cast %broadcast_in_dim3A_20 : vector<16xi32> to vector<16xi32>
    tpu.vector_store %arg6[%swap3A_60], %swap3A_63 {strides = array<i32>} : memref<10240xi32, #tpu.memory_space<vmem>>, vector<16xi32>,
    %swap3A_64 = arith.constant 10080 : index
    %swap3A_65 = tpu.vector_load %arg7[%swap3A_64] {strides = array<i32>} : memref<10240xi32, #tpu.memory_space<vmem>>, vector<16xi32>,
    %swap3A_66 = vector.shape_cast %swap3A_65 : vector<16xi32> to vector<16xi32>
    %swap3A_67 = vector.shape_cast %add3A_18 : vector<16xi32> to vector<16xi32>
    tpu.vector_store %arg7[%swap3A_64], %swap3A_67 {strides = array<i32>} : memref<10240xi32, #tpu.memory_space<vmem>>, vector<16xi32>,
    %swap3A_68 = arith.constant 10096 : index
    %swap3A_69 = tpu.vector_load %arg6[%swap3A_68] {strides = array<i32>} : memref<10240xi32, #tpu.memory_space<vmem>>, vector<16xi32>,
    %swap3A_70 = vector.shape_cast %swap3A_69 : vector<16xi32> to vector<16xi32>
    %swap3A_71 = vector.shape_cast %broadcast_in_dim3A_20 : vector<16xi32> to vector<16xi32>
    tpu.vector_store %arg6[%swap3A_68], %swap3A_71 {strides = array<i32>} : memref<10240xi32, #tpu.memory_space<vmem>>, vector<16xi32>,
    %swap3A_72 = arith.constant 10096 : index
    %swap3A_73 = tpu.vector_load %arg7[%swap3A_72] {strides = array<i32>} : memref<10240xi32, #tpu.memory_space<vmem>>, vector<16xi32>,
    %swap3A_74 = vector.shape_cast %swap3A_73 : vector<16xi32> to vector<16xi32>
    %swap3A_75 = vector.shape_cast %add3A_18 : vector<16xi32> to vector<16xi32>
    tpu.vector_store %arg7[%swap3A_72], %swap3A_75 {strides = array<i32>} : memref<10240xi32, #tpu.memory_space<vmem>>, vector<16xi32>,
    %swap3A_76 = arith.constant 10112 : index
    %swap3A_77 = tpu.vector_load %arg6[%swap3A_76] {strides = array<i32>} : memref<10240xi32, #tpu.memory_space<vmem>>, vector<16xi32>,
    %swap3A_78 = vector.shape_cast %swap3A_77 : vector<16xi32> to vector<16xi32>
    %swap3A_79 = vector.shape_cast %broadcast_in_dim3A_20 : vector<16xi32> to vector<16xi32>
    tpu.vector_store %arg6[%swap3A_76], %swap3A_79 {strides = array<i32>} : memref<10240xi32, #tpu.memory_space<vmem>>, vector<16xi32>,
    %swap3A_80 = arith.constant 10112 : index
    %swap3A_81 = tpu.vector_load %arg7[%swap3A_80] {strides = array<i32>} : memref<10240xi32, #tpu.memory_space<vmem>>, vector<16xi32>,
    %swap3A_82 = vector.shape_cast %swap3A_81 : vector<16xi32> to vector<16xi32>
    %swap3A_83 = vector.shape_cast %add3A_18 : vector<16xi32> to vector<16xi32>
    tpu.vector_store %arg7[%swap3A_80], %swap3A_83 {strides = array<i32>} : memref<10240xi32, #tpu.memory_space<vmem>>, vector<16xi32>,
    %swap3A_84 = arith.constant 10128 : index
    %swap3A_85 = tpu.vector_load %arg6[%swap3A_84] {strides = array<i32>} : memref<10240xi32, #tpu.memory_space<vmem>>, vector<16xi32>,
    %swap3A_86 = vector.shape_cast %swap3A_85 : vector<16xi32> to vector<16xi32>
    %swap3A_87 = vector.shape_cast %broadcast_in_dim3A_20 : vector<16xi32> to vector<16xi32>
    tpu.vector_store %arg6[%swap3A_84], %swap3A_87 {strides = array<i32>} : memref<10240xi32, #tpu.memory_space<vmem>>, vector<16xi32>,
    %swap3A_88 = arith.constant 10128 : index
    %swap3A_89 = tpu.vector_load %arg7[%swap3A_88] {strides = array<i32>} : memref<10240xi32, #tpu.memory_space<vmem>>, vector<16xi32>,
    %swap3A_90 = vector.shape_cast %swap3A_89 : vector<16xi32> to vector<16xi32>
    %swap3A_91 = vector.shape_cast %add3A_18 : vector<16xi32> to vector<16xi32>
    tpu.vector_store %arg7[%swap3A_88], %swap3A_91 {strides = array<i32>} : memref<10240xi32, #tpu.memory_space<vmem>>, vector<16xi32>,
    %swap3A_92 = arith.constant 10144 : index
    %swap3A_93 = tpu.vector_load %arg6[%swap3A_92] {strides = array<i32>} : memref<10240xi32, #tpu.memory_space<vmem>>, vector<16xi32>,
    %swap3A_94 = vector.shape_cast %swap3A_93 : vector<16xi32> to vector<16xi32>
    %swap3A_95 = vector.shape_cast %broadcast_in_dim3A_20 : vector<16xi32> to vector<16xi32>
    tpu.vector_store %arg6[%swap3A_92], %swap3A_95 {strides = array<i32>} : memref<10240xi32, #tpu.memory_space<vmem>>, vector<16xi32>,
    %swap3A_96 = arith.constant 10144 : index
    %swap3A_97 = tpu.vector_load %arg7[%swap3A_96] {strides = array<i32>} : memref<10240xi32, #tpu.memory_space<vmem>>, vector<16xi32>,
    %swap3A_98 = vector.shape_cast %swap3A_97 : vector<16xi32> to vector<16xi32>
    %swap3A_99 = vector.shape_cast %add3A_18 : vector<16xi32> to vector<16xi32>
    tpu.vector_store %arg7[%swap3A_96], %swap3A_99 {strides = array<i32>} : memref<10240xi32, #tpu.memory_space<vmem>>, vector<16xi32>,
    %swap3A_100 = arith.constant 10160 : index
    %swap3A_101 = tpu.vector_load %arg6[%swap3A_100] {strides = array<i32>} : memref<10240xi32, #tpu.memory_space<vmem>>, vector<16xi32>,
    %swap3A_102 = vector.shape_cast %swap3A_101 : vector<16xi32> to vector<16xi32>
    %swap3A_103 = vector.shape_cast %broadcast_in_dim3A_20 : vector<16xi32> to vector<16xi32>
    tpu.vector_store %arg6[%swap3A_100], %swap3A_103 {strides = array<i32>} : memref<10240xi32, #tpu.memory_space<vmem>>, vector<16xi32>,
    %swap3A_104 = arith.constant 10160 : index
    %swap3A_105 = tpu.vector_load %arg7[%swap3A_104] {strides = array<i32>} : memref<10240xi32, #tpu.memory_space<vmem>>, vector<16xi32>,
    %swap3A_106 = vector.shape_cast %swap3A_105 : vector<16xi32> to vector<16xi32>
    %swap3A_107 = vector.shape_cast %add3A_18 : vector<16xi32> to vector<16xi32>
    tpu.vector_store %arg7[%swap3A_104], %swap3A_107 {strides = array<i32>} : memref<10240xi32, #tpu.memory_space<vmem>>, vector<16xi32>,
    %swap3A_108 = arith.constant 10176 : index
    %swap3A_109 = tpu.vector_load %arg6[%swap3A_108] {strides = array<i32>} : memref<10240xi32, #tpu.memory_space<vmem>>, vector<16xi32>,
    %swap3A_110 = vector.shape_cast %swap3A_109 : vector<16xi32> to vector<16xi32>
    %swap3A_111 = vector.shape_cast %broadcast_in_dim3A_20 : vector<16xi32> to vector<16xi32>
    tpu.vector_store %arg6[%swap3A_108], %swap3A_111 {strides = array<i32>} : memref<10240xi32, #tpu.memory_space<vmem>>, vector<16xi32>,
    %swap3A_112 = arith.constant 10176 : index
    %swap3A_113 = tpu.vector_load %arg7[%swap3A_112] {strides = array<i32>} : memref<10240xi32, #tpu.memory_space<vmem>>, vector<16xi32>,
    %swap3A_114 = vector.shape_cast %swap3A_113 : vector<16xi32> to vector<16xi32>
    %swap3A_115 = vector.shape_cast %add3A_18 : vector<16xi32> to vector<16xi32>
    tpu.vector_store %arg7[%swap3A_112], %swap3A_115 {strides = array<i32>} : memref<10240xi32, #tpu.memory_space<vmem>>, vector<16xi32>,
    %swap3A_116 = arith.constant 10192 : index
    %swap3A_117 = tpu.vector_load %arg6[%swap3A_116] {strides = array<i32>} : memref<10240xi32, #tpu.memory_space<vmem>>, vector<16xi32>,
    %swap3A_118 = vector.shape_cast %swap3A_117 : vector<16xi32> to vector<16xi32>
    %swap3A_119 = vector.shape_cast %broadcast_in_dim3A_20 : vector<16xi32> to vector<16xi32>
    tpu.vector_store %arg6[%swap3A_116], %swap3A_119 {strides = array<i32>} : memref<10240xi32, #tpu.memory_space<vmem>>, vector<16xi32>,
    %swap3A_120 = arith.constant 10192 : index
    %swap3A_121 = tpu.vector_load %arg7[%swap3A_120] {strides = array<i32>} : memref<10240xi32, #tpu.memory_space<vmem>>, vector<16xi32>,
    %swap3A_122 = vector.shape_cast %swap3A_121 : vector<16xi32> to vector<16xi32>
    %swap3A_123 = vector.shape_cast %add3A_18 : vector<16xi32> to vector<16xi32>
    tpu.vector_store %arg7[%swap3A_120], %swap3A_123 {strides = array<i32>} : memref<10240xi32, #tpu.memory_space<vmem>>, vector<16xi32>,
    %swap3A_124 = arith.constant 10208 : index
    %swap3A_125 = tpu.vector_load %arg6[%swap3A_124] {strides = array<i32>} : memref<10240xi32, #tpu.memory_space<vmem>>, vector<16xi32>,
    %swap3A_126 = vector.shape_cast %swap3A_125 : vector<16xi32> to vector<16xi32>
    %swap3A_127 = vector.shape_cast %broadcast_in_dim3A_20 : vector<16xi32> to vector<16xi32>
    tpu.vector_store %arg6[%swap3A_124], %swap3A_127 {strides = array<i32>} : memref<10240xi32, #tpu.memory_space<vmem>>, vector<16xi32>,
    %swap3A_128 = arith.constant 10208 : index
    %swap3A_129 = tpu.vector_load %arg7[%swap3A_128] {strides = array<i32>} : memref<10240xi32, #tpu.memory_space<vmem>>, vector<16xi32>,
    %swap3A_130 = vector.shape_cast %swap3A_129 : vector<16xi32> to vector<16xi32>
    %swap3A_131 = vector.shape_cast %add3A_18 : vector<16xi32> to vector<16xi32>
    tpu.vector_store %arg7[%swap3A_128], %swap3A_131 {strides = array<i32>} : memref<10240xi32, #tpu.memory_space<vmem>>, vector<16xi32>,
    %swap3A_132 = arith.constant 10224 : index
    %swap3A_133 = tpu.vector_load %arg6[%swap3A_132] {strides = array<i32>} : memref<10240xi32, #tpu.memory_space<vmem>>, vector<16xi32>,
    %swap3A_134 = vector.shape_cast %swap3A_133 : vector<16xi32> to vector<16xi32>
    %swap3A_135 = vector.shape_cast %broadcast_in_dim3A_20 : vector<16xi32> to vector<16xi32>
    tpu.vector_store %arg6[%swap3A_132], %swap3A_135 {strides = array<i32>} : memref<10240xi32, #tpu.memory_space<vmem>>, vector<16xi32>,
    %swap3A_136 = arith.constant 10224 : index
    %swap3A_137 = tpu.vector_load %arg7[%swap3A_136] {strides = array<i32>} : memref<10240xi32, #tpu.memory_space<vmem>>, vector<16xi32>,
    %swap3A_138 = vector.shape_cast %swap3A_137 : vector<16xi32> to vector<16xi32>
    %swap3A_139 = vector.shape_cast %add3A_18 : vector<16xi32> to vector<16xi32>
    tpu.vector_store %arg7[%swap3A_136], %swap3A_139 {strides = array<i32>} : memref<10240xi32, #tpu.memory_space<vmem>>, vector<16xi32>,
    %barrier3A = arith.constant 0 : index
    tpu.barrier barrier_id(%barrier3A)
    %dma_start3A = arith.constant 0 : i32
    %dma_start3A_140 = arith.constant 0 : i32
    %dma_start3A_141 = arith.constant 0 : i32
    %dma_start3A_142 = arith.constant 0 : i32
    %dma_start3A_143 = tpu.memref_slice %arg8[%dma_start3A, %dma_start3A_141, %dma_start3A_142] : memref<4x1024x16xf32, #tpu.memory_space<vmem>> -> memref<1x1024x16xf32, #tpu.memory_space<vmem>>
    %dma_start3A_144 = tpu.memref_squeeze %dma_start3A_143 : memref<1x1024x16xf32, #tpu.memory_space<vmem>> -> memref<1024x16xf32, #tpu.memory_space<vmem>>
    %dma_start3A_145 = arith.constant 0 : i32
    %dma_start3A_146 = tpu.memref_slice %arg6[%dma_start3A_145] : memref<10240xi32, #tpu.memory_space<vmem>> -> memref<1024xi32, #tpu.memory_space<vmem>>
    %dma_start3A_147 = arith.constant 0 : i32
    %dma_start3A_148 = arith.constant 0 : i32
    %dma_start3A_149 = tpu.memref_slice %arg2[%dma_start3A_147, %dma_start3A_148] : memref<10000x16xf32, #tpu.memory_space<hbm>> -> memref<10000x16xf32, #tpu.memory_space<hbm>>
    %dma_start3A_150 = tpu.memref_slice %arg10[%dma_start3A_140] : memref<4x!tpu.dma_semaphore, #tpu.memory_space<semaphore_mem>> -> memref<1x!tpu.dma_semaphore, #tpu.memory_space<semaphore_mem>>
    %dma_start3A_151 = tpu.memref_squeeze %dma_start3A_150 : memref<1x!tpu.dma_semaphore, #tpu.memory_space<semaphore_mem>> -> memref<!tpu.dma_semaphore, #tpu.memory_space<semaphore_mem>>
    tpu.enqueue_indirect_dma source(%dma_start3A_149 : memref<10000x16xf32, #tpu.memory_space<hbm>>) target(%dma_start3A_144 : memref<1024x16xf32, #tpu.memory_space<vmem>>) offsets(%dma_start3A_146 : memref<1024xi32, #tpu.memory_space<vmem>>) semaphore(%dma_start3A_151 : memref<!tpu.dma_semaphore, #tpu.memory_space<semaphore_mem>>)
    %dma_start3A_152 = arith.constant 1 : i32
    %dma_start3A_153 = arith.constant 1 : i32
    %dma_start3A_154 = arith.constant 0 : i32
    %dma_start3A_155 = arith.constant 0 : i32
    %dma_start3A_156 = tpu.memref_slice %arg8[%dma_start3A_152, %dma_start3A_154, %dma_start3A_155] : memref<4x1024x16xf32, #tpu.memory_space<vmem>> -> memref<1x1024x16xf32, #tpu.memory_space<vmem>>
    %dma_start3A_157 = tpu.memref_squeeze %dma_start3A_156 : memref<1x1024x16xf32, #tpu.memory_space<vmem>> -> memref<1024x16xf32, #tpu.memory_space<vmem>>
    %dma_start3A_158 = arith.constant 1024 : i32
    %dma_start3A_159 = tpu.memref_slice %arg6[%dma_start3A_158] : memref<10240xi32, #tpu.memory_space<vmem>> -> memref<1024xi32, #tpu.memory_space<vmem>>
    %dma_start3A_160 = arith.constant 0 : i32
    %dma_start3A_161 = arith.constant 0 : i32
    %dma_start3A_162 = tpu.memref_slice %arg2[%dma_start3A_160, %dma_start3A_161] : memref<10000x16xf32, #tpu.memory_space<hbm>> -> memref<10000x16xf32, #tpu.memory_space<hbm>>
    %dma_start3A_163 = tpu.memref_slice %arg10[%dma_start3A_153] : memref<4x!tpu.dma_semaphore, #tpu.memory_space<semaphore_mem>> -> memref<1x!tpu.dma_semaphore, #tpu.memory_space<semaphore_mem>>
    %dma_start3A_164 = tpu.memref_squeeze %dma_start3A_163 : memref<1x!tpu.dma_semaphore, #tpu.memory_space<semaphore_mem>> -> memref<!tpu.dma_semaphore, #tpu.memory_space<semaphore_mem>>
    tpu.enqueue_indirect_dma source(%dma_start3A_162 : memref<10000x16xf32, #tpu.memory_space<hbm>>) target(%dma_start3A_157 : memref<1024x16xf32, #tpu.memory_space<vmem>>) offsets(%dma_start3A_159 : memref<1024xi32, #tpu.memory_space<vmem>>) semaphore(%dma_start3A_164 : memref<!tpu.dma_semaphore, #tpu.memory_space<semaphore_mem>>)
    %dma_start3A_165 = arith.constant 2 : i32
    %dma_start3A_166 = arith.constant 2 : i32
    %dma_start3A_167 = arith.constant 0 : i32
    %dma_start3A_168 = arith.constant 0 : i32
    %dma_start3A_169 = tpu.memref_slice %arg8[%dma_start3A_165, %dma_start3A_167, %dma_start3A_168] : memref<4x1024x16xf32, #tpu.memory_space<vmem>> -> memref<1x1024x16xf32, #tpu.memory_space<vmem>>
    %dma_start3A_170 = tpu.memref_squeeze %dma_start3A_169 : memref<1x1024x16xf32, #tpu.memory_space<vmem>> -> memref<1024x16xf32, #tpu.memory_space<vmem>>
    %dma_start3A_171 = arith.constant 2048 : i32
    %dma_start3A_172 = tpu.memref_slice %arg6[%dma_start3A_171] : memref<10240xi32, #tpu.memory_space<vmem>> -> memref<1024xi32, #tpu.memory_space<vmem>>
    %dma_start3A_173 = arith.constant 0 : i32
    %dma_start3A_174 = arith.constant 0 : i32
    %dma_start3A_175 = tpu.memref_slice %arg2[%dma_start3A_173, %dma_start3A_174] : memref<10000x16xf32, #tpu.memory_space<hbm>> -> memref<10000x16xf32, #tpu.memory_space<hbm>>
    %dma_start3A_176 = tpu.memref_slice %arg10[%dma_start3A_166] : memref<4x!tpu.dma_semaphore, #tpu.memory_space<semaphore_mem>> -> memref<1x!tpu.dma_semaphore, #tpu.memory_space<semaphore_mem>>
    %dma_start3A_177 = tpu.memref_squeeze %dma_start3A_176 : memref<1x!tpu.dma_semaphore, #tpu.memory_space<semaphore_mem>> -> memref<!tpu.dma_semaphore, #tpu.memory_space<semaphore_mem>>
    tpu.enqueue_indirect_dma source(%dma_start3A_175 : memref<10000x16xf32, #tpu.memory_space<hbm>>) target(%dma_start3A_170 : memref<1024x16xf32, #tpu.memory_space<vmem>>) offsets(%dma_start3A_172 : memref<1024xi32, #tpu.memory_space<vmem>>) semaphore(%dma_start3A_177 : memref<!tpu.dma_semaphore, #tpu.memory_space<semaphore_mem>>)
    %scan3A_178 = arith.constant 0 : i32
    %scan3A_179 = arith.constant 0 : i32
    %scan3A_180 = arith.constant 10 : i32
    %scan3A_181 = arith.addi %scan3A_179, %scan3A_180 : i32
    %scan3A_182 = arith.constant 1 : i32
    scf.for %scan3A_700 = %scan3A_179 to %scan3A_181 step %scan3A_182  : i32 {
      %jit3A = arith.constant 4 : i32
      %eq3A = arith.constant 0 : i32
      %eq3A_701 = arith.cmpi eq, %jit3A, %eq3A : i32
      %jit3A_702 = arith.constant 1 : i32
      %select_n3A = arith.select %eq3A_701, %jit3A_702, %jit3A : i32
      %rem3A = arith.remsi %scan3A_700, %select_n3A : i32
      %ne3A = arith.constant 0 : i32
      %ne3A_703 = arith.cmpi ne, %rem3A, %ne3A : i32
      %lt3A = arith.constant 0 : i32
      %lt3A_704 = arith.cmpi slt, %rem3A, %lt3A : i32
      %lt3A_705 = arith.constant 0 : i32
      %lt3A_706 = arith.cmpi slt, %select_n3A, %lt3A_705 : i32
      %ne3A_707 = arith.xori %lt3A_704, %lt3A_706 : i1
      %and3A = arith.andi %ne3A_707, %ne3A_703 : i1
      %add3A_708 = arith.addi %rem3A, %select_n3A : i32
      %select_n3A_709 = arith.select %and3A, %add3A_708, %rem3A : i32
      %dma_wait3A_710 = arith.constant 0 : i32
      %dma_wait3A_711 = arith.constant 0 : i32
      %dma_wait3A_712 = tpu.memref_slice %arg8[%select_n3A_709, %dma_wait3A_710, %dma_wait3A_711] : memref<4x1024x16xf32, #tpu.memory_space<vmem>> -> memref<1x1024x16xf32, #tpu.memory_space<vmem>>
      %dma_wait3A_713 = tpu.memref_squeeze %dma_wait3A_712 : memref<1x1024x16xf32, #tpu.memory_space<vmem>> -> memref<1024x16xf32, #tpu.memory_space<vmem>>
      %dma_wait3A_714 = arith.constant 0 : i32
      %dma_wait3A_715 = tpu.memref_slice %arg6[%dma_wait3A_714] : memref<10240xi32, #tpu.memory_space<vmem>> -> memref<1024xi32, #tpu.memory_space<vmem>>
      %dma_wait3A_716 = arith.constant 0 : i32
      %dma_wait3A_717 = arith.constant 0 : i32
      %dma_wait3A_718 = tpu.memref_slice %arg2[%dma_wait3A_716, %dma_wait3A_717] : memref<10000x16xf32, #tpu.memory_space<hbm>> -> memref<10000x16xf32, #tpu.memory_space<hbm>>
      %dma_wait3A_719 = tpu.memref_slice %arg10[%select_n3A_709] : memref<4x!tpu.dma_semaphore, #tpu.memory_space<semaphore_mem>> -> memref<1x!tpu.dma_semaphore, #tpu.memory_space<semaphore_mem>>
      %dma_wait3A_720 = tpu.memref_squeeze %dma_wait3A_719 : memref<1x!tpu.dma_semaphore, #tpu.memory_space<semaphore_mem>> -> memref<!tpu.dma_semaphore, #tpu.memory_space<semaphore_mem>>
      tpu.wait_indirect_dma semaphore(%dma_wait3A_720 : memref<!tpu.dma_semaphore, #tpu.memory_space<semaphore_mem>>) src(%dma_wait3A_718 : memref<10000x16xf32, #tpu.memory_space<hbm>>) dst(%dma_wait3A_713 : memref<1024x16xf32, #tpu.memory_space<vmem>>)
      %mul3A_721 = arith.constant 8 : i32
      %mul3A_722 = arith.muli %scan3A_700, %mul3A_721 : i32
      %add3A_723 = arith.constant 0 : i32
      %add3A_724 = arith.addi %mul3A_722, %add3A_723 : i32
      %mul3A_725 = arith.constant 128 : i32
      %mul3A_726 = arith.muli %add3A_724, %mul3A_725 : i32
      %dma_start3A_727 = arith.constant 0 : i32
      %dma_start3A_728 = arith.constant 0 : i32
      %dma_start3A_729 = tpu.memref_slice %arg8[%select_n3A_709, %dma_start3A_727, %dma_start3A_728] : memref<4x1024x16xf32, #tpu.memory_space<vmem>> -> memref<1x1024x16xf32, #tpu.memory_space<vmem>>
      %dma_start3A_730 = tpu.memref_squeeze %dma_start3A_729 : memref<1x1024x16xf32, #tpu.memory_space<vmem>> -> memref<1024x16xf32, #tpu.memory_space<vmem>>
      %dma_start3A_731 = arith.constant 0 : i32
      %dma_start3A_732 = arith.constant 0 : i32
      %dma_start3A_733 = tpu.memref_slice %dma_start3A_730[%dma_start3A_731, %dma_start3A_732] : memref<1024x16xf32, #tpu.memory_space<vmem>> -> memref<128x16xf32, #tpu.memory_space<vmem>>
      %dma_start3A_734 = tpu.memref_slice %arg7[%mul3A_726] : memref<10240xi32, #tpu.memory_space<vmem>> -> memref<128xi32, #tpu.memory_space<vmem>>
      %dma_start3A_735 = arith.constant 0 : i32
      %dma_start3A_736 = arith.constant 0 : i32
      %dma_start3A_737 = tpu.memref_slice %arg5[%dma_start3A_735, %dma_start3A_736] : memref<10112x16xf32, #tpu.memory_space<vmem_shared>> -> memref<10112x16xf32, #tpu.memory_space<vmem_shared>>
      %dma_start3A_738 = tpu.memref_slice %arg11[%select_n3A_709] : memref<4x!tpu.dma_semaphore, #tpu.memory_space<semaphore_mem>> -> memref<1x!tpu.dma_semaphore, #tpu.memory_space<semaphore_mem>>
      %dma_start3A_739 = tpu.memref_squeeze %dma_start3A_738 : memref<1x!tpu.dma_semaphore, #tpu.memory_space<semaphore_mem>> -> memref<!tpu.dma_semaphore, #tpu.memory_space<semaphore_mem>>
      tpu.enqueue_indirect_dma source(%dma_start3A_733 : memref<128x16xf32, #tpu.memory_space<vmem>>) target(%dma_start3A_737 : memref<10112x16xf32, #tpu.memory_space<vmem_shared>>) offsets(%dma_start3A_734 : memref<128xi32, #tpu.memory_space<vmem>>) semaphore(%dma_start3A_739 : memref<!tpu.dma_semaphore, #tpu.memory_space<semaphore_mem>>) {add = true}
      %mul3A_740 = arith.constant 8 : i32
      %mul3A_741 = arith.muli %scan3A_700, %mul3A_740 : i32
      %add3A_742 = arith.constant 1 : i32
      %add3A_743 = arith.addi %mul3A_741, %add3A_742 : i32
      %mul3A_744 = arith.constant 128 : i32
      %mul3A_745 = arith.muli %add3A_743, %mul3A_744 : i32
      %dma_start3A_746 = arith.constant 0 : i32
      %dma_start3A_747 = arith.constant 0 : i32
      %dma_start3A_748 = tpu.memref_slice %arg8[%select_n3A_709, %dma_start3A_746, %dma_start3A_747] : memref<4x1024x16xf32, #tpu.memory_space<vmem>> -> memref<1x1024x16xf32, #tpu.memory_space<vmem>>
      %dma_start3A_749 = tpu.memref_squeeze %dma_start3A_748 : memref<1x1024x16xf32, #tpu.memory_space<vmem>> -> memref<1024x16xf32, #tpu.memory_space<vmem>>
      %dma_start3A_750 = arith.constant 128 : i32
      %dma_start3A_751 = arith.constant 0 : i32
      %dma_start3A_752 = tpu.memref_slice %dma_start3A_749[%dma_start3A_750, %dma_start3A_751] : memref<1024x16xf32, #tpu.memory_space<vmem>> -> memref<128x16xf32, #tpu.memory_space<vmem>>
      %dma_start3A_753 = tpu.memref_slice %arg7[%mul3A_745] : memref<10240xi32, #tpu.memory_space<vmem>> -> memref<128xi32, #tpu.memory_space<vmem>>
      %dma_start3A_754 = arith.constant 0 : i32
      %dma_start3A_755 = arith.constant 0 : i32
      %dma_start3A_756 = tpu.memref_slice %arg5[%dma_start3A_754, %dma_start3A_755] : memref<10112x16xf32, #tpu.memory_space<vmem_shared>> -> memref<10112x16xf32, #tpu.memory_space<vmem_shared>>
      %dma_start3A_757 = tpu.memref_slice %arg11[%select_n3A_709] : memref<4x!tpu.dma_semaphore, #tpu.memory_space<semaphore_mem>> -> memref<1x!tpu.dma_semaphore, #tpu.memory_space<semaphore_mem>>
      %dma_start3A_758 = tpu.memref_squeeze %dma_start3A_757 : memref<1x!tpu.dma_semaphore, #tpu.memory_space<semaphore_mem>> -> memref<!tpu.dma_semaphore, #tpu.memory_space<semaphore_mem>>
      tpu.enqueue_indirect_dma source(%dma_start3A_752 : memref<128x16xf32, #tpu.memory_space<vmem>>) target(%dma_start3A_756 : memref<10112x16xf32, #tpu.memory_space<vmem_shared>>) offsets(%dma_start3A_753 : memref<128xi32, #tpu.memory_space<vmem>>) semaphore(%dma_start3A_758 : memref<!tpu.dma_semaphore, #tpu.memory_space<semaphore_mem>>) {add = true}
      %mul3A_759 = arith.constant 8 : i32
      %mul3A_760 = arith.muli %scan3A_700, %mul3A_759 : i32
      %add3A_761 = arith.constant 2 : i32
      %add3A_762 = arith.addi %mul3A_760, %add3A_761 : i32
      %mul3A_763 = arith.constant 128 : i32
      %mul3A_764 = arith.muli %add3A_762, %mul3A_763 : i32
      %dma_start3A_765 = arith.constant 0 : i32
      %dma_start3A_766 = arith.constant 0 : i32
      %dma_start3A_767 = tpu.memref_slice %arg8[%select_n3A_709, %dma_start3A_765, %dma_start3A_766] : memref<4x1024x16xf32, #tpu.memory_space<vmem>> -> memref<1x1024x16xf32, #tpu.memory_space<vmem>>
      %dma_start3A_768 = tpu.memref_squeeze %dma_start3A_767 : memref<1x1024x16xf32, #tpu.memory_space<vmem>> -> memref<1024x16xf32, #tpu.memory_space<vmem>>
      %dma_start3A_769 = arith.constant 256 : i32
      %dma_start3A_770 = arith.constant 0 : i32
      %dma_start3A_771 = tpu.memref_slice %dma_start3A_768[%dma_start3A_769, %dma_start3A_770] : memref<1024x16xf32, #tpu.memory_space<vmem>> -> memref<128x16xf32, #tpu.memory_space<vmem>>
      %dma_start3A_772 = tpu.memref_slice %arg7[%mul3A_764] : memref<10240xi32, #tpu.memory_space<vmem>> -> memref<128xi32, #tpu.memory_space<vmem>>
      %dma_start3A_773 = arith.constant 0 : i32
      %dma_start3A_774 = arith.constant 0 : i32
      %dma_start3A_775 = tpu.memref_slice %arg5[%dma_start3A_773, %dma_start3A_774] : memref<10112x16xf32, #tpu.memory_space<vmem_shared>> -> memref<10112x16xf32, #tpu.memory_space<vmem_shared>>
      %dma_start3A_776 = tpu.memref_slice %arg11[%select_n3A_709] : memref<4x!tpu.dma_semaphore, #tpu.memory_space<semaphore_mem>> -> memref<1x!tpu.dma_semaphore, #tpu.memory_space<semaphore_mem>>
      %dma_start3A_777 = tpu.memref_squeeze %dma_start3A_776 : memref<1x!tpu.dma_semaphore, #tpu.memory_space<semaphore_mem>> -> memref<!tpu.dma_semaphore, #tpu.memory_space<semaphore_mem>>
      tpu.enqueue_indirect_dma source(%dma_start3A_771 : memref<128x16xf32, #tpu.memory_space<vmem>>) target(%dma_start3A_775 : memref<10112x16xf32, #tpu.memory_space<vmem_shared>>) offsets(%dma_start3A_772 : memref<128xi32, #tpu.memory_space<vmem>>) semaphore(%dma_start3A_777 : memref<!tpu.dma_semaphore, #tpu.memory_space<semaphore_mem>>) {add = true}
      %mul3A_778 = arith.constant 8 : i32
      %mul3A_779 = arith.muli %scan3A_700, %mul3A_778 : i32
      %add3A_780 = arith.constant 3 : i32
      %add3A_781 = arith.addi %mul3A_779, %add3A_780 : i32
      %mul3A_782 = arith.constant 128 : i32
      %mul3A_783 = arith.muli %add3A_781, %mul3A_782 : i32
      %dma_start3A_784 = arith.constant 0 : i32
      %dma_start3A_785 = arith.constant 0 : i32
      %dma_start3A_786 = tpu.memref_slice %arg8[%select_n3A_709, %dma_start3A_784, %dma_start3A_785] : memref<4x1024x16xf32, #tpu.memory_space<vmem>> -> memref<1x1024x16xf32, #tpu.memory_space<vmem>>
      %dma_start3A_787 = tpu.memref_squeeze %dma_start3A_786 : memref<1x1024x16xf32, #tpu.memory_space<vmem>> -> memref<1024x16xf32, #tpu.memory_space<vmem>>
      %dma_start3A_788 = arith.constant 384 : i32
      %dma_start3A_789 = arith.constant 0 : i32
      %dma_start3A_790 = tpu.memref_slice %dma_start3A_787[%dma_start3A_788, %dma_start3A_789] : memref<1024x16xf32, #tpu.memory_space<vmem>> -> memref<128x16xf32, #tpu.memory_space<vmem>>
      %dma_start3A_791 = tpu.memref_slice %arg7[%mul3A_783] : memref<10240xi32, #tpu.memory_space<vmem>> -> memref<128xi32, #tpu.memory_space<vmem>>
      %dma_start3A_792 = arith.constant 0 : i32
      %dma_start3A_793 = arith.constant 0 : i32
      %dma_start3A_794 = tpu.memref_slice %arg5[%dma_start3A_792, %dma_start3A_793] : memref<10112x16xf32, #tpu.memory_space<vmem_shared>> -> memref<10112x16xf32, #tpu.memory_space<vmem_shared>>
      %dma_start3A_795 = tpu.memref_slice %arg11[%select_n3A_709] : memref<4x!tpu.dma_semaphore, #tpu.memory_space<semaphore_mem>> -> memref<1x!tpu.dma_semaphore, #tpu.memory_space<semaphore_mem>>
      %dma_start3A_796 = tpu.memref_squeeze %dma_start3A_795 : memref<1x!tpu.dma_semaphore, #tpu.memory_space<semaphore_mem>> -> memref<!tpu.dma_semaphore, #tpu.memory_space<semaphore_mem>>
      tpu.enqueue_indirect_dma source(%dma_start3A_790 : memref<128x16xf32, #tpu.memory_space<vmem>>) target(%dma_start3A_794 : memref<10112x16xf32, #tpu.memory_space<vmem_shared>>) offsets(%dma_start3A_791 : memref<128xi32, #tpu.memory_space<vmem>>) semaphore(%dma_start3A_796 : memref<!tpu.dma_semaphore, #tpu.memory_space<semaphore_mem>>) {add = true}
      %mul3A_797 = arith.constant 8 : i32
      %mul3A_798 = arith.muli %scan3A_700, %mul3A_797 : i32
      %add3A_799 = arith.constant 4 : i32
      %add3A_800 = arith.addi %mul3A_798, %add3A_799 : i32
      %mul3A_801 = arith.constant 128 : i32
      %mul3A_802 = arith.muli %add3A_800, %mul3A_801 : i32
      %dma_start3A_803 = arith.constant 0 : i32
      %dma_start3A_804 = arith.constant 0 : i32
      %dma_start3A_805 = tpu.memref_slice %arg8[%select_n3A_709, %dma_start3A_803, %dma_start3A_804] : memref<4x1024x16xf32, #tpu.memory_space<vmem>> -> memref<1x1024x16xf32, #tpu.memory_space<vmem>>
      %dma_start3A_806 = tpu.memref_squeeze %dma_start3A_805 : memref<1x1024x16xf32, #tpu.memory_space<vmem>> -> memref<1024x16xf32, #tpu.memory_space<vmem>>
      %dma_start3A_807 = arith.constant 512 : i32
      %dma_start3A_808 = arith.constant 0 : i32
      %dma_start3A_809 = tpu.memref_slice %dma_start3A_806[%dma_start3A_807, %dma_start3A_808] : memref<1024x16xf32, #tpu.memory_space<vmem>> -> memref<128x16xf32, #tpu.memory_space<vmem>>
      %dma_start3A_810 = tpu.memref_slice %arg7[%mul3A_802] : memref<10240xi32, #tpu.memory_space<vmem>> -> memref<128xi32, #tpu.memory_space<vmem>>
      %dma_start3A_811 = arith.constant 0 : i32
      %dma_start3A_812 = arith.constant 0 : i32
      %dma_start3A_813 = tpu.memref_slice %arg5[%dma_start3A_811, %dma_start3A_812] : memref<10112x16xf32, #tpu.memory_space<vmem_shared>> -> memref<10112x16xf32, #tpu.memory_space<vmem_shared>>
      %dma_start3A_814 = tpu.memref_slice %arg11[%select_n3A_709] : memref<4x!tpu.dma_semaphore, #tpu.memory_space<semaphore_mem>> -> memref<1x!tpu.dma_semaphore, #tpu.memory_space<semaphore_mem>>
      %dma_start3A_815 = tpu.memref_squeeze %dma_start3A_814 : memref<1x!tpu.dma_semaphore, #tpu.memory_space<semaphore_mem>> -> memref<!tpu.dma_semaphore, #tpu.memory_space<semaphore_mem>>
      tpu.enqueue_indirect_dma source(%dma_start3A_809 : memref<128x16xf32, #tpu.memory_space<vmem>>) target(%dma_start3A_813 : memref<10112x16xf32, #tpu.memory_space<vmem_shared>>) offsets(%dma_start3A_810 : memref<128xi32, #tpu.memory_space<vmem>>) semaphore(%dma_start3A_815 : memref<!tpu.dma_semaphore, #tpu.memory_space<semaphore_mem>>) {add = true}
      %mul3A_816 = arith.constant 8 : i32
      %mul3A_817 = arith.muli %scan3A_700, %mul3A_816 : i32
      %add3A_818 = arith.constant 5 : i32
      %add3A_819 = arith.addi %mul3A_817, %add3A_818 : i32
      %mul3A_820 = arith.constant 128 : i32
      %mul3A_821 = arith.muli %add3A_819, %mul3A_820 : i32
      %dma_start3A_822 = arith.constant 0 : i32
      %dma_start3A_823 = arith.constant 0 : i32
      %dma_start3A_824 = tpu.memref_slice %arg8[%select_n3A_709, %dma_start3A_822, %dma_start3A_823] : memref<4x1024x16xf32, #tpu.memory_space<vmem>> -> memref<1x1024x16xf32, #tpu.memory_space<vmem>>
      %dma_start3A_825 = tpu.memref_squeeze %dma_start3A_824 : memref<1x1024x16xf32, #tpu.memory_space<vmem>> -> memref<1024x16xf32, #tpu.memory_space<vmem>>
      %dma_start3A_826 = arith.constant 640 : i32
      %dma_start3A_827 = arith.constant 0 : i32
      %dma_start3A_828 = tpu.memref_slice %dma_start3A_825[%dma_start3A_826, %dma_start3A_827] : memref<1024x16xf32, #tpu.memory_space<vmem>> -> memref<128x16xf32, #tpu.memory_space<vmem>>
      %dma_start3A_829 = tpu.memref_slice %arg7[%mul3A_821] : memref<10240xi32, #tpu.memory_space<vmem>> -> memref<128xi32, #tpu.memory_space<vmem>>
      %dma_start3A_830 = arith.constant 0 : i32
      %dma_start3A_831 = arith.constant 0 : i32
      %dma_start3A_832 = tpu.memref_slice %arg5[%dma_start3A_830, %dma_start3A_831] : memref<10112x16xf32, #tpu.memory_space<vmem_shared>> -> memref<10112x16xf32, #tpu.memory_space<vmem_shared>>
      %dma_start3A_833 = tpu.memref_slice %arg11[%select_n3A_709] : memref<4x!tpu.dma_semaphore, #tpu.memory_space<semaphore_mem>> -> memref<1x!tpu.dma_semaphore, #tpu.memory_space<semaphore_mem>>
      %dma_start3A_834 = tpu.memref_squeeze %dma_start3A_833 : memref<1x!tpu.dma_semaphore, #tpu.memory_space<semaphore_mem>> -> memref<!tpu.dma_semaphore, #tpu.memory_space<semaphore_mem>>
      tpu.enqueue_indirect_dma source(%dma_start3A_828 : memref<128x16xf32, #tpu.memory_space<vmem>>) target(%dma_start3A_832 : memref<10112x16xf32, #tpu.memory_space<vmem_shared>>) offsets(%dma_start3A_829 : memref<128xi32, #tpu.memory_space<vmem>>) semaphore(%dma_start3A_834 : memref<!tpu.dma_semaphore, #tpu.memory_space<semaphore_mem>>) {add = true}
      %mul3A_835 = arith.constant 8 : i32
      %mul3A_836 = arith.muli %scan3A_700, %mul3A_835 : i32
      %add3A_837 = arith.constant 6 : i32
      %add3A_838 = arith.addi %mul3A_836, %add3A_837 : i32
      %mul3A_839 = arith.constant 128 : i32
      %mul3A_840 = arith.muli %add3A_838, %mul3A_839 : i32
      %dma_start3A_841 = arith.constant 0 : i32
      %dma_start3A_842 = arith.constant 0 : i32
      %dma_start3A_843 = tpu.memref_slice %arg8[%select_n3A_709, %dma_start3A_841, %dma_start3A_842] : memref<4x1024x16xf32, #tpu.memory_space<vmem>> -> memref<1x1024x16xf32, #tpu.memory_space<vmem>>
      %dma_start3A_844 = tpu.memref_squeeze %dma_start3A_843 : memref<1x1024x16xf32, #tpu.memory_space<vmem>> -> memref<1024x16xf32, #tpu.memory_space<vmem>>
      %dma_start3A_845 = arith.constant 768 : i32
      %dma_start3A_846 = arith.constant 0 : i32
      %dma_start3A_847 = tpu.memref_slice %dma_start3A_844[%dma_start3A_845, %dma_start3A_846] : memref<1024x16xf32, #tpu.memory_space<vmem>> -> memref<128x16xf32, #tpu.memory_space<vmem>>
      %dma_start3A_848 = tpu.memref_slice %arg7[%mul3A_840] : memref<10240xi32, #tpu.memory_space<vmem>> -> memref<128xi32, #tpu.memory_space<vmem>>
      %dma_start3A_849 = arith.constant 0 : i32
      %dma_start3A_850 = arith.constant 0 : i32
      %dma_start3A_851 = tpu.memref_slice %arg5[%dma_start3A_849, %dma_start3A_850] : memref<10112x16xf32, #tpu.memory_space<vmem_shared>> -> memref<10112x16xf32, #tpu.memory_space<vmem_shared>>
      %dma_start3A_852 = tpu.memref_slice %arg11[%select_n3A_709] : memref<4x!tpu.dma_semaphore, #tpu.memory_space<semaphore_mem>> -> memref<1x!tpu.dma_semaphore, #tpu.memory_space<semaphore_mem>>
      %dma_start3A_853 = tpu.memref_squeeze %dma_start3A_852 : memref<1x!tpu.dma_semaphore, #tpu.memory_space<semaphore_mem>> -> memref<!tpu.dma_semaphore, #tpu.memory_space<semaphore_mem>>
      tpu.enqueue_indirect_dma source(%dma_start3A_847 : memref<128x16xf32, #tpu.memory_space<vmem>>) target(%dma_start3A_851 : memref<10112x16xf32, #tpu.memory_space<vmem_shared>>) offsets(%dma_start3A_848 : memref<128xi32, #tpu.memory_space<vmem>>) semaphore(%dma_start3A_853 : memref<!tpu.dma_semaphore, #tpu.memory_space<semaphore_mem>>) {add = true}
      %mul3A_854 = arith.constant 8 : i32
      %mul3A_855 = arith.muli %scan3A_700, %mul3A_854 : i32
      %add3A_856 = arith.constant 7 : i32
      %add3A_857 = arith.addi %mul3A_855, %add3A_856 : i32
      %mul3A_858 = arith.constant 128 : i32
      %mul3A_859 = arith.muli %add3A_857, %mul3A_858 : i32
      %dma_start3A_860 = arith.constant 0 : i32
      %dma_start3A_861 = arith.constant 0 : i32
      %dma_start3A_862 = tpu.memref_slice %arg8[%select_n3A_709, %dma_start3A_860, %dma_start3A_861] : memref<4x1024x16xf32, #tpu.memory_space<vmem>> -> memref<1x1024x16xf32, #tpu.memory_space<vmem>>
      %dma_start3A_863 = tpu.memref_squeeze %dma_start3A_862 : memref<1x1024x16xf32, #tpu.memory_space<vmem>> -> memref<1024x16xf32, #tpu.memory_space<vmem>>
      %dma_start3A_864 = arith.constant 896 : i32
      %dma_start3A_865 = arith.constant 0 : i32
      %dma_start3A_866 = tpu.memref_slice %dma_start3A_863[%dma_start3A_864, %dma_start3A_865] : memref<1024x16xf32, #tpu.memory_space<vmem>> -> memref<128x16xf32, #tpu.memory_space<vmem>>
      %dma_start3A_867 = tpu.memref_slice %arg7[%mul3A_859] : memref<10240xi32, #tpu.memory_space<vmem>> -> memref<128xi32, #tpu.memory_space<vmem>>
      %dma_start3A_868 = arith.constant 0 : i32
      %dma_start3A_869 = arith.constant 0 : i32
      %dma_start3A_870 = tpu.memref_slice %arg5[%dma_start3A_868, %dma_start3A_869] : memref<10112x16xf32, #tpu.memory_space<vmem_shared>> -> memref<10112x16xf32, #tpu.memory_space<vmem_shared>>
      %dma_start3A_871 = tpu.memref_slice %arg11[%select_n3A_709] : memref<4x!tpu.dma_semaphore, #tpu.memory_space<semaphore_mem>> -> memref<1x!tpu.dma_semaphore, #tpu.memory_space<semaphore_mem>>
      %dma_start3A_872 = tpu.memref_squeeze %dma_start3A_871 : memref<1x!tpu.dma_semaphore, #tpu.memory_space<semaphore_mem>> -> memref<!tpu.dma_semaphore, #tpu.memory_space<semaphore_mem>>
      tpu.enqueue_indirect_dma source(%dma_start3A_866 : memref<128x16xf32, #tpu.memory_space<vmem>>) target(%dma_start3A_870 : memref<10112x16xf32, #tpu.memory_space<vmem_shared>>) offsets(%dma_start3A_867 : memref<128xi32, #tpu.memory_space<vmem>>) semaphore(%dma_start3A_872 : memref<!tpu.dma_semaphore, #tpu.memory_space<semaphore_mem>>) {add = true}
      %add3A_873 = arith.constant 4 : i32
      %add3A_874 = arith.addi %scan3A_700, %add3A_873 : i32
      %sub3A = arith.constant 1 : i32
      %sub3A_875 = arith.subi %add3A_874, %sub3A : i32
      %lt3A_876 = arith.constant 10 : i32
      %lt3A_877 = arith.cmpi slt, %sub3A_875, %lt3A_876 : i32
      %convert_element_type3A = arith.extui %lt3A_877 : i1 to i32
      %cond3A = arith.constant 0 : i32
      %cond3A_878 = arith.cmpi ne, %convert_element_type3A, %cond3A : i32
      scf.if %cond3A_878 {
        %add3A_879 = arith.constant 4 : i32
        %add3A_880 = arith.addi %scan3A_700, %add3A_879 : i32
        %sub3A_881 = arith.constant 1 : i32
        %sub3A_882 = arith.subi %add3A_880, %sub3A_881 : i32
        %jit3A_883 = arith.constant 4 : i32
        %eq3A_884 = arith.constant 0 : i32
        %eq3A_885 = arith.cmpi eq, %jit3A_883, %eq3A_884 : i32
        %jit3A_886 = arith.constant 1 : i32
        %select_n3A_887 = arith.select %eq3A_885, %jit3A_886, %jit3A_883 : i32
        %rem3A_888 = arith.remsi %sub3A_882, %select_n3A_887 : i32
        %ne3A_889 = arith.constant 0 : i32
        %ne3A_890 = arith.cmpi ne, %rem3A_888, %ne3A_889 : i32
        %lt3A_891 = arith.constant 0 : i32
        %lt3A_892 = arith.cmpi slt, %rem3A_888, %lt3A_891 : i32
        %lt3A_893 = arith.constant 0 : i32
        %lt3A_894 = arith.cmpi slt, %select_n3A_887, %lt3A_893 : i32
        %ne3A_895 = arith.xori %lt3A_892, %lt3A_894 : i1
        %and3A_896 = arith.andi %ne3A_895, %ne3A_890 : i1
        %add3A_897 = arith.addi %rem3A_888, %select_n3A_887 : i32
        %select_n3A_898 = arith.select %and3A_896, %add3A_897, %rem3A_888 : i32
        %ge3A = arith.constant 1 : i32
        %ge3A_899 = arith.cmpi sge, %scan3A_700, %ge3A : i32
        %convert_element_type3A_900 = arith.extui %ge3A_899 : i1 to i32
        %cond3A_901 = arith.constant 0 : i32
        %cond3A_902 = arith.cmpi ne, %convert_element_type3A_900, %cond3A_901 : i32
        scf.if %cond3A_902 {
          %dma_wait3A_919 = arith.constant 0 : i32
          %dma_wait3A_920 = arith.constant 0 : i32
          %dma_wait3A_921 = tpu.memref_slice %arg8[%select_n3A_898, %dma_wait3A_919, %dma_wait3A_920] : memref<4x1024x16xf32, #tpu.memory_space<vmem>> -> memref<1x1024x16xf32, #tpu.memory_space<vmem>>
          %dma_wait3A_922 = tpu.memref_squeeze %dma_wait3A_921 : memref<1x1024x16xf32, #tpu.memory_space<vmem>> -> memref<1024x16xf32, #tpu.memory_space<vmem>>
          %dma_wait3A_923 = arith.constant 0 : i32
          %dma_wait3A_924 = arith.constant 0 : i32
          %dma_wait3A_925 = tpu.memref_slice %dma_wait3A_922[%dma_wait3A_923, %dma_wait3A_924] : memref<1024x16xf32, #tpu.memory_space<vmem>> -> memref<128x16xf32, #tpu.memory_space<vmem>>
          %dma_wait3A_926 = arith.constant 0 : i32
          %dma_wait3A_927 = tpu.memref_slice %arg7[%dma_wait3A_926] : memref<10240xi32, #tpu.memory_space<vmem>> -> memref<128xi32, #tpu.memory_space<vmem>>
          %dma_wait3A_928 = arith.constant 0 : i32
          %dma_wait3A_929 = arith.constant 0 : i32
          %dma_wait3A_930 = tpu.memref_slice %arg5[%dma_wait3A_928, %dma_wait3A_929] : memref<10112x16xf32, #tpu.memory_space<vmem_shared>> -> memref<10112x16xf32, #tpu.memory_space<vmem_shared>>
          %dma_wait3A_931 = tpu.memref_slice %arg11[%select_n3A_898] : memref<4x!tpu.dma_semaphore, #tpu.memory_space<semaphore_mem>> -> memref<1x!tpu.dma_semaphore, #tpu.memory_space<semaphore_mem>>
          %dma_wait3A_932 = tpu.memref_squeeze %dma_wait3A_931 : memref<1x!tpu.dma_semaphore, #tpu.memory_space<semaphore_mem>> -> memref<!tpu.dma_semaphore, #tpu.memory_space<semaphore_mem>>
          tpu.wait_indirect_dma semaphore(%dma_wait3A_932 : memref<!tpu.dma_semaphore, #tpu.memory_space<semaphore_mem>>) src(%dma_wait3A_925 : memref<128x16xf32, #tpu.memory_space<vmem>>) dst(%dma_wait3A_930 : memref<10112x16xf32, #tpu.memory_space<vmem_shared>>)
          %dma_wait3A_933 = arith.constant 0 : i32
          %dma_wait3A_934 = arith.constant 0 : i32
          %dma_wait3A_935 = tpu.memref_slice %arg8[%select_n3A_898, %dma_wait3A_933, %dma_wait3A_934] : memref<4x1024x16xf32, #tpu.memory_space<vmem>> -> memref<1x1024x16xf32, #tpu.memory_space<vmem>>
          %dma_wait3A_936 = tpu.memref_squeeze %dma_wait3A_935 : memref<1x1024x16xf32, #tpu.memory_space<vmem>> -> memref<1024x16xf32, #tpu.memory_space<vmem>>
          %dma_wait3A_937 = arith.constant 0 : i32
          %dma_wait3A_938 = arith.constant 0 : i32
          %dma_wait3A_939 = tpu.memref_slice %dma_wait3A_936[%dma_wait3A_937, %dma_wait3A_938] : memref<1024x16xf32, #tpu.memory_space<vmem>> -> memref<128x16xf32, #tpu.memory_space<vmem>>
          %dma_wait3A_940 = arith.constant 0 : i32
          %dma_wait3A_941 = tpu.memref_slice %arg7[%dma_wait3A_940] : memref<10240xi32, #tpu.memory_space<vmem>> -> memref<128xi32, #tpu.memory_space<vmem>>
          %dma_wait3A_942 = arith.constant 0 : i32
          %dma_wait3A_943 = arith.constant 0 : i32
          %dma_wait3A_944 = tpu.memref_slice %arg5[%dma_wait3A_942, %dma_wait3A_943] : memref<10112x16xf32, #tpu.memory_space<vmem_shared>> -> memref<10112x16xf32, #tpu.memory_space<vmem_shared>>
          %dma_wait3A_945 = tpu.memref_slice %arg11[%select_n3A_898] : memref<4x!tpu.dma_semaphore, #tpu.memory_space<semaphore_mem>> -> memref<1x!tpu.dma_semaphore, #tpu.memory_space<semaphore_mem>>
          %dma_wait3A_946 = tpu.memref_squeeze %dma_wait3A_945 : memref<1x!tpu.dma_semaphore, #tpu.memory_space<semaphore_mem>> -> memref<!tpu.dma_semaphore, #tpu.memory_space<semaphore_mem>>
          tpu.wait_indirect_dma semaphore(%dma_wait3A_946 : memref<!tpu.dma_semaphore, #tpu.memory_space<semaphore_mem>>) src(%dma_wait3A_939 : memref<128x16xf32, #tpu.memory_space<vmem>>) dst(%dma_wait3A_944 : memref<10112x16xf32, #tpu.memory_space<vmem_shared>>)
          %dma_wait3A_947 = arith.constant 0 : i32
          %dma_wait3A_948 = arith.constant 0 : i32
          %dma_wait3A_949 = tpu.memref_slice %arg8[%select_n3A_898, %dma_wait3A_947, %dma_wait3A_948] : memref<4x1024x16xf32, #tpu.memory_space<vmem>> -> memref<1x1024x16xf32, #tpu.memory_space<vmem>>
          %dma_wait3A_950 = tpu.memref_squeeze %dma_wait3A_949 : memref<1x1024x16xf32, #tpu.memory_space<vmem>> -> memref<1024x16xf32, #tpu.memory_space<vmem>>
          %dma_wait3A_951 = arith.constant 0 : i32
          %dma_wait3A_952 = arith.constant 0 : i32
          %dma_wait3A_953 = tpu.memref_slice %dma_wait3A_950[%dma_wait3A_951, %dma_wait3A_952] : memref<1024x16xf32, #tpu.memory_space<vmem>> -> memref<128x16xf32, #tpu.memory_space<vmem>>
          %dma_wait3A_954 = arith.constant 0 : i32
          %dma_wait3A_955 = tpu.memref_slice %arg7[%dma_wait3A_954] : memref<10240xi32, #tpu.memory_space<vmem>> -> memref<128xi32, #tpu.memory_space<vmem>>
          %dma_wait3A_956 = arith.constant 0 : i32
          %dma_wait3A_957 = arith.constant 0 : i32
          %dma_wait3A_958 = tpu.memref_slice %arg5[%dma_wait3A_956, %dma_wait3A_957] : memref<10112x16xf32, #tpu.memory_space<vmem_shared>> -> memref<10112x16xf32, #tpu.memory_space<vmem_shared>>
          %dma_wait3A_959 = tpu.memref_slice %arg11[%select_n3A_898] : memref<4x!tpu.dma_semaphore, #tpu.memory_space<semaphore_mem>> -> memref<1x!tpu.dma_semaphore, #tpu.memory_space<semaphore_mem>>
          %dma_wait3A_960 = tpu.memref_squeeze %dma_wait3A_959 : memref<1x!tpu.dma_semaphore, #tpu.memory_space<semaphore_mem>> -> memref<!tpu.dma_semaphore, #tpu.memory_space<semaphore_mem>>
          tpu.wait_indirect_dma semaphore(%dma_wait3A_960 : memref<!tpu.dma_semaphore, #tpu.memory_space<semaphore_mem>>) src(%dma_wait3A_953 : memref<128x16xf32, #tpu.memory_space<vmem>>) dst(%dma_wait3A_958 : memref<10112x16xf32, #tpu.memory_space<vmem_shared>>)
          %dma_wait3A_961 = arith.constant 0 : i32
          %dma_wait3A_962 = arith.constant 0 : i32
          %dma_wait3A_963 = tpu.memref_slice %arg8[%select_n3A_898, %dma_wait3A_961, %dma_wait3A_962] : memref<4x1024x16xf32, #tpu.memory_space<vmem>> -> memref<1x1024x16xf32, #tpu.memory_space<vmem>>
          %dma_wait3A_964 = tpu.memref_squeeze %dma_wait3A_963 : memref<1x1024x16xf32, #tpu.memory_space<vmem>> -> memref<1024x16xf32, #tpu.memory_space<vmem>>
          %dma_wait3A_965 = arith.constant 0 : i32
          %dma_wait3A_966 = arith.constant 0 : i32
          %dma_wait3A_967 = tpu.memref_slice %dma_wait3A_964[%dma_wait3A_965, %dma_wait3A_966] : memref<1024x16xf32, #tpu.memory_space<vmem>> -> memref<128x16xf32, #tpu.memory_space<vmem>>
          %dma_wait3A_968 = arith.constant 0 : i32
          %dma_wait3A_969 = tpu.memref_slice %arg7[%dma_wait3A_968] : memref<10240xi32, #tpu.memory_space<vmem>> -> memref<128xi32, #tpu.memory_space<vmem>>
          %dma_wait3A_970 = arith.constant 0 : i32
          %dma_wait3A_971 = arith.constant 0 : i32
          %dma_wait3A_972 = tpu.memref_slice %arg5[%dma_wait3A_970, %dma_wait3A_971] : memref<10112x16xf32, #tpu.memory_space<vmem_shared>> -> memref<10112x16xf32, #tpu.memory_space<vmem_shared>>
          %dma_wait3A_973 = tpu.memref_slice %arg11[%select_n3A_898] : memref<4x!tpu.dma_semaphore, #tpu.memory_space<semaphore_mem>> -> memref<1x!tpu.dma_semaphore, #tpu.memory_space<semaphore_mem>>
          %dma_wait3A_974 = tpu.memref_squeeze %dma_wait3A_973 : memref<1x!tpu.dma_semaphore, #tpu.memory_space<semaphore_mem>> -> memref<!tpu.dma_semaphore, #tpu.memory_space<semaphore_mem>>
          tpu.wait_indirect_dma semaphore(%dma_wait3A_974 : memref<!tpu.dma_semaphore, #tpu.memory_space<semaphore_mem>>) src(%dma_wait3A_967 : memref<128x16xf32, #tpu.memory_space<vmem>>) dst(%dma_wait3A_972 : memref<10112x16xf32, #tpu.memory_space<vmem_shared>>)
          %dma_wait3A_975 = arith.constant 0 : i32
          %dma_wait3A_976 = arith.constant 0 : i32
          %dma_wait3A_977 = tpu.memref_slice %arg8[%select_n3A_898, %dma_wait3A_975, %dma_wait3A_976] : memref<4x1024x16xf32, #tpu.memory_space<vmem>> -> memref<1x1024x16xf32, #tpu.memory_space<vmem>>
          %dma_wait3A_978 = tpu.memref_squeeze %dma_wait3A_977 : memref<1x1024x16xf32, #tpu.memory_space<vmem>> -> memref<1024x16xf32, #tpu.memory_space<vmem>>
          %dma_wait3A_979 = arith.constant 0 : i32
          %dma_wait3A_980 = arith.constant 0 : i32
          %dma_wait3A_981 = tpu.memref_slice %dma_wait3A_978[%dma_wait3A_979, %dma_wait3A_980] : memref<1024x16xf32, #tpu.memory_space<vmem>> -> memref<128x16xf32, #tpu.memory_space<vmem>>
          %dma_wait3A_982 = arith.constant 0 : i32
          %dma_wait3A_983 = tpu.memref_slice %arg7[%dma_wait3A_982] : memref<10240xi32, #tpu.memory_space<vmem>> -> memref<128xi32, #tpu.memory_space<vmem>>
          %dma_wait3A_984 = arith.constant 0 : i32
          %dma_wait3A_985 = arith.constant 0 : i32
          %dma_wait3A_986 = tpu.memref_slice %arg5[%dma_wait3A_984, %dma_wait3A_985] : memref<10112x16xf32, #tpu.memory_space<vmem_shared>> -> memref<10112x16xf32, #tpu.memory_space<vmem_shared>>
          %dma_wait3A_987 = tpu.memref_slice %arg11[%select_n3A_898] : memref<4x!tpu.dma_semaphore, #tpu.memory_space<semaphore_mem>> -> memref<1x!tpu.dma_semaphore, #tpu.memory_space<semaphore_mem>>
          %dma_wait3A_988 = tpu.memref_squeeze %dma_wait3A_987 : memref<1x!tpu.dma_semaphore, #tpu.memory_space<semaphore_mem>> -> memref<!tpu.dma_semaphore, #tpu.memory_space<semaphore_mem>>
          tpu.wait_indirect_dma semaphore(%dma_wait3A_988 : memref<!tpu.dma_semaphore, #tpu.memory_space<semaphore_mem>>) src(%dma_wait3A_981 : memref<128x16xf32, #tpu.memory_space<vmem>>) dst(%dma_wait3A_986 : memref<10112x16xf32, #tpu.memory_space<vmem_shared>>)
          %dma_wait3A_989 = arith.constant 0 : i32
          %dma_wait3A_990 = arith.constant 0 : i32
          %dma_wait3A_991 = tpu.memref_slice %arg8[%select_n3A_898, %dma_wait3A_989, %dma_wait3A_990] : memref<4x1024x16xf32, #tpu.memory_space<vmem>> -> memref<1x1024x16xf32, #tpu.memory_space<vmem>>
          %dma_wait3A_992 = tpu.memref_squeeze %dma_wait3A_991 : memref<1x1024x16xf32, #tpu.memory_space<vmem>> -> memref<1024x16xf32, #tpu.memory_space<vmem>>
          %dma_wait3A_993 = arith.constant 0 : i32
          %dma_wait3A_994 = arith.constant 0 : i32
          %dma_wait3A_995 = tpu.memref_slice %dma_wait3A_992[%dma_wait3A_993, %dma_wait3A_994] : memref<1024x16xf32, #tpu.memory_space<vmem>> -> memref<128x16xf32, #tpu.memory_space<vmem>>
          %dma_wait3A_996 = arith.constant 0 : i32
          %dma_wait3A_997 = tpu.memref_slice %arg7[%dma_wait3A_996] : memref<10240xi32, #tpu.memory_space<vmem>> -> memref<128xi32, #tpu.memory_space<vmem>>
          %dma_wait3A_998 = arith.constant 0 : i32
          %dma_wait3A_999 = arith.constant 0 : i32
          %dma_wait3A_1000 = tpu.memref_slice %arg5[%dma_wait3A_998, %dma_wait3A_999] : memref<10112x16xf32, #tpu.memory_space<vmem_shared>> -> memref<10112x16xf32, #tpu.memory_space<vmem_shared>>
          %dma_wait3A_1001 = tpu.memref_slice %arg11[%select_n3A_898] : memref<4x!tpu.dma_semaphore, #tpu.memory_space<semaphore_mem>> -> memref<1x!tpu.dma_semaphore, #tpu.memory_space<semaphore_mem>>
          %dma_wait3A_1002 = tpu.memref_squeeze %dma_wait3A_1001 : memref<1x!tpu.dma_semaphore, #tpu.memory_space<semaphore_mem>> -> memref<!tpu.dma_semaphore, #tpu.memory_space<semaphore_mem>>
          tpu.wait_indirect_dma semaphore(%dma_wait3A_1002 : memref<!tpu.dma_semaphore, #tpu.memory_space<semaphore_mem>>) src(%dma_wait3A_995 : memref<128x16xf32, #tpu.memory_space<vmem>>) dst(%dma_wait3A_1000 : memref<10112x16xf32, #tpu.memory_space<vmem_shared>>)
          %dma_wait3A_1003 = arith.constant 0 : i32
          %dma_wait3A_1004 = arith.constant 0 : i32
          %dma_wait3A_1005 = tpu.memref_slice %arg8[%select_n3A_898, %dma_wait3A_1003, %dma_wait3A_1004] : memref<4x1024x16xf32, #tpu.memory_space<vmem>> -> memref<1x1024x16xf32, #tpu.memory_space<vmem>>
          %dma_wait3A_1006 = tpu.memref_squeeze %dma_wait3A_1005 : memref<1x1024x16xf32, #tpu.memory_space<vmem>> -> memref<1024x16xf32, #tpu.memory_space<vmem>>
          %dma_wait3A_1007 = arith.constant 0 : i32
          %dma_wait3A_1008 = arith.constant 0 : i32
          %dma_wait3A_1009 = tpu.memref_slice %dma_wait3A_1006[%dma_wait3A_1007, %dma_wait3A_1008] : memref<1024x16xf32, #tpu.memory_space<vmem>> -> memref<128x16xf32, #tpu.memory_space<vmem>>
          %dma_wait3A_1010 = arith.constant 0 : i32
          %dma_wait3A_1011 = tpu.memref_slice %arg7[%dma_wait3A_1010] : memref<10240xi32, #tpu.memory_space<vmem>> -> memref<128xi32, #tpu.memory_space<vmem>>
          %dma_wait3A_1012 = arith.constant 0 : i32
          %dma_wait3A_1013 = arith.constant 0 : i32
          %dma_wait3A_1014 = tpu.memref_slice %arg5[%dma_wait3A_1012, %dma_wait3A_1013] : memref<10112x16xf32, #tpu.memory_space<vmem_shared>> -> memref<10112x16xf32, #tpu.memory_space<vmem_shared>>
          %dma_wait3A_1015 = tpu.memref_slice %arg11[%select_n3A_898] : memref<4x!tpu.dma_semaphore, #tpu.memory_space<semaphore_mem>> -> memref<1x!tpu.dma_semaphore, #tpu.memory_space<semaphore_mem>>
          %dma_wait3A_1016 = tpu.memref_squeeze %dma_wait3A_1015 : memref<1x!tpu.dma_semaphore, #tpu.memory_space<semaphore_mem>> -> memref<!tpu.dma_semaphore, #tpu.memory_space<semaphore_mem>>
          tpu.wait_indirect_dma semaphore(%dma_wait3A_1016 : memref<!tpu.dma_semaphore, #tpu.memory_space<semaphore_mem>>) src(%dma_wait3A_1009 : memref<128x16xf32, #tpu.memory_space<vmem>>) dst(%dma_wait3A_1014 : memref<10112x16xf32, #tpu.memory_space<vmem_shared>>)
          %dma_wait3A_1017 = arith.constant 0 : i32
          %dma_wait3A_1018 = arith.constant 0 : i32
          %dma_wait3A_1019 = tpu.memref_slice %arg8[%select_n3A_898, %dma_wait3A_1017, %dma_wait3A_1018] : memref<4x1024x16xf32, #tpu.memory_space<vmem>> -> memref<1x1024x16xf32, #tpu.memory_space<vmem>>
          %dma_wait3A_1020 = tpu.memref_squeeze %dma_wait3A_1019 : memref<1x1024x16xf32, #tpu.memory_space<vmem>> -> memref<1024x16xf32, #tpu.memory_space<vmem>>
          %dma_wait3A_1021 = arith.constant 0 : i32
          %dma_wait3A_1022 = arith.constant 0 : i32
          %dma_wait3A_1023 = tpu.memref_slice %dma_wait3A_1020[%dma_wait3A_1021, %dma_wait3A_1022] : memref<1024x16xf32, #tpu.memory_space<vmem>> -> memref<128x16xf32, #tpu.memory_space<vmem>>
          %dma_wait3A_1024 = arith.constant 0 : i32
          %dma_wait3A_1025 = tpu.memref_slice %arg7[%dma_wait3A_1024] : memref<10240xi32, #tpu.memory_space<vmem>> -> memref<128xi32, #tpu.memory_space<vmem>>
          %dma_wait3A_1026 = arith.constant 0 : i32
          %dma_wait3A_1027 = arith.constant 0 : i32
          %dma_wait3A_1028 = tpu.memref_slice %arg5[%dma_wait3A_1026, %dma_wait3A_1027] : memref<10112x16xf32, #tpu.memory_space<vmem_shared>> -> memref<10112x16xf32, #tpu.memory_space<vmem_shared>>
          %dma_wait3A_1029 = tpu.memref_slice %arg11[%select_n3A_898] : memref<4x!tpu.dma_semaphore, #tpu.memory_space<semaphore_mem>> -> memref<1x!tpu.dma_semaphore, #tpu.memory_space<semaphore_mem>>
          %dma_wait3A_1030 = tpu.memref_squeeze %dma_wait3A_1029 : memref<1x!tpu.dma_semaphore, #tpu.memory_space<semaphore_mem>> -> memref<!tpu.dma_semaphore, #tpu.memory_space<semaphore_mem>>
          tpu.wait_indirect_dma semaphore(%dma_wait3A_1030 : memref<!tpu.dma_semaphore, #tpu.memory_space<semaphore_mem>>) src(%dma_wait3A_1023 : memref<128x16xf32, #tpu.memory_space<vmem>>) dst(%dma_wait3A_1028 : memref<10112x16xf32, #tpu.memory_space<vmem_shared>>)
        } else {
        }
        %add3A_903 = arith.constant 4 : i32
        %add3A_904 = arith.addi %scan3A_700, %add3A_903 : i32
        %sub3A_905 = arith.constant 1 : i32
        %sub3A_906 = arith.subi %add3A_904, %sub3A_905 : i32
        %mul3A_907 = arith.constant 1024 : i32
        %mul3A_908 = arith.muli %sub3A_906, %mul3A_907 : i32
        %dma_start3A_909 = arith.constant 0 : i32
        %dma_start3A_910 = arith.constant 0 : i32
        %dma_start3A_911 = tpu.memref_slice %arg8[%select_n3A_898, %dma_start3A_909, %dma_start3A_910] : memref<4x1024x16xf32, #tpu.memory_space<vmem>> -> memref<1x1024x16xf32, #tpu.memory_space<vmem>>
        %dma_start3A_912 = tpu.memref_squeeze %dma_start3A_911 : memref<1x1024x16xf32, #tpu.memory_space<vmem>> -> memref<1024x16xf32, #tpu.memory_space<vmem>>
        %dma_start3A_913 = tpu.memref_slice %arg6[%mul3A_908] : memref<10240xi32, #tpu.memory_space<vmem>> -> memref<1024xi32, #tpu.memory_space<vmem>>
        %dma_start3A_914 = arith.constant 0 : i32
        %dma_start3A_915 = arith.constant 0 : i32
        %dma_start3A_916 = tpu.memref_slice %arg2[%dma_start3A_914, %dma_start3A_915] : memref<10000x16xf32, #tpu.memory_space<hbm>> -> memref<10000x16xf32, #tpu.memory_space<hbm>>
        %dma_start3A_917 = tpu.memref_slice %arg10[%select_n3A_898] : memref<4x!tpu.dma_semaphore, #tpu.memory_space<semaphore_mem>> -> memref<1x!tpu.dma_semaphore, #tpu.memory_space<semaphore_mem>>
        %dma_start3A_918 = tpu.memref_squeeze %dma_start3A_917 : memref<1x!tpu.dma_semaphore, #tpu.memory_space<semaphore_mem>> -> memref<!tpu.dma_semaphore, #tpu.memory_space<semaphore_mem>>
        tpu.enqueue_indirect_dma source(%dma_start3A_916 : memref<10000x16xf32, #tpu.memory_space<hbm>>) target(%dma_start3A_912 : memref<1024x16xf32, #tpu.memory_space<vmem>>) offsets(%dma_start3A_913 : memref<1024xi32, #tpu.memory_space<vmem>>) semaphore(%dma_start3A_918 : memref<!tpu.dma_semaphore, #tpu.memory_space<semaphore_mem>>)
      } else {
      }
    }
    %scan3A_183 = arith.constant 10 : i32
    %dma_wait3A = arith.constant 1 : i32
    %dma_wait3A_184 = arith.constant 1 : i32
    %dma_wait3A_185 = arith.constant 0 : i32
    %dma_wait3A_186 = arith.constant 0 : i32
    %dma_wait3A_187 = tpu.memref_slice %arg8[%dma_wait3A, %dma_wait3A_185, %dma_wait3A_186] : memref<4x1024x16xf32, #tpu.memory_space<vmem>> -> memref<1x1024x16xf32, #tpu.memory_space<vmem>>
    %dma_wait3A_188 = tpu.memref_squeeze %dma_wait3A_187 : memref<1x1024x16xf32, #tpu.memory_space<vmem>> -> memref<1024x16xf32, #tpu.memory_space<vmem>>
    %dma_wait3A_189 = arith.constant 0 : i32
    %dma_wait3A_190 = arith.constant 0 : i32
    %dma_wait3A_191 = tpu.memref_slice %dma_wait3A_188[%dma_wait3A_189, %dma_wait3A_190] : memref<1024x16xf32, #tpu.memory_space<vmem>> -> memref<128x16xf32, #tpu.memory_space<vmem>>
    %dma_wait3A_192 = arith.constant 0 : i32
    %dma_wait3A_193 = tpu.memref_slice %arg7[%dma_wait3A_192] : memref<10240xi32, #tpu.memory_space<vmem>> -> memref<128xi32, #tpu.memory_space<vmem>>
    %dma_wait3A_194 = arith.constant 0 : i32
    %dma_wait3A_195 = arith.constant 0 : i32
    %dma_wait3A_196 = tpu.memref_slice %arg5[%dma_wait3A_194, %dma_wait3A_195] : memref<10112x16xf32, #tpu.memory_space<vmem_shared>> -> memref<10112x16xf32, #tpu.memory_space<vmem_shared>>
    %dma_wait3A_197 = tpu.memref_slice %arg11[%dma_wait3A_184] : memref<4x!tpu.dma_semaphore, #tpu.memory_space<semaphore_mem>> -> memref<1x!tpu.dma_semaphore, #tpu.memory_space<semaphore_mem>>
    %dma_wait3A_198 = tpu.memref_squeeze %dma_wait3A_197 : memref<1x!tpu.dma_semaphore, #tpu.memory_space<semaphore_mem>> -> memref<!tpu.dma_semaphore, #tpu.memory_space<semaphore_mem>>
    tpu.wait_indirect_dma semaphore(%dma_wait3A_198 : memref<!tpu.dma_semaphore, #tpu.memory_space<semaphore_mem>>) src(%dma_wait3A_191 : memref<128x16xf32, #tpu.memory_space<vmem>>) dst(%dma_wait3A_196 : memref<10112x16xf32, #tpu.memory_space<vmem_shared>>)
    %dma_wait3A_199 = arith.constant 1 : i32
    %dma_wait3A_200 = arith.constant 1 : i32
    %dma_wait3A_201 = arith.constant 0 : i32
    %dma_wait3A_202 = arith.constant 0 : i32
    %dma_wait3A_203 = tpu.memref_slice %arg8[%dma_wait3A_199, %dma_wait3A_201, %dma_wait3A_202] : memref<4x1024x16xf32, #tpu.memory_space<vmem>> -> memref<1x1024x16xf32, #tpu.memory_space<vmem>>
    %dma_wait3A_204 = tpu.memref_squeeze %dma_wait3A_203 : memref<1x1024x16xf32, #tpu.memory_space<vmem>> -> memref<1024x16xf32, #tpu.memory_space<vmem>>
    %dma_wait3A_205 = arith.constant 0 : i32
    %dma_wait3A_206 = arith.constant 0 : i32
    %dma_wait3A_207 = tpu.memref_slice %dma_wait3A_204[%dma_wait3A_205, %dma_wait3A_206] : memref<1024x16xf32, #tpu.memory_space<vmem>> -> memref<128x16xf32, #tpu.memory_space<vmem>>
    %dma_wait3A_208 = arith.constant 0 : i32
    %dma_wait3A_209 = tpu.memref_slice %arg7[%dma_wait3A_208] : memref<10240xi32, #tpu.memory_space<vmem>> -> memref<128xi32, #tpu.memory_space<vmem>>
    %dma_wait3A_210 = arith.constant 0 : i32
    %dma_wait3A_211 = arith.constant 0 : i32
    %dma_wait3A_212 = tpu.memref_slice %arg5[%dma_wait3A_210, %dma_wait3A_211] : memref<10112x16xf32, #tpu.memory_space<vmem_shared>> -> memref<10112x16xf32, #tpu.memory_space<vmem_shared>>
    %dma_wait3A_213 = tpu.memref_slice %arg11[%dma_wait3A_200] : memref<4x!tpu.dma_semaphore, #tpu.memory_space<semaphore_mem>> -> memref<1x!tpu.dma_semaphore, #tpu.memory_space<semaphore_mem>>
    %dma_wait3A_214 = tpu.memref_squeeze %dma_wait3A_213 : memref<1x!tpu.dma_semaphore, #tpu.memory_space<semaphore_mem>> -> memref<!tpu.dma_semaphore, #tpu.memory_space<semaphore_mem>>
    tpu.wait_indirect_dma semaphore(%dma_wait3A_214 : memref<!tpu.dma_semaphore, #tpu.memory_space<semaphore_mem>>) src(%dma_wait3A_207 : memref<128x16xf32, #tpu.memory_space<vmem>>) dst(%dma_wait3A_212 : memref<10112x16xf32, #tpu.memory_space<vmem_shared>>)
    %dma_wait3A_215 = arith.constant 1 : i32
    %dma_wait3A_216 = arith.constant 1 : i32
    %dma_wait3A_217 = arith.constant 0 : i32
    %dma_wait3A_218 = arith.constant 0 : i32
    %dma_wait3A_219 = tpu.memref_slice %arg8[%dma_wait3A_215, %dma_wait3A_217, %dma_wait3A_218] : memref<4x1024x16xf32, #tpu.memory_space<vmem>> -> memref<1x1024x16xf32, #tpu.memory_space<vmem>>
    %dma_wait3A_220 = tpu.memref_squeeze %dma_wait3A_219 : memref<1x1024x16xf32, #tpu.memory_space<vmem>> -> memref<1024x16xf32, #tpu.memory_space<vmem>>
    %dma_wait3A_221 = arith.constant 0 : i32
    %dma_wait3A_222 = arith.constant 0 : i32
    %dma_wait3A_223 = tpu.memref_slice %dma_wait3A_220[%dma_wait3A_221, %dma_wait3A_222] : memref<1024x16xf32, #tpu.memory_space<vmem>> -> memref<128x16xf32, #tpu.memory_space<vmem>>
    %dma_wait3A_224 = arith.constant 0 : i32
    %dma_wait3A_225 = tpu.memref_slice %arg7[%dma_wait3A_224] : memref<10240xi32, #tpu.memory_space<vmem>> -> memref<128xi32, #tpu.memory_space<vmem>>
    %dma_wait3A_226 = arith.constant 0 : i32
    %dma_wait3A_227 = arith.constant 0 : i32
    %dma_wait3A_228 = tpu.memref_slice %arg5[%dma_wait3A_226, %dma_wait3A_227] : memref<10112x16xf32, #tpu.memory_space<vmem_shared>> -> memref<10112x16xf32, #tpu.memory_space<vmem_shared>>
    %dma_wait3A_229 = tpu.memref_slice %arg11[%dma_wait3A_216] : memref<4x!tpu.dma_semaphore, #tpu.memory_space<semaphore_mem>> -> memref<1x!tpu.dma_semaphore, #tpu.memory_space<semaphore_mem>>
    %dma_wait3A_230 = tpu.memref_squeeze %dma_wait3A_229 : memref<1x!tpu.dma_semaphore, #tpu.memory_space<semaphore_mem>> -> memref<!tpu.dma_semaphore, #tpu.memory_space<semaphore_mem>>
    tpu.wait_indirect_dma semaphore(%dma_wait3A_230 : memref<!tpu.dma_semaphore, #tpu.memory_space<semaphore_mem>>) src(%dma_wait3A_223 : memref<128x16xf32, #tpu.memory_space<vmem>>) dst(%dma_wait3A_228 : memref<10112x16xf32, #tpu.memory_space<vmem_shared>>)
    %dma_wait3A_231 = arith.constant 1 : i32
    %dma_wait3A_232 = arith.constant 1 : i32
    %dma_wait3A_233 = arith.constant 0 : i32
    %dma_wait3A_234 = arith.constant 0 : i32
    %dma_wait3A_235 = tpu.memref_slice %arg8[%dma_wait3A_231, %dma_wait3A_233, %dma_wait3A_234] : memref<4x1024x16xf32, #tpu.memory_space<vmem>> -> memref<1x1024x16xf32, #tpu.memory_space<vmem>>
    %dma_wait3A_236 = tpu.memref_squeeze %dma_wait3A_235 : memref<1x1024x16xf32, #tpu.memory_space<vmem>> -> memref<1024x16xf32, #tpu.memory_space<vmem>>
    %dma_wait3A_237 = arith.constant 0 : i32
    %dma_wait3A_238 = arith.constant 0 : i32
    %dma_wait3A_239 = tpu.memref_slice %dma_wait3A_236[%dma_wait3A_237, %dma_wait3A_238] : memref<1024x16xf32, #tpu.memory_space<vmem>> -> memref<128x16xf32, #tpu.memory_space<vmem>>
    %dma_wait3A_240 = arith.constant 0 : i32
    %dma_wait3A_241 = tpu.memref_slice %arg7[%dma_wait3A_240] : memref<10240xi32, #tpu.memory_space<vmem>> -> memref<128xi32, #tpu.memory_space<vmem>>
    %dma_wait3A_242 = arith.constant 0 : i32
    %dma_wait3A_243 = arith.constant 0 : i32
    %dma_wait3A_244 = tpu.memref_slice %arg5[%dma_wait3A_242, %dma_wait3A_243] : memref<10112x16xf32, #tpu.memory_space<vmem_shared>> -> memref<10112x16xf32, #tpu.memory_space<vmem_shared>>
    %dma_wait3A_245 = tpu.memref_slice %arg11[%dma_wait3A_232] : memref<4x!tpu.dma_semaphore, #tpu.memory_space<semaphore_mem>> -> memref<1x!tpu.dma_semaphore, #tpu.memory_space<semaphore_mem>>
    %dma_wait3A_246 = tpu.memref_squeeze %dma_wait3A_245 : memref<1x!tpu.dma_semaphore, #tpu.memory_space<semaphore_mem>> -> memref<!tpu.dma_semaphore, #tpu.memory_space<semaphore_mem>>
    tpu.wait_indirect_dma semaphore(%dma_wait3A_246 : memref<!tpu.dma_semaphore, #tpu.memory_space<semaphore_mem>>) src(%dma_wait3A_239 : memref<128x16xf32, #tpu.memory_space<vmem>>) dst(%dma_wait3A_244 : memref<10112x16xf32, #tpu.memory_space<vmem_shared>>)
    %dma_wait3A_247 = arith.constant 1 : i32
    %dma_wait3A_248 = arith.constant 1 : i32
    %dma_wait3A_249 = arith.constant 0 : i32
    %dma_wait3A_250 = arith.constant 0 : i32
    %dma_wait3A_251 = tpu.memref_slice %arg8[%dma_wait3A_247, %dma_wait3A_249, %dma_wait3A_250] : memref<4x1024x16xf32, #tpu.memory_space<vmem>> -> memref<1x1024x16xf32, #tpu.memory_space<vmem>>
    %dma_wait3A_252 = tpu.memref_squeeze %dma_wait3A_251 : memref<1x1024x16xf32, #tpu.memory_space<vmem>> -> memref<1024x16xf32, #tpu.memory_space<vmem>>
    %dma_wait3A_253 = arith.constant 0 : i32
    %dma_wait3A_254 = arith.constant 0 : i32
    %dma_wait3A_255 = tpu.memref_slice %dma_wait3A_252[%dma_wait3A_253, %dma_wait3A_254] : memref<1024x16xf32, #tpu.memory_space<vmem>> -> memref<128x16xf32, #tpu.memory_space<vmem>>
    %dma_wait3A_256 = arith.constant 0 : i32
    %dma_wait3A_257 = tpu.memref_slice %arg7[%dma_wait3A_256] : memref<10240xi32, #tpu.memory_space<vmem>> -> memref<128xi32, #tpu.memory_space<vmem>>
    %dma_wait3A_258 = arith.constant 0 : i32
    %dma_wait3A_259 = arith.constant 0 : i32
    %dma_wait3A_260 = tpu.memref_slice %arg5[%dma_wait3A_258, %dma_wait3A_259] : memref<10112x16xf32, #tpu.memory_space<vmem_shared>> -> memref<10112x16xf32, #tpu.memory_space<vmem_shared>>
    %dma_wait3A_261 = tpu.memref_slice %arg11[%dma_wait3A_248] : memref<4x!tpu.dma_semaphore, #tpu.memory_space<semaphore_mem>> -> memref<1x!tpu.dma_semaphore, #tpu.memory_space<semaphore_mem>>
    %dma_wait3A_262 = tpu.memref_squeeze %dma_wait3A_261 : memref<1x!tpu.dma_semaphore, #tpu.memory_space<semaphore_mem>> -> memref<!tpu.dma_semaphore, #tpu.memory_space<semaphore_mem>>
    tpu.wait_indirect_dma semaphore(%dma_wait3A_262 : memref<!tpu.dma_semaphore, #tpu.memory_space<semaphore_mem>>) src(%dma_wait3A_255 : memref<128x16xf32, #tpu.memory_space<vmem>>) dst(%dma_wait3A_260 : memref<10112x16xf32, #tpu.memory_space<vmem_shared>>)
    %dma_wait3A_263 = arith.constant 1 : i32
    %dma_wait3A_264 = arith.constant 1 : i32
    %dma_wait3A_265 = arith.constant 0 : i32
    %dma_wait3A_266 = arith.constant 0 : i32
    %dma_wait3A_267 = tpu.memref_slice %arg8[%dma_wait3A_263, %dma_wait3A_265, %dma_wait3A_266] : memref<4x1024x16xf32, #tpu.memory_space<vmem>> -> memref<1x1024x16xf32, #tpu.memory_space<vmem>>
    %dma_wait3A_268 = tpu.memref_squeeze %dma_wait3A_267 : memref<1x1024x16xf32, #tpu.memory_space<vmem>> -> memref<1024x16xf32, #tpu.memory_space<vmem>>
    %dma_wait3A_269 = arith.constant 0 : i32
    %dma_wait3A_270 = arith.constant 0 : i32
    %dma_wait3A_271 = tpu.memref_slice %dma_wait3A_268[%dma_wait3A_269, %dma_wait3A_270] : memref<1024x16xf32, #tpu.memory_space<vmem>> -> memref<128x16xf32, #tpu.memory_space<vmem>>
    %dma_wait3A_272 = arith.constant 0 : i32
    %dma_wait3A_273 = tpu.memref_slice %arg7[%dma_wait3A_272] : memref<10240xi32, #tpu.memory_space<vmem>> -> memref<128xi32, #tpu.memory_space<vmem>>
    %dma_wait3A_274 = arith.constant 0 : i32
    %dma_wait3A_275 = arith.constant 0 : i32
    %dma_wait3A_276 = tpu.memref_slice %arg5[%dma_wait3A_274, %dma_wait3A_275] : memref<10112x16xf32, #tpu.memory_space<vmem_shared>> -> memref<10112x16xf32, #tpu.memory_space<vmem_shared>>
    %dma_wait3A_277 = tpu.memref_slice %arg11[%dma_wait3A_264] : memref<4x!tpu.dma_semaphore, #tpu.memory_space<semaphore_mem>> -> memref<1x!tpu.dma_semaphore, #tpu.memory_space<semaphore_mem>>
    %dma_wait3A_278 = tpu.memref_squeeze %dma_wait3A_277 : memref<1x!tpu.dma_semaphore, #tpu.memory_space<semaphore_mem>> -> memref<!tpu.dma_semaphore, #tpu.memory_space<semaphore_mem>>
    tpu.wait_indirect_dma semaphore(%dma_wait3A_278 : memref<!tpu.dma_semaphore, #tpu.memory_space<semaphore_mem>>) src(%dma_wait3A_271 : memref<128x16xf32, #tpu.memory_space<vmem>>) dst(%dma_wait3A_276 : memref<10112x16xf32, #tpu.memory_space<vmem_shared>>)
    %dma_wait3A_279 = arith.constant 1 : i32
    %dma_wait3A_280 = arith.constant 1 : i32
    %dma_wait3A_281 = arith.constant 0 : i32
    %dma_wait3A_282 = arith.constant 0 : i32
    %dma_wait3A_283 = tpu.memref_slice %arg8[%dma_wait3A_279, %dma_wait3A_281, %dma_wait3A_282] : memref<4x1024x16xf32, #tpu.memory_space<vmem>> -> memref<1x1024x16xf32, #tpu.memory_space<vmem>>
    %dma_wait3A_284 = tpu.memref_squeeze %dma_wait3A_283 : memref<1x1024x16xf32, #tpu.memory_space<vmem>> -> memref<1024x16xf32, #tpu.memory_space<vmem>>
    %dma_wait3A_285 = arith.constant 0 : i32
    %dma_wait3A_286 = arith.constant 0 : i32
    %dma_wait3A_287 = tpu.memref_slice %dma_wait3A_284[%dma_wait3A_285, %dma_wait3A_286] : memref<1024x16xf32, #tpu.memory_space<vmem>> -> memref<128x16xf32, #tpu.memory_space<vmem>>
    %dma_wait3A_288 = arith.constant 0 : i32
    %dma_wait3A_289 = tpu.memref_slice %arg7[%dma_wait3A_288] : memref<10240xi32, #tpu.memory_space<vmem>> -> memref<128xi32, #tpu.memory_space<vmem>>
    %dma_wait3A_290 = arith.constant 0 : i32
    %dma_wait3A_291 = arith.constant 0 : i32
    %dma_wait3A_292 = tpu.memref_slice %arg5[%dma_wait3A_290, %dma_wait3A_291] : memref<10112x16xf32, #tpu.memory_space<vmem_shared>> -> memref<10112x16xf32, #tpu.memory_space<vmem_shared>>
    %dma_wait3A_293 = tpu.memref_slice %arg11[%dma_wait3A_280] : memref<4x!tpu.dma_semaphore, #tpu.memory_space<semaphore_mem>> -> memref<1x!tpu.dma_semaphore, #tpu.memory_space<semaphore_mem>>
    %dma_wait3A_294 = tpu.memref_squeeze %dma_wait3A_293 : memref<1x!tpu.dma_semaphore, #tpu.memory_space<semaphore_mem>> -> memref<!tpu.dma_semaphore, #tpu.memory_space<semaphore_mem>>
    tpu.wait_indirect_dma semaphore(%dma_wait3A_294 : memref<!tpu.dma_semaphore, #tpu.memory_space<semaphore_mem>>) src(%dma_wait3A_287 : memref<128x16xf32, #tpu.memory_space<vmem>>) dst(%dma_wait3A_292 : memref<10112x16xf32, #tpu.memory_space<vmem_shared>>)
    %dma_wait3A_295 = arith.constant 1 : i32
    %dma_wait3A_296 = arith.constant 1 : i32
    %dma_wait3A_297 = arith.constant 0 : i32
    %dma_wait3A_298 = arith.constant 0 : i32
    %dma_wait3A_299 = tpu.memref_slice %arg8[%dma_wait3A_295, %dma_wait3A_297, %dma_wait3A_298] : memref<4x1024x16xf32, #tpu.memory_space<vmem>> -> memref<1x1024x16xf32, #tpu.memory_space<vmem>>
    %dma_wait3A_300 = tpu.memref_squeeze %dma_wait3A_299 : memref<1x1024x16xf32, #tpu.memory_space<vmem>> -> memref<1024x16xf32, #tpu.memory_space<vmem>>
    %dma_wait3A_301 = arith.constant 0 : i32
    %dma_wait3A_302 = arith.constant 0 : i32
    %dma_wait3A_303 = tpu.memref_slice %dma_wait3A_300[%dma_wait3A_301, %dma_wait3A_302] : memref<1024x16xf32, #tpu.memory_space<vmem>> -> memref<128x16xf32, #tpu.memory_space<vmem>>
    %dma_wait3A_304 = arith.constant 0 : i32
    %dma_wait3A_305 = tpu.memref_slice %arg7[%dma_wait3A_304] : memref<10240xi32, #tpu.memory_space<vmem>> -> memref<128xi32, #tpu.memory_space<vmem>>
    %dma_wait3A_306 = arith.constant 0 : i32
    %dma_wait3A_307 = arith.constant 0 : i32
    %dma_wait3A_308 = tpu.memref_slice %arg5[%dma_wait3A_306, %dma_wait3A_307] : memref<10112x16xf32, #tpu.memory_space<vmem_shared>> -> memref<10112x16xf32, #tpu.memory_space<vmem_shared>>
    %dma_wait3A_309 = tpu.memref_slice %arg11[%dma_wait3A_296] : memref<4x!tpu.dma_semaphore, #tpu.memory_space<semaphore_mem>> -> memref<1x!tpu.dma_semaphore, #tpu.memory_space<semaphore_mem>>
    %dma_wait3A_310 = tpu.memref_squeeze %dma_wait3A_309 : memref<1x!tpu.dma_semaphore, #tpu.memory_space<semaphore_mem>> -> memref<!tpu.dma_semaphore, #tpu.memory_space<semaphore_mem>>
    tpu.wait_indirect_dma semaphore(%dma_wait3A_310 : memref<!tpu.dma_semaphore, #tpu.memory_space<semaphore_mem>>) src(%dma_wait3A_303 : memref<128x16xf32, #tpu.memory_space<vmem>>) dst(%dma_wait3A_308 : memref<10112x16xf32, #tpu.memory_space<vmem_shared>>)
    %dma_wait3A_311 = arith.constant 0 : i32
    %dma_wait3A_312 = arith.constant 0 : i32
    %dma_wait3A_313 = arith.constant 0 : i32
    %dma_wait3A_314 = arith.constant 0 : i32
    %dma_wait3A_315 = tpu.memref_slice %arg8[%dma_wait3A_311, %dma_wait3A_313, %dma_wait3A_314] : memref<4x1024x16xf32, #tpu.memory_space<vmem>> -> memref<1x1024x16xf32, #tpu.memory_space<vmem>>
    %dma_wait3A_316 = tpu.memref_squeeze %dma_wait3A_315 : memref<1x1024x16xf32, #tpu.memory_space<vmem>> -> memref<1024x16xf32, #tpu.memory_space<vmem>>
    %dma_wait3A_317 = arith.constant 0 : i32
    %dma_wait3A_318 = arith.constant 0 : i32
    %dma_wait3A_319 = tpu.memref_slice %dma_wait3A_316[%dma_wait3A_317, %dma_wait3A_318] : memref<1024x16xf32, #tpu.memory_space<vmem>> -> memref<128x16xf32, #tpu.memory_space<vmem>>
    %dma_wait3A_320 = arith.constant 0 : i32
    %dma_wait3A_321 = tpu.memref_slice %arg7[%dma_wait3A_320] : memref<10240xi32, #tpu.memory_space<vmem>> -> memref<128xi32, #tpu.memory_space<vmem>>
    %dma_wait3A_322 = arith.constant 0 : i32
    %dma_wait3A_323 = arith.constant 0 : i32
    %dma_wait3A_324 = tpu.memref_slice %arg5[%dma_wait3A_322, %dma_wait3A_323] : memref<10112x16xf32, #tpu.memory_space<vmem_shared>> -> memref<10112x16xf32, #tpu.memory_space<vmem_shared>>
    %dma_wait3A_325 = tpu.memref_slice %arg11[%dma_wait3A_312] : memref<4x!tpu.dma_semaphore, #tpu.memory_space<semaphore_mem>> -> memref<1x!tpu.dma_semaphore, #tpu.memory_space<semaphore_mem>>
    %dma_wait3A_326 = tpu.memref_squeeze %dma_wait3A_325 : memref<1x!tpu.dma_semaphore, #tpu.memory_space<semaphore_mem>> -> memref<!tpu.dma_semaphore, #tpu.memory_space<semaphore_mem>>
    tpu.wait_indirect_dma semaphore(%dma_wait3A_326 : memref<!tpu.dma_semaphore, #tpu.memory_space<semaphore_mem>>) src(%dma_wait3A_319 : memref<128x16xf32, #tpu.memory_space<vmem>>) dst(%dma_wait3A_324 : memref<10112x16xf32, #tpu.memory_space<vmem_shared>>)
    %dma_wait3A_327 = arith.constant 0 : i32
    %dma_wait3A_328 = arith.constant 0 : i32
    %dma_wait3A_329 = arith.constant 0 : i32
    %dma_wait3A_330 = arith.constant 0 : i32
    %dma_wait3A_331 = tpu.memref_slice %arg8[%dma_wait3A_327, %dma_wait3A_329, %dma_wait3A_330] : memref<4x1024x16xf32, #tpu.memory_space<vmem>> -> memref<1x1024x16xf32, #tpu.memory_space<vmem>>
    %dma_wait3A_332 = tpu.memref_squeeze %dma_wait3A_331 : memref<1x1024x16xf32, #tpu.memory_space<vmem>> -> memref<1024x16xf32, #tpu.memory_space<vmem>>
    %dma_wait3A_333 = arith.constant 0 : i32
    %dma_wait3A_334 = arith.constant 0 : i32
    %dma_wait3A_335 = tpu.memref_slice %dma_wait3A_332[%dma_wait3A_333, %dma_wait3A_334] : memref<1024x16xf32, #tpu.memory_space<vmem>> -> memref<128x16xf32, #tpu.memory_space<vmem>>
    %dma_wait3A_336 = arith.constant 0 : i32
    %dma_wait3A_337 = tpu.memref_slice %arg7[%dma_wait3A_336] : memref<10240xi32, #tpu.memory_space<vmem>> -> memref<128xi32, #tpu.memory_space<vmem>>
    %dma_wait3A_338 = arith.constant 0 : i32
    %dma_wait3A_339 = arith.constant 0 : i32
    %dma_wait3A_340 = tpu.memref_slice %arg5[%dma_wait3A_338, %dma_wait3A_339] : memref<10112x16xf32, #tpu.memory_space<vmem_shared>> -> memref<10112x16xf32, #tpu.memory_space<vmem_shared>>
    %dma_wait3A_341 = tpu.memref_slice %arg11[%dma_wait3A_328] : memref<4x!tpu.dma_semaphore, #tpu.memory_space<semaphore_mem>> -> memref<1x!tpu.dma_semaphore, #tpu.memory_space<semaphore_mem>>
    %dma_wait3A_342 = tpu.memref_squeeze %dma_wait3A_341 : memref<1x!tpu.dma_semaphore, #tpu.memory_space<semaphore_mem>> -> memref<!tpu.dma_semaphore, #tpu.memory_space<semaphore_mem>>
    tpu.wait_indirect_dma semaphore(%dma_wait3A_342 : memref<!tpu.dma_semaphore, #tpu.memory_space<semaphore_mem>>) src(%dma_wait3A_335 : memref<128x16xf32, #tpu.memory_space<vmem>>) dst(%dma_wait3A_340 : memref<10112x16xf32, #tpu.memory_space<vmem_shared>>)
    %dma_wait3A_343 = arith.constant 0 : i32
    %dma_wait3A_344 = arith.constant 0 : i32
    %dma_wait3A_345 = arith.constant 0 : i32
    %dma_wait3A_346 = arith.constant 0 : i32
    %dma_wait3A_347 = tpu.memref_slice %arg8[%dma_wait3A_343, %dma_wait3A_345, %dma_wait3A_346] : memref<4x1024x16xf32, #tpu.memory_space<vmem>> -> memref<1x1024x16xf32, #tpu.memory_space<vmem>>
    %dma_wait3A_348 = tpu.memref_squeeze %dma_wait3A_347 : memref<1x1024x16xf32, #tpu.memory_space<vmem>> -> memref<1024x16xf32, #tpu.memory_space<vmem>>
    %dma_wait3A_349 = arith.constant 0 : i32
    %dma_wait3A_350 = arith.constant 0 : i32
    %dma_wait3A_351 = tpu.memref_slice %dma_wait3A_348[%dma_wait3A_349, %dma_wait3A_350] : memref<1024x16xf32, #tpu.memory_space<vmem>> -> memref<128x16xf32, #tpu.memory_space<vmem>>
    %dma_wait3A_352 = arith.constant 0 : i32
    %dma_wait3A_353 = tpu.memref_slice %arg7[%dma_wait3A_352] : memref<10240xi32, #tpu.memory_space<vmem>> -> memref<128xi32, #tpu.memory_space<vmem>>
    %dma_wait3A_354 = arith.constant 0 : i32
    %dma_wait3A_355 = arith.constant 0 : i32
    %dma_wait3A_356 = tpu.memref_slice %arg5[%dma_wait3A_354, %dma_wait3A_355] : memref<10112x16xf32, #tpu.memory_space<vmem_shared>> -> memref<10112x16xf32, #tpu.memory_space<vmem_shared>>
    %dma_wait3A_357 = tpu.memref_slice %arg11[%dma_wait3A_344] : memref<4x!tpu.dma_semaphore, #tpu.memory_space<semaphore_mem>> -> memref<1x!tpu.dma_semaphore, #tpu.memory_space<semaphore_mem>>
    %dma_wait3A_358 = tpu.memref_squeeze %dma_wait3A_357 : memref<1x!tpu.dma_semaphore, #tpu.memory_space<semaphore_mem>> -> memref<!tpu.dma_semaphore, #tpu.memory_space<semaphore_mem>>
    tpu.wait_indirect_dma semaphore(%dma_wait3A_358 : memref<!tpu.dma_semaphore, #tpu.memory_space<semaphore_mem>>) src(%dma_wait3A_351 : memref<128x16xf32, #tpu.memory_space<vmem>>) dst(%dma_wait3A_356 : memref<10112x16xf32, #tpu.memory_space<vmem_shared>>)
    %dma_wait3A_359 = arith.constant 0 : i32
    %dma_wait3A_360 = arith.constant 0 : i32
    %dma_wait3A_361 = arith.constant 0 : i32
    %dma_wait3A_362 = arith.constant 0 : i32
    %dma_wait3A_363 = tpu.memref_slice %arg8[%dma_wait3A_359, %dma_wait3A_361, %dma_wait3A_362] : memref<4x1024x16xf32, #tpu.memory_space<vmem>> -> memref<1x1024x16xf32, #tpu.memory_space<vmem>>
    %dma_wait3A_364 = tpu.memref_squeeze %dma_wait3A_363 : memref<1x1024x16xf32, #tpu.memory_space<vmem>> -> memref<1024x16xf32, #tpu.memory_space<vmem>>
    %dma_wait3A_365 = arith.constant 0 : i32
    %dma_wait3A_366 = arith.constant 0 : i32
    %dma_wait3A_367 = tpu.memref_slice %dma_wait3A_364[%dma_wait3A_365, %dma_wait3A_366] : memref<1024x16xf32, #tpu.memory_space<vmem>> -> memref<128x16xf32, #tpu.memory_space<vmem>>
    %dma_wait3A_368 = arith.constant 0 : i32
    %dma_wait3A_369 = tpu.memref_slice %arg7[%dma_wait3A_368] : memref<10240xi32, #tpu.memory_space<vmem>> -> memref<128xi32, #tpu.memory_space<vmem>>
    %dma_wait3A_370 = arith.constant 0 : i32
    %dma_wait3A_371 = arith.constant 0 : i32
    %dma_wait3A_372 = tpu.memref_slice %arg5[%dma_wait3A_370, %dma_wait3A_371] : memref<10112x16xf32, #tpu.memory_space<vmem_shared>> -> memref<10112x16xf32, #tpu.memory_space<vmem_shared>>
    %dma_wait3A_373 = tpu.memref_slice %arg11[%dma_wait3A_360] : memref<4x!tpu.dma_semaphore, #tpu.memory_space<semaphore_mem>> -> memref<1x!tpu.dma_semaphore, #tpu.memory_space<semaphore_mem>>
    %dma_wait3A_374 = tpu.memref_squeeze %dma_wait3A_373 : memref<1x!tpu.dma_semaphore, #tpu.memory_space<semaphore_mem>> -> memref<!tpu.dma_semaphore, #tpu.memory_space<semaphore_mem>>
    tpu.wait_indirect_dma semaphore(%dma_wait3A_374 : memref<!tpu.dma_semaphore, #tpu.memory_space<semaphore_mem>>) src(%dma_wait3A_367 : memref<128x16xf32, #tpu.memory_space<vmem>>) dst(%dma_wait3A_372 : memref<10112x16xf32, #tpu.memory_space<vmem_shared>>)
    %dma_wait3A_375 = arith.constant 0 : i32
    %dma_wait3A_376 = arith.constant 0 : i32
    %dma_wait3A_377 = arith.constant 0 : i32
    %dma_wait3A_378 = arith.constant 0 : i32
    %dma_wait3A_379 = tpu.memref_slice %arg8[%dma_wait3A_375, %dma_wait3A_377, %dma_wait3A_378] : memref<4x1024x16xf32, #tpu.memory_space<vmem>> -> memref<1x1024x16xf32, #tpu.memory_space<vmem>>
    %dma_wait3A_380 = tpu.memref_squeeze %dma_wait3A_379 : memref<1x1024x16xf32, #tpu.memory_space<vmem>> -> memref<1024x16xf32, #tpu.memory_space<vmem>>
    %dma_wait3A_381 = arith.constant 0 : i32
    %dma_wait3A_382 = arith.constant 0 : i32
    %dma_wait3A_383 = tpu.memref_slice %dma_wait3A_380[%dma_wait3A_381, %dma_wait3A_382] : memref<1024x16xf32, #tpu.memory_space<vmem>> -> memref<128x16xf32, #tpu.memory_space<vmem>>
    %dma_wait3A_384 = arith.constant 0 : i32
    %dma_wait3A_385 = tpu.memref_slice %arg7[%dma_wait3A_384] : memref<10240xi32, #tpu.memory_space<vmem>> -> memref<128xi32, #tpu.memory_space<vmem>>
    %dma_wait3A_386 = arith.constant 0 : i32
    %dma_wait3A_387 = arith.constant 0 : i32
    %dma_wait3A_388 = tpu.memref_slice %arg5[%dma_wait3A_386, %dma_wait3A_387] : memref<10112x16xf32, #tpu.memory_space<vmem_shared>> -> memref<10112x16xf32, #tpu.memory_space<vmem_shared>>
    %dma_wait3A_389 = tpu.memref_slice %arg11[%dma_wait3A_376] : memref<4x!tpu.dma_semaphore, #tpu.memory_space<semaphore_mem>> -> memref<1x!tpu.dma_semaphore, #tpu.memory_space<semaphore_mem>>
    %dma_wait3A_390 = tpu.memref_squeeze %dma_wait3A_389 : memref<1x!tpu.dma_semaphore, #tpu.memory_space<semaphore_mem>> -> memref<!tpu.dma_semaphore, #tpu.memory_space<semaphore_mem>>
    tpu.wait_indirect_dma semaphore(%dma_wait3A_390 : memref<!tpu.dma_semaphore, #tpu.memory_space<semaphore_mem>>) src(%dma_wait3A_383 : memref<128x16xf32, #tpu.memory_space<vmem>>) dst(%dma_wait3A_388 : memref<10112x16xf32, #tpu.memory_space<vmem_shared>>)
    %dma_wait3A_391 = arith.constant 0 : i32
    %dma_wait3A_392 = arith.constant 0 : i32
    %dma_wait3A_393 = arith.constant 0 : i32
    %dma_wait3A_394 = arith.constant 0 : i32
    %dma_wait3A_395 = tpu.memref_slice %arg8[%dma_wait3A_391, %dma_wait3A_393, %dma_wait3A_394] : memref<4x1024x16xf32, #tpu.memory_space<vmem>> -> memref<1x1024x16xf32, #tpu.memory_space<vmem>>
    %dma_wait3A_396 = tpu.memref_squeeze %dma_wait3A_395 : memref<1x1024x16xf32, #tpu.memory_space<vmem>> -> memref<1024x16xf32, #tpu.memory_space<vmem>>
    %dma_wait3A_397 = arith.constant 0 : i32
    %dma_wait3A_398 = arith.constant 0 : i32
    %dma_wait3A_399 = tpu.memref_slice %dma_wait3A_396[%dma_wait3A_397, %dma_wait3A_398] : memref<1024x16xf32, #tpu.memory_space<vmem>> -> memref<128x16xf32, #tpu.memory_space<vmem>>
    %dma_wait3A_400 = arith.constant 0 : i32
    %dma_wait3A_401 = tpu.memref_slice %arg7[%dma_wait3A_400] : memref<10240xi32, #tpu.memory_space<vmem>> -> memref<128xi32, #tpu.memory_space<vmem>>
    %dma_wait3A_402 = arith.constant 0 : i32
    %dma_wait3A_403 = arith.constant 0 : i32
    %dma_wait3A_404 = tpu.memref_slice %arg5[%dma_wait3A_402, %dma_wait3A_403] : memref<10112x16xf32, #tpu.memory_space<vmem_shared>> -> memref<10112x16xf32, #tpu.memory_space<vmem_shared>>
    %dma_wait3A_405 = tpu.memref_slice %arg11[%dma_wait3A_392] : memref<4x!tpu.dma_semaphore, #tpu.memory_space<semaphore_mem>> -> memref<1x!tpu.dma_semaphore, #tpu.memory_space<semaphore_mem>>
    %dma_wait3A_406 = tpu.memref_squeeze %dma_wait3A_405 : memref<1x!tpu.dma_semaphore, #tpu.memory_space<semaphore_mem>> -> memref<!tpu.dma_semaphore, #tpu.memory_space<semaphore_mem>>
    tpu.wait_indirect_dma semaphore(%dma_wait3A_406 : memref<!tpu.dma_semaphore, #tpu.memory_space<semaphore_mem>>) src(%dma_wait3A_399 : memref<128x16xf32, #tpu.memory_space<vmem>>) dst(%dma_wait3A_404 : memref<10112x16xf32, #tpu.memory_space<vmem_shared>>)
    %dma_wait3A_407 = arith.constant 0 : i32
    %dma_wait3A_408 = arith.constant 0 : i32
    %dma_wait3A_409 = arith.constant 0 : i32
    %dma_wait3A_410 = arith.constant 0 : i32
    %dma_wait3A_411 = tpu.memref_slice %arg8[%dma_wait3A_407, %dma_wait3A_409, %dma_wait3A_410] : memref<4x1024x16xf32, #tpu.memory_space<vmem>> -> memref<1x1024x16xf32, #tpu.memory_space<vmem>>
    %dma_wait3A_412 = tpu.memref_squeeze %dma_wait3A_411 : memref<1x1024x16xf32, #tpu.memory_space<vmem>> -> memref<1024x16xf32, #tpu.memory_space<vmem>>
    %dma_wait3A_413 = arith.constant 0 : i32
    %dma_wait3A_414 = arith.constant 0 : i32
    %dma_wait3A_415 = tpu.memref_slice %dma_wait3A_412[%dma_wait3A_413, %dma_wait3A_414] : memref<1024x16xf32, #tpu.memory_space<vmem>> -> memref<128x16xf32, #tpu.memory_space<vmem>>
    %dma_wait3A_416 = arith.constant 0 : i32
    %dma_wait3A_417 = tpu.memref_slice %arg7[%dma_wait3A_416] : memref<10240xi32, #tpu.memory_space<vmem>> -> memref<128xi32, #tpu.memory_space<vmem>>
    %dma_wait3A_418 = arith.constant 0 : i32
    %dma_wait3A_419 = arith.constant 0 : i32
    %dma_wait3A_420 = tpu.memref_slice %arg5[%dma_wait3A_418, %dma_wait3A_419] : memref<10112x16xf32, #tpu.memory_space<vmem_shared>> -> memref<10112x16xf32, #tpu.memory_space<vmem_shared>>
    %dma_wait3A_421 = tpu.memref_slice %arg11[%dma_wait3A_408] : memref<4x!tpu.dma_semaphore, #tpu.memory_space<semaphore_mem>> -> memref<1x!tpu.dma_semaphore, #tpu.memory_space<semaphore_mem>>
    %dma_wait3A_422 = tpu.memref_squeeze %dma_wait3A_421 : memref<1x!tpu.dma_semaphore, #tpu.memory_space<semaphore_mem>> -> memref<!tpu.dma_semaphore, #tpu.memory_space<semaphore_mem>>
    tpu.wait_indirect_dma semaphore(%dma_wait3A_422 : memref<!tpu.dma_semaphore, #tpu.memory_space<semaphore_mem>>) src(%dma_wait3A_415 : memref<128x16xf32, #tpu.memory_space<vmem>>) dst(%dma_wait3A_420 : memref<10112x16xf32, #tpu.memory_space<vmem_shared>>)
    %dma_wait3A_423 = arith.constant 0 : i32
    %dma_wait3A_424 = arith.constant 0 : i32
    %dma_wait3A_425 = arith.constant 0 : i32
    %dma_wait3A_426 = arith.constant 0 : i32
    %dma_wait3A_427 = tpu.memref_slice %arg8[%dma_wait3A_423, %dma_wait3A_425, %dma_wait3A_426] : memref<4x1024x16xf32, #tpu.memory_space<vmem>> -> memref<1x1024x16xf32, #tpu.memory_space<vmem>>
    %dma_wait3A_428 = tpu.memref_squeeze %dma_wait3A_427 : memref<1x1024x16xf32, #tpu.memory_space<vmem>> -> memref<1024x16xf32, #tpu.memory_space<vmem>>
    %dma_wait3A_429 = arith.constant 0 : i32
    %dma_wait3A_430 = arith.constant 0 : i32
    %dma_wait3A_431 = tpu.memref_slice %dma_wait3A_428[%dma_wait3A_429, %dma_wait3A_430] : memref<1024x16xf32, #tpu.memory_space<vmem>> -> memref<128x16xf32, #tpu.memory_space<vmem>>
    %dma_wait3A_432 = arith.constant 0 : i32
    %dma_wait3A_433 = tpu.memref_slice %arg7[%dma_wait3A_432] : memref<10240xi32, #tpu.memory_space<vmem>> -> memref<128xi32, #tpu.memory_space<vmem>>
    %dma_wait3A_434 = arith.constant 0 : i32
    %dma_wait3A_435 = arith.constant 0 : i32
    %dma_wait3A_436 = tpu.memref_slice %arg5[%dma_wait3A_434, %dma_wait3A_435] : memref<10112x16xf32, #tpu.memory_space<vmem_shared>> -> memref<10112x16xf32, #tpu.memory_space<vmem_shared>>
    %dma_wait3A_437 = tpu.memref_slice %arg11[%dma_wait3A_424] : memref<4x!tpu.dma_semaphore, #tpu.memory_space<semaphore_mem>> -> memref<1x!tpu.dma_semaphore, #tpu.memory_space<semaphore_mem>>
    %dma_wait3A_438 = tpu.memref_squeeze %dma_wait3A_437 : memref<1x!tpu.dma_semaphore, #tpu.memory_space<semaphore_mem>> -> memref<!tpu.dma_semaphore, #tpu.memory_space<semaphore_mem>>
    tpu.wait_indirect_dma semaphore(%dma_wait3A_438 : memref<!tpu.dma_semaphore, #tpu.memory_space<semaphore_mem>>) src(%dma_wait3A_431 : memref<128x16xf32, #tpu.memory_space<vmem>>) dst(%dma_wait3A_436 : memref<10112x16xf32, #tpu.memory_space<vmem_shared>>)
    %dma_wait3A_439 = arith.constant 3 : i32
    %dma_wait3A_440 = arith.constant 3 : i32
    %dma_wait3A_441 = arith.constant 0 : i32
    %dma_wait3A_442 = arith.constant 0 : i32
    %dma_wait3A_443 = tpu.memref_slice %arg8[%dma_wait3A_439, %dma_wait3A_441, %dma_wait3A_442] : memref<4x1024x16xf32, #tpu.memory_space<vmem>> -> memref<1x1024x16xf32, #tpu.memory_space<vmem>>
    %dma_wait3A_444 = tpu.memref_squeeze %dma_wait3A_443 : memref<1x1024x16xf32, #tpu.memory_space<vmem>> -> memref<1024x16xf32, #tpu.memory_space<vmem>>
    %dma_wait3A_445 = arith.constant 0 : i32
    %dma_wait3A_446 = arith.constant 0 : i32
    %dma_wait3A_447 = tpu.memref_slice %dma_wait3A_444[%dma_wait3A_445, %dma_wait3A_446] : memref<1024x16xf32, #tpu.memory_space<vmem>> -> memref<128x16xf32, #tpu.memory_space<vmem>>
    %dma_wait3A_448 = arith.constant 0 : i32
    %dma_wait3A_449 = tpu.memref_slice %arg7[%dma_wait3A_448] : memref<10240xi32, #tpu.memory_space<vmem>> -> memref<128xi32, #tpu.memory_space<vmem>>
    %dma_wait3A_450 = arith.constant 0 : i32
    %dma_wait3A_451 = arith.constant 0 : i32
    %dma_wait3A_452 = tpu.memref_slice %arg5[%dma_wait3A_450, %dma_wait3A_451] : memref<10112x16xf32, #tpu.memory_space<vmem_shared>> -> memref<10112x16xf32, #tpu.memory_space<vmem_shared>>
    %dma_wait3A_453 = tpu.memref_slice %arg11[%dma_wait3A_440] : memref<4x!tpu.dma_semaphore, #tpu.memory_space<semaphore_mem>> -> memref<1x!tpu.dma_semaphore, #tpu.memory_space<semaphore_mem>>
    %dma_wait3A_454 = tpu.memref_squeeze %dma_wait3A_453 : memref<1x!tpu.dma_semaphore, #tpu.memory_space<semaphore_mem>> -> memref<!tpu.dma_semaphore, #tpu.memory_space<semaphore_mem>>
    tpu.wait_indirect_dma semaphore(%dma_wait3A_454 : memref<!tpu.dma_semaphore, #tpu.memory_space<semaphore_mem>>) src(%dma_wait3A_447 : memref<128x16xf32, #tpu.memory_space<vmem>>) dst(%dma_wait3A_452 : memref<10112x16xf32, #tpu.memory_space<vmem_shared>>)
    %dma_wait3A_455 = arith.constant 3 : i32
    %dma_wait3A_456 = arith.constant 3 : i32
    %dma_wait3A_457 = arith.constant 0 : i32
    %dma_wait3A_458 = arith.constant 0 : i32
    %dma_wait3A_459 = tpu.memref_slice %arg8[%dma_wait3A_455, %dma_wait3A_457, %dma_wait3A_458] : memref<4x1024x16xf32, #tpu.memory_space<vmem>> -> memref<1x1024x16xf32, #tpu.memory_space<vmem>>
    %dma_wait3A_460 = tpu.memref_squeeze %dma_wait3A_459 : memref<1x1024x16xf32, #tpu.memory_space<vmem>> -> memref<1024x16xf32, #tpu.memory_space<vmem>>
    %dma_wait3A_461 = arith.constant 0 : i32
    %dma_wait3A_462 = arith.constant 0 : i32
    %dma_wait3A_463 = tpu.memref_slice %dma_wait3A_460[%dma_wait3A_461, %dma_wait3A_462] : memref<1024x16xf32, #tpu.memory_space<vmem>> -> memref<128x16xf32, #tpu.memory_space<vmem>>
    %dma_wait3A_464 = arith.constant 0 : i32
    %dma_wait3A_465 = tpu.memref_slice %arg7[%dma_wait3A_464] : memref<10240xi32, #tpu.memory_space<vmem>> -> memref<128xi32, #tpu.memory_space<vmem>>
    %dma_wait3A_466 = arith.constant 0 : i32
    %dma_wait3A_467 = arith.constant 0 : i32
    %dma_wait3A_468 = tpu.memref_slice %arg5[%dma_wait3A_466, %dma_wait3A_467] : memref<10112x16xf32, #tpu.memory_space<vmem_shared>> -> memref<10112x16xf32, #tpu.memory_space<vmem_shared>>
    %dma_wait3A_469 = tpu.memref_slice %arg11[%dma_wait3A_456] : memref<4x!tpu.dma_semaphore, #tpu.memory_space<semaphore_mem>> -> memref<1x!tpu.dma_semaphore, #tpu.memory_space<semaphore_mem>>
    %dma_wait3A_470 = tpu.memref_squeeze %dma_wait3A_469 : memref<1x!tpu.dma_semaphore, #tpu.memory_space<semaphore_mem>> -> memref<!tpu.dma_semaphore, #tpu.memory_space<semaphore_mem>>
    tpu.wait_indirect_dma semaphore(%dma_wait3A_470 : memref<!tpu.dma_semaphore, #tpu.memory_space<semaphore_mem>>) src(%dma_wait3A_463 : memref<128x16xf32, #tpu.memory_space<vmem>>) dst(%dma_wait3A_468 : memref<10112x16xf32, #tpu.memory_space<vmem_shared>>)
    %dma_wait3A_471 = arith.constant 3 : i32
    %dma_wait3A_472 = arith.constant 3 : i32
    %dma_wait3A_473 = arith.constant 0 : i32
    %dma_wait3A_474 = arith.constant 0 : i32
    %dma_wait3A_475 = tpu.memref_slice %arg8[%dma_wait3A_471, %dma_wait3A_473, %dma_wait3A_474] : memref<4x1024x16xf32, #tpu.memory_space<vmem>> -> memref<1x1024x16xf32, #tpu.memory_space<vmem>>
    %dma_wait3A_476 = tpu.memref_squeeze %dma_wait3A_475 : memref<1x1024x16xf32, #tpu.memory_space<vmem>> -> memref<1024x16xf32, #tpu.memory_space<vmem>>
    %dma_wait3A_477 = arith.constant 0 : i32
    %dma_wait3A_478 = arith.constant 0 : i32
    %dma_wait3A_479 = tpu.memref_slice %dma_wait3A_476[%dma_wait3A_477, %dma_wait3A_478] : memref<1024x16xf32, #tpu.memory_space<vmem>> -> memref<128x16xf32, #tpu.memory_space<vmem>>
    %dma_wait3A_480 = arith.constant 0 : i32
    %dma_wait3A_481 = tpu.memref_slice %arg7[%dma_wait3A_480] : memref<10240xi32, #tpu.memory_space<vmem>> -> memref<128xi32, #tpu.memory_space<vmem>>
    %dma_wait3A_482 = arith.constant 0 : i32
    %dma_wait3A_483 = arith.constant 0 : i32
    %dma_wait3A_484 = tpu.memref_slice %arg5[%dma_wait3A_482, %dma_wait3A_483] : memref<10112x16xf32, #tpu.memory_space<vmem_shared>> -> memref<10112x16xf32, #tpu.memory_space<vmem_shared>>
    %dma_wait3A_485 = tpu.memref_slice %arg11[%dma_wait3A_472] : memref<4x!tpu.dma_semaphore, #tpu.memory_space<semaphore_mem>> -> memref<1x!tpu.dma_semaphore, #tpu.memory_space<semaphore_mem>>
    %dma_wait3A_486 = tpu.memref_squeeze %dma_wait3A_485 : memref<1x!tpu.dma_semaphore, #tpu.memory_space<semaphore_mem>> -> memref<!tpu.dma_semaphore, #tpu.memory_space<semaphore_mem>>
    tpu.wait_indirect_dma semaphore(%dma_wait3A_486 : memref<!tpu.dma_semaphore, #tpu.memory_space<semaphore_mem>>) src(%dma_wait3A_479 : memref<128x16xf32, #tpu.memory_space<vmem>>) dst(%dma_wait3A_484 : memref<10112x16xf32, #tpu.memory_space<vmem_shared>>)
    %dma_wait3A_487 = arith.constant 3 : i32
    %dma_wait3A_488 = arith.constant 3 : i32
    %dma_wait3A_489 = arith.constant 0 : i32
    %dma_wait3A_490 = arith.constant 0 : i32
    %dma_wait3A_491 = tpu.memref_slice %arg8[%dma_wait3A_487, %dma_wait3A_489, %dma_wait3A_490] : memref<4x1024x16xf32, #tpu.memory_space<vmem>> -> memref<1x1024x16xf32, #tpu.memory_space<vmem>>
    %dma_wait3A_492 = tpu.memref_squeeze %dma_wait3A_491 : memref<1x1024x16xf32, #tpu.memory_space<vmem>> -> memref<1024x16xf32, #tpu.memory_space<vmem>>
    %dma_wait3A_493 = arith.constant 0 : i32
    %dma_wait3A_494 = arith.constant 0 : i32
    %dma_wait3A_495 = tpu.memref_slice %dma_wait3A_492[%dma_wait3A_493, %dma_wait3A_494] : memref<1024x16xf32, #tpu.memory_space<vmem>> -> memref<128x16xf32, #tpu.memory_space<vmem>>
    %dma_wait3A_496 = arith.constant 0 : i32
    %dma_wait3A_497 = tpu.memref_slice %arg7[%dma_wait3A_496] : memref<10240xi32, #tpu.memory_space<vmem>> -> memref<128xi32, #tpu.memory_space<vmem>>
    %dma_wait3A_498 = arith.constant 0 : i32
    %dma_wait3A_499 = arith.constant 0 : i32
    %dma_wait3A_500 = tpu.memref_slice %arg5[%dma_wait3A_498, %dma_wait3A_499] : memref<10112x16xf32, #tpu.memory_space<vmem_shared>> -> memref<10112x16xf32, #tpu.memory_space<vmem_shared>>
    %dma_wait3A_501 = tpu.memref_slice %arg11[%dma_wait3A_488] : memref<4x!tpu.dma_semaphore, #tpu.memory_space<semaphore_mem>> -> memref<1x!tpu.dma_semaphore, #tpu.memory_space<semaphore_mem>>
    %dma_wait3A_502 = tpu.memref_squeeze %dma_wait3A_501 : memref<1x!tpu.dma_semaphore, #tpu.memory_space<semaphore_mem>> -> memref<!tpu.dma_semaphore, #tpu.memory_space<semaphore_mem>>
    tpu.wait_indirect_dma semaphore(%dma_wait3A_502 : memref<!tpu.dma_semaphore, #tpu.memory_space<semaphore_mem>>) src(%dma_wait3A_495 : memref<128x16xf32, #tpu.memory_space<vmem>>) dst(%dma_wait3A_500 : memref<10112x16xf32, #tpu.memory_space<vmem_shared>>)
    %dma_wait3A_503 = arith.constant 3 : i32
    %dma_wait3A_504 = arith.constant 3 : i32
    %dma_wait3A_505 = arith.constant 0 : i32
    %dma_wait3A_506 = arith.constant 0 : i32
    %dma_wait3A_507 = tpu.memref_slice %arg8[%dma_wait3A_503, %dma_wait3A_505, %dma_wait3A_506] : memref<4x1024x16xf32, #tpu.memory_space<vmem>> -> memref<1x1024x16xf32, #tpu.memory_space<vmem>>
    %dma_wait3A_508 = tpu.memref_squeeze %dma_wait3A_507 : memref<1x1024x16xf32, #tpu.memory_space<vmem>> -> memref<1024x16xf32, #tpu.memory_space<vmem>>
    %dma_wait3A_509 = arith.constant 0 : i32
    %dma_wait3A_510 = arith.constant 0 : i32
    %dma_wait3A_511 = tpu.memref_slice %dma_wait3A_508[%dma_wait3A_509, %dma_wait3A_510] : memref<1024x16xf32, #tpu.memory_space<vmem>> -> memref<128x16xf32, #tpu.memory_space<vmem>>
    %dma_wait3A_512 = arith.constant 0 : i32
    %dma_wait3A_513 = tpu.memref_slice %arg7[%dma_wait3A_512] : memref<10240xi32, #tpu.memory_space<vmem>> -> memref<128xi32, #tpu.memory_space<vmem>>
    %dma_wait3A_514 = arith.constant 0 : i32
    %dma_wait3A_515 = arith.constant 0 : i32
    %dma_wait3A_516 = tpu.memref_slice %arg5[%dma_wait3A_514, %dma_wait3A_515] : memref<10112x16xf32, #tpu.memory_space<vmem_shared>> -> memref<10112x16xf32, #tpu.memory_space<vmem_shared>>
    %dma_wait3A_517 = tpu.memref_slice %arg11[%dma_wait3A_504] : memref<4x!tpu.dma_semaphore, #tpu.memory_space<semaphore_mem>> -> memref<1x!tpu.dma_semaphore, #tpu.memory_space<semaphore_mem>>
    %dma_wait3A_518 = tpu.memref_squeeze %dma_wait3A_517 : memref<1x!tpu.dma_semaphore, #tpu.memory_space<semaphore_mem>> -> memref<!tpu.dma_semaphore, #tpu.memory_space<semaphore_mem>>
    tpu.wait_indirect_dma semaphore(%dma_wait3A_518 : memref<!tpu.dma_semaphore, #tpu.memory_space<semaphore_mem>>) src(%dma_wait3A_511 : memref<128x16xf32, #tpu.memory_space<vmem>>) dst(%dma_wait3A_516 : memref<10112x16xf32, #tpu.memory_space<vmem_shared>>)
    %dma_wait3A_519 = arith.constant 3 : i32
    %dma_wait3A_520 = arith.constant 3 : i32
    %dma_wait3A_521 = arith.constant 0 : i32
    %dma_wait3A_522 = arith.constant 0 : i32
    %dma_wait3A_523 = tpu.memref_slice %arg8[%dma_wait3A_519, %dma_wait3A_521, %dma_wait3A_522] : memref<4x1024x16xf32, #tpu.memory_space<vmem>> -> memref<1x1024x16xf32, #tpu.memory_space<vmem>>
    %dma_wait3A_524 = tpu.memref_squeeze %dma_wait3A_523 : memref<1x1024x16xf32, #tpu.memory_space<vmem>> -> memref<1024x16xf32, #tpu.memory_space<vmem>>
    %dma_wait3A_525 = arith.constant 0 : i32
    %dma_wait3A_526 = arith.constant 0 : i32
    %dma_wait3A_527 = tpu.memref_slice %dma_wait3A_524[%dma_wait3A_525, %dma_wait3A_526] : memref<1024x16xf32, #tpu.memory_space<vmem>> -> memref<128x16xf32, #tpu.memory_space<vmem>>
    %dma_wait3A_528 = arith.constant 0 : i32
    %dma_wait3A_529 = tpu.memref_slice %arg7[%dma_wait3A_528] : memref<10240xi32, #tpu.memory_space<vmem>> -> memref<128xi32, #tpu.memory_space<vmem>>
    %dma_wait3A_530 = arith.constant 0 : i32
    %dma_wait3A_531 = arith.constant 0 : i32
    %dma_wait3A_532 = tpu.memref_slice %arg5[%dma_wait3A_530, %dma_wait3A_531] : memref<10112x16xf32, #tpu.memory_space<vmem_shared>> -> memref<10112x16xf32, #tpu.memory_space<vmem_shared>>
    %dma_wait3A_533 = tpu.memref_slice %arg11[%dma_wait3A_520] : memref<4x!tpu.dma_semaphore, #tpu.memory_space<semaphore_mem>> -> memref<1x!tpu.dma_semaphore, #tpu.memory_space<semaphore_mem>>
    %dma_wait3A_534 = tpu.memref_squeeze %dma_wait3A_533 : memref<1x!tpu.dma_semaphore, #tpu.memory_space<semaphore_mem>> -> memref<!tpu.dma_semaphore, #tpu.memory_space<semaphore_mem>>
    tpu.wait_indirect_dma semaphore(%dma_wait3A_534 : memref<!tpu.dma_semaphore, #tpu.memory_space<semaphore_mem>>) src(%dma_wait3A_527 : memref<128x16xf32, #tpu.memory_space<vmem>>) dst(%dma_wait3A_532 : memref<10112x16xf32, #tpu.memory_space<vmem_shared>>)
    %dma_wait3A_535 = arith.constant 3 : i32
    %dma_wait3A_536 = arith.constant 3 : i32
    %dma_wait3A_537 = arith.constant 0 : i32
    %dma_wait3A_538 = arith.constant 0 : i32
    %dma_wait3A_539 = tpu.memref_slice %arg8[%dma_wait3A_535, %dma_wait3A_537, %dma_wait3A_538] : memref<4x1024x16xf32, #tpu.memory_space<vmem>> -> memref<1x1024x16xf32, #tpu.memory_space<vmem>>
    %dma_wait3A_540 = tpu.memref_squeeze %dma_wait3A_539 : memref<1x1024x16xf32, #tpu.memory_space<vmem>> -> memref<1024x16xf32, #tpu.memory_space<vmem>>
    %dma_wait3A_541 = arith.constant 0 : i32
    %dma_wait3A_542 = arith.constant 0 : i32
    %dma_wait3A_543 = tpu.memref_slice %dma_wait3A_540[%dma_wait3A_541, %dma_wait3A_542] : memref<1024x16xf32, #tpu.memory_space<vmem>> -> memref<128x16xf32, #tpu.memory_space<vmem>>
    %dma_wait3A_544 = arith.constant 0 : i32
    %dma_wait3A_545 = tpu.memref_slice %arg7[%dma_wait3A_544] : memref<10240xi32, #tpu.memory_space<vmem>> -> memref<128xi32, #tpu.memory_space<vmem>>
    %dma_wait3A_546 = arith.constant 0 : i32
    %dma_wait3A_547 = arith.constant 0 : i32
    %dma_wait3A_548 = tpu.memref_slice %arg5[%dma_wait3A_546, %dma_wait3A_547] : memref<10112x16xf32, #tpu.memory_space<vmem_shared>> -> memref<10112x16xf32, #tpu.memory_space<vmem_shared>>
    %dma_wait3A_549 = tpu.memref_slice %arg11[%dma_wait3A_536] : memref<4x!tpu.dma_semaphore, #tpu.memory_space<semaphore_mem>> -> memref<1x!tpu.dma_semaphore, #tpu.memory_space<semaphore_mem>>
    %dma_wait3A_550 = tpu.memref_squeeze %dma_wait3A_549 : memref<1x!tpu.dma_semaphore, #tpu.memory_space<semaphore_mem>> -> memref<!tpu.dma_semaphore, #tpu.memory_space<semaphore_mem>>
    tpu.wait_indirect_dma semaphore(%dma_wait3A_550 : memref<!tpu.dma_semaphore, #tpu.memory_space<semaphore_mem>>) src(%dma_wait3A_543 : memref<128x16xf32, #tpu.memory_space<vmem>>) dst(%dma_wait3A_548 : memref<10112x16xf32, #tpu.memory_space<vmem_shared>>)
    %dma_wait3A_551 = arith.constant 3 : i32
    %dma_wait3A_552 = arith.constant 3 : i32
    %dma_wait3A_553 = arith.constant 0 : i32
    %dma_wait3A_554 = arith.constant 0 : i32
    %dma_wait3A_555 = tpu.memref_slice %arg8[%dma_wait3A_551, %dma_wait3A_553, %dma_wait3A_554] : memref<4x1024x16xf32, #tpu.memory_space<vmem>> -> memref<1x1024x16xf32, #tpu.memory_space<vmem>>
    %dma_wait3A_556 = tpu.memref_squeeze %dma_wait3A_555 : memref<1x1024x16xf32, #tpu.memory_space<vmem>> -> memref<1024x16xf32, #tpu.memory_space<vmem>>
    %dma_wait3A_557 = arith.constant 0 : i32
    %dma_wait3A_558 = arith.constant 0 : i32
    %dma_wait3A_559 = tpu.memref_slice %dma_wait3A_556[%dma_wait3A_557, %dma_wait3A_558] : memref<1024x16xf32, #tpu.memory_space<vmem>> -> memref<128x16xf32, #tpu.memory_space<vmem>>
    %dma_wait3A_560 = arith.constant 0 : i32
    %dma_wait3A_561 = tpu.memref_slice %arg7[%dma_wait3A_560] : memref<10240xi32, #tpu.memory_space<vmem>> -> memref<128xi32, #tpu.memory_space<vmem>>
    %dma_wait3A_562 = arith.constant 0 : i32
    %dma_wait3A_563 = arith.constant 0 : i32
    %dma_wait3A_564 = tpu.memref_slice %arg5[%dma_wait3A_562, %dma_wait3A_563] : memref<10112x16xf32, #tpu.memory_space<vmem_shared>> -> memref<10112x16xf32, #tpu.memory_space<vmem_shared>>
    %dma_wait3A_565 = tpu.memref_slice %arg11[%dma_wait3A_552] : memref<4x!tpu.dma_semaphore, #tpu.memory_space<semaphore_mem>> -> memref<1x!tpu.dma_semaphore, #tpu.memory_space<semaphore_mem>>
    %dma_wait3A_566 = tpu.memref_squeeze %dma_wait3A_565 : memref<1x!tpu.dma_semaphore, #tpu.memory_space<semaphore_mem>> -> memref<!tpu.dma_semaphore, #tpu.memory_space<semaphore_mem>>
    tpu.wait_indirect_dma semaphore(%dma_wait3A_566 : memref<!tpu.dma_semaphore, #tpu.memory_space<semaphore_mem>>) src(%dma_wait3A_559 : memref<128x16xf32, #tpu.memory_space<vmem>>) dst(%dma_wait3A_564 : memref<10112x16xf32, #tpu.memory_space<vmem_shared>>)
    %dma_wait3A_567 = arith.constant 2 : i32
    %dma_wait3A_568 = arith.constant 2 : i32
    %dma_wait3A_569 = arith.constant 0 : i32
    %dma_wait3A_570 = arith.constant 0 : i32
    %dma_wait3A_571 = tpu.memref_slice %arg8[%dma_wait3A_567, %dma_wait3A_569, %dma_wait3A_570] : memref<4x1024x16xf32, #tpu.memory_space<vmem>> -> memref<1x1024x16xf32, #tpu.memory_space<vmem>>
    %dma_wait3A_572 = tpu.memref_squeeze %dma_wait3A_571 : memref<1x1024x16xf32, #tpu.memory_space<vmem>> -> memref<1024x16xf32, #tpu.memory_space<vmem>>
    %dma_wait3A_573 = arith.constant 0 : i32
    %dma_wait3A_574 = arith.constant 0 : i32
    %dma_wait3A_575 = tpu.memref_slice %dma_wait3A_572[%dma_wait3A_573, %dma_wait3A_574] : memref<1024x16xf32, #tpu.memory_space<vmem>> -> memref<128x16xf32, #tpu.memory_space<vmem>>
    %dma_wait3A_576 = arith.constant 0 : i32
    %dma_wait3A_577 = tpu.memref_slice %arg7[%dma_wait3A_576] : memref<10240xi32, #tpu.memory_space<vmem>> -> memref<128xi32, #tpu.memory_space<vmem>>
    %dma_wait3A_578 = arith.constant 0 : i32
    %dma_wait3A_579 = arith.constant 0 : i32
    %dma_wait3A_580 = tpu.memref_slice %arg5[%dma_wait3A_578, %dma_wait3A_579] : memref<10112x16xf32, #tpu.memory_space<vmem_shared>> -> memref<10112x16xf32, #tpu.memory_space<vmem_shared>>
    %dma_wait3A_581 = tpu.memref_slice %arg11[%dma_wait3A_568] : memref<4x!tpu.dma_semaphore, #tpu.memory_space<semaphore_mem>> -> memref<1x!tpu.dma_semaphore, #tpu.memory_space<semaphore_mem>>
    %dma_wait3A_582 = tpu.memref_squeeze %dma_wait3A_581 : memref<1x!tpu.dma_semaphore, #tpu.memory_space<semaphore_mem>> -> memref<!tpu.dma_semaphore, #tpu.memory_space<semaphore_mem>>
    tpu.wait_indirect_dma semaphore(%dma_wait3A_582 : memref<!tpu.dma_semaphore, #tpu.memory_space<semaphore_mem>>) src(%dma_wait3A_575 : memref<128x16xf32, #tpu.memory_space<vmem>>) dst(%dma_wait3A_580 : memref<10112x16xf32, #tpu.memory_space<vmem_shared>>)
    %dma_wait3A_583 = arith.constant 2 : i32
    %dma_wait3A_584 = arith.constant 2 : i32
    %dma_wait3A_585 = arith.constant 0 : i32
    %dma_wait3A_586 = arith.constant 0 : i32
    %dma_wait3A_587 = tpu.memref_slice %arg8[%dma_wait3A_583, %dma_wait3A_585, %dma_wait3A_586] : memref<4x1024x16xf32, #tpu.memory_space<vmem>> -> memref<1x1024x16xf32, #tpu.memory_space<vmem>>
    %dma_wait3A_588 = tpu.memref_squeeze %dma_wait3A_587 : memref<1x1024x16xf32, #tpu.memory_space<vmem>> -> memref<1024x16xf32, #tpu.memory_space<vmem>>
    %dma_wait3A_589 = arith.constant 0 : i32
    %dma_wait3A_590 = arith.constant 0 : i32
    %dma_wait3A_591 = tpu.memref_slice %dma_wait3A_588[%dma_wait3A_589, %dma_wait3A_590] : memref<1024x16xf32, #tpu.memory_space<vmem>> -> memref<128x16xf32, #tpu.memory_space<vmem>>
    %dma_wait3A_592 = arith.constant 0 : i32
    %dma_wait3A_593 = tpu.memref_slice %arg7[%dma_wait3A_592] : memref<10240xi32, #tpu.memory_space<vmem>> -> memref<128xi32, #tpu.memory_space<vmem>>
    %dma_wait3A_594 = arith.constant 0 : i32
    %dma_wait3A_595 = arith.constant 0 : i32
    %dma_wait3A_596 = tpu.memref_slice %arg5[%dma_wait3A_594, %dma_wait3A_595] : memref<10112x16xf32, #tpu.memory_space<vmem_shared>> -> memref<10112x16xf32, #tpu.memory_space<vmem_shared>>
    %dma_wait3A_597 = tpu.memref_slice %arg11[%dma_wait3A_584] : memref<4x!tpu.dma_semaphore, #tpu.memory_space<semaphore_mem>> -> memref<1x!tpu.dma_semaphore, #tpu.memory_space<semaphore_mem>>
    %dma_wait3A_598 = tpu.memref_squeeze %dma_wait3A_597 : memref<1x!tpu.dma_semaphore, #tpu.memory_space<semaphore_mem>> -> memref<!tpu.dma_semaphore, #tpu.memory_space<semaphore_mem>>
    tpu.wait_indirect_dma semaphore(%dma_wait3A_598 : memref<!tpu.dma_semaphore, #tpu.memory_space<semaphore_mem>>) src(%dma_wait3A_591 : memref<128x16xf32, #tpu.memory_space<vmem>>) dst(%dma_wait3A_596 : memref<10112x16xf32, #tpu.memory_space<vmem_shared>>)
    %dma_wait3A_599 = arith.constant 2 : i32
    %dma_wait3A_600 = arith.constant 2 : i32
    %dma_wait3A_601 = arith.constant 0 : i32
    %dma_wait3A_602 = arith.constant 0 : i32
    %dma_wait3A_603 = tpu.memref_slice %arg8[%dma_wait3A_599, %dma_wait3A_601, %dma_wait3A_602] : memref<4x1024x16xf32, #tpu.memory_space<vmem>> -> memref<1x1024x16xf32, #tpu.memory_space<vmem>>
    %dma_wait3A_604 = tpu.memref_squeeze %dma_wait3A_603 : memref<1x1024x16xf32, #tpu.memory_space<vmem>> -> memref<1024x16xf32, #tpu.memory_space<vmem>>
    %dma_wait3A_605 = arith.constant 0 : i32
    %dma_wait3A_606 = arith.constant 0 : i32
    %dma_wait3A_607 = tpu.memref_slice %dma_wait3A_604[%dma_wait3A_605, %dma_wait3A_606] : memref<1024x16xf32, #tpu.memory_space<vmem>> -> memref<128x16xf32, #tpu.memory_space<vmem>>
    %dma_wait3A_608 = arith.constant 0 : i32
    %dma_wait3A_609 = tpu.memref_slice %arg7[%dma_wait3A_608] : memref<10240xi32, #tpu.memory_space<vmem>> -> memref<128xi32, #tpu.memory_space<vmem>>
    %dma_wait3A_610 = arith.constant 0 : i32
    %dma_wait3A_611 = arith.constant 0 : i32
    %dma_wait3A_612 = tpu.memref_slice %arg5[%dma_wait3A_610, %dma_wait3A_611] : memref<10112x16xf32, #tpu.memory_space<vmem_shared>> -> memref<10112x16xf32, #tpu.memory_space<vmem_shared>>
    %dma_wait3A_613 = tpu.memref_slice %arg11[%dma_wait3A_600] : memref<4x!tpu.dma_semaphore, #tpu.memory_space<semaphore_mem>> -> memref<1x!tpu.dma_semaphore, #tpu.memory_space<semaphore_mem>>
    %dma_wait3A_614 = tpu.memref_squeeze %dma_wait3A_613 : memref<1x!tpu.dma_semaphore, #tpu.memory_space<semaphore_mem>> -> memref<!tpu.dma_semaphore, #tpu.memory_space<semaphore_mem>>
    tpu.wait_indirect_dma semaphore(%dma_wait3A_614 : memref<!tpu.dma_semaphore, #tpu.memory_space<semaphore_mem>>) src(%dma_wait3A_607 : memref<128x16xf32, #tpu.memory_space<vmem>>) dst(%dma_wait3A_612 : memref<10112x16xf32, #tpu.memory_space<vmem_shared>>)
    %dma_wait3A_615 = arith.constant 2 : i32
    %dma_wait3A_616 = arith.constant 2 : i32
    %dma_wait3A_617 = arith.constant 0 : i32
    %dma_wait3A_618 = arith.constant 0 : i32
    %dma_wait3A_619 = tpu.memref_slice %arg8[%dma_wait3A_615, %dma_wait3A_617, %dma_wait3A_618] : memref<4x1024x16xf32, #tpu.memory_space<vmem>> -> memref<1x1024x16xf32, #tpu.memory_space<vmem>>
    %dma_wait3A_620 = tpu.memref_squeeze %dma_wait3A_619 : memref<1x1024x16xf32, #tpu.memory_space<vmem>> -> memref<1024x16xf32, #tpu.memory_space<vmem>>
    %dma_wait3A_621 = arith.constant 0 : i32
    %dma_wait3A_622 = arith.constant 0 : i32
    %dma_wait3A_623 = tpu.memref_slice %dma_wait3A_620[%dma_wait3A_621, %dma_wait3A_622] : memref<1024x16xf32, #tpu.memory_space<vmem>> -> memref<128x16xf32, #tpu.memory_space<vmem>>
    %dma_wait3A_624 = arith.constant 0 : i32
    %dma_wait3A_625 = tpu.memref_slice %arg7[%dma_wait3A_624] : memref<10240xi32, #tpu.memory_space<vmem>> -> memref<128xi32, #tpu.memory_space<vmem>>
    %dma_wait3A_626 = arith.constant 0 : i32
    %dma_wait3A_627 = arith.constant 0 : i32
    %dma_wait3A_628 = tpu.memref_slice %arg5[%dma_wait3A_626, %dma_wait3A_627] : memref<10112x16xf32, #tpu.memory_space<vmem_shared>> -> memref<10112x16xf32, #tpu.memory_space<vmem_shared>>
    %dma_wait3A_629 = tpu.memref_slice %arg11[%dma_wait3A_616] : memref<4x!tpu.dma_semaphore, #tpu.memory_space<semaphore_mem>> -> memref<1x!tpu.dma_semaphore, #tpu.memory_space<semaphore_mem>>
    %dma_wait3A_630 = tpu.memref_squeeze %dma_wait3A_629 : memref<1x!tpu.dma_semaphore, #tpu.memory_space<semaphore_mem>> -> memref<!tpu.dma_semaphore, #tpu.memory_space<semaphore_mem>>
    tpu.wait_indirect_dma semaphore(%dma_wait3A_630 : memref<!tpu.dma_semaphore, #tpu.memory_space<semaphore_mem>>) src(%dma_wait3A_623 : memref<128x16xf32, #tpu.memory_space<vmem>>) dst(%dma_wait3A_628 : memref<10112x16xf32, #tpu.memory_space<vmem_shared>>)
    %dma_wait3A_631 = arith.constant 2 : i32
    %dma_wait3A_632 = arith.constant 2 : i32
    %dma_wait3A_633 = arith.constant 0 : i32
    %dma_wait3A_634 = arith.constant 0 : i32
    %dma_wait3A_635 = tpu.memref_slice %arg8[%dma_wait3A_631, %dma_wait3A_633, %dma_wait3A_634] : memref<4x1024x16xf32, #tpu.memory_space<vmem>> -> memref<1x1024x16xf32, #tpu.memory_space<vmem>>
    %dma_wait3A_636 = tpu.memref_squeeze %dma_wait3A_635 : memref<1x1024x16xf32, #tpu.memory_space<vmem>> -> memref<1024x16xf32, #tpu.memory_space<vmem>>
    %dma_wait3A_637 = arith.constant 0 : i32
    %dma_wait3A_638 = arith.constant 0 : i32
    %dma_wait3A_639 = tpu.memref_slice %dma_wait3A_636[%dma_wait3A_637, %dma_wait3A_638] : memref<1024x16xf32, #tpu.memory_space<vmem>> -> memref<128x16xf32, #tpu.memory_space<vmem>>
    %dma_wait3A_640 = arith.constant 0 : i32
    %dma_wait3A_641 = tpu.memref_slice %arg7[%dma_wait3A_640] : memref<10240xi32, #tpu.memory_space<vmem>> -> memref<128xi32, #tpu.memory_space<vmem>>
    %dma_wait3A_642 = arith.constant 0 : i32
    %dma_wait3A_643 = arith.constant 0 : i32
    %dma_wait3A_644 = tpu.memref_slice %arg5[%dma_wait3A_642, %dma_wait3A_643] : memref<10112x16xf32, #tpu.memory_space<vmem_shared>> -> memref<10112x16xf32, #tpu.memory_space<vmem_shared>>
    %dma_wait3A_645 = tpu.memref_slice %arg11[%dma_wait3A_632] : memref<4x!tpu.dma_semaphore, #tpu.memory_space<semaphore_mem>> -> memref<1x!tpu.dma_semaphore, #tpu.memory_space<semaphore_mem>>
    %dma_wait3A_646 = tpu.memref_squeeze %dma_wait3A_645 : memref<1x!tpu.dma_semaphore, #tpu.memory_space<semaphore_mem>> -> memref<!tpu.dma_semaphore, #tpu.memory_space<semaphore_mem>>
    tpu.wait_indirect_dma semaphore(%dma_wait3A_646 : memref<!tpu.dma_semaphore, #tpu.memory_space<semaphore_mem>>) src(%dma_wait3A_639 : memref<128x16xf32, #tpu.memory_space<vmem>>) dst(%dma_wait3A_644 : memref<10112x16xf32, #tpu.memory_space<vmem_shared>>)
    %dma_wait3A_647 = arith.constant 2 : i32
    %dma_wait3A_648 = arith.constant 2 : i32
    %dma_wait3A_649 = arith.constant 0 : i32
    %dma_wait3A_650 = arith.constant 0 : i32
    %dma_wait3A_651 = tpu.memref_slice %arg8[%dma_wait3A_647, %dma_wait3A_649, %dma_wait3A_650] : memref<4x1024x16xf32, #tpu.memory_space<vmem>> -> memref<1x1024x16xf32, #tpu.memory_space<vmem>>
    %dma_wait3A_652 = tpu.memref_squeeze %dma_wait3A_651 : memref<1x1024x16xf32, #tpu.memory_space<vmem>> -> memref<1024x16xf32, #tpu.memory_space<vmem>>
    %dma_wait3A_653 = arith.constant 0 : i32
    %dma_wait3A_654 = arith.constant 0 : i32
    %dma_wait3A_655 = tpu.memref_slice %dma_wait3A_652[%dma_wait3A_653, %dma_wait3A_654] : memref<1024x16xf32, #tpu.memory_space<vmem>> -> memref<128x16xf32, #tpu.memory_space<vmem>>
    %dma_wait3A_656 = arith.constant 0 : i32
    %dma_wait3A_657 = tpu.memref_slice %arg7[%dma_wait3A_656] : memref<10240xi32, #tpu.memory_space<vmem>> -> memref<128xi32, #tpu.memory_space<vmem>>
    %dma_wait3A_658 = arith.constant 0 : i32
    %dma_wait3A_659 = arith.constant 0 : i32
    %dma_wait3A_660 = tpu.memref_slice %arg5[%dma_wait3A_658, %dma_wait3A_659] : memref<10112x16xf32, #tpu.memory_space<vmem_shared>> -> memref<10112x16xf32, #tpu.memory_space<vmem_shared>>
    %dma_wait3A_661 = tpu.memref_slice %arg11[%dma_wait3A_648] : memref<4x!tpu.dma_semaphore, #tpu.memory_space<semaphore_mem>> -> memref<1x!tpu.dma_semaphore, #tpu.memory_space<semaphore_mem>>
    %dma_wait3A_662 = tpu.memref_squeeze %dma_wait3A_661 : memref<1x!tpu.dma_semaphore, #tpu.memory_space<semaphore_mem>> -> memref<!tpu.dma_semaphore, #tpu.memory_space<semaphore_mem>>
    tpu.wait_indirect_dma semaphore(%dma_wait3A_662 : memref<!tpu.dma_semaphore, #tpu.memory_space<semaphore_mem>>) src(%dma_wait3A_655 : memref<128x16xf32, #tpu.memory_space<vmem>>) dst(%dma_wait3A_660 : memref<10112x16xf32, #tpu.memory_space<vmem_shared>>)
    %dma_wait3A_663 = arith.constant 2 : i32
    %dma_wait3A_664 = arith.constant 2 : i32
    %dma_wait3A_665 = arith.constant 0 : i32
    %dma_wait3A_666 = arith.constant 0 : i32
    %dma_wait3A_667 = tpu.memref_slice %arg8[%dma_wait3A_663, %dma_wait3A_665, %dma_wait3A_666] : memref<4x1024x16xf32, #tpu.memory_space<vmem>> -> memref<1x1024x16xf32, #tpu.memory_space<vmem>>
    %dma_wait3A_668 = tpu.memref_squeeze %dma_wait3A_667 : memref<1x1024x16xf32, #tpu.memory_space<vmem>> -> memref<1024x16xf32, #tpu.memory_space<vmem>>
    %dma_wait3A_669 = arith.constant 0 : i32
    %dma_wait3A_670 = arith.constant 0 : i32
    %dma_wait3A_671 = tpu.memref_slice %dma_wait3A_668[%dma_wait3A_669, %dma_wait3A_670] : memref<1024x16xf32, #tpu.memory_space<vmem>> -> memref<128x16xf32, #tpu.memory_space<vmem>>
    %dma_wait3A_672 = arith.constant 0 : i32
    %dma_wait3A_673 = tpu.memref_slice %arg7[%dma_wait3A_672] : memref<10240xi32, #tpu.memory_space<vmem>> -> memref<128xi32, #tpu.memory_space<vmem>>
    %dma_wait3A_674 = arith.constant 0 : i32
    %dma_wait3A_675 = arith.constant 0 : i32
    %dma_wait3A_676 = tpu.memref_slice %arg5[%dma_wait3A_674, %dma_wait3A_675] : memref<10112x16xf32, #tpu.memory_space<vmem_shared>> -> memref<10112x16xf32, #tpu.memory_space<vmem_shared>>
    %dma_wait3A_677 = tpu.memref_slice %arg11[%dma_wait3A_664] : memref<4x!tpu.dma_semaphore, #tpu.memory_space<semaphore_mem>> -> memref<1x!tpu.dma_semaphore, #tpu.memory_space<semaphore_mem>>
    %dma_wait3A_678 = tpu.memref_squeeze %dma_wait3A_677 : memref<1x!tpu.dma_semaphore, #tpu.memory_space<semaphore_mem>> -> memref<!tpu.dma_semaphore, #tpu.memory_space<semaphore_mem>>
    tpu.wait_indirect_dma semaphore(%dma_wait3A_678 : memref<!tpu.dma_semaphore, #tpu.memory_space<semaphore_mem>>) src(%dma_wait3A_671 : memref<128x16xf32, #tpu.memory_space<vmem>>) dst(%dma_wait3A_676 : memref<10112x16xf32, #tpu.memory_space<vmem_shared>>)
    %dma_wait3A_679 = arith.constant 2 : i32
    %dma_wait3A_680 = arith.constant 2 : i32
    %dma_wait3A_681 = arith.constant 0 : i32
    %dma_wait3A_682 = arith.constant 0 : i32
    %dma_wait3A_683 = tpu.memref_slice %arg8[%dma_wait3A_679, %dma_wait3A_681, %dma_wait3A_682] : memref<4x1024x16xf32, #tpu.memory_space<vmem>> -> memref<1x1024x16xf32, #tpu.memory_space<vmem>>
    %dma_wait3A_684 = tpu.memref_squeeze %dma_wait3A_683 : memref<1x1024x16xf32, #tpu.memory_space<vmem>> -> memref<1024x16xf32, #tpu.memory_space<vmem>>
    %dma_wait3A_685 = arith.constant 0 : i32
    %dma_wait3A_686 = arith.constant 0 : i32
    %dma_wait3A_687 = tpu.memref_slice %dma_wait3A_684[%dma_wait3A_685, %dma_wait3A_686] : memref<1024x16xf32, #tpu.memory_space<vmem>> -> memref<128x16xf32, #tpu.memory_space<vmem>>
    %dma_wait3A_688 = arith.constant 0 : i32
    %dma_wait3A_689 = tpu.memref_slice %arg7[%dma_wait3A_688] : memref<10240xi32, #tpu.memory_space<vmem>> -> memref<128xi32, #tpu.memory_space<vmem>>
    %dma_wait3A_690 = arith.constant 0 : i32
    %dma_wait3A_691 = arith.constant 0 : i32
    %dma_wait3A_692 = tpu.memref_slice %arg5[%dma_wait3A_690, %dma_wait3A_691] : memref<10112x16xf32, #tpu.memory_space<vmem_shared>> -> memref<10112x16xf32, #tpu.memory_space<vmem_shared>>
    %dma_wait3A_693 = tpu.memref_slice %arg11[%dma_wait3A_680] : memref<4x!tpu.dma_semaphore, #tpu.memory_space<semaphore_mem>> -> memref<1x!tpu.dma_semaphore, #tpu.memory_space<semaphore_mem>>
    %dma_wait3A_694 = tpu.memref_squeeze %dma_wait3A_693 : memref<1x!tpu.dma_semaphore, #tpu.memory_space<semaphore_mem>> -> memref<!tpu.dma_semaphore, #tpu.memory_space<semaphore_mem>>
    tpu.wait_indirect_dma semaphore(%dma_wait3A_694 : memref<!tpu.dma_semaphore, #tpu.memory_space<semaphore_mem>>) src(%dma_wait3A_687 : memref<128x16xf32, #tpu.memory_space<vmem>>) dst(%dma_wait3A_692 : memref<10112x16xf32, #tpu.memory_space<vmem_shared>>)
    %barrier3A_695 = arith.constant 0 : index
    tpu.barrier barrier_id(%barrier3A_695)
    %mul3A_696 = arith.constant 632 : i32
    %mul3A_697 = arith.muli %arg1, %mul3A_696 : i32
    "tpu.region"() ({
      %run_scoped3A = tpu.sem_alloc : memref<!tpu.dma_semaphore, #tpu.memory_space<semaphore_mem>>
      %dma_start3A_700 = arith.constant 0 : i32
      %dma_start3A_701 = tpu.memref_slice %arg5[%mul3A_697, %dma_start3A_700] : memref<10112x16xf32, #tpu.memory_space<vmem_shared>> -> memref<632x16xf32, #tpu.memory_space<vmem_shared>>
      %dma_start3A_702 = arith.constant 0 : i32
      %dma_start3A_703 = tpu.memref_slice %arg5[%mul3A_697, %dma_start3A_702] : memref<10112x16xf32, #tpu.memory_space<vmem_shared>> -> memref<632x16xf32, #tpu.memory_space<vmem_shared>>
      tpu.enqueue_dma source(%dma_start3A_703 : memref<632x16xf32, #tpu.memory_space<vmem_shared>>) target(%arg9 : memref<632x16xf32, #tpu.memory_space<vmem>>) target_semaphore(%run_scoped3A : memref<!tpu.dma_semaphore, #tpu.memory_space<semaphore_mem>>)
      %dma_wait3A_704 = arith.constant 0 : i32
      %dma_wait3A_705 = tpu.memref_slice %arg5[%mul3A_697, %dma_wait3A_704] : memref<10112x16xf32, #tpu.memory_space<vmem_shared>> -> memref<632x16xf32, #tpu.memory_space<vmem_shared>>
      %dma_wait3A_706 = arith.constant 0 : i32
      %dma_wait3A_707 = tpu.memref_slice %arg5[%mul3A_697, %dma_wait3A_706] : memref<10112x16xf32, #tpu.memory_space<vmem_shared>> -> memref<632x16xf32, #tpu.memory_space<vmem_shared>>
      tpu.wait_dma2 semaphore(%run_scoped3A : memref<!tpu.dma_semaphore, #tpu.memory_space<semaphore_mem>>) src(%dma_wait3A_707 : memref<632x16xf32, #tpu.memory_space<vmem_shared>>) dst(%arg9 : memref<632x16xf32, #tpu.memory_space<vmem>>)
      tpu.yield
    }) : () -> ()
    %mul3A_698 = arith.constant 632 : i32
    %mul3A_699 = arith.muli %arg1, %mul3A_698 : i32
    "tpu.region"() ({
      %run_scoped3A = tpu.sem_alloc : memref<!tpu.dma_semaphore, #tpu.memory_space<semaphore_mem>>
      %dma_start3A_700 = arith.constant 0 : i32
      %dma_start3A_701 = arith.constant 0 : i32
      %dma_start3A_702 = tpu.memref_slice %arg4[%arg0, %dma_start3A_700, %dma_start3A_701] : memref<2x10112x16xf32, #tpu.memory_space<hbm>> -> memref<1x10112x16xf32, #tpu.memory_space<hbm>>
      %dma_start3A_703 = tpu.memref_squeeze %dma_start3A_702 : memref<1x10112x16xf32, #tpu.memory_space<hbm>> -> memref<10112x16xf32, #tpu.memory_space<hbm>>
      %dma_start3A_704 = arith.constant 0 : i32
      %dma_start3A_705 = tpu.memref_slice %dma_start3A_703[%mul3A_699, %dma_start3A_704] : memref<10112x16xf32, #tpu.memory_space<hbm>> -> memref<632x16xf32, #tpu.memory_space<hbm>>
      %dma_start3A_706 = arith.constant 0 : i32
      %dma_start3A_707 = arith.constant 0 : i32
      %dma_start3A_708 = tpu.memref_slice %arg4[%arg0, %dma_start3A_706, %dma_start3A_707] : memref<2x10112x16xf32, #tpu.memory_space<hbm>> -> memref<1x10112x16xf32, #tpu.memory_space<hbm>>
      %dma_start3A_709 = tpu.memref_squeeze %dma_start3A_708 : memref<1x10112x16xf32, #tpu.memory_space<hbm>> -> memref<10112x16xf32, #tpu.memory_space<hbm>>
      %dma_start3A_710 = arith.constant 0 : i32
      %dma_start3A_711 = tpu.memref_slice %dma_start3A_709[%mul3A_699, %dma_start3A_710] : memref<10112x16xf32, #tpu.memory_space<hbm>> -> memref<632x16xf32, #tpu.memory_space<hbm>>
      tpu.enqueue_dma source(%arg9 : memref<632x16xf32, #tpu.memory_space<vmem>>) target(%dma_start3A_711 : memref<632x16xf32, #tpu.memory_space<hbm>>) target_semaphore(%run_scoped3A : memref<!tpu.dma_semaphore, #tpu.memory_space<semaphore_mem>>)
      %dma_wait3A_712 = arith.constant 0 : i32
      %dma_wait3A_713 = arith.constant 0 : i32
      %dma_wait3A_714 = tpu.memref_slice %arg4[%arg0, %dma_wait3A_712, %dma_wait3A_713] : memref<2x10112x16xf32, #tpu.memory_space<hbm>> -> memref<1x10112x16xf32, #tpu.memory_space<hbm>>
      %dma_wait3A_715 = tpu.memref_squeeze %dma_wait3A_714 : memref<1x10112x16xf32, #tpu.memory_space<hbm>> -> memref<10112x16xf32, #tpu.memory_space<hbm>>
      %dma_wait3A_716 = arith.constant 0 : i32
      %dma_wait3A_717 = tpu.memref_slice %dma_wait3A_715[%mul3A_699, %dma_wait3A_716] : memref<10112x16xf32, #tpu.memory_space<hbm>> -> memref<632x16xf32, #tpu.memory_space<hbm>>
      %dma_wait3A_718 = arith.constant 0 : i32
      %dma_wait3A_719 = arith.constant 0 : i32
      %dma_wait3A_720 = tpu.memref_slice %arg4[%arg0, %dma_wait3A_718, %dma_wait3A_719] : memref<2x10112x16xf32, #tpu.memory_space<hbm>> -> memref<1x10112x16xf32, #tpu.memory_space<hbm>>
      %dma_wait3A_721 = tpu.memref_squeeze %dma_wait3A_720 : memref<1x10112x16xf32, #tpu.memory_space<hbm>> -> memref<10112x16xf32, #tpu.memory_space<hbm>>
      %dma_wait3A_722 = arith.constant 0 : i32
      %dma_wait3A_723 = tpu.memref_slice %dma_wait3A_721[%mul3A_699, %dma_wait3A_722] : memref<10112x16xf32, #tpu.memory_space<hbm>> -> memref<632x16xf32, #tpu.memory_space<hbm>>
      tpu.wait_dma2 semaphore(%run_scoped3A : memref<!tpu.dma_semaphore, #tpu.memory_space<semaphore_mem>>) src(%arg9 : memref<632x16xf32, #tpu.memory_space<vmem>>) dst(%dma_wait3A_723 : memref<632x16xf32, #tpu.memory_space<hbm>>)
      tpu.yield
    }) : () -> ()
    return
  }
}

#map = affine_map<(d0, d1) -> (0, 0)>
#map1 = affine_map<(d0, d1) -> (0)>
#map2 = affine_map<(d0, d1) -> (0, 0, 0)>
module attributes {stable_mosaic.version = 14 : i64} {
  func.func @_sc_segsum_body(%arg0: i32, %arg1: i32, %arg2: memref<10000x16xf32, #tpu.memory_space<hbm>>, %arg3: memref<640000xi32, #tpu.memory_space<hbm>>, %arg4: memref<2x10112x16xf32, #tpu.memory_space<hbm>>, %arg5: memref<2x10112x16xf32, #tpu.memory_space<hbm>>, %arg6: memref<10112x16xf32, #tpu.memory_space<vmem_shared>>, %arg7: memref<10112x16xf32, #tpu.memory_space<vmem_shared>>, %arg8: memref<10240xi32, #tpu.memory_space<vmem>>, %arg9: memref<10240xi32, #tpu.memory_space<vmem>>, %arg10: memref<4x1024x16xf32, #tpu.memory_space<vmem>>, %arg11: memref<128x16xf32, #tpu.memory_space<vmem>>, %arg12: memref<632x16xf32, #tpu.memory_space<vmem>>, %arg13: memref<4x!tpu.dma_semaphore, #tpu.memory_space<semaphore_mem>>, %arg14: memref<4x!tpu.dma_semaphore, #tpu.memory_space<semaphore_mem>>) attributes {dimension_semantics = [#tpu.dimension_semantics<core_parallel>, #tpu.dimension_semantics<subcore_parallel>], iteration_bounds = array<i64: 2, 16>, scalar_prefetch = 0 : i64, scratch_operands = 9 : i64, tpu.core_type = #tpu.core_type<sc_vector_subcore>, window_params = [{transform_indices = #map}, {transform_indices = #map1}, {transform_indices = #map2}, {transform_indices = #map2}]} {
    %mul3A = arith.constant 16 : i32
    %mul3A_0 = arith.muli %arg0, %mul3A : i32
    %add3A = arith.addi %mul3A_0, %arg1 : i32
    %broadcast_in_dim3A = arith.constant 0.000000e+00 : f32
    %broadcast_in_dim3A_1 = vector.broadcast %broadcast_in_dim3A : f32 to vector<16xf32>
    %scan3A = arith.constant 0 : i32
    %scan3A_2 = arith.constant 0 : i32
    %scan3A_3 = arith.constant 632 : i32
    %scan3A_4 = arith.addi %scan3A_2, %scan3A_3 : i32
    %scan3A_5 = arith.constant 1 : i32
    scf.for %scan3A_1226 = %scan3A_2 to %scan3A_4 step %scan3A_5  : i32 {
      %swap3A_1227 = arith.index_cast %scan3A_1226 : i32 to index
      %swap3A_1228 = arith.constant 0 : index
      %swap3A_1229 = tpu.vector_load %arg12[%swap3A_1227, %swap3A_1228] {strides = array<i32>} : memref<632x16xf32, #tpu.memory_space<vmem>>, vector<1x16xf32>,
      %swap3A_1230 = vector.shape_cast %swap3A_1229 : vector<1x16xf32> to vector<16xf32>
      %swap3A_1231 = vector.shape_cast %broadcast_in_dim3A_1 : vector<16xf32> to vector<1x16xf32>
      tpu.vector_store %arg12[%swap3A_1227, %swap3A_1228], %swap3A_1231 {strides = array<i32>} : memref<632x16xf32, #tpu.memory_space<vmem>>, vector<1x16xf32>,
    }
    %scan3A_6 = arith.constant 632 : i32
    %mul3A_7 = arith.constant 632 : i32
    %mul3A_8 = arith.muli %arg1, %mul3A_7 : i32
    "tpu.region"() ({
      %run_scoped3A = tpu.sem_alloc : memref<!tpu.dma_semaphore, #tpu.memory_space<semaphore_mem>>
      %dma_start3A_1226 = arith.constant 0 : i32
      %dma_start3A_1227 = tpu.memref_slice %arg6[%mul3A_8, %dma_start3A_1226] : memref<10112x16xf32, #tpu.memory_space<vmem_shared>> -> memref<632x16xf32, #tpu.memory_space<vmem_shared>>
      %dma_start3A_1228 = arith.constant 0 : i32
      %dma_start3A_1229 = tpu.memref_slice %arg6[%mul3A_8, %dma_start3A_1228] : memref<10112x16xf32, #tpu.memory_space<vmem_shared>> -> memref<632x16xf32, #tpu.memory_space<vmem_shared>>
      tpu.enqueue_dma source(%arg12 : memref<632x16xf32, #tpu.memory_space<vmem>>) target(%dma_start3A_1229 : memref<632x16xf32, #tpu.memory_space<vmem_shared>>) target_semaphore(%run_scoped3A : memref<!tpu.dma_semaphore, #tpu.memory_space<semaphore_mem>>)
      %dma_wait3A_1230 = arith.constant 0 : i32
      %dma_wait3A_1231 = tpu.memref_slice %arg6[%mul3A_8, %dma_wait3A_1230] : memref<10112x16xf32, #tpu.memory_space<vmem_shared>> -> memref<632x16xf32, #tpu.memory_space<vmem_shared>>
      %dma_wait3A_1232 = arith.constant 0 : i32
      %dma_wait3A_1233 = tpu.memref_slice %arg6[%mul3A_8, %dma_wait3A_1232] : memref<10112x16xf32, #tpu.memory_space<vmem_shared>> -> memref<632x16xf32, #tpu.memory_space<vmem_shared>>
      tpu.wait_dma2 semaphore(%run_scoped3A : memref<!tpu.dma_semaphore, #tpu.memory_space<semaphore_mem>>) src(%arg12 : memref<632x16xf32, #tpu.memory_space<vmem>>) dst(%dma_wait3A_1233 : memref<632x16xf32, #tpu.memory_space<vmem_shared>>)
      tpu.yield
    }) : () -> ()
    %mul3A_9 = arith.constant 632 : i32
    %mul3A_10 = arith.muli %arg1, %mul3A_9 : i32
    "tpu.region"() ({
      %run_scoped3A = tpu.sem_alloc : memref<!tpu.dma_semaphore, #tpu.memory_space<semaphore_mem>>
      %dma_start3A_1226 = arith.constant 0 : i32
      %dma_start3A_1227 = tpu.memref_slice %arg7[%mul3A_10, %dma_start3A_1226] : memref<10112x16xf32, #tpu.memory_space<vmem_shared>> -> memref<632x16xf32, #tpu.memory_space<vmem_shared>>
      %dma_start3A_1228 = arith.constant 0 : i32
      %dma_start3A_1229 = tpu.memref_slice %arg7[%mul3A_10, %dma_start3A_1228] : memref<10112x16xf32, #tpu.memory_space<vmem_shared>> -> memref<632x16xf32, #tpu.memory_space<vmem_shared>>
      tpu.enqueue_dma source(%arg12 : memref<632x16xf32, #tpu.memory_space<vmem>>) target(%dma_start3A_1229 : memref<632x16xf32, #tpu.memory_space<vmem_shared>>) target_semaphore(%run_scoped3A : memref<!tpu.dma_semaphore, #tpu.memory_space<semaphore_mem>>)
      %dma_wait3A_1230 = arith.constant 0 : i32
      %dma_wait3A_1231 = tpu.memref_slice %arg7[%mul3A_10, %dma_wait3A_1230] : memref<10112x16xf32, #tpu.memory_space<vmem_shared>> -> memref<632x16xf32, #tpu.memory_space<vmem_shared>>
      %dma_wait3A_1232 = arith.constant 0 : i32
      %dma_wait3A_1233 = tpu.memref_slice %arg7[%mul3A_10, %dma_wait3A_1232] : memref<10112x16xf32, #tpu.memory_space<vmem_shared>> -> memref<632x16xf32, #tpu.memory_space<vmem_shared>>
      tpu.wait_dma2 semaphore(%run_scoped3A : memref<!tpu.dma_semaphore, #tpu.memory_space<semaphore_mem>>) src(%arg12 : memref<632x16xf32, #tpu.memory_space<vmem>>) dst(%dma_wait3A_1233 : memref<632x16xf32, #tpu.memory_space<vmem_shared>>)
      tpu.yield
    }) : () -> ()
    %broadcast_in_dim3A_11 = arith.constant 1.000000e+00 : f32
    %broadcast_in_dim3A_12 = vector.broadcast %broadcast_in_dim3A_11 : f32 to vector<16xf32>
    %scan3A_13 = arith.constant 0 : i32
    %scan3A_14 = arith.constant 0 : i32
    %scan3A_15 = arith.constant 128 : i32
    %scan3A_16 = arith.addi %scan3A_14, %scan3A_15 : i32
    %scan3A_17 = arith.constant 1 : i32
    scf.for %scan3A_1226 = %scan3A_14 to %scan3A_16 step %scan3A_17  : i32 {
      %swap3A_1227 = arith.index_cast %scan3A_1226 : i32 to index
      %swap3A_1228 = arith.constant 0 : index
      %swap3A_1229 = tpu.vector_load %arg11[%swap3A_1227, %swap3A_1228] {strides = array<i32>} : memref<128x16xf32, #tpu.memory_space<vmem>>, vector<1x16xf32>,
      %swap3A_1230 = vector.shape_cast %swap3A_1229 : vector<1x16xf32> to vector<16xf32>
      %swap3A_1231 = vector.shape_cast %broadcast_in_dim3A_12 : vector<16xf32> to vector<1x16xf32>
      tpu.vector_store %arg11[%swap3A_1227, %swap3A_1228], %swap3A_1231 {strides = array<i32>} : memref<128x16xf32, #tpu.memory_space<vmem>>, vector<1x16xf32>,
    }
    %scan3A_18 = arith.constant 128 : i32
    %mul3A_19 = arith.constant 10000 : i32
    %mul3A_20 = arith.muli %add3A, %mul3A_19 : i32
    "tpu.region"() ({
      %run_scoped3A = tpu.sem_alloc : memref<!tpu.dma_semaphore, #tpu.memory_space<semaphore_mem>>
      %dma_start3A_1226 = arith.constant 0 : i32
      %dma_start3A_1227 = tpu.memref_slice %arg8[%dma_start3A_1226] : memref<10240xi32, #tpu.memory_space<vmem>> -> memref<10000xi32, #tpu.memory_space<vmem>>
      %dma_start3A_1228 = tpu.memref_slice %arg3[%mul3A_20] : memref<640000xi32, #tpu.memory_space<hbm>> -> memref<10000xi32, #tpu.memory_space<hbm>>
      %dma_start3A_1229 = arith.constant 0 : i32
      %dma_start3A_1230 = tpu.memref_slice %arg8[%dma_start3A_1229] : memref<10240xi32, #tpu.memory_space<vmem>> -> memref<10000xi32, #tpu.memory_space<vmem>>
      %dma_start3A_1231 = tpu.memref_slice %arg3[%mul3A_20] : memref<640000xi32, #tpu.memory_space<hbm>> -> memref<10000xi32, #tpu.memory_space<hbm>>
      tpu.enqueue_dma source(%dma_start3A_1231 : memref<10000xi32, #tpu.memory_space<hbm>>) target(%dma_start3A_1230 : memref<10000xi32, #tpu.memory_space<vmem>>) target_semaphore(%run_scoped3A : memref<!tpu.dma_semaphore, #tpu.memory_space<semaphore_mem>>)
      %dma_wait3A_1232 = arith.constant 0 : i32
      %dma_wait3A_1233 = tpu.memref_slice %arg8[%dma_wait3A_1232] : memref<10240xi32, #tpu.memory_space<vmem>> -> memref<10000xi32, #tpu.memory_space<vmem>>
      %dma_wait3A_1234 = tpu.memref_slice %arg3[%mul3A_20] : memref<640000xi32, #tpu.memory_space<hbm>> -> memref<10000xi32, #tpu.memory_space<hbm>>
      %dma_wait3A_1235 = arith.constant 0 : i32
      %dma_wait3A_1236 = tpu.memref_slice %arg8[%dma_wait3A_1235] : memref<10240xi32, #tpu.memory_space<vmem>> -> memref<10000xi32, #tpu.memory_space<vmem>>
      %dma_wait3A_1237 = tpu.memref_slice %arg3[%mul3A_20] : memref<640000xi32, #tpu.memory_space<hbm>> -> memref<10000xi32, #tpu.memory_space<hbm>>
      tpu.wait_dma2 semaphore(%run_scoped3A : memref<!tpu.dma_semaphore, #tpu.memory_space<semaphore_mem>>) src(%dma_wait3A_1237 : memref<10000xi32, #tpu.memory_space<hbm>>) dst(%dma_wait3A_1236 : memref<10000xi32, #tpu.memory_space<vmem>>)
      tpu.yield
    }) : () -> ()
    %mul3A_21 = arith.constant 10000 : i32
    %mul3A_22 = arith.muli %add3A, %mul3A_21 : i32
    %add3A_23 = arith.constant 320000 : i32
    %add3A_24 = arith.addi %add3A_23, %mul3A_22 : i32
    "tpu.region"() ({
      %run_scoped3A = tpu.sem_alloc : memref<!tpu.dma_semaphore, #tpu.memory_space<semaphore_mem>>
      %dma_start3A_1226 = arith.constant 0 : i32
      %dma_start3A_1227 = tpu.memref_slice %arg9[%dma_start3A_1226] : memref<10240xi32, #tpu.memory_space<vmem>> -> memref<10000xi32, #tpu.memory_space<vmem>>
      %dma_start3A_1228 = tpu.memref_slice %arg3[%add3A_24] : memref<640000xi32, #tpu.memory_space<hbm>> -> memref<10000xi32, #tpu.memory_space<hbm>>
      %dma_start3A_1229 = arith.constant 0 : i32
      %dma_start3A_1230 = tpu.memref_slice %arg9[%dma_start3A_1229] : memref<10240xi32, #tpu.memory_space<vmem>> -> memref<10000xi32, #tpu.memory_space<vmem>>
      %dma_start3A_1231 = tpu.memref_slice %arg3[%add3A_24] : memref<640000xi32, #tpu.memory_space<hbm>> -> memref<10000xi32, #tpu.memory_space<hbm>>
      tpu.enqueue_dma source(%dma_start3A_1231 : memref<10000xi32, #tpu.memory_space<hbm>>) target(%dma_start3A_1230 : memref<10000xi32, #tpu.memory_space<vmem>>) target_semaphore(%run_scoped3A : memref<!tpu.dma_semaphore, #tpu.memory_space<semaphore_mem>>)
      %dma_wait3A_1232 = arith.constant 0 : i32
      %dma_wait3A_1233 = tpu.memref_slice %arg9[%dma_wait3A_1232] : memref<10240xi32, #tpu.memory_space<vmem>> -> memref<10000xi32, #tpu.memory_space<vmem>>
      %dma_wait3A_1234 = tpu.memref_slice %arg3[%add3A_24] : memref<640000xi32, #tpu.memory_space<hbm>> -> memref<10000xi32, #tpu.memory_space<hbm>>
      %dma_wait3A_1235 = arith.constant 0 : i32
      %dma_wait3A_1236 = tpu.memref_slice %arg9[%dma_wait3A_1235] : memref<10240xi32, #tpu.memory_space<vmem>> -> memref<10000xi32, #tpu.memory_space<vmem>>
      %dma_wait3A_1237 = tpu.memref_slice %arg3[%add3A_24] : memref<640000xi32, #tpu.memory_space<hbm>> -> memref<10000xi32, #tpu.memory_space<hbm>>
      tpu.wait_dma2 semaphore(%run_scoped3A : memref<!tpu.dma_semaphore, #tpu.memory_space<semaphore_mem>>) src(%dma_wait3A_1237 : memref<10000xi32, #tpu.memory_space<hbm>>) dst(%dma_wait3A_1236 : memref<10000xi32, #tpu.memory_space<vmem>>)
      tpu.yield
    }) : () -> ()
    %broadcast_in_dim3A_25 = arith.constant 10000 : i32
    %broadcast_in_dim3A_26 = vector.broadcast %broadcast_in_dim3A_25 : i32 to vector<16xi32>
    %add3A_27 = vector.broadcast %arg1 : i32 to vector<16xi32>
    %add3A_28 = arith.addi %broadcast_in_dim3A_26, %add3A_27 : vector<16xi32>
    %broadcast_in_dim3A_29 = arith.constant 0 : i32
    %broadcast_in_dim3A_30 = vector.broadcast %broadcast_in_dim3A_29 : i32 to vector<16xi32>
    %swap3A = arith.constant 10000 : index
    %swap3A_31 = tpu.vector_load %arg8[%swap3A] {strides = array<i32>} : memref<10240xi32, #tpu.memory_space<vmem>>, vector<16xi32>,
    %swap3A_32 = vector.shape_cast %swap3A_31 : vector<16xi32> to vector<16xi32>
    %swap3A_33 = vector.shape_cast %broadcast_in_dim3A_30 : vector<16xi32> to vector<16xi32>
    tpu.vector_store %arg8[%swap3A], %swap3A_33 {strides = array<i32>} : memref<10240xi32, #tpu.memory_space<vmem>>, vector<16xi32>,
    %swap3A_34 = arith.constant 10000 : index
    %swap3A_35 = tpu.vector_load %arg9[%swap3A_34] {strides = array<i32>} : memref<10240xi32, #tpu.memory_space<vmem>>, vector<16xi32>,
    %swap3A_36 = vector.shape_cast %swap3A_35 : vector<16xi32> to vector<16xi32>
    %swap3A_37 = vector.shape_cast %add3A_28 : vector<16xi32> to vector<16xi32>
    tpu.vector_store %arg9[%swap3A_34], %swap3A_37 {strides = array<i32>} : memref<10240xi32, #tpu.memory_space<vmem>>, vector<16xi32>,
    %swap3A_38 = arith.constant 10016 : index
    %swap3A_39 = tpu.vector_load %arg8[%swap3A_38] {strides = array<i32>} : memref<10240xi32, #tpu.memory_space<vmem>>, vector<16xi32>,
    %swap3A_40 = vector.shape_cast %swap3A_39 : vector<16xi32> to vector<16xi32>
    %swap3A_41 = vector.shape_cast %broadcast_in_dim3A_30 : vector<16xi32> to vector<16xi32>
    tpu.vector_store %arg8[%swap3A_38], %swap3A_41 {strides = array<i32>} : memref<10240xi32, #tpu.memory_space<vmem>>, vector<16xi32>,
    %swap3A_42 = arith.constant 10016 : index
    %swap3A_43 = tpu.vector_load %arg9[%swap3A_42] {strides = array<i32>} : memref<10240xi32, #tpu.memory_space<vmem>>, vector<16xi32>,
    %swap3A_44 = vector.shape_cast %swap3A_43 : vector<16xi32> to vector<16xi32>
    %swap3A_45 = vector.shape_cast %add3A_28 : vector<16xi32> to vector<16xi32>
    tpu.vector_store %arg9[%swap3A_42], %swap3A_45 {strides = array<i32>} : memref<10240xi32, #tpu.memory_space<vmem>>, vector<16xi32>,
    %swap3A_46 = arith.constant 10032 : index
    %swap3A_47 = tpu.vector_load %arg8[%swap3A_46] {strides = array<i32>} : memref<10240xi32, #tpu.memory_space<vmem>>, vector<16xi32>,
    %swap3A_48 = vector.shape_cast %swap3A_47 : vector<16xi32> to vector<16xi32>
    %swap3A_49 = vector.shape_cast %broadcast_in_dim3A_30 : vector<16xi32> to vector<16xi32>
    tpu.vector_store %arg8[%swap3A_46], %swap3A_49 {strides = array<i32>} : memref<10240xi32, #tpu.memory_space<vmem>>, vector<16xi32>,
    %swap3A_50 = arith.constant 10032 : index
    %swap3A_51 = tpu.vector_load %arg9[%swap3A_50] {strides = array<i32>} : memref<10240xi32, #tpu.memory_space<vmem>>, vector<16xi32>,
    %swap3A_52 = vector.shape_cast %swap3A_51 : vector<16xi32> to vector<16xi32>
    %swap3A_53 = vector.shape_cast %add3A_28 : vector<16xi32> to vector<16xi32>
    tpu.vector_store %arg9[%swap3A_50], %swap3A_53 {strides = array<i32>} : memref<10240xi32, #tpu.memory_space<vmem>>, vector<16xi32>,
    %swap3A_54 = arith.constant 10048 : index
    %swap3A_55 = tpu.vector_load %arg8[%swap3A_54] {strides = array<i32>} : memref<10240xi32, #tpu.memory_space<vmem>>, vector<16xi32>,
    %swap3A_56 = vector.shape_cast %swap3A_55 : vector<16xi32> to vector<16xi32>
    %swap3A_57 = vector.shape_cast %broadcast_in_dim3A_30 : vector<16xi32> to vector<16xi32>
    tpu.vector_store %arg8[%swap3A_54], %swap3A_57 {strides = array<i32>} : memref<10240xi32, #tpu.memory_space<vmem>>, vector<16xi32>,
    %swap3A_58 = arith.constant 10048 : index
    %swap3A_59 = tpu.vector_load %arg9[%swap3A_58] {strides = array<i32>} : memref<10240xi32, #tpu.memory_space<vmem>>, vector<16xi32>,
    %swap3A_60 = vector.shape_cast %swap3A_59 : vector<16xi32> to vector<16xi32>
    %swap3A_61 = vector.shape_cast %add3A_28 : vector<16xi32> to vector<16xi32>
    tpu.vector_store %arg9[%swap3A_58], %swap3A_61 {strides = array<i32>} : memref<10240xi32, #tpu.memory_space<vmem>>, vector<16xi32>,
    %swap3A_62 = arith.constant 10064 : index
    %swap3A_63 = tpu.vector_load %arg8[%swap3A_62] {strides = array<i32>} : memref<10240xi32, #tpu.memory_space<vmem>>, vector<16xi32>,
    %swap3A_64 = vector.shape_cast %swap3A_63 : vector<16xi32> to vector<16xi32>
    %swap3A_65 = vector.shape_cast %broadcast_in_dim3A_30 : vector<16xi32> to vector<16xi32>
    tpu.vector_store %arg8[%swap3A_62], %swap3A_65 {strides = array<i32>} : memref<10240xi32, #tpu.memory_space<vmem>>, vector<16xi32>,
    %swap3A_66 = arith.constant 10064 : index
    %swap3A_67 = tpu.vector_load %arg9[%swap3A_66] {strides = array<i32>} : memref<10240xi32, #tpu.memory_space<vmem>>, vector<16xi32>,
    %swap3A_68 = vector.shape_cast %swap3A_67 : vector<16xi32> to vector<16xi32>
    %swap3A_69 = vector.shape_cast %add3A_28 : vector<16xi32> to vector<16xi32>
    tpu.vector_store %arg9[%swap3A_66], %swap3A_69 {strides = array<i32>} : memref<10240xi32, #tpu.memory_space<vmem>>, vector<16xi32>,
    %swap3A_70 = arith.constant 10080 : index
    %swap3A_71 = tpu.vector_load %arg8[%swap3A_70] {strides = array<i32>} : memref<10240xi32, #tpu.memory_space<vmem>>, vector<16xi32>,
    %swap3A_72 = vector.shape_cast %swap3A_71 : vector<16xi32> to vector<16xi32>
    %swap3A_73 = vector.shape_cast %broadcast_in_dim3A_30 : vector<16xi32> to vector<16xi32>
    tpu.vector_store %arg8[%swap3A_70], %swap3A_73 {strides = array<i32>} : memref<10240xi32, #tpu.memory_space<vmem>>, vector<16xi32>,
    %swap3A_74 = arith.constant 10080 : index
    %swap3A_75 = tpu.vector_load %arg9[%swap3A_74] {strides = array<i32>} : memref<10240xi32, #tpu.memory_space<vmem>>, vector<16xi32>,
    %swap3A_76 = vector.shape_cast %swap3A_75 : vector<16xi32> to vector<16xi32>
    %swap3A_77 = vector.shape_cast %add3A_28 : vector<16xi32> to vector<16xi32>
    tpu.vector_store %arg9[%swap3A_74], %swap3A_77 {strides = array<i32>} : memref<10240xi32, #tpu.memory_space<vmem>>, vector<16xi32>,
    %swap3A_78 = arith.constant 10096 : index
    %swap3A_79 = tpu.vector_load %arg8[%swap3A_78] {strides = array<i32>} : memref<10240xi32, #tpu.memory_space<vmem>>, vector<16xi32>,
    %swap3A_80 = vector.shape_cast %swap3A_79 : vector<16xi32> to vector<16xi32>
    %swap3A_81 = vector.shape_cast %broadcast_in_dim3A_30 : vector<16xi32> to vector<16xi32>
    tpu.vector_store %arg8[%swap3A_78], %swap3A_81 {strides = array<i32>} : memref<10240xi32, #tpu.memory_space<vmem>>, vector<16xi32>,
    %swap3A_82 = arith.constant 10096 : index
    %swap3A_83 = tpu.vector_load %arg9[%swap3A_82] {strides = array<i32>} : memref<10240xi32, #tpu.memory_space<vmem>>, vector<16xi32>,
    %swap3A_84 = vector.shape_cast %swap3A_83 : vector<16xi32> to vector<16xi32>
    %swap3A_85 = vector.shape_cast %add3A_28 : vector<16xi32> to vector<16xi32>
    tpu.vector_store %arg9[%swap3A_82], %swap3A_85 {strides = array<i32>} : memref<10240xi32, #tpu.memory_space<vmem>>, vector<16xi32>,
    %swap3A_86 = arith.constant 10112 : index
    %swap3A_87 = tpu.vector_load %arg8[%swap3A_86] {strides = array<i32>} : memref<10240xi32, #tpu.memory_space<vmem>>, vector<16xi32>,
    %swap3A_88 = vector.shape_cast %swap3A_87 : vector<16xi32> to vector<16xi32>
    %swap3A_89 = vector.shape_cast %broadcast_in_dim3A_30 : vector<16xi32> to vector<16xi32>
    tpu.vector_store %arg8[%swap3A_86], %swap3A_89 {strides = array<i32>} : memref<10240xi32, #tpu.memory_space<vmem>>, vector<16xi32>,
    %swap3A_90 = arith.constant 10112 : index
    %swap3A_91 = tpu.vector_load %arg9[%swap3A_90] {strides = array<i32>} : memref<10240xi32, #tpu.memory_space<vmem>>, vector<16xi32>,
    %swap3A_92 = vector.shape_cast %swap3A_91 : vector<16xi32> to vector<16xi32>
    %swap3A_93 = vector.shape_cast %add3A_28 : vector<16xi32> to vector<16xi32>
    tpu.vector_store %arg9[%swap3A_90], %swap3A_93 {strides = array<i32>} : memref<10240xi32, #tpu.memory_space<vmem>>, vector<16xi32>,
    %swap3A_94 = arith.constant 10128 : index
    %swap3A_95 = tpu.vector_load %arg8[%swap3A_94] {strides = array<i32>} : memref<10240xi32, #tpu.memory_space<vmem>>, vector<16xi32>,
    %swap3A_96 = vector.shape_cast %swap3A_95 : vector<16xi32> to vector<16xi32>
    %swap3A_97 = vector.shape_cast %broadcast_in_dim3A_30 : vector<16xi32> to vector<16xi32>
    tpu.vector_store %arg8[%swap3A_94], %swap3A_97 {strides = array<i32>} : memref<10240xi32, #tpu.memory_space<vmem>>, vector<16xi32>,
    %swap3A_98 = arith.constant 10128 : index
    %swap3A_99 = tpu.vector_load %arg9[%swap3A_98] {strides = array<i32>} : memref<10240xi32, #tpu.memory_space<vmem>>, vector<16xi32>,
    %swap3A_100 = vector.shape_cast %swap3A_99 : vector<16xi32> to vector<16xi32>
    %swap3A_101 = vector.shape_cast %add3A_28 : vector<16xi32> to vector<16xi32>
    tpu.vector_store %arg9[%swap3A_98], %swap3A_101 {strides = array<i32>} : memref<10240xi32, #tpu.memory_space<vmem>>, vector<16xi32>,
    %swap3A_102 = arith.constant 10144 : index
    %swap3A_103 = tpu.vector_load %arg8[%swap3A_102] {strides = array<i32>} : memref<10240xi32, #tpu.memory_space<vmem>>, vector<16xi32>,
    %swap3A_104 = vector.shape_cast %swap3A_103 : vector<16xi32> to vector<16xi32>
    %swap3A_105 = vector.shape_cast %broadcast_in_dim3A_30 : vector<16xi32> to vector<16xi32>
    tpu.vector_store %arg8[%swap3A_102], %swap3A_105 {strides = array<i32>} : memref<10240xi32, #tpu.memory_space<vmem>>, vector<16xi32>,
    %swap3A_106 = arith.constant 10144 : index
    %swap3A_107 = tpu.vector_load %arg9[%swap3A_106] {strides = array<i32>} : memref<10240xi32, #tpu.memory_space<vmem>>, vector<16xi32>,
    %swap3A_108 = vector.shape_cast %swap3A_107 : vector<16xi32> to vector<16xi32>
    %swap3A_109 = vector.shape_cast %add3A_28 : vector<16xi32> to vector<16xi32>
    tpu.vector_store %arg9[%swap3A_106], %swap3A_109 {strides = array<i32>} : memref<10240xi32, #tpu.memory_space<vmem>>, vector<16xi32>,
    %swap3A_110 = arith.constant 10160 : index
    %swap3A_111 = tpu.vector_load %arg8[%swap3A_110] {strides = array<i32>} : memref<10240xi32, #tpu.memory_space<vmem>>, vector<16xi32>,
    %swap3A_112 = vector.shape_cast %swap3A_111 : vector<16xi32> to vector<16xi32>
    %swap3A_113 = vector.shape_cast %broadcast_in_dim3A_30 : vector<16xi32> to vector<16xi32>
    tpu.vector_store %arg8[%swap3A_110], %swap3A_113 {strides = array<i32>} : memref<10240xi32, #tpu.memory_space<vmem>>, vector<16xi32>,
    %swap3A_114 = arith.constant 10160 : index
    %swap3A_115 = tpu.vector_load %arg9[%swap3A_114] {strides = array<i32>} : memref<10240xi32, #tpu.memory_space<vmem>>, vector<16xi32>,
    %swap3A_116 = vector.shape_cast %swap3A_115 : vector<16xi32> to vector<16xi32>
    %swap3A_117 = vector.shape_cast %add3A_28 : vector<16xi32> to vector<16xi32>
    tpu.vector_store %arg9[%swap3A_114], %swap3A_117 {strides = array<i32>} : memref<10240xi32, #tpu.memory_space<vmem>>, vector<16xi32>,
    %swap3A_118 = arith.constant 10176 : index
    %swap3A_119 = tpu.vector_load %arg8[%swap3A_118] {strides = array<i32>} : memref<10240xi32, #tpu.memory_space<vmem>>, vector<16xi32>,
    %swap3A_120 = vector.shape_cast %swap3A_119 : vector<16xi32> to vector<16xi32>
    %swap3A_121 = vector.shape_cast %broadcast_in_dim3A_30 : vector<16xi32> to vector<16xi32>
    tpu.vector_store %arg8[%swap3A_118], %swap3A_121 {strides = array<i32>} : memref<10240xi32, #tpu.memory_space<vmem>>, vector<16xi32>,
    %swap3A_122 = arith.constant 10176 : index
    %swap3A_123 = tpu.vector_load %arg9[%swap3A_122] {strides = array<i32>} : memref<10240xi32, #tpu.memory_space<vmem>>, vector<16xi32>,
    %swap3A_124 = vector.shape_cast %swap3A_123 : vector<16xi32> to vector<16xi32>
    %swap3A_125 = vector.shape_cast %add3A_28 : vector<16xi32> to vector<16xi32>
    tpu.vector_store %arg9[%swap3A_122], %swap3A_125 {strides = array<i32>} : memref<10240xi32, #tpu.memory_space<vmem>>, vector<16xi32>,
    %swap3A_126 = arith.constant 10192 : index
    %swap3A_127 = tpu.vector_load %arg8[%swap3A_126] {strides = array<i32>} : memref<10240xi32, #tpu.memory_space<vmem>>, vector<16xi32>,
    %swap3A_128 = vector.shape_cast %swap3A_127 : vector<16xi32> to vector<16xi32>
    %swap3A_129 = vector.shape_cast %broadcast_in_dim3A_30 : vector<16xi32> to vector<16xi32>
    tpu.vector_store %arg8[%swap3A_126], %swap3A_129 {strides = array<i32>} : memref<10240xi32, #tpu.memory_space<vmem>>, vector<16xi32>,
    %swap3A_130 = arith.constant 10192 : index
    %swap3A_131 = tpu.vector_load %arg9[%swap3A_130] {strides = array<i32>} : memref<10240xi32, #tpu.memory_space<vmem>>, vector<16xi32>,
    %swap3A_132 = vector.shape_cast %swap3A_131 : vector<16xi32> to vector<16xi32>
    %swap3A_133 = vector.shape_cast %add3A_28 : vector<16xi32> to vector<16xi32>
    tpu.vector_store %arg9[%swap3A_130], %swap3A_133 {strides = array<i32>} : memref<10240xi32, #tpu.memory_space<vmem>>, vector<16xi32>,
    %swap3A_134 = arith.constant 10208 : index
    %swap3A_135 = tpu.vector_load %arg8[%swap3A_134] {strides = array<i32>} : memref<10240xi32, #tpu.memory_space<vmem>>, vector<16xi32>,
    %swap3A_136 = vector.shape_cast %swap3A_135 : vector<16xi32> to vector<16xi32>
    %swap3A_137 = vector.shape_cast %broadcast_in_dim3A_30 : vector<16xi32> to vector<16xi32>
    tpu.vector_store %arg8[%swap3A_134], %swap3A_137 {strides = array<i32>} : memref<10240xi32, #tpu.memory_space<vmem>>, vector<16xi32>,
    %swap3A_138 = arith.constant 10208 : index
    %swap3A_139 = tpu.vector_load %arg9[%swap3A_138] {strides = array<i32>} : memref<10240xi32, #tpu.memory_space<vmem>>, vector<16xi32>,
    %swap3A_140 = vector.shape_cast %swap3A_139 : vector<16xi32> to vector<16xi32>
    %swap3A_141 = vector.shape_cast %add3A_28 : vector<16xi32> to vector<16xi32>
    tpu.vector_store %arg9[%swap3A_138], %swap3A_141 {strides = array<i32>} : memref<10240xi32, #tpu.memory_space<vmem>>, vector<16xi32>,
    %swap3A_142 = arith.constant 10224 : index
    %swap3A_143 = tpu.vector_load %arg8[%swap3A_142] {strides = array<i32>} : memref<10240xi32, #tpu.memory_space<vmem>>, vector<16xi32>,
    %swap3A_144 = vector.shape_cast %swap3A_143 : vector<16xi32> to vector<16xi32>
    %swap3A_145 = vector.shape_cast %broadcast_in_dim3A_30 : vector<16xi32> to vector<16xi32>
    tpu.vector_store %arg8[%swap3A_142], %swap3A_145 {strides = array<i32>} : memref<10240xi32, #tpu.memory_space<vmem>>, vector<16xi32>,
    %swap3A_146 = arith.constant 10224 : index
    %swap3A_147 = tpu.vector_load %arg9[%swap3A_146] {strides = array<i32>} : memref<10240xi32, #tpu.memory_space<vmem>>, vector<16xi32>,
    %swap3A_148 = vector.shape_cast %swap3A_147 : vector<16xi32> to vector<16xi32>
    %swap3A_149 = vector.shape_cast %add3A_28 : vector<16xi32> to vector<16xi32>
    tpu.vector_store %arg9[%swap3A_146], %swap3A_149 {strides = array<i32>} : memref<10240xi32, #tpu.memory_space<vmem>>, vector<16xi32>,
    %barrier3A = arith.constant 0 : index
    tpu.barrier barrier_id(%barrier3A)
    %dma_start3A = arith.constant 0 : i32
    %dma_start3A_150 = arith.constant 0 : i32
    %dma_start3A_151 = arith.constant 0 : i32
    %dma_start3A_152 = arith.constant 0 : i32
    %dma_start3A_153 = tpu.memref_slice %arg10[%dma_start3A, %dma_start3A_151, %dma_start3A_152] : memref<4x1024x16xf32, #tpu.memory_space<vmem>> -> memref<1x1024x16xf32, #tpu.memory_space<vmem>>
    %dma_start3A_154 = tpu.memref_squeeze %dma_start3A_153 : memref<1x1024x16xf32, #tpu.memory_space<vmem>> -> memref<1024x16xf32, #tpu.memory_space<vmem>>
    %dma_start3A_155 = arith.constant 0 : i32
    %dma_start3A_156 = tpu.memref_slice %arg8[%dma_start3A_155] : memref<10240xi32, #tpu.memory_space<vmem>> -> memref<1024xi32, #tpu.memory_space<vmem>>
    %dma_start3A_157 = arith.constant 0 : i32
    %dma_start3A_158 = arith.constant 0 : i32
    %dma_start3A_159 = tpu.memref_slice %arg2[%dma_start3A_157, %dma_start3A_158] : memref<10000x16xf32, #tpu.memory_space<hbm>> -> memref<10000x16xf32, #tpu.memory_space<hbm>>
    %dma_start3A_160 = tpu.memref_slice %arg13[%dma_start3A_150] : memref<4x!tpu.dma_semaphore, #tpu.memory_space<semaphore_mem>> -> memref<1x!tpu.dma_semaphore, #tpu.memory_space<semaphore_mem>>
    %dma_start3A_161 = tpu.memref_squeeze %dma_start3A_160 : memref<1x!tpu.dma_semaphore, #tpu.memory_space<semaphore_mem>> -> memref<!tpu.dma_semaphore, #tpu.memory_space<semaphore_mem>>
    tpu.enqueue_indirect_dma source(%dma_start3A_159 : memref<10000x16xf32, #tpu.memory_space<hbm>>) target(%dma_start3A_154 : memref<1024x16xf32, #tpu.memory_space<vmem>>) offsets(%dma_start3A_156 : memref<1024xi32, #tpu.memory_space<vmem>>) semaphore(%dma_start3A_161 : memref<!tpu.dma_semaphore, #tpu.memory_space<semaphore_mem>>)
    %dma_start3A_162 = arith.constant 1 : i32
    %dma_start3A_163 = arith.constant 1 : i32
    %dma_start3A_164 = arith.constant 0 : i32
    %dma_start3A_165 = arith.constant 0 : i32
    %dma_start3A_166 = tpu.memref_slice %arg10[%dma_start3A_162, %dma_start3A_164, %dma_start3A_165] : memref<4x1024x16xf32, #tpu.memory_space<vmem>> -> memref<1x1024x16xf32, #tpu.memory_space<vmem>>
    %dma_start3A_167 = tpu.memref_squeeze %dma_start3A_166 : memref<1x1024x16xf32, #tpu.memory_space<vmem>> -> memref<1024x16xf32, #tpu.memory_space<vmem>>
    %dma_start3A_168 = arith.constant 1024 : i32
    %dma_start3A_169 = tpu.memref_slice %arg8[%dma_start3A_168] : memref<10240xi32, #tpu.memory_space<vmem>> -> memref<1024xi32, #tpu.memory_space<vmem>>
    %dma_start3A_170 = arith.constant 0 : i32
    %dma_start3A_171 = arith.constant 0 : i32
    %dma_start3A_172 = tpu.memref_slice %arg2[%dma_start3A_170, %dma_start3A_171] : memref<10000x16xf32, #tpu.memory_space<hbm>> -> memref<10000x16xf32, #tpu.memory_space<hbm>>
    %dma_start3A_173 = tpu.memref_slice %arg13[%dma_start3A_163] : memref<4x!tpu.dma_semaphore, #tpu.memory_space<semaphore_mem>> -> memref<1x!tpu.dma_semaphore, #tpu.memory_space<semaphore_mem>>
    %dma_start3A_174 = tpu.memref_squeeze %dma_start3A_173 : memref<1x!tpu.dma_semaphore, #tpu.memory_space<semaphore_mem>> -> memref<!tpu.dma_semaphore, #tpu.memory_space<semaphore_mem>>
    tpu.enqueue_indirect_dma source(%dma_start3A_172 : memref<10000x16xf32, #tpu.memory_space<hbm>>) target(%dma_start3A_167 : memref<1024x16xf32, #tpu.memory_space<vmem>>) offsets(%dma_start3A_169 : memref<1024xi32, #tpu.memory_space<vmem>>) semaphore(%dma_start3A_174 : memref<!tpu.dma_semaphore, #tpu.memory_space<semaphore_mem>>)
    %dma_start3A_175 = arith.constant 2 : i32
    %dma_start3A_176 = arith.constant 2 : i32
    %dma_start3A_177 = arith.constant 0 : i32
    %dma_start3A_178 = arith.constant 0 : i32
    %dma_start3A_179 = tpu.memref_slice %arg10[%dma_start3A_175, %dma_start3A_177, %dma_start3A_178] : memref<4x1024x16xf32, #tpu.memory_space<vmem>> -> memref<1x1024x16xf32, #tpu.memory_space<vmem>>
    %dma_start3A_180 = tpu.memref_squeeze %dma_start3A_179 : memref<1x1024x16xf32, #tpu.memory_space<vmem>> -> memref<1024x16xf32, #tpu.memory_space<vmem>>
    %dma_start3A_181 = arith.constant 2048 : i32
    %dma_start3A_182 = tpu.memref_slice %arg8[%dma_start3A_181] : memref<10240xi32, #tpu.memory_space<vmem>> -> memref<1024xi32, #tpu.memory_space<vmem>>
    %dma_start3A_183 = arith.constant 0 : i32
    %dma_start3A_184 = arith.constant 0 : i32
    %dma_start3A_185 = tpu.memref_slice %arg2[%dma_start3A_183, %dma_start3A_184] : memref<10000x16xf32, #tpu.memory_space<hbm>> -> memref<10000x16xf32, #tpu.memory_space<hbm>>
    %dma_start3A_186 = tpu.memref_slice %arg13[%dma_start3A_176] : memref<4x!tpu.dma_semaphore, #tpu.memory_space<semaphore_mem>> -> memref<1x!tpu.dma_semaphore, #tpu.memory_space<semaphore_mem>>
    %dma_start3A_187 = tpu.memref_squeeze %dma_start3A_186 : memref<1x!tpu.dma_semaphore, #tpu.memory_space<semaphore_mem>> -> memref<!tpu.dma_semaphore, #tpu.memory_space<semaphore_mem>>
    tpu.enqueue_indirect_dma source(%dma_start3A_185 : memref<10000x16xf32, #tpu.memory_space<hbm>>) target(%dma_start3A_180 : memref<1024x16xf32, #tpu.memory_space<vmem>>) offsets(%dma_start3A_182 : memref<1024xi32, #tpu.memory_space<vmem>>) semaphore(%dma_start3A_187 : memref<!tpu.dma_semaphore, #tpu.memory_space<semaphore_mem>>)
    %scan3A_188 = arith.constant 0 : i32
    %scan3A_189 = arith.constant 0 : i32
    %scan3A_190 = arith.constant 10 : i32
    %scan3A_191 = arith.addi %scan3A_189, %scan3A_190 : i32
    %scan3A_192 = arith.constant 1 : i32
    scf.for %scan3A_1226 = %scan3A_189 to %scan3A_191 step %scan3A_192  : i32 {
      %jit3A = arith.constant 4 : i32
      %eq3A = arith.constant 0 : i32
      %eq3A_1227 = arith.cmpi eq, %jit3A, %eq3A : i32
      %jit3A_1228 = arith.constant 1 : i32
      %select_n3A = arith.select %eq3A_1227, %jit3A_1228, %jit3A : i32
      %rem3A = arith.remsi %scan3A_1226, %select_n3A : i32
      %ne3A = arith.constant 0 : i32
      %ne3A_1229 = arith.cmpi ne, %rem3A, %ne3A : i32
      %lt3A = arith.constant 0 : i32
      %lt3A_1230 = arith.cmpi slt, %rem3A, %lt3A : i32
      %lt3A_1231 = arith.constant 0 : i32
      %lt3A_1232 = arith.cmpi slt, %select_n3A, %lt3A_1231 : i32
      %ne3A_1233 = arith.xori %lt3A_1230, %lt3A_1232 : i1
      %and3A = arith.andi %ne3A_1233, %ne3A_1229 : i1
      %add3A_1234 = arith.addi %rem3A, %select_n3A : i32
      %select_n3A_1235 = arith.select %and3A, %add3A_1234, %rem3A : i32
      %dma_wait3A_1236 = arith.constant 0 : i32
      %dma_wait3A_1237 = arith.constant 0 : i32
      %dma_wait3A_1238 = tpu.memref_slice %arg10[%select_n3A_1235, %dma_wait3A_1236, %dma_wait3A_1237] : memref<4x1024x16xf32, #tpu.memory_space<vmem>> -> memref<1x1024x16xf32, #tpu.memory_space<vmem>>
      %dma_wait3A_1239 = tpu.memref_squeeze %dma_wait3A_1238 : memref<1x1024x16xf32, #tpu.memory_space<vmem>> -> memref<1024x16xf32, #tpu.memory_space<vmem>>
      %dma_wait3A_1240 = arith.constant 0 : i32
      %dma_wait3A_1241 = tpu.memref_slice %arg8[%dma_wait3A_1240] : memref<10240xi32, #tpu.memory_space<vmem>> -> memref<1024xi32, #tpu.memory_space<vmem>>
      %dma_wait3A_1242 = arith.constant 0 : i32
      %dma_wait3A_1243 = arith.constant 0 : i32
      %dma_wait3A_1244 = tpu.memref_slice %arg2[%dma_wait3A_1242, %dma_wait3A_1243] : memref<10000x16xf32, #tpu.memory_space<hbm>> -> memref<10000x16xf32, #tpu.memory_space<hbm>>
      %dma_wait3A_1245 = tpu.memref_slice %arg13[%select_n3A_1235] : memref<4x!tpu.dma_semaphore, #tpu.memory_space<semaphore_mem>> -> memref<1x!tpu.dma_semaphore, #tpu.memory_space<semaphore_mem>>
      %dma_wait3A_1246 = tpu.memref_squeeze %dma_wait3A_1245 : memref<1x!tpu.dma_semaphore, #tpu.memory_space<semaphore_mem>> -> memref<!tpu.dma_semaphore, #tpu.memory_space<semaphore_mem>>
      tpu.wait_indirect_dma semaphore(%dma_wait3A_1246 : memref<!tpu.dma_semaphore, #tpu.memory_space<semaphore_mem>>) src(%dma_wait3A_1244 : memref<10000x16xf32, #tpu.memory_space<hbm>>) dst(%dma_wait3A_1239 : memref<1024x16xf32, #tpu.memory_space<vmem>>)
      %mul3A_1247 = arith.constant 8 : i32
      %mul3A_1248 = arith.muli %scan3A_1226, %mul3A_1247 : i32
      %add3A_1249 = arith.constant 0 : i32
      %add3A_1250 = arith.addi %mul3A_1248, %add3A_1249 : i32
      %mul3A_1251 = arith.constant 128 : i32
      %mul3A_1252 = arith.muli %add3A_1250, %mul3A_1251 : i32
      %dma_start3A_1253 = arith.constant 0 : i32
      %dma_start3A_1254 = arith.constant 0 : i32
      %dma_start3A_1255 = tpu.memref_slice %arg10[%select_n3A_1235, %dma_start3A_1253, %dma_start3A_1254] : memref<4x1024x16xf32, #tpu.memory_space<vmem>> -> memref<1x1024x16xf32, #tpu.memory_space<vmem>>
      %dma_start3A_1256 = tpu.memref_squeeze %dma_start3A_1255 : memref<1x1024x16xf32, #tpu.memory_space<vmem>> -> memref<1024x16xf32, #tpu.memory_space<vmem>>
      %dma_start3A_1257 = arith.constant 0 : i32
      %dma_start3A_1258 = arith.constant 0 : i32
      %dma_start3A_1259 = tpu.memref_slice %dma_start3A_1256[%dma_start3A_1257, %dma_start3A_1258] : memref<1024x16xf32, #tpu.memory_space<vmem>> -> memref<128x16xf32, #tpu.memory_space<vmem>>
      %dma_start3A_1260 = tpu.memref_slice %arg9[%mul3A_1252] : memref<10240xi32, #tpu.memory_space<vmem>> -> memref<128xi32, #tpu.memory_space<vmem>>
      %dma_start3A_1261 = arith.constant 0 : i32
      %dma_start3A_1262 = arith.constant 0 : i32
      %dma_start3A_1263 = tpu.memref_slice %arg6[%dma_start3A_1261, %dma_start3A_1262] : memref<10112x16xf32, #tpu.memory_space<vmem_shared>> -> memref<10112x16xf32, #tpu.memory_space<vmem_shared>>
      %dma_start3A_1264 = tpu.memref_slice %arg14[%select_n3A_1235] : memref<4x!tpu.dma_semaphore, #tpu.memory_space<semaphore_mem>> -> memref<1x!tpu.dma_semaphore, #tpu.memory_space<semaphore_mem>>
      %dma_start3A_1265 = tpu.memref_squeeze %dma_start3A_1264 : memref<1x!tpu.dma_semaphore, #tpu.memory_space<semaphore_mem>> -> memref<!tpu.dma_semaphore, #tpu.memory_space<semaphore_mem>>
      tpu.enqueue_indirect_dma source(%dma_start3A_1259 : memref<128x16xf32, #tpu.memory_space<vmem>>) target(%dma_start3A_1263 : memref<10112x16xf32, #tpu.memory_space<vmem_shared>>) offsets(%dma_start3A_1260 : memref<128xi32, #tpu.memory_space<vmem>>) semaphore(%dma_start3A_1265 : memref<!tpu.dma_semaphore, #tpu.memory_space<semaphore_mem>>) {add = true}
      %dma_start3A_1266 = tpu.memref_slice %arg9[%mul3A_1252] : memref<10240xi32, #tpu.memory_space<vmem>> -> memref<128xi32, #tpu.memory_space<vmem>>
      %dma_start3A_1267 = arith.constant 0 : i32
      %dma_start3A_1268 = arith.constant 0 : i32
      %dma_start3A_1269 = tpu.memref_slice %arg7[%dma_start3A_1267, %dma_start3A_1268] : memref<10112x16xf32, #tpu.memory_space<vmem_shared>> -> memref<10112x16xf32, #tpu.memory_space<vmem_shared>>
      %dma_start3A_1270 = tpu.memref_slice %arg14[%select_n3A_1235] : memref<4x!tpu.dma_semaphore, #tpu.memory_space<semaphore_mem>> -> memref<1x!tpu.dma_semaphore, #tpu.memory_space<semaphore_mem>>
      %dma_start3A_1271 = tpu.memref_squeeze %dma_start3A_1270 : memref<1x!tpu.dma_semaphore, #tpu.memory_space<semaphore_mem>> -> memref<!tpu.dma_semaphore, #tpu.memory_space<semaphore_mem>>
      tpu.enqueue_indirect_dma source(%arg11 : memref<128x16xf32, #tpu.memory_space<vmem>>) target(%dma_start3A_1269 : memref<10112x16xf32, #tpu.memory_space<vmem_shared>>) offsets(%dma_start3A_1266 : memref<128xi32, #tpu.memory_space<vmem>>) semaphore(%dma_start3A_1271 : memref<!tpu.dma_semaphore, #tpu.memory_space<semaphore_mem>>) {add = true}
      %mul3A_1272 = arith.constant 8 : i32
      %mul3A_1273 = arith.muli %scan3A_1226, %mul3A_1272 : i32
      %add3A_1274 = arith.constant 1 : i32
      %add3A_1275 = arith.addi %mul3A_1273, %add3A_1274 : i32
      %mul3A_1276 = arith.constant 128 : i32
      %mul3A_1277 = arith.muli %add3A_1275, %mul3A_1276 : i32
      %dma_start3A_1278 = arith.constant 0 : i32
      %dma_start3A_1279 = arith.constant 0 : i32
      %dma_start3A_1280 = tpu.memref_slice %arg10[%select_n3A_1235, %dma_start3A_1278, %dma_start3A_1279] : memref<4x1024x16xf32, #tpu.memory_space<vmem>> -> memref<1x1024x16xf32, #tpu.memory_space<vmem>>
      %dma_start3A_1281 = tpu.memref_squeeze %dma_start3A_1280 : memref<1x1024x16xf32, #tpu.memory_space<vmem>> -> memref<1024x16xf32, #tpu.memory_space<vmem>>
      %dma_start3A_1282 = arith.constant 128 : i32
      %dma_start3A_1283 = arith.constant 0 : i32
      %dma_start3A_1284 = tpu.memref_slice %dma_start3A_1281[%dma_start3A_1282, %dma_start3A_1283] : memref<1024x16xf32, #tpu.memory_space<vmem>> -> memref<128x16xf32, #tpu.memory_space<vmem>>
      %dma_start3A_1285 = tpu.memref_slice %arg9[%mul3A_1277] : memref<10240xi32, #tpu.memory_space<vmem>> -> memref<128xi32, #tpu.memory_space<vmem>>
      %dma_start3A_1286 = arith.constant 0 : i32
      %dma_start3A_1287 = arith.constant 0 : i32
      %dma_start3A_1288 = tpu.memref_slice %arg6[%dma_start3A_1286, %dma_start3A_1287] : memref<10112x16xf32, #tpu.memory_space<vmem_shared>> -> memref<10112x16xf32, #tpu.memory_space<vmem_shared>>
      %dma_start3A_1289 = tpu.memref_slice %arg14[%select_n3A_1235] : memref<4x!tpu.dma_semaphore, #tpu.memory_space<semaphore_mem>> -> memref<1x!tpu.dma_semaphore, #tpu.memory_space<semaphore_mem>>
      %dma_start3A_1290 = tpu.memref_squeeze %dma_start3A_1289 : memref<1x!tpu.dma_semaphore, #tpu.memory_space<semaphore_mem>> -> memref<!tpu.dma_semaphore, #tpu.memory_space<semaphore_mem>>
      tpu.enqueue_indirect_dma source(%dma_start3A_1284 : memref<128x16xf32, #tpu.memory_space<vmem>>) target(%dma_start3A_1288 : memref<10112x16xf32, #tpu.memory_space<vmem_shared>>) offsets(%dma_start3A_1285 : memref<128xi32, #tpu.memory_space<vmem>>) semaphore(%dma_start3A_1290 : memref<!tpu.dma_semaphore, #tpu.memory_space<semaphore_mem>>) {add = true}
      %dma_start3A_1291 = tpu.memref_slice %arg9[%mul3A_1277] : memref<10240xi32, #tpu.memory_space<vmem>> -> memref<128xi32, #tpu.memory_space<vmem>>
      %dma_start3A_1292 = arith.constant 0 : i32
      %dma_start3A_1293 = arith.constant 0 : i32
      %dma_start3A_1294 = tpu.memref_slice %arg7[%dma_start3A_1292, %dma_start3A_1293] : memref<10112x16xf32, #tpu.memory_space<vmem_shared>> -> memref<10112x16xf32, #tpu.memory_space<vmem_shared>>
      %dma_start3A_1295 = tpu.memref_slice %arg14[%select_n3A_1235] : memref<4x!tpu.dma_semaphore, #tpu.memory_space<semaphore_mem>> -> memref<1x!tpu.dma_semaphore, #tpu.memory_space<semaphore_mem>>
      %dma_start3A_1296 = tpu.memref_squeeze %dma_start3A_1295 : memref<1x!tpu.dma_semaphore, #tpu.memory_space<semaphore_mem>> -> memref<!tpu.dma_semaphore, #tpu.memory_space<semaphore_mem>>
      tpu.enqueue_indirect_dma source(%arg11 : memref<128x16xf32, #tpu.memory_space<vmem>>) target(%dma_start3A_1294 : memref<10112x16xf32, #tpu.memory_space<vmem_shared>>) offsets(%dma_start3A_1291 : memref<128xi32, #tpu.memory_space<vmem>>) semaphore(%dma_start3A_1296 : memref<!tpu.dma_semaphore, #tpu.memory_space<semaphore_mem>>) {add = true}
      %mul3A_1297 = arith.constant 8 : i32
      %mul3A_1298 = arith.muli %scan3A_1226, %mul3A_1297 : i32
      %add3A_1299 = arith.constant 2 : i32
      %add3A_1300 = arith.addi %mul3A_1298, %add3A_1299 : i32
      %mul3A_1301 = arith.constant 128 : i32
      %mul3A_1302 = arith.muli %add3A_1300, %mul3A_1301 : i32
      %dma_start3A_1303 = arith.constant 0 : i32
      %dma_start3A_1304 = arith.constant 0 : i32
      %dma_start3A_1305 = tpu.memref_slice %arg10[%select_n3A_1235, %dma_start3A_1303, %dma_start3A_1304] : memref<4x1024x16xf32, #tpu.memory_space<vmem>> -> memref<1x1024x16xf32, #tpu.memory_space<vmem>>
      %dma_start3A_1306 = tpu.memref_squeeze %dma_start3A_1305 : memref<1x1024x16xf32, #tpu.memory_space<vmem>> -> memref<1024x16xf32, #tpu.memory_space<vmem>>
      %dma_start3A_1307 = arith.constant 256 : i32
      %dma_start3A_1308 = arith.constant 0 : i32
      %dma_start3A_1309 = tpu.memref_slice %dma_start3A_1306[%dma_start3A_1307, %dma_start3A_1308] : memref<1024x16xf32, #tpu.memory_space<vmem>> -> memref<128x16xf32, #tpu.memory_space<vmem>>
      %dma_start3A_1310 = tpu.memref_slice %arg9[%mul3A_1302] : memref<10240xi32, #tpu.memory_space<vmem>> -> memref<128xi32, #tpu.memory_space<vmem>>
      %dma_start3A_1311 = arith.constant 0 : i32
      %dma_start3A_1312 = arith.constant 0 : i32
      %dma_start3A_1313 = tpu.memref_slice %arg6[%dma_start3A_1311, %dma_start3A_1312] : memref<10112x16xf32, #tpu.memory_space<vmem_shared>> -> memref<10112x16xf32, #tpu.memory_space<vmem_shared>>
      %dma_start3A_1314 = tpu.memref_slice %arg14[%select_n3A_1235] : memref<4x!tpu.dma_semaphore, #tpu.memory_space<semaphore_mem>> -> memref<1x!tpu.dma_semaphore, #tpu.memory_space<semaphore_mem>>
      %dma_start3A_1315 = tpu.memref_squeeze %dma_start3A_1314 : memref<1x!tpu.dma_semaphore, #tpu.memory_space<semaphore_mem>> -> memref<!tpu.dma_semaphore, #tpu.memory_space<semaphore_mem>>
      tpu.enqueue_indirect_dma source(%dma_start3A_1309 : memref<128x16xf32, #tpu.memory_space<vmem>>) target(%dma_start3A_1313 : memref<10112x16xf32, #tpu.memory_space<vmem_shared>>) offsets(%dma_start3A_1310 : memref<128xi32, #tpu.memory_space<vmem>>) semaphore(%dma_start3A_1315 : memref<!tpu.dma_semaphore, #tpu.memory_space<semaphore_mem>>) {add = true}
      %dma_start3A_1316 = tpu.memref_slice %arg9[%mul3A_1302] : memref<10240xi32, #tpu.memory_space<vmem>> -> memref<128xi32, #tpu.memory_space<vmem>>
      %dma_start3A_1317 = arith.constant 0 : i32
      %dma_start3A_1318 = arith.constant 0 : i32
      %dma_start3A_1319 = tpu.memref_slice %arg7[%dma_start3A_1317, %dma_start3A_1318] : memref<10112x16xf32, #tpu.memory_space<vmem_shared>> -> memref<10112x16xf32, #tpu.memory_space<vmem_shared>>
      %dma_start3A_1320 = tpu.memref_slice %arg14[%select_n3A_1235] : memref<4x!tpu.dma_semaphore, #tpu.memory_space<semaphore_mem>> -> memref<1x!tpu.dma_semaphore, #tpu.memory_space<semaphore_mem>>
      %dma_start3A_1321 = tpu.memref_squeeze %dma_start3A_1320 : memref<1x!tpu.dma_semaphore, #tpu.memory_space<semaphore_mem>> -> memref<!tpu.dma_semaphore, #tpu.memory_space<semaphore_mem>>
      tpu.enqueue_indirect_dma source(%arg11 : memref<128x16xf32, #tpu.memory_space<vmem>>) target(%dma_start3A_1319 : memref<10112x16xf32, #tpu.memory_space<vmem_shared>>) offsets(%dma_start3A_1316 : memref<128xi32, #tpu.memory_space<vmem>>) semaphore(%dma_start3A_1321 : memref<!tpu.dma_semaphore, #tpu.memory_space<semaphore_mem>>) {add = true}
      %mul3A_1322 = arith.constant 8 : i32
      %mul3A_1323 = arith.muli %scan3A_1226, %mul3A_1322 : i32
      %add3A_1324 = arith.constant 3 : i32
      %add3A_1325 = arith.addi %mul3A_1323, %add3A_1324 : i32
      %mul3A_1326 = arith.constant 128 : i32
      %mul3A_1327 = arith.muli %add3A_1325, %mul3A_1326 : i32
      %dma_start3A_1328 = arith.constant 0 : i32
      %dma_start3A_1329 = arith.constant 0 : i32
      %dma_start3A_1330 = tpu.memref_slice %arg10[%select_n3A_1235, %dma_start3A_1328, %dma_start3A_1329] : memref<4x1024x16xf32, #tpu.memory_space<vmem>> -> memref<1x1024x16xf32, #tpu.memory_space<vmem>>
      %dma_start3A_1331 = tpu.memref_squeeze %dma_start3A_1330 : memref<1x1024x16xf32, #tpu.memory_space<vmem>> -> memref<1024x16xf32, #tpu.memory_space<vmem>>
      %dma_start3A_1332 = arith.constant 384 : i32
      %dma_start3A_1333 = arith.constant 0 : i32
      %dma_start3A_1334 = tpu.memref_slice %dma_start3A_1331[%dma_start3A_1332, %dma_start3A_1333] : memref<1024x16xf32, #tpu.memory_space<vmem>> -> memref<128x16xf32, #tpu.memory_space<vmem>>
      %dma_start3A_1335 = tpu.memref_slice %arg9[%mul3A_1327] : memref<10240xi32, #tpu.memory_space<vmem>> -> memref<128xi32, #tpu.memory_space<vmem>>
      %dma_start3A_1336 = arith.constant 0 : i32
      %dma_start3A_1337 = arith.constant 0 : i32
      %dma_start3A_1338 = tpu.memref_slice %arg6[%dma_start3A_1336, %dma_start3A_1337] : memref<10112x16xf32, #tpu.memory_space<vmem_shared>> -> memref<10112x16xf32, #tpu.memory_space<vmem_shared>>
      %dma_start3A_1339 = tpu.memref_slice %arg14[%select_n3A_1235] : memref<4x!tpu.dma_semaphore, #tpu.memory_space<semaphore_mem>> -> memref<1x!tpu.dma_semaphore, #tpu.memory_space<semaphore_mem>>
      %dma_start3A_1340 = tpu.memref_squeeze %dma_start3A_1339 : memref<1x!tpu.dma_semaphore, #tpu.memory_space<semaphore_mem>> -> memref<!tpu.dma_semaphore, #tpu.memory_space<semaphore_mem>>
      tpu.enqueue_indirect_dma source(%dma_start3A_1334 : memref<128x16xf32, #tpu.memory_space<vmem>>) target(%dma_start3A_1338 : memref<10112x16xf32, #tpu.memory_space<vmem_shared>>) offsets(%dma_start3A_1335 : memref<128xi32, #tpu.memory_space<vmem>>) semaphore(%dma_start3A_1340 : memref<!tpu.dma_semaphore, #tpu.memory_space<semaphore_mem>>) {add = true}
      %dma_start3A_1341 = tpu.memref_slice %arg9[%mul3A_1327] : memref<10240xi32, #tpu.memory_space<vmem>> -> memref<128xi32, #tpu.memory_space<vmem>>
      %dma_start3A_1342 = arith.constant 0 : i32
      %dma_start3A_1343 = arith.constant 0 : i32
      %dma_start3A_1344 = tpu.memref_slice %arg7[%dma_start3A_1342, %dma_start3A_1343] : memref<10112x16xf32, #tpu.memory_space<vmem_shared>> -> memref<10112x16xf32, #tpu.memory_space<vmem_shared>>
      %dma_start3A_1345 = tpu.memref_slice %arg14[%select_n3A_1235] : memref<4x!tpu.dma_semaphore, #tpu.memory_space<semaphore_mem>> -> memref<1x!tpu.dma_semaphore, #tpu.memory_space<semaphore_mem>>
      %dma_start3A_1346 = tpu.memref_squeeze %dma_start3A_1345 : memref<1x!tpu.dma_semaphore, #tpu.memory_space<semaphore_mem>> -> memref<!tpu.dma_semaphore, #tpu.memory_space<semaphore_mem>>
      tpu.enqueue_indirect_dma source(%arg11 : memref<128x16xf32, #tpu.memory_space<vmem>>) target(%dma_start3A_1344 : memref<10112x16xf32, #tpu.memory_space<vmem_shared>>) offsets(%dma_start3A_1341 : memref<128xi32, #tpu.memory_space<vmem>>) semaphore(%dma_start3A_1346 : memref<!tpu.dma_semaphore, #tpu.memory_space<semaphore_mem>>) {add = true}
      %mul3A_1347 = arith.constant 8 : i32
      %mul3A_1348 = arith.muli %scan3A_1226, %mul3A_1347 : i32
      %add3A_1349 = arith.constant 4 : i32
      %add3A_1350 = arith.addi %mul3A_1348, %add3A_1349 : i32
      %mul3A_1351 = arith.constant 128 : i32
      %mul3A_1352 = arith.muli %add3A_1350, %mul3A_1351 : i32
      %dma_start3A_1353 = arith.constant 0 : i32
      %dma_start3A_1354 = arith.constant 0 : i32
      %dma_start3A_1355 = tpu.memref_slice %arg10[%select_n3A_1235, %dma_start3A_1353, %dma_start3A_1354] : memref<4x1024x16xf32, #tpu.memory_space<vmem>> -> memref<1x1024x16xf32, #tpu.memory_space<vmem>>
      %dma_start3A_1356 = tpu.memref_squeeze %dma_start3A_1355 : memref<1x1024x16xf32, #tpu.memory_space<vmem>> -> memref<1024x16xf32, #tpu.memory_space<vmem>>
      %dma_start3A_1357 = arith.constant 512 : i32
      %dma_start3A_1358 = arith.constant 0 : i32
      %dma_start3A_1359 = tpu.memref_slice %dma_start3A_1356[%dma_start3A_1357, %dma_start3A_1358] : memref<1024x16xf32, #tpu.memory_space<vmem>> -> memref<128x16xf32, #tpu.memory_space<vmem>>
      %dma_start3A_1360 = tpu.memref_slice %arg9[%mul3A_1352] : memref<10240xi32, #tpu.memory_space<vmem>> -> memref<128xi32, #tpu.memory_space<vmem>>
      %dma_start3A_1361 = arith.constant 0 : i32
      %dma_start3A_1362 = arith.constant 0 : i32
      %dma_start3A_1363 = tpu.memref_slice %arg6[%dma_start3A_1361, %dma_start3A_1362] : memref<10112x16xf32, #tpu.memory_space<vmem_shared>> -> memref<10112x16xf32, #tpu.memory_space<vmem_shared>>
      %dma_start3A_1364 = tpu.memref_slice %arg14[%select_n3A_1235] : memref<4x!tpu.dma_semaphore, #tpu.memory_space<semaphore_mem>> -> memref<1x!tpu.dma_semaphore, #tpu.memory_space<semaphore_mem>>
      %dma_start3A_1365 = tpu.memref_squeeze %dma_start3A_1364 : memref<1x!tpu.dma_semaphore, #tpu.memory_space<semaphore_mem>> -> memref<!tpu.dma_semaphore, #tpu.memory_space<semaphore_mem>>
      tpu.enqueue_indirect_dma source(%dma_start3A_1359 : memref<128x16xf32, #tpu.memory_space<vmem>>) target(%dma_start3A_1363 : memref<10112x16xf32, #tpu.memory_space<vmem_shared>>) offsets(%dma_start3A_1360 : memref<128xi32, #tpu.memory_space<vmem>>) semaphore(%dma_start3A_1365 : memref<!tpu.dma_semaphore, #tpu.memory_space<semaphore_mem>>) {add = true}
      %dma_start3A_1366 = tpu.memref_slice %arg9[%mul3A_1352] : memref<10240xi32, #tpu.memory_space<vmem>> -> memref<128xi32, #tpu.memory_space<vmem>>
      %dma_start3A_1367 = arith.constant 0 : i32
      %dma_start3A_1368 = arith.constant 0 : i32
      %dma_start3A_1369 = tpu.memref_slice %arg7[%dma_start3A_1367, %dma_start3A_1368] : memref<10112x16xf32, #tpu.memory_space<vmem_shared>> -> memref<10112x16xf32, #tpu.memory_space<vmem_shared>>
      %dma_start3A_1370 = tpu.memref_slice %arg14[%select_n3A_1235] : memref<4x!tpu.dma_semaphore, #tpu.memory_space<semaphore_mem>> -> memref<1x!tpu.dma_semaphore, #tpu.memory_space<semaphore_mem>>
      %dma_start3A_1371 = tpu.memref_squeeze %dma_start3A_1370 : memref<1x!tpu.dma_semaphore, #tpu.memory_space<semaphore_mem>> -> memref<!tpu.dma_semaphore, #tpu.memory_space<semaphore_mem>>
      tpu.enqueue_indirect_dma source(%arg11 : memref<128x16xf32, #tpu.memory_space<vmem>>) target(%dma_start3A_1369 : memref<10112x16xf32, #tpu.memory_space<vmem_shared>>) offsets(%dma_start3A_1366 : memref<128xi32, #tpu.memory_space<vmem>>) semaphore(%dma_start3A_1371 : memref<!tpu.dma_semaphore, #tpu.memory_space<semaphore_mem>>) {add = true}
      %mul3A_1372 = arith.constant 8 : i32
      %mul3A_1373 = arith.muli %scan3A_1226, %mul3A_1372 : i32
      %add3A_1374 = arith.constant 5 : i32
      %add3A_1375 = arith.addi %mul3A_1373, %add3A_1374 : i32
      %mul3A_1376 = arith.constant 128 : i32
      %mul3A_1377 = arith.muli %add3A_1375, %mul3A_1376 : i32
      %dma_start3A_1378 = arith.constant 0 : i32
      %dma_start3A_1379 = arith.constant 0 : i32
      %dma_start3A_1380 = tpu.memref_slice %arg10[%select_n3A_1235, %dma_start3A_1378, %dma_start3A_1379] : memref<4x1024x16xf32, #tpu.memory_space<vmem>> -> memref<1x1024x16xf32, #tpu.memory_space<vmem>>
      %dma_start3A_1381 = tpu.memref_squeeze %dma_start3A_1380 : memref<1x1024x16xf32, #tpu.memory_space<vmem>> -> memref<1024x16xf32, #tpu.memory_space<vmem>>
      %dma_start3A_1382 = arith.constant 640 : i32
      %dma_start3A_1383 = arith.constant 0 : i32
      %dma_start3A_1384 = tpu.memref_slice %dma_start3A_1381[%dma_start3A_1382, %dma_start3A_1383] : memref<1024x16xf32, #tpu.memory_space<vmem>> -> memref<128x16xf32, #tpu.memory_space<vmem>>
      %dma_start3A_1385 = tpu.memref_slice %arg9[%mul3A_1377] : memref<10240xi32, #tpu.memory_space<vmem>> -> memref<128xi32, #tpu.memory_space<vmem>>
      %dma_start3A_1386 = arith.constant 0 : i32
      %dma_start3A_1387 = arith.constant 0 : i32
      %dma_start3A_1388 = tpu.memref_slice %arg6[%dma_start3A_1386, %dma_start3A_1387] : memref<10112x16xf32, #tpu.memory_space<vmem_shared>> -> memref<10112x16xf32, #tpu.memory_space<vmem_shared>>
      %dma_start3A_1389 = tpu.memref_slice %arg14[%select_n3A_1235] : memref<4x!tpu.dma_semaphore, #tpu.memory_space<semaphore_mem>> -> memref<1x!tpu.dma_semaphore, #tpu.memory_space<semaphore_mem>>
      %dma_start3A_1390 = tpu.memref_squeeze %dma_start3A_1389 : memref<1x!tpu.dma_semaphore, #tpu.memory_space<semaphore_mem>> -> memref<!tpu.dma_semaphore, #tpu.memory_space<semaphore_mem>>
      tpu.enqueue_indirect_dma source(%dma_start3A_1384 : memref<128x16xf32, #tpu.memory_space<vmem>>) target(%dma_start3A_1388 : memref<10112x16xf32, #tpu.memory_space<vmem_shared>>) offsets(%dma_start3A_1385 : memref<128xi32, #tpu.memory_space<vmem>>) semaphore(%dma_start3A_1390 : memref<!tpu.dma_semaphore, #tpu.memory_space<semaphore_mem>>) {add = true}
      %dma_start3A_1391 = tpu.memref_slice %arg9[%mul3A_1377] : memref<10240xi32, #tpu.memory_space<vmem>> -> memref<128xi32, #tpu.memory_space<vmem>>
      %dma_start3A_1392 = arith.constant 0 : i32
      %dma_start3A_1393 = arith.constant 0 : i32
      %dma_start3A_1394 = tpu.memref_slice %arg7[%dma_start3A_1392, %dma_start3A_1393] : memref<10112x16xf32, #tpu.memory_space<vmem_shared>> -> memref<10112x16xf32, #tpu.memory_space<vmem_shared>>
      %dma_start3A_1395 = tpu.memref_slice %arg14[%select_n3A_1235] : memref<4x!tpu.dma_semaphore, #tpu.memory_space<semaphore_mem>> -> memref<1x!tpu.dma_semaphore, #tpu.memory_space<semaphore_mem>>
      %dma_start3A_1396 = tpu.memref_squeeze %dma_start3A_1395 : memref<1x!tpu.dma_semaphore, #tpu.memory_space<semaphore_mem>> -> memref<!tpu.dma_semaphore, #tpu.memory_space<semaphore_mem>>
      tpu.enqueue_indirect_dma source(%arg11 : memref<128x16xf32, #tpu.memory_space<vmem>>) target(%dma_start3A_1394 : memref<10112x16xf32, #tpu.memory_space<vmem_shared>>) offsets(%dma_start3A_1391 : memref<128xi32, #tpu.memory_space<vmem>>) semaphore(%dma_start3A_1396 : memref<!tpu.dma_semaphore, #tpu.memory_space<semaphore_mem>>) {add = true}
      %mul3A_1397 = arith.constant 8 : i32
      %mul3A_1398 = arith.muli %scan3A_1226, %mul3A_1397 : i32
      %add3A_1399 = arith.constant 6 : i32
      %add3A_1400 = arith.addi %mul3A_1398, %add3A_1399 : i32
      %mul3A_1401 = arith.constant 128 : i32
      %mul3A_1402 = arith.muli %add3A_1400, %mul3A_1401 : i32
      %dma_start3A_1403 = arith.constant 0 : i32
      %dma_start3A_1404 = arith.constant 0 : i32
      %dma_start3A_1405 = tpu.memref_slice %arg10[%select_n3A_1235, %dma_start3A_1403, %dma_start3A_1404] : memref<4x1024x16xf32, #tpu.memory_space<vmem>> -> memref<1x1024x16xf32, #tpu.memory_space<vmem>>
      %dma_start3A_1406 = tpu.memref_squeeze %dma_start3A_1405 : memref<1x1024x16xf32, #tpu.memory_space<vmem>> -> memref<1024x16xf32, #tpu.memory_space<vmem>>
      %dma_start3A_1407 = arith.constant 768 : i32
      %dma_start3A_1408 = arith.constant 0 : i32
      %dma_start3A_1409 = tpu.memref_slice %dma_start3A_1406[%dma_start3A_1407, %dma_start3A_1408] : memref<1024x16xf32, #tpu.memory_space<vmem>> -> memref<128x16xf32, #tpu.memory_space<vmem>>
      %dma_start3A_1410 = tpu.memref_slice %arg9[%mul3A_1402] : memref<10240xi32, #tpu.memory_space<vmem>> -> memref<128xi32, #tpu.memory_space<vmem>>
      %dma_start3A_1411 = arith.constant 0 : i32
      %dma_start3A_1412 = arith.constant 0 : i32
      %dma_start3A_1413 = tpu.memref_slice %arg6[%dma_start3A_1411, %dma_start3A_1412] : memref<10112x16xf32, #tpu.memory_space<vmem_shared>> -> memref<10112x16xf32, #tpu.memory_space<vmem_shared>>
      %dma_start3A_1414 = tpu.memref_slice %arg14[%select_n3A_1235] : memref<4x!tpu.dma_semaphore, #tpu.memory_space<semaphore_mem>> -> memref<1x!tpu.dma_semaphore, #tpu.memory_space<semaphore_mem>>
      %dma_start3A_1415 = tpu.memref_squeeze %dma_start3A_1414 : memref<1x!tpu.dma_semaphore, #tpu.memory_space<semaphore_mem>> -> memref<!tpu.dma_semaphore, #tpu.memory_space<semaphore_mem>>
      tpu.enqueue_indirect_dma source(%dma_start3A_1409 : memref<128x16xf32, #tpu.memory_space<vmem>>) target(%dma_start3A_1413 : memref<10112x16xf32, #tpu.memory_space<vmem_shared>>) offsets(%dma_start3A_1410 : memref<128xi32, #tpu.memory_space<vmem>>) semaphore(%dma_start3A_1415 : memref<!tpu.dma_semaphore, #tpu.memory_space<semaphore_mem>>) {add = true}
      %dma_start3A_1416 = tpu.memref_slice %arg9[%mul3A_1402] : memref<10240xi32, #tpu.memory_space<vmem>> -> memref<128xi32, #tpu.memory_space<vmem>>
      %dma_start3A_1417 = arith.constant 0 : i32
      %dma_start3A_1418 = arith.constant 0 : i32
      %dma_start3A_1419 = tpu.memref_slice %arg7[%dma_start3A_1417, %dma_start3A_1418] : memref<10112x16xf32, #tpu.memory_space<vmem_shared>> -> memref<10112x16xf32, #tpu.memory_space<vmem_shared>>
      %dma_start3A_1420 = tpu.memref_slice %arg14[%select_n3A_1235] : memref<4x!tpu.dma_semaphore, #tpu.memory_space<semaphore_mem>> -> memref<1x!tpu.dma_semaphore, #tpu.memory_space<semaphore_mem>>
      %dma_start3A_1421 = tpu.memref_squeeze %dma_start3A_1420 : memref<1x!tpu.dma_semaphore, #tpu.memory_space<semaphore_mem>> -> memref<!tpu.dma_semaphore, #tpu.memory_space<semaphore_mem>>
      tpu.enqueue_indirect_dma source(%arg11 : memref<128x16xf32, #tpu.memory_space<vmem>>) target(%dma_start3A_1419 : memref<10112x16xf32, #tpu.memory_space<vmem_shared>>) offsets(%dma_start3A_1416 : memref<128xi32, #tpu.memory_space<vmem>>) semaphore(%dma_start3A_1421 : memref<!tpu.dma_semaphore, #tpu.memory_space<semaphore_mem>>) {add = true}
      %mul3A_1422 = arith.constant 8 : i32
      %mul3A_1423 = arith.muli %scan3A_1226, %mul3A_1422 : i32
      %add3A_1424 = arith.constant 7 : i32
      %add3A_1425 = arith.addi %mul3A_1423, %add3A_1424 : i32
      %mul3A_1426 = arith.constant 128 : i32
      %mul3A_1427 = arith.muli %add3A_1425, %mul3A_1426 : i32
      %dma_start3A_1428 = arith.constant 0 : i32
      %dma_start3A_1429 = arith.constant 0 : i32
      %dma_start3A_1430 = tpu.memref_slice %arg10[%select_n3A_1235, %dma_start3A_1428, %dma_start3A_1429] : memref<4x1024x16xf32, #tpu.memory_space<vmem>> -> memref<1x1024x16xf32, #tpu.memory_space<vmem>>
      %dma_start3A_1431 = tpu.memref_squeeze %dma_start3A_1430 : memref<1x1024x16xf32, #tpu.memory_space<vmem>> -> memref<1024x16xf32, #tpu.memory_space<vmem>>
      %dma_start3A_1432 = arith.constant 896 : i32
      %dma_start3A_1433 = arith.constant 0 : i32
      %dma_start3A_1434 = tpu.memref_slice %dma_start3A_1431[%dma_start3A_1432, %dma_start3A_1433] : memref<1024x16xf32, #tpu.memory_space<vmem>> -> memref<128x16xf32, #tpu.memory_space<vmem>>
      %dma_start3A_1435 = tpu.memref_slice %arg9[%mul3A_1427] : memref<10240xi32, #tpu.memory_space<vmem>> -> memref<128xi32, #tpu.memory_space<vmem>>
      %dma_start3A_1436 = arith.constant 0 : i32
      %dma_start3A_1437 = arith.constant 0 : i32
      %dma_start3A_1438 = tpu.memref_slice %arg6[%dma_start3A_1436, %dma_start3A_1437] : memref<10112x16xf32, #tpu.memory_space<vmem_shared>> -> memref<10112x16xf32, #tpu.memory_space<vmem_shared>>
      %dma_start3A_1439 = tpu.memref_slice %arg14[%select_n3A_1235] : memref<4x!tpu.dma_semaphore, #tpu.memory_space<semaphore_mem>> -> memref<1x!tpu.dma_semaphore, #tpu.memory_space<semaphore_mem>>
      %dma_start3A_1440 = tpu.memref_squeeze %dma_start3A_1439 : memref<1x!tpu.dma_semaphore, #tpu.memory_space<semaphore_mem>> -> memref<!tpu.dma_semaphore, #tpu.memory_space<semaphore_mem>>
      tpu.enqueue_indirect_dma source(%dma_start3A_1434 : memref<128x16xf32, #tpu.memory_space<vmem>>) target(%dma_start3A_1438 : memref<10112x16xf32, #tpu.memory_space<vmem_shared>>) offsets(%dma_start3A_1435 : memref<128xi32, #tpu.memory_space<vmem>>) semaphore(%dma_start3A_1440 : memref<!tpu.dma_semaphore, #tpu.memory_space<semaphore_mem>>) {add = true}
      %dma_start3A_1441 = tpu.memref_slice %arg9[%mul3A_1427] : memref<10240xi32, #tpu.memory_space<vmem>> -> memref<128xi32, #tpu.memory_space<vmem>>
      %dma_start3A_1442 = arith.constant 0 : i32
      %dma_start3A_1443 = arith.constant 0 : i32
      %dma_start3A_1444 = tpu.memref_slice %arg7[%dma_start3A_1442, %dma_start3A_1443] : memref<10112x16xf32, #tpu.memory_space<vmem_shared>> -> memref<10112x16xf32, #tpu.memory_space<vmem_shared>>
      %dma_start3A_1445 = tpu.memref_slice %arg14[%select_n3A_1235] : memref<4x!tpu.dma_semaphore, #tpu.memory_space<semaphore_mem>> -> memref<1x!tpu.dma_semaphore, #tpu.memory_space<semaphore_mem>>
      %dma_start3A_1446 = tpu.memref_squeeze %dma_start3A_1445 : memref<1x!tpu.dma_semaphore, #tpu.memory_space<semaphore_mem>> -> memref<!tpu.dma_semaphore, #tpu.memory_space<semaphore_mem>>
      tpu.enqueue_indirect_dma source(%arg11 : memref<128x16xf32, #tpu.memory_space<vmem>>) target(%dma_start3A_1444 : memref<10112x16xf32, #tpu.memory_space<vmem_shared>>) offsets(%dma_start3A_1441 : memref<128xi32, #tpu.memory_space<vmem>>) semaphore(%dma_start3A_1446 : memref<!tpu.dma_semaphore, #tpu.memory_space<semaphore_mem>>) {add = true}
      %add3A_1447 = arith.constant 4 : i32
      %add3A_1448 = arith.addi %scan3A_1226, %add3A_1447 : i32
      %sub3A = arith.constant 1 : i32
      %sub3A_1449 = arith.subi %add3A_1448, %sub3A : i32
      %lt3A_1450 = arith.constant 10 : i32
      %lt3A_1451 = arith.cmpi slt, %sub3A_1449, %lt3A_1450 : i32
      %convert_element_type3A = arith.extui %lt3A_1451 : i1 to i32
      %cond3A = arith.constant 0 : i32
      %cond3A_1452 = arith.cmpi ne, %convert_element_type3A, %cond3A : i32
      scf.if %cond3A_1452 {
        %add3A_1453 = arith.constant 4 : i32
        %add3A_1454 = arith.addi %scan3A_1226, %add3A_1453 : i32
        %sub3A_1455 = arith.constant 1 : i32
        %sub3A_1456 = arith.subi %add3A_1454, %sub3A_1455 : i32
        %jit3A_1457 = arith.constant 4 : i32
        %eq3A_1458 = arith.constant 0 : i32
        %eq3A_1459 = arith.cmpi eq, %jit3A_1457, %eq3A_1458 : i32
        %jit3A_1460 = arith.constant 1 : i32
        %select_n3A_1461 = arith.select %eq3A_1459, %jit3A_1460, %jit3A_1457 : i32
        %rem3A_1462 = arith.remsi %sub3A_1456, %select_n3A_1461 : i32
        %ne3A_1463 = arith.constant 0 : i32
        %ne3A_1464 = arith.cmpi ne, %rem3A_1462, %ne3A_1463 : i32
        %lt3A_1465 = arith.constant 0 : i32
        %lt3A_1466 = arith.cmpi slt, %rem3A_1462, %lt3A_1465 : i32
        %lt3A_1467 = arith.constant 0 : i32
        %lt3A_1468 = arith.cmpi slt, %select_n3A_1461, %lt3A_1467 : i32
        %ne3A_1469 = arith.xori %lt3A_1466, %lt3A_1468 : i1
        %and3A_1470 = arith.andi %ne3A_1469, %ne3A_1464 : i1
        %add3A_1471 = arith.addi %rem3A_1462, %select_n3A_1461 : i32
        %select_n3A_1472 = arith.select %and3A_1470, %add3A_1471, %rem3A_1462 : i32
        %ge3A = arith.constant 1 : i32
        %ge3A_1473 = arith.cmpi sge, %scan3A_1226, %ge3A : i32
        %convert_element_type3A_1474 = arith.extui %ge3A_1473 : i1 to i32
        %cond3A_1475 = arith.constant 0 : i32
        %cond3A_1476 = arith.cmpi ne, %convert_element_type3A_1474, %cond3A_1475 : i32
        scf.if %cond3A_1476 {
          %dma_wait3A_1493 = arith.constant 0 : i32
          %dma_wait3A_1494 = arith.constant 0 : i32
          %dma_wait3A_1495 = tpu.memref_slice %arg10[%select_n3A_1472, %dma_wait3A_1493, %dma_wait3A_1494] : memref<4x1024x16xf32, #tpu.memory_space<vmem>> -> memref<1x1024x16xf32, #tpu.memory_space<vmem>>
          %dma_wait3A_1496 = tpu.memref_squeeze %dma_wait3A_1495 : memref<1x1024x16xf32, #tpu.memory_space<vmem>> -> memref<1024x16xf32, #tpu.memory_space<vmem>>
          %dma_wait3A_1497 = arith.constant 0 : i32
          %dma_wait3A_1498 = arith.constant 0 : i32
          %dma_wait3A_1499 = tpu.memref_slice %dma_wait3A_1496[%dma_wait3A_1497, %dma_wait3A_1498] : memref<1024x16xf32, #tpu.memory_space<vmem>> -> memref<128x16xf32, #tpu.memory_space<vmem>>
          %dma_wait3A_1500 = arith.constant 0 : i32
          %dma_wait3A_1501 = tpu.memref_slice %arg9[%dma_wait3A_1500] : memref<10240xi32, #tpu.memory_space<vmem>> -> memref<128xi32, #tpu.memory_space<vmem>>
          %dma_wait3A_1502 = arith.constant 0 : i32
          %dma_wait3A_1503 = arith.constant 0 : i32
          %dma_wait3A_1504 = tpu.memref_slice %arg6[%dma_wait3A_1502, %dma_wait3A_1503] : memref<10112x16xf32, #tpu.memory_space<vmem_shared>> -> memref<10112x16xf32, #tpu.memory_space<vmem_shared>>
          %dma_wait3A_1505 = tpu.memref_slice %arg14[%select_n3A_1472] : memref<4x!tpu.dma_semaphore, #tpu.memory_space<semaphore_mem>> -> memref<1x!tpu.dma_semaphore, #tpu.memory_space<semaphore_mem>>
          %dma_wait3A_1506 = tpu.memref_squeeze %dma_wait3A_1505 : memref<1x!tpu.dma_semaphore, #tpu.memory_space<semaphore_mem>> -> memref<!tpu.dma_semaphore, #tpu.memory_space<semaphore_mem>>
          tpu.wait_indirect_dma semaphore(%dma_wait3A_1506 : memref<!tpu.dma_semaphore, #tpu.memory_space<semaphore_mem>>) src(%dma_wait3A_1499 : memref<128x16xf32, #tpu.memory_space<vmem>>) dst(%dma_wait3A_1504 : memref<10112x16xf32, #tpu.memory_space<vmem_shared>>)
          %dma_wait3A_1507 = arith.constant 0 : i32
          %dma_wait3A_1508 = arith.constant 0 : i32
          %dma_wait3A_1509 = tpu.memref_slice %arg10[%select_n3A_1472, %dma_wait3A_1507, %dma_wait3A_1508] : memref<4x1024x16xf32, #tpu.memory_space<vmem>> -> memref<1x1024x16xf32, #tpu.memory_space<vmem>>
          %dma_wait3A_1510 = tpu.memref_squeeze %dma_wait3A_1509 : memref<1x1024x16xf32, #tpu.memory_space<vmem>> -> memref<1024x16xf32, #tpu.memory_space<vmem>>
          %dma_wait3A_1511 = arith.constant 0 : i32
          %dma_wait3A_1512 = arith.constant 0 : i32
          %dma_wait3A_1513 = tpu.memref_slice %dma_wait3A_1510[%dma_wait3A_1511, %dma_wait3A_1512] : memref<1024x16xf32, #tpu.memory_space<vmem>> -> memref<128x16xf32, #tpu.memory_space<vmem>>
          %dma_wait3A_1514 = arith.constant 0 : i32
          %dma_wait3A_1515 = tpu.memref_slice %arg9[%dma_wait3A_1514] : memref<10240xi32, #tpu.memory_space<vmem>> -> memref<128xi32, #tpu.memory_space<vmem>>
          %dma_wait3A_1516 = arith.constant 0 : i32
          %dma_wait3A_1517 = arith.constant 0 : i32
          %dma_wait3A_1518 = tpu.memref_slice %arg6[%dma_wait3A_1516, %dma_wait3A_1517] : memref<10112x16xf32, #tpu.memory_space<vmem_shared>> -> memref<10112x16xf32, #tpu.memory_space<vmem_shared>>
          %dma_wait3A_1519 = tpu.memref_slice %arg14[%select_n3A_1472] : memref<4x!tpu.dma_semaphore, #tpu.memory_space<semaphore_mem>> -> memref<1x!tpu.dma_semaphore, #tpu.memory_space<semaphore_mem>>
          %dma_wait3A_1520 = tpu.memref_squeeze %dma_wait3A_1519 : memref<1x!tpu.dma_semaphore, #tpu.memory_space<semaphore_mem>> -> memref<!tpu.dma_semaphore, #tpu.memory_space<semaphore_mem>>
          tpu.wait_indirect_dma semaphore(%dma_wait3A_1520 : memref<!tpu.dma_semaphore, #tpu.memory_space<semaphore_mem>>) src(%dma_wait3A_1513 : memref<128x16xf32, #tpu.memory_space<vmem>>) dst(%dma_wait3A_1518 : memref<10112x16xf32, #tpu.memory_space<vmem_shared>>)
          %dma_wait3A_1521 = arith.constant 0 : i32
          %dma_wait3A_1522 = arith.constant 0 : i32
          %dma_wait3A_1523 = tpu.memref_slice %arg10[%select_n3A_1472, %dma_wait3A_1521, %dma_wait3A_1522] : memref<4x1024x16xf32, #tpu.memory_space<vmem>> -> memref<1x1024x16xf32, #tpu.memory_space<vmem>>
          %dma_wait3A_1524 = tpu.memref_squeeze %dma_wait3A_1523 : memref<1x1024x16xf32, #tpu.memory_space<vmem>> -> memref<1024x16xf32, #tpu.memory_space<vmem>>
          %dma_wait3A_1525 = arith.constant 0 : i32
          %dma_wait3A_1526 = arith.constant 0 : i32
          %dma_wait3A_1527 = tpu.memref_slice %dma_wait3A_1524[%dma_wait3A_1525, %dma_wait3A_1526] : memref<1024x16xf32, #tpu.memory_space<vmem>> -> memref<128x16xf32, #tpu.memory_space<vmem>>
          %dma_wait3A_1528 = arith.constant 0 : i32
          %dma_wait3A_1529 = tpu.memref_slice %arg9[%dma_wait3A_1528] : memref<10240xi32, #tpu.memory_space<vmem>> -> memref<128xi32, #tpu.memory_space<vmem>>
          %dma_wait3A_1530 = arith.constant 0 : i32
          %dma_wait3A_1531 = arith.constant 0 : i32
          %dma_wait3A_1532 = tpu.memref_slice %arg6[%dma_wait3A_1530, %dma_wait3A_1531] : memref<10112x16xf32, #tpu.memory_space<vmem_shared>> -> memref<10112x16xf32, #tpu.memory_space<vmem_shared>>
          %dma_wait3A_1533 = tpu.memref_slice %arg14[%select_n3A_1472] : memref<4x!tpu.dma_semaphore, #tpu.memory_space<semaphore_mem>> -> memref<1x!tpu.dma_semaphore, #tpu.memory_space<semaphore_mem>>
          %dma_wait3A_1534 = tpu.memref_squeeze %dma_wait3A_1533 : memref<1x!tpu.dma_semaphore, #tpu.memory_space<semaphore_mem>> -> memref<!tpu.dma_semaphore, #tpu.memory_space<semaphore_mem>>
          tpu.wait_indirect_dma semaphore(%dma_wait3A_1534 : memref<!tpu.dma_semaphore, #tpu.memory_space<semaphore_mem>>) src(%dma_wait3A_1527 : memref<128x16xf32, #tpu.memory_space<vmem>>) dst(%dma_wait3A_1532 : memref<10112x16xf32, #tpu.memory_space<vmem_shared>>)
          %dma_wait3A_1535 = arith.constant 0 : i32
          %dma_wait3A_1536 = arith.constant 0 : i32
          %dma_wait3A_1537 = tpu.memref_slice %arg10[%select_n3A_1472, %dma_wait3A_1535, %dma_wait3A_1536] : memref<4x1024x16xf32, #tpu.memory_space<vmem>> -> memref<1x1024x16xf32, #tpu.memory_space<vmem>>
          %dma_wait3A_1538 = tpu.memref_squeeze %dma_wait3A_1537 : memref<1x1024x16xf32, #tpu.memory_space<vmem>> -> memref<1024x16xf32, #tpu.memory_space<vmem>>
          %dma_wait3A_1539 = arith.constant 0 : i32
          %dma_wait3A_1540 = arith.constant 0 : i32
          %dma_wait3A_1541 = tpu.memref_slice %dma_wait3A_1538[%dma_wait3A_1539, %dma_wait3A_1540] : memref<1024x16xf32, #tpu.memory_space<vmem>> -> memref<128x16xf32, #tpu.memory_space<vmem>>
          %dma_wait3A_1542 = arith.constant 0 : i32
          %dma_wait3A_1543 = tpu.memref_slice %arg9[%dma_wait3A_1542] : memref<10240xi32, #tpu.memory_space<vmem>> -> memref<128xi32, #tpu.memory_space<vmem>>
          %dma_wait3A_1544 = arith.constant 0 : i32
          %dma_wait3A_1545 = arith.constant 0 : i32
          %dma_wait3A_1546 = tpu.memref_slice %arg6[%dma_wait3A_1544, %dma_wait3A_1545] : memref<10112x16xf32, #tpu.memory_space<vmem_shared>> -> memref<10112x16xf32, #tpu.memory_space<vmem_shared>>
          %dma_wait3A_1547 = tpu.memref_slice %arg14[%select_n3A_1472] : memref<4x!tpu.dma_semaphore, #tpu.memory_space<semaphore_mem>> -> memref<1x!tpu.dma_semaphore, #tpu.memory_space<semaphore_mem>>
          %dma_wait3A_1548 = tpu.memref_squeeze %dma_wait3A_1547 : memref<1x!tpu.dma_semaphore, #tpu.memory_space<semaphore_mem>> -> memref<!tpu.dma_semaphore, #tpu.memory_space<semaphore_mem>>
          tpu.wait_indirect_dma semaphore(%dma_wait3A_1548 : memref<!tpu.dma_semaphore, #tpu.memory_space<semaphore_mem>>) src(%dma_wait3A_1541 : memref<128x16xf32, #tpu.memory_space<vmem>>) dst(%dma_wait3A_1546 : memref<10112x16xf32, #tpu.memory_space<vmem_shared>>)
          %dma_wait3A_1549 = arith.constant 0 : i32
          %dma_wait3A_1550 = arith.constant 0 : i32
          %dma_wait3A_1551 = tpu.memref_slice %arg10[%select_n3A_1472, %dma_wait3A_1549, %dma_wait3A_1550] : memref<4x1024x16xf32, #tpu.memory_space<vmem>> -> memref<1x1024x16xf32, #tpu.memory_space<vmem>>
          %dma_wait3A_1552 = tpu.memref_squeeze %dma_wait3A_1551 : memref<1x1024x16xf32, #tpu.memory_space<vmem>> -> memref<1024x16xf32, #tpu.memory_space<vmem>>
          %dma_wait3A_1553 = arith.constant 0 : i32
          %dma_wait3A_1554 = arith.constant 0 : i32
          %dma_wait3A_1555 = tpu.memref_slice %dma_wait3A_1552[%dma_wait3A_1553, %dma_wait3A_1554] : memref<1024x16xf32, #tpu.memory_space<vmem>> -> memref<128x16xf32, #tpu.memory_space<vmem>>
          %dma_wait3A_1556 = arith.constant 0 : i32
          %dma_wait3A_1557 = tpu.memref_slice %arg9[%dma_wait3A_1556] : memref<10240xi32, #tpu.memory_space<vmem>> -> memref<128xi32, #tpu.memory_space<vmem>>
          %dma_wait3A_1558 = arith.constant 0 : i32
          %dma_wait3A_1559 = arith.constant 0 : i32
          %dma_wait3A_1560 = tpu.memref_slice %arg6[%dma_wait3A_1558, %dma_wait3A_1559] : memref<10112x16xf32, #tpu.memory_space<vmem_shared>> -> memref<10112x16xf32, #tpu.memory_space<vmem_shared>>
          %dma_wait3A_1561 = tpu.memref_slice %arg14[%select_n3A_1472] : memref<4x!tpu.dma_semaphore, #tpu.memory_space<semaphore_mem>> -> memref<1x!tpu.dma_semaphore, #tpu.memory_space<semaphore_mem>>
          %dma_wait3A_1562 = tpu.memref_squeeze %dma_wait3A_1561 : memref<1x!tpu.dma_semaphore, #tpu.memory_space<semaphore_mem>> -> memref<!tpu.dma_semaphore, #tpu.memory_space<semaphore_mem>>
          tpu.wait_indirect_dma semaphore(%dma_wait3A_1562 : memref<!tpu.dma_semaphore, #tpu.memory_space<semaphore_mem>>) src(%dma_wait3A_1555 : memref<128x16xf32, #tpu.memory_space<vmem>>) dst(%dma_wait3A_1560 : memref<10112x16xf32, #tpu.memory_space<vmem_shared>>)
          %dma_wait3A_1563 = arith.constant 0 : i32
          %dma_wait3A_1564 = arith.constant 0 : i32
          %dma_wait3A_1565 = tpu.memref_slice %arg10[%select_n3A_1472, %dma_wait3A_1563, %dma_wait3A_1564] : memref<4x1024x16xf32, #tpu.memory_space<vmem>> -> memref<1x1024x16xf32, #tpu.memory_space<vmem>>
          %dma_wait3A_1566 = tpu.memref_squeeze %dma_wait3A_1565 : memref<1x1024x16xf32, #tpu.memory_space<vmem>> -> memref<1024x16xf32, #tpu.memory_space<vmem>>
          %dma_wait3A_1567 = arith.constant 0 : i32
          %dma_wait3A_1568 = arith.constant 0 : i32
          %dma_wait3A_1569 = tpu.memref_slice %dma_wait3A_1566[%dma_wait3A_1567, %dma_wait3A_1568] : memref<1024x16xf32, #tpu.memory_space<vmem>> -> memref<128x16xf32, #tpu.memory_space<vmem>>
          %dma_wait3A_1570 = arith.constant 0 : i32
          %dma_wait3A_1571 = tpu.memref_slice %arg9[%dma_wait3A_1570] : memref<10240xi32, #tpu.memory_space<vmem>> -> memref<128xi32, #tpu.memory_space<vmem>>
          %dma_wait3A_1572 = arith.constant 0 : i32
          %dma_wait3A_1573 = arith.constant 0 : i32
          %dma_wait3A_1574 = tpu.memref_slice %arg6[%dma_wait3A_1572, %dma_wait3A_1573] : memref<10112x16xf32, #tpu.memory_space<vmem_shared>> -> memref<10112x16xf32, #tpu.memory_space<vmem_shared>>
          %dma_wait3A_1575 = tpu.memref_slice %arg14[%select_n3A_1472] : memref<4x!tpu.dma_semaphore, #tpu.memory_space<semaphore_mem>> -> memref<1x!tpu.dma_semaphore, #tpu.memory_space<semaphore_mem>>
          %dma_wait3A_1576 = tpu.memref_squeeze %dma_wait3A_1575 : memref<1x!tpu.dma_semaphore, #tpu.memory_space<semaphore_mem>> -> memref<!tpu.dma_semaphore, #tpu.memory_space<semaphore_mem>>
          tpu.wait_indirect_dma semaphore(%dma_wait3A_1576 : memref<!tpu.dma_semaphore, #tpu.memory_space<semaphore_mem>>) src(%dma_wait3A_1569 : memref<128x16xf32, #tpu.memory_space<vmem>>) dst(%dma_wait3A_1574 : memref<10112x16xf32, #tpu.memory_space<vmem_shared>>)
          %dma_wait3A_1577 = arith.constant 0 : i32
          %dma_wait3A_1578 = arith.constant 0 : i32
          %dma_wait3A_1579 = tpu.memref_slice %arg10[%select_n3A_1472, %dma_wait3A_1577, %dma_wait3A_1578] : memref<4x1024x16xf32, #tpu.memory_space<vmem>> -> memref<1x1024x16xf32, #tpu.memory_space<vmem>>
          %dma_wait3A_1580 = tpu.memref_squeeze %dma_wait3A_1579 : memref<1x1024x16xf32, #tpu.memory_space<vmem>> -> memref<1024x16xf32, #tpu.memory_space<vmem>>
          %dma_wait3A_1581 = arith.constant 0 : i32
          %dma_wait3A_1582 = arith.constant 0 : i32
          %dma_wait3A_1583 = tpu.memref_slice %dma_wait3A_1580[%dma_wait3A_1581, %dma_wait3A_1582] : memref<1024x16xf32, #tpu.memory_space<vmem>> -> memref<128x16xf32, #tpu.memory_space<vmem>>
          %dma_wait3A_1584 = arith.constant 0 : i32
          %dma_wait3A_1585 = tpu.memref_slice %arg9[%dma_wait3A_1584] : memref<10240xi32, #tpu.memory_space<vmem>> -> memref<128xi32, #tpu.memory_space<vmem>>
          %dma_wait3A_1586 = arith.constant 0 : i32
          %dma_wait3A_1587 = arith.constant 0 : i32
          %dma_wait3A_1588 = tpu.memref_slice %arg6[%dma_wait3A_1586, %dma_wait3A_1587] : memref<10112x16xf32, #tpu.memory_space<vmem_shared>> -> memref<10112x16xf32, #tpu.memory_space<vmem_shared>>
          %dma_wait3A_1589 = tpu.memref_slice %arg14[%select_n3A_1472] : memref<4x!tpu.dma_semaphore, #tpu.memory_space<semaphore_mem>> -> memref<1x!tpu.dma_semaphore, #tpu.memory_space<semaphore_mem>>
          %dma_wait3A_1590 = tpu.memref_squeeze %dma_wait3A_1589 : memref<1x!tpu.dma_semaphore, #tpu.memory_space<semaphore_mem>> -> memref<!tpu.dma_semaphore, #tpu.memory_space<semaphore_mem>>
          tpu.wait_indirect_dma semaphore(%dma_wait3A_1590 : memref<!tpu.dma_semaphore, #tpu.memory_space<semaphore_mem>>) src(%dma_wait3A_1583 : memref<128x16xf32, #tpu.memory_space<vmem>>) dst(%dma_wait3A_1588 : memref<10112x16xf32, #tpu.memory_space<vmem_shared>>)
          %dma_wait3A_1591 = arith.constant 0 : i32
          %dma_wait3A_1592 = arith.constant 0 : i32
          %dma_wait3A_1593 = tpu.memref_slice %arg10[%select_n3A_1472, %dma_wait3A_1591, %dma_wait3A_1592] : memref<4x1024x16xf32, #tpu.memory_space<vmem>> -> memref<1x1024x16xf32, #tpu.memory_space<vmem>>
          %dma_wait3A_1594 = tpu.memref_squeeze %dma_wait3A_1593 : memref<1x1024x16xf32, #tpu.memory_space<vmem>> -> memref<1024x16xf32, #tpu.memory_space<vmem>>
          %dma_wait3A_1595 = arith.constant 0 : i32
          %dma_wait3A_1596 = arith.constant 0 : i32
          %dma_wait3A_1597 = tpu.memref_slice %dma_wait3A_1594[%dma_wait3A_1595, %dma_wait3A_1596] : memref<1024x16xf32, #tpu.memory_space<vmem>> -> memref<128x16xf32, #tpu.memory_space<vmem>>
          %dma_wait3A_1598 = arith.constant 0 : i32
          %dma_wait3A_1599 = tpu.memref_slice %arg9[%dma_wait3A_1598] : memref<10240xi32, #tpu.memory_space<vmem>> -> memref<128xi32, #tpu.memory_space<vmem>>
          %dma_wait3A_1600 = arith.constant 0 : i32
          %dma_wait3A_1601 = arith.constant 0 : i32
          %dma_wait3A_1602 = tpu.memref_slice %arg6[%dma_wait3A_1600, %dma_wait3A_1601] : memref<10112x16xf32, #tpu.memory_space<vmem_shared>> -> memref<10112x16xf32, #tpu.memory_space<vmem_shared>>
          %dma_wait3A_1603 = tpu.memref_slice %arg14[%select_n3A_1472] : memref<4x!tpu.dma_semaphore, #tpu.memory_space<semaphore_mem>> -> memref<1x!tpu.dma_semaphore, #tpu.memory_space<semaphore_mem>>
          %dma_wait3A_1604 = tpu.memref_squeeze %dma_wait3A_1603 : memref<1x!tpu.dma_semaphore, #tpu.memory_space<semaphore_mem>> -> memref<!tpu.dma_semaphore, #tpu.memory_space<semaphore_mem>>
          tpu.wait_indirect_dma semaphore(%dma_wait3A_1604 : memref<!tpu.dma_semaphore, #tpu.memory_space<semaphore_mem>>) src(%dma_wait3A_1597 : memref<128x16xf32, #tpu.memory_space<vmem>>) dst(%dma_wait3A_1602 : memref<10112x16xf32, #tpu.memory_space<vmem_shared>>)
          %dma_wait3A_1605 = arith.constant 0 : i32
          %dma_wait3A_1606 = arith.constant 0 : i32
          %dma_wait3A_1607 = tpu.memref_slice %arg10[%select_n3A_1472, %dma_wait3A_1605, %dma_wait3A_1606] : memref<4x1024x16xf32, #tpu.memory_space<vmem>> -> memref<1x1024x16xf32, #tpu.memory_space<vmem>>
          %dma_wait3A_1608 = tpu.memref_squeeze %dma_wait3A_1607 : memref<1x1024x16xf32, #tpu.memory_space<vmem>> -> memref<1024x16xf32, #tpu.memory_space<vmem>>
          %dma_wait3A_1609 = arith.constant 0 : i32
          %dma_wait3A_1610 = arith.constant 0 : i32
          %dma_wait3A_1611 = tpu.memref_slice %dma_wait3A_1608[%dma_wait3A_1609, %dma_wait3A_1610] : memref<1024x16xf32, #tpu.memory_space<vmem>> -> memref<128x16xf32, #tpu.memory_space<vmem>>
          %dma_wait3A_1612 = arith.constant 0 : i32
          %dma_wait3A_1613 = tpu.memref_slice %arg9[%dma_wait3A_1612] : memref<10240xi32, #tpu.memory_space<vmem>> -> memref<128xi32, #tpu.memory_space<vmem>>
          %dma_wait3A_1614 = arith.constant 0 : i32
          %dma_wait3A_1615 = arith.constant 0 : i32
          %dma_wait3A_1616 = tpu.memref_slice %arg6[%dma_wait3A_1614, %dma_wait3A_1615] : memref<10112x16xf32, #tpu.memory_space<vmem_shared>> -> memref<10112x16xf32, #tpu.memory_space<vmem_shared>>
          %dma_wait3A_1617 = tpu.memref_slice %arg14[%select_n3A_1472] : memref<4x!tpu.dma_semaphore, #tpu.memory_space<semaphore_mem>> -> memref<1x!tpu.dma_semaphore, #tpu.memory_space<semaphore_mem>>
          %dma_wait3A_1618 = tpu.memref_squeeze %dma_wait3A_1617 : memref<1x!tpu.dma_semaphore, #tpu.memory_space<semaphore_mem>> -> memref<!tpu.dma_semaphore, #tpu.memory_space<semaphore_mem>>
          tpu.wait_indirect_dma semaphore(%dma_wait3A_1618 : memref<!tpu.dma_semaphore, #tpu.memory_space<semaphore_mem>>) src(%dma_wait3A_1611 : memref<128x16xf32, #tpu.memory_space<vmem>>) dst(%dma_wait3A_1616 : memref<10112x16xf32, #tpu.memory_space<vmem_shared>>)
          %dma_wait3A_1619 = arith.constant 0 : i32
          %dma_wait3A_1620 = arith.constant 0 : i32
          %dma_wait3A_1621 = tpu.memref_slice %arg10[%select_n3A_1472, %dma_wait3A_1619, %dma_wait3A_1620] : memref<4x1024x16xf32, #tpu.memory_space<vmem>> -> memref<1x1024x16xf32, #tpu.memory_space<vmem>>
          %dma_wait3A_1622 = tpu.memref_squeeze %dma_wait3A_1621 : memref<1x1024x16xf32, #tpu.memory_space<vmem>> -> memref<1024x16xf32, #tpu.memory_space<vmem>>
          %dma_wait3A_1623 = arith.constant 0 : i32
          %dma_wait3A_1624 = arith.constant 0 : i32
          %dma_wait3A_1625 = tpu.memref_slice %dma_wait3A_1622[%dma_wait3A_1623, %dma_wait3A_1624] : memref<1024x16xf32, #tpu.memory_space<vmem>> -> memref<128x16xf32, #tpu.memory_space<vmem>>
          %dma_wait3A_1626 = arith.constant 0 : i32
          %dma_wait3A_1627 = tpu.memref_slice %arg9[%dma_wait3A_1626] : memref<10240xi32, #tpu.memory_space<vmem>> -> memref<128xi32, #tpu.memory_space<vmem>>
          %dma_wait3A_1628 = arith.constant 0 : i32
          %dma_wait3A_1629 = arith.constant 0 : i32
          %dma_wait3A_1630 = tpu.memref_slice %arg6[%dma_wait3A_1628, %dma_wait3A_1629] : memref<10112x16xf32, #tpu.memory_space<vmem_shared>> -> memref<10112x16xf32, #tpu.memory_space<vmem_shared>>
          %dma_wait3A_1631 = tpu.memref_slice %arg14[%select_n3A_1472] : memref<4x!tpu.dma_semaphore, #tpu.memory_space<semaphore_mem>> -> memref<1x!tpu.dma_semaphore, #tpu.memory_space<semaphore_mem>>
          %dma_wait3A_1632 = tpu.memref_squeeze %dma_wait3A_1631 : memref<1x!tpu.dma_semaphore, #tpu.memory_space<semaphore_mem>> -> memref<!tpu.dma_semaphore, #tpu.memory_space<semaphore_mem>>
          tpu.wait_indirect_dma semaphore(%dma_wait3A_1632 : memref<!tpu.dma_semaphore, #tpu.memory_space<semaphore_mem>>) src(%dma_wait3A_1625 : memref<128x16xf32, #tpu.memory_space<vmem>>) dst(%dma_wait3A_1630 : memref<10112x16xf32, #tpu.memory_space<vmem_shared>>)
          %dma_wait3A_1633 = arith.constant 0 : i32
          %dma_wait3A_1634 = arith.constant 0 : i32
          %dma_wait3A_1635 = tpu.memref_slice %arg10[%select_n3A_1472, %dma_wait3A_1633, %dma_wait3A_1634] : memref<4x1024x16xf32, #tpu.memory_space<vmem>> -> memref<1x1024x16xf32, #tpu.memory_space<vmem>>
          %dma_wait3A_1636 = tpu.memref_squeeze %dma_wait3A_1635 : memref<1x1024x16xf32, #tpu.memory_space<vmem>> -> memref<1024x16xf32, #tpu.memory_space<vmem>>
          %dma_wait3A_1637 = arith.constant 0 : i32
          %dma_wait3A_1638 = arith.constant 0 : i32
          %dma_wait3A_1639 = tpu.memref_slice %dma_wait3A_1636[%dma_wait3A_1637, %dma_wait3A_1638] : memref<1024x16xf32, #tpu.memory_space<vmem>> -> memref<128x16xf32, #tpu.memory_space<vmem>>
          %dma_wait3A_1640 = arith.constant 0 : i32
          %dma_wait3A_1641 = tpu.memref_slice %arg9[%dma_wait3A_1640] : memref<10240xi32, #tpu.memory_space<vmem>> -> memref<128xi32, #tpu.memory_space<vmem>>
          %dma_wait3A_1642 = arith.constant 0 : i32
          %dma_wait3A_1643 = arith.constant 0 : i32
          %dma_wait3A_1644 = tpu.memref_slice %arg6[%dma_wait3A_1642, %dma_wait3A_1643] : memref<10112x16xf32, #tpu.memory_space<vmem_shared>> -> memref<10112x16xf32, #tpu.memory_space<vmem_shared>>
          %dma_wait3A_1645 = tpu.memref_slice %arg14[%select_n3A_1472] : memref<4x!tpu.dma_semaphore, #tpu.memory_space<semaphore_mem>> -> memref<1x!tpu.dma_semaphore, #tpu.memory_space<semaphore_mem>>
          %dma_wait3A_1646 = tpu.memref_squeeze %dma_wait3A_1645 : memref<1x!tpu.dma_semaphore, #tpu.memory_space<semaphore_mem>> -> memref<!tpu.dma_semaphore, #tpu.memory_space<semaphore_mem>>
          tpu.wait_indirect_dma semaphore(%dma_wait3A_1646 : memref<!tpu.dma_semaphore, #tpu.memory_space<semaphore_mem>>) src(%dma_wait3A_1639 : memref<128x16xf32, #tpu.memory_space<vmem>>) dst(%dma_wait3A_1644 : memref<10112x16xf32, #tpu.memory_space<vmem_shared>>)
          %dma_wait3A_1647 = arith.constant 0 : i32
          %dma_wait3A_1648 = arith.constant 0 : i32
          %dma_wait3A_1649 = tpu.memref_slice %arg10[%select_n3A_1472, %dma_wait3A_1647, %dma_wait3A_1648] : memref<4x1024x16xf32, #tpu.memory_space<vmem>> -> memref<1x1024x16xf32, #tpu.memory_space<vmem>>
          %dma_wait3A_1650 = tpu.memref_squeeze %dma_wait3A_1649 : memref<1x1024x16xf32, #tpu.memory_space<vmem>> -> memref<1024x16xf32, #tpu.memory_space<vmem>>
          %dma_wait3A_1651 = arith.constant 0 : i32
          %dma_wait3A_1652 = arith.constant 0 : i32
          %dma_wait3A_1653 = tpu.memref_slice %dma_wait3A_1650[%dma_wait3A_1651, %dma_wait3A_1652] : memref<1024x16xf32, #tpu.memory_space<vmem>> -> memref<128x16xf32, #tpu.memory_space<vmem>>
          %dma_wait3A_1654 = arith.constant 0 : i32
          %dma_wait3A_1655 = tpu.memref_slice %arg9[%dma_wait3A_1654] : memref<10240xi32, #tpu.memory_space<vmem>> -> memref<128xi32, #tpu.memory_space<vmem>>
          %dma_wait3A_1656 = arith.constant 0 : i32
          %dma_wait3A_1657 = arith.constant 0 : i32
          %dma_wait3A_1658 = tpu.memref_slice %arg6[%dma_wait3A_1656, %dma_wait3A_1657] : memref<10112x16xf32, #tpu.memory_space<vmem_shared>> -> memref<10112x16xf32, #tpu.memory_space<vmem_shared>>
          %dma_wait3A_1659 = tpu.memref_slice %arg14[%select_n3A_1472] : memref<4x!tpu.dma_semaphore, #tpu.memory_space<semaphore_mem>> -> memref<1x!tpu.dma_semaphore, #tpu.memory_space<semaphore_mem>>
          %dma_wait3A_1660 = tpu.memref_squeeze %dma_wait3A_1659 : memref<1x!tpu.dma_semaphore, #tpu.memory_space<semaphore_mem>> -> memref<!tpu.dma_semaphore, #tpu.memory_space<semaphore_mem>>
          tpu.wait_indirect_dma semaphore(%dma_wait3A_1660 : memref<!tpu.dma_semaphore, #tpu.memory_space<semaphore_mem>>) src(%dma_wait3A_1653 : memref<128x16xf32, #tpu.memory_space<vmem>>) dst(%dma_wait3A_1658 : memref<10112x16xf32, #tpu.memory_space<vmem_shared>>)
          %dma_wait3A_1661 = arith.constant 0 : i32
          %dma_wait3A_1662 = arith.constant 0 : i32
          %dma_wait3A_1663 = tpu.memref_slice %arg10[%select_n3A_1472, %dma_wait3A_1661, %dma_wait3A_1662] : memref<4x1024x16xf32, #tpu.memory_space<vmem>> -> memref<1x1024x16xf32, #tpu.memory_space<vmem>>
          %dma_wait3A_1664 = tpu.memref_squeeze %dma_wait3A_1663 : memref<1x1024x16xf32, #tpu.memory_space<vmem>> -> memref<1024x16xf32, #tpu.memory_space<vmem>>
          %dma_wait3A_1665 = arith.constant 0 : i32
          %dma_wait3A_1666 = arith.constant 0 : i32
          %dma_wait3A_1667 = tpu.memref_slice %dma_wait3A_1664[%dma_wait3A_1665, %dma_wait3A_1666] : memref<1024x16xf32, #tpu.memory_space<vmem>> -> memref<128x16xf32, #tpu.memory_space<vmem>>
          %dma_wait3A_1668 = arith.constant 0 : i32
          %dma_wait3A_1669 = tpu.memref_slice %arg9[%dma_wait3A_1668] : memref<10240xi32, #tpu.memory_space<vmem>> -> memref<128xi32, #tpu.memory_space<vmem>>
          %dma_wait3A_1670 = arith.constant 0 : i32
          %dma_wait3A_1671 = arith.constant 0 : i32
          %dma_wait3A_1672 = tpu.memref_slice %arg6[%dma_wait3A_1670, %dma_wait3A_1671] : memref<10112x16xf32, #tpu.memory_space<vmem_shared>> -> memref<10112x16xf32, #tpu.memory_space<vmem_shared>>
          %dma_wait3A_1673 = tpu.memref_slice %arg14[%select_n3A_1472] : memref<4x!tpu.dma_semaphore, #tpu.memory_space<semaphore_mem>> -> memref<1x!tpu.dma_semaphore, #tpu.memory_space<semaphore_mem>>
          %dma_wait3A_1674 = tpu.memref_squeeze %dma_wait3A_1673 : memref<1x!tpu.dma_semaphore, #tpu.memory_space<semaphore_mem>> -> memref<!tpu.dma_semaphore, #tpu.memory_space<semaphore_mem>>
          tpu.wait_indirect_dma semaphore(%dma_wait3A_1674 : memref<!tpu.dma_semaphore, #tpu.memory_space<semaphore_mem>>) src(%dma_wait3A_1667 : memref<128x16xf32, #tpu.memory_space<vmem>>) dst(%dma_wait3A_1672 : memref<10112x16xf32, #tpu.memory_space<vmem_shared>>)
          %dma_wait3A_1675 = arith.constant 0 : i32
          %dma_wait3A_1676 = arith.constant 0 : i32
          %dma_wait3A_1677 = tpu.memref_slice %arg10[%select_n3A_1472, %dma_wait3A_1675, %dma_wait3A_1676] : memref<4x1024x16xf32, #tpu.memory_space<vmem>> -> memref<1x1024x16xf32, #tpu.memory_space<vmem>>
          %dma_wait3A_1678 = tpu.memref_squeeze %dma_wait3A_1677 : memref<1x1024x16xf32, #tpu.memory_space<vmem>> -> memref<1024x16xf32, #tpu.memory_space<vmem>>
          %dma_wait3A_1679 = arith.constant 0 : i32
          %dma_wait3A_1680 = arith.constant 0 : i32
          %dma_wait3A_1681 = tpu.memref_slice %dma_wait3A_1678[%dma_wait3A_1679, %dma_wait3A_1680] : memref<1024x16xf32, #tpu.memory_space<vmem>> -> memref<128x16xf32, #tpu.memory_space<vmem>>
          %dma_wait3A_1682 = arith.constant 0 : i32
          %dma_wait3A_1683 = tpu.memref_slice %arg9[%dma_wait3A_1682] : memref<10240xi32, #tpu.memory_space<vmem>> -> memref<128xi32, #tpu.memory_space<vmem>>
          %dma_wait3A_1684 = arith.constant 0 : i32
          %dma_wait3A_1685 = arith.constant 0 : i32
          %dma_wait3A_1686 = tpu.memref_slice %arg6[%dma_wait3A_1684, %dma_wait3A_1685] : memref<10112x16xf32, #tpu.memory_space<vmem_shared>> -> memref<10112x16xf32, #tpu.memory_space<vmem_shared>>
          %dma_wait3A_1687 = tpu.memref_slice %arg14[%select_n3A_1472] : memref<4x!tpu.dma_semaphore, #tpu.memory_space<semaphore_mem>> -> memref<1x!tpu.dma_semaphore, #tpu.memory_space<semaphore_mem>>
          %dma_wait3A_1688 = tpu.memref_squeeze %dma_wait3A_1687 : memref<1x!tpu.dma_semaphore, #tpu.memory_space<semaphore_mem>> -> memref<!tpu.dma_semaphore, #tpu.memory_space<semaphore_mem>>
          tpu.wait_indirect_dma semaphore(%dma_wait3A_1688 : memref<!tpu.dma_semaphore, #tpu.memory_space<semaphore_mem>>) src(%dma_wait3A_1681 : memref<128x16xf32, #tpu.memory_space<vmem>>) dst(%dma_wait3A_1686 : memref<10112x16xf32, #tpu.memory_space<vmem_shared>>)
          %dma_wait3A_1689 = arith.constant 0 : i32
          %dma_wait3A_1690 = arith.constant 0 : i32
          %dma_wait3A_1691 = tpu.memref_slice %arg10[%select_n3A_1472, %dma_wait3A_1689, %dma_wait3A_1690] : memref<4x1024x16xf32, #tpu.memory_space<vmem>> -> memref<1x1024x16xf32, #tpu.memory_space<vmem>>
          %dma_wait3A_1692 = tpu.memref_squeeze %dma_wait3A_1691 : memref<1x1024x16xf32, #tpu.memory_space<vmem>> -> memref<1024x16xf32, #tpu.memory_space<vmem>>
          %dma_wait3A_1693 = arith.constant 0 : i32
          %dma_wait3A_1694 = arith.constant 0 : i32
          %dma_wait3A_1695 = tpu.memref_slice %dma_wait3A_1692[%dma_wait3A_1693, %dma_wait3A_1694] : memref<1024x16xf32, #tpu.memory_space<vmem>> -> memref<128x16xf32, #tpu.memory_space<vmem>>
          %dma_wait3A_1696 = arith.constant 0 : i32
          %dma_wait3A_1697 = tpu.memref_slice %arg9[%dma_wait3A_1696] : memref<10240xi32, #tpu.memory_space<vmem>> -> memref<128xi32, #tpu.memory_space<vmem>>
          %dma_wait3A_1698 = arith.constant 0 : i32
          %dma_wait3A_1699 = arith.constant 0 : i32
          %dma_wait3A_1700 = tpu.memref_slice %arg6[%dma_wait3A_1698, %dma_wait3A_1699] : memref<10112x16xf32, #tpu.memory_space<vmem_shared>> -> memref<10112x16xf32, #tpu.memory_space<vmem_shared>>
          %dma_wait3A_1701 = tpu.memref_slice %arg14[%select_n3A_1472] : memref<4x!tpu.dma_semaphore, #tpu.memory_space<semaphore_mem>> -> memref<1x!tpu.dma_semaphore, #tpu.memory_space<semaphore_mem>>
          %dma_wait3A_1702 = tpu.memref_squeeze %dma_wait3A_1701 : memref<1x!tpu.dma_semaphore, #tpu.memory_space<semaphore_mem>> -> memref<!tpu.dma_semaphore, #tpu.memory_space<semaphore_mem>>
          tpu.wait_indirect_dma semaphore(%dma_wait3A_1702 : memref<!tpu.dma_semaphore, #tpu.memory_space<semaphore_mem>>) src(%dma_wait3A_1695 : memref<128x16xf32, #tpu.memory_space<vmem>>) dst(%dma_wait3A_1700 : memref<10112x16xf32, #tpu.memory_space<vmem_shared>>)
          %dma_wait3A_1703 = arith.constant 0 : i32
          %dma_wait3A_1704 = arith.constant 0 : i32
          %dma_wait3A_1705 = tpu.memref_slice %arg10[%select_n3A_1472, %dma_wait3A_1703, %dma_wait3A_1704] : memref<4x1024x16xf32, #tpu.memory_space<vmem>> -> memref<1x1024x16xf32, #tpu.memory_space<vmem>>
          %dma_wait3A_1706 = tpu.memref_squeeze %dma_wait3A_1705 : memref<1x1024x16xf32, #tpu.memory_space<vmem>> -> memref<1024x16xf32, #tpu.memory_space<vmem>>
          %dma_wait3A_1707 = arith.constant 0 : i32
          %dma_wait3A_1708 = arith.constant 0 : i32
          %dma_wait3A_1709 = tpu.memref_slice %dma_wait3A_1706[%dma_wait3A_1707, %dma_wait3A_1708] : memref<1024x16xf32, #tpu.memory_space<vmem>> -> memref<128x16xf32, #tpu.memory_space<vmem>>
          %dma_wait3A_1710 = arith.constant 0 : i32
          %dma_wait3A_1711 = tpu.memref_slice %arg9[%dma_wait3A_1710] : memref<10240xi32, #tpu.memory_space<vmem>> -> memref<128xi32, #tpu.memory_space<vmem>>
          %dma_wait3A_1712 = arith.constant 0 : i32
          %dma_wait3A_1713 = arith.constant 0 : i32
          %dma_wait3A_1714 = tpu.memref_slice %arg6[%dma_wait3A_1712, %dma_wait3A_1713] : memref<10112x16xf32, #tpu.memory_space<vmem_shared>> -> memref<10112x16xf32, #tpu.memory_space<vmem_shared>>
          %dma_wait3A_1715 = tpu.memref_slice %arg14[%select_n3A_1472] : memref<4x!tpu.dma_semaphore, #tpu.memory_space<semaphore_mem>> -> memref<1x!tpu.dma_semaphore, #tpu.memory_space<semaphore_mem>>
          %dma_wait3A_1716 = tpu.memref_squeeze %dma_wait3A_1715 : memref<1x!tpu.dma_semaphore, #tpu.memory_space<semaphore_mem>> -> memref<!tpu.dma_semaphore, #tpu.memory_space<semaphore_mem>>
          tpu.wait_indirect_dma semaphore(%dma_wait3A_1716 : memref<!tpu.dma_semaphore, #tpu.memory_space<semaphore_mem>>) src(%dma_wait3A_1709 : memref<128x16xf32, #tpu.memory_space<vmem>>) dst(%dma_wait3A_1714 : memref<10112x16xf32, #tpu.memory_space<vmem_shared>>)
        } else {
        }
        %add3A_1477 = arith.constant 4 : i32
        %add3A_1478 = arith.addi %scan3A_1226, %add3A_1477 : i32
        %sub3A_1479 = arith.constant 1 : i32
        %sub3A_1480 = arith.subi %add3A_1478, %sub3A_1479 : i32
        %mul3A_1481 = arith.constant 1024 : i32
        %mul3A_1482 = arith.muli %sub3A_1480, %mul3A_1481 : i32
        %dma_start3A_1483 = arith.constant 0 : i32
        %dma_start3A_1484 = arith.constant 0 : i32
        %dma_start3A_1485 = tpu.memref_slice %arg10[%select_n3A_1472, %dma_start3A_1483, %dma_start3A_1484] : memref<4x1024x16xf32, #tpu.memory_space<vmem>> -> memref<1x1024x16xf32, #tpu.memory_space<vmem>>
        %dma_start3A_1486 = tpu.memref_squeeze %dma_start3A_1485 : memref<1x1024x16xf32, #tpu.memory_space<vmem>> -> memref<1024x16xf32, #tpu.memory_space<vmem>>
        %dma_start3A_1487 = tpu.memref_slice %arg8[%mul3A_1482] : memref<10240xi32, #tpu.memory_space<vmem>> -> memref<1024xi32, #tpu.memory_space<vmem>>
        %dma_start3A_1488 = arith.constant 0 : i32
        %dma_start3A_1489 = arith.constant 0 : i32
        %dma_start3A_1490 = tpu.memref_slice %arg2[%dma_start3A_1488, %dma_start3A_1489] : memref<10000x16xf32, #tpu.memory_space<hbm>> -> memref<10000x16xf32, #tpu.memory_space<hbm>>
        %dma_start3A_1491 = tpu.memref_slice %arg13[%select_n3A_1472] : memref<4x!tpu.dma_semaphore, #tpu.memory_space<semaphore_mem>> -> memref<1x!tpu.dma_semaphore, #tpu.memory_space<semaphore_mem>>
        %dma_start3A_1492 = tpu.memref_squeeze %dma_start3A_1491 : memref<1x!tpu.dma_semaphore, #tpu.memory_space<semaphore_mem>> -> memref<!tpu.dma_semaphore, #tpu.memory_space<semaphore_mem>>
        tpu.enqueue_indirect_dma source(%dma_start3A_1490 : memref<10000x16xf32, #tpu.memory_space<hbm>>) target(%dma_start3A_1486 : memref<1024x16xf32, #tpu.memory_space<vmem>>) offsets(%dma_start3A_1487 : memref<1024xi32, #tpu.memory_space<vmem>>) semaphore(%dma_start3A_1492 : memref<!tpu.dma_semaphore, #tpu.memory_space<semaphore_mem>>)
      } else {
      }
    }
    %scan3A_193 = arith.constant 10 : i32
    %dma_wait3A = arith.constant 1 : i32
    %dma_wait3A_194 = arith.constant 1 : i32
    %dma_wait3A_195 = arith.constant 0 : i32
    %dma_wait3A_196 = arith.constant 0 : i32
    %dma_wait3A_197 = tpu.memref_slice %arg10[%dma_wait3A, %dma_wait3A_195, %dma_wait3A_196] : memref<4x1024x16xf32, #tpu.memory_space<vmem>> -> memref<1x1024x16xf32, #tpu.memory_space<vmem>>
    %dma_wait3A_198 = tpu.memref_squeeze %dma_wait3A_197 : memref<1x1024x16xf32, #tpu.memory_space<vmem>> -> memref<1024x16xf32, #tpu.memory_space<vmem>>
    %dma_wait3A_199 = arith.constant 0 : i32
    %dma_wait3A_200 = arith.constant 0 : i32
    %dma_wait3A_201 = tpu.memref_slice %dma_wait3A_198[%dma_wait3A_199, %dma_wait3A_200] : memref<1024x16xf32, #tpu.memory_space<vmem>> -> memref<128x16xf32, #tpu.memory_space<vmem>>
    %dma_wait3A_202 = arith.constant 0 : i32
    %dma_wait3A_203 = tpu.memref_slice %arg9[%dma_wait3A_202] : memref<10240xi32, #tpu.memory_space<vmem>> -> memref<128xi32, #tpu.memory_space<vmem>>
    %dma_wait3A_204 = arith.constant 0 : i32
    %dma_wait3A_205 = arith.constant 0 : i32
    %dma_wait3A_206 = tpu.memref_slice %arg6[%dma_wait3A_204, %dma_wait3A_205] : memref<10112x16xf32, #tpu.memory_space<vmem_shared>> -> memref<10112x16xf32, #tpu.memory_space<vmem_shared>>
    %dma_wait3A_207 = tpu.memref_slice %arg14[%dma_wait3A_194] : memref<4x!tpu.dma_semaphore, #tpu.memory_space<semaphore_mem>> -> memref<1x!tpu.dma_semaphore, #tpu.memory_space<semaphore_mem>>
    %dma_wait3A_208 = tpu.memref_squeeze %dma_wait3A_207 : memref<1x!tpu.dma_semaphore, #tpu.memory_space<semaphore_mem>> -> memref<!tpu.dma_semaphore, #tpu.memory_space<semaphore_mem>>
    tpu.wait_indirect_dma semaphore(%dma_wait3A_208 : memref<!tpu.dma_semaphore, #tpu.memory_space<semaphore_mem>>) src(%dma_wait3A_201 : memref<128x16xf32, #tpu.memory_space<vmem>>) dst(%dma_wait3A_206 : memref<10112x16xf32, #tpu.memory_space<vmem_shared>>)
    %dma_wait3A_209 = arith.constant 1 : i32
    %dma_wait3A_210 = arith.constant 1 : i32
    %dma_wait3A_211 = arith.constant 0 : i32
    %dma_wait3A_212 = arith.constant 0 : i32
    %dma_wait3A_213 = tpu.memref_slice %arg10[%dma_wait3A_209, %dma_wait3A_211, %dma_wait3A_212] : memref<4x1024x16xf32, #tpu.memory_space<vmem>> -> memref<1x1024x16xf32, #tpu.memory_space<vmem>>
    %dma_wait3A_214 = tpu.memref_squeeze %dma_wait3A_213 : memref<1x1024x16xf32, #tpu.memory_space<vmem>> -> memref<1024x16xf32, #tpu.memory_space<vmem>>
    %dma_wait3A_215 = arith.constant 0 : i32
    %dma_wait3A_216 = arith.constant 0 : i32
    %dma_wait3A_217 = tpu.memref_slice %dma_wait3A_214[%dma_wait3A_215, %dma_wait3A_216] : memref<1024x16xf32, #tpu.memory_space<vmem>> -> memref<128x16xf32, #tpu.memory_space<vmem>>
    %dma_wait3A_218 = arith.constant 0 : i32
    %dma_wait3A_219 = tpu.memref_slice %arg9[%dma_wait3A_218] : memref<10240xi32, #tpu.memory_space<vmem>> -> memref<128xi32, #tpu.memory_space<vmem>>
    %dma_wait3A_220 = arith.constant 0 : i32
    %dma_wait3A_221 = arith.constant 0 : i32
    %dma_wait3A_222 = tpu.memref_slice %arg6[%dma_wait3A_220, %dma_wait3A_221] : memref<10112x16xf32, #tpu.memory_space<vmem_shared>> -> memref<10112x16xf32, #tpu.memory_space<vmem_shared>>
    %dma_wait3A_223 = tpu.memref_slice %arg14[%dma_wait3A_210] : memref<4x!tpu.dma_semaphore, #tpu.memory_space<semaphore_mem>> -> memref<1x!tpu.dma_semaphore, #tpu.memory_space<semaphore_mem>>
    %dma_wait3A_224 = tpu.memref_squeeze %dma_wait3A_223 : memref<1x!tpu.dma_semaphore, #tpu.memory_space<semaphore_mem>> -> memref<!tpu.dma_semaphore, #tpu.memory_space<semaphore_mem>>
    tpu.wait_indirect_dma semaphore(%dma_wait3A_224 : memref<!tpu.dma_semaphore, #tpu.memory_space<semaphore_mem>>) src(%dma_wait3A_217 : memref<128x16xf32, #tpu.memory_space<vmem>>) dst(%dma_wait3A_222 : memref<10112x16xf32, #tpu.memory_space<vmem_shared>>)
    %dma_wait3A_225 = arith.constant 1 : i32
    %dma_wait3A_226 = arith.constant 1 : i32
    %dma_wait3A_227 = arith.constant 0 : i32
    %dma_wait3A_228 = arith.constant 0 : i32
    %dma_wait3A_229 = tpu.memref_slice %arg10[%dma_wait3A_225, %dma_wait3A_227, %dma_wait3A_228] : memref<4x1024x16xf32, #tpu.memory_space<vmem>> -> memref<1x1024x16xf32, #tpu.memory_space<vmem>>
    %dma_wait3A_230 = tpu.memref_squeeze %dma_wait3A_229 : memref<1x1024x16xf32, #tpu.memory_space<vmem>> -> memref<1024x16xf32, #tpu.memory_space<vmem>>
    %dma_wait3A_231 = arith.constant 0 : i32
    %dma_wait3A_232 = arith.constant 0 : i32
    %dma_wait3A_233 = tpu.memref_slice %dma_wait3A_230[%dma_wait3A_231, %dma_wait3A_232] : memref<1024x16xf32, #tpu.memory_space<vmem>> -> memref<128x16xf32, #tpu.memory_space<vmem>>
    %dma_wait3A_234 = arith.constant 0 : i32
    %dma_wait3A_235 = tpu.memref_slice %arg9[%dma_wait3A_234] : memref<10240xi32, #tpu.memory_space<vmem>> -> memref<128xi32, #tpu.memory_space<vmem>>
    %dma_wait3A_236 = arith.constant 0 : i32
    %dma_wait3A_237 = arith.constant 0 : i32
    %dma_wait3A_238 = tpu.memref_slice %arg6[%dma_wait3A_236, %dma_wait3A_237] : memref<10112x16xf32, #tpu.memory_space<vmem_shared>> -> memref<10112x16xf32, #tpu.memory_space<vmem_shared>>
    %dma_wait3A_239 = tpu.memref_slice %arg14[%dma_wait3A_226] : memref<4x!tpu.dma_semaphore, #tpu.memory_space<semaphore_mem>> -> memref<1x!tpu.dma_semaphore, #tpu.memory_space<semaphore_mem>>
    %dma_wait3A_240 = tpu.memref_squeeze %dma_wait3A_239 : memref<1x!tpu.dma_semaphore, #tpu.memory_space<semaphore_mem>> -> memref<!tpu.dma_semaphore, #tpu.memory_space<semaphore_mem>>
    tpu.wait_indirect_dma semaphore(%dma_wait3A_240 : memref<!tpu.dma_semaphore, #tpu.memory_space<semaphore_mem>>) src(%dma_wait3A_233 : memref<128x16xf32, #tpu.memory_space<vmem>>) dst(%dma_wait3A_238 : memref<10112x16xf32, #tpu.memory_space<vmem_shared>>)
    %dma_wait3A_241 = arith.constant 1 : i32
    %dma_wait3A_242 = arith.constant 1 : i32
    %dma_wait3A_243 = arith.constant 0 : i32
    %dma_wait3A_244 = arith.constant 0 : i32
    %dma_wait3A_245 = tpu.memref_slice %arg10[%dma_wait3A_241, %dma_wait3A_243, %dma_wait3A_244] : memref<4x1024x16xf32, #tpu.memory_space<vmem>> -> memref<1x1024x16xf32, #tpu.memory_space<vmem>>
    %dma_wait3A_246 = tpu.memref_squeeze %dma_wait3A_245 : memref<1x1024x16xf32, #tpu.memory_space<vmem>> -> memref<1024x16xf32, #tpu.memory_space<vmem>>
    %dma_wait3A_247 = arith.constant 0 : i32
    %dma_wait3A_248 = arith.constant 0 : i32
    %dma_wait3A_249 = tpu.memref_slice %dma_wait3A_246[%dma_wait3A_247, %dma_wait3A_248] : memref<1024x16xf32, #tpu.memory_space<vmem>> -> memref<128x16xf32, #tpu.memory_space<vmem>>
    %dma_wait3A_250 = arith.constant 0 : i32
    %dma_wait3A_251 = tpu.memref_slice %arg9[%dma_wait3A_250] : memref<10240xi32, #tpu.memory_space<vmem>> -> memref<128xi32, #tpu.memory_space<vmem>>
    %dma_wait3A_252 = arith.constant 0 : i32
    %dma_wait3A_253 = arith.constant 0 : i32
    %dma_wait3A_254 = tpu.memref_slice %arg6[%dma_wait3A_252, %dma_wait3A_253] : memref<10112x16xf32, #tpu.memory_space<vmem_shared>> -> memref<10112x16xf32, #tpu.memory_space<vmem_shared>>
    %dma_wait3A_255 = tpu.memref_slice %arg14[%dma_wait3A_242] : memref<4x!tpu.dma_semaphore, #tpu.memory_space<semaphore_mem>> -> memref<1x!tpu.dma_semaphore, #tpu.memory_space<semaphore_mem>>
    %dma_wait3A_256 = tpu.memref_squeeze %dma_wait3A_255 : memref<1x!tpu.dma_semaphore, #tpu.memory_space<semaphore_mem>> -> memref<!tpu.dma_semaphore, #tpu.memory_space<semaphore_mem>>
    tpu.wait_indirect_dma semaphore(%dma_wait3A_256 : memref<!tpu.dma_semaphore, #tpu.memory_space<semaphore_mem>>) src(%dma_wait3A_249 : memref<128x16xf32, #tpu.memory_space<vmem>>) dst(%dma_wait3A_254 : memref<10112x16xf32, #tpu.memory_space<vmem_shared>>)
    %dma_wait3A_257 = arith.constant 1 : i32
    %dma_wait3A_258 = arith.constant 1 : i32
    %dma_wait3A_259 = arith.constant 0 : i32
    %dma_wait3A_260 = arith.constant 0 : i32
    %dma_wait3A_261 = tpu.memref_slice %arg10[%dma_wait3A_257, %dma_wait3A_259, %dma_wait3A_260] : memref<4x1024x16xf32, #tpu.memory_space<vmem>> -> memref<1x1024x16xf32, #tpu.memory_space<vmem>>
    %dma_wait3A_262 = tpu.memref_squeeze %dma_wait3A_261 : memref<1x1024x16xf32, #tpu.memory_space<vmem>> -> memref<1024x16xf32, #tpu.memory_space<vmem>>
    %dma_wait3A_263 = arith.constant 0 : i32
    %dma_wait3A_264 = arith.constant 0 : i32
    %dma_wait3A_265 = tpu.memref_slice %dma_wait3A_262[%dma_wait3A_263, %dma_wait3A_264] : memref<1024x16xf32, #tpu.memory_space<vmem>> -> memref<128x16xf32, #tpu.memory_space<vmem>>
    %dma_wait3A_266 = arith.constant 0 : i32
    %dma_wait3A_267 = tpu.memref_slice %arg9[%dma_wait3A_266] : memref<10240xi32, #tpu.memory_space<vmem>> -> memref<128xi32, #tpu.memory_space<vmem>>
    %dma_wait3A_268 = arith.constant 0 : i32
    %dma_wait3A_269 = arith.constant 0 : i32
    %dma_wait3A_270 = tpu.memref_slice %arg6[%dma_wait3A_268, %dma_wait3A_269] : memref<10112x16xf32, #tpu.memory_space<vmem_shared>> -> memref<10112x16xf32, #tpu.memory_space<vmem_shared>>
    %dma_wait3A_271 = tpu.memref_slice %arg14[%dma_wait3A_258] : memref<4x!tpu.dma_semaphore, #tpu.memory_space<semaphore_mem>> -> memref<1x!tpu.dma_semaphore, #tpu.memory_space<semaphore_mem>>
    %dma_wait3A_272 = tpu.memref_squeeze %dma_wait3A_271 : memref<1x!tpu.dma_semaphore, #tpu.memory_space<semaphore_mem>> -> memref<!tpu.dma_semaphore, #tpu.memory_space<semaphore_mem>>
    tpu.wait_indirect_dma semaphore(%dma_wait3A_272 : memref<!tpu.dma_semaphore, #tpu.memory_space<semaphore_mem>>) src(%dma_wait3A_265 : memref<128x16xf32, #tpu.memory_space<vmem>>) dst(%dma_wait3A_270 : memref<10112x16xf32, #tpu.memory_space<vmem_shared>>)
    %dma_wait3A_273 = arith.constant 1 : i32
    %dma_wait3A_274 = arith.constant 1 : i32
    %dma_wait3A_275 = arith.constant 0 : i32
    %dma_wait3A_276 = arith.constant 0 : i32
    %dma_wait3A_277 = tpu.memref_slice %arg10[%dma_wait3A_273, %dma_wait3A_275, %dma_wait3A_276] : memref<4x1024x16xf32, #tpu.memory_space<vmem>> -> memref<1x1024x16xf32, #tpu.memory_space<vmem>>
    %dma_wait3A_278 = tpu.memref_squeeze %dma_wait3A_277 : memref<1x1024x16xf32, #tpu.memory_space<vmem>> -> memref<1024x16xf32, #tpu.memory_space<vmem>>
    %dma_wait3A_279 = arith.constant 0 : i32
    %dma_wait3A_280 = arith.constant 0 : i32
    %dma_wait3A_281 = tpu.memref_slice %dma_wait3A_278[%dma_wait3A_279, %dma_wait3A_280] : memref<1024x16xf32, #tpu.memory_space<vmem>> -> memref<128x16xf32, #tpu.memory_space<vmem>>
    %dma_wait3A_282 = arith.constant 0 : i32
    %dma_wait3A_283 = tpu.memref_slice %arg9[%dma_wait3A_282] : memref<10240xi32, #tpu.memory_space<vmem>> -> memref<128xi32, #tpu.memory_space<vmem>>
    %dma_wait3A_284 = arith.constant 0 : i32
    %dma_wait3A_285 = arith.constant 0 : i32
    %dma_wait3A_286 = tpu.memref_slice %arg6[%dma_wait3A_284, %dma_wait3A_285] : memref<10112x16xf32, #tpu.memory_space<vmem_shared>> -> memref<10112x16xf32, #tpu.memory_space<vmem_shared>>
    %dma_wait3A_287 = tpu.memref_slice %arg14[%dma_wait3A_274] : memref<4x!tpu.dma_semaphore, #tpu.memory_space<semaphore_mem>> -> memref<1x!tpu.dma_semaphore, #tpu.memory_space<semaphore_mem>>
    %dma_wait3A_288 = tpu.memref_squeeze %dma_wait3A_287 : memref<1x!tpu.dma_semaphore, #tpu.memory_space<semaphore_mem>> -> memref<!tpu.dma_semaphore, #tpu.memory_space<semaphore_mem>>
    tpu.wait_indirect_dma semaphore(%dma_wait3A_288 : memref<!tpu.dma_semaphore, #tpu.memory_space<semaphore_mem>>) src(%dma_wait3A_281 : memref<128x16xf32, #tpu.memory_space<vmem>>) dst(%dma_wait3A_286 : memref<10112x16xf32, #tpu.memory_space<vmem_shared>>)
    %dma_wait3A_289 = arith.constant 1 : i32
    %dma_wait3A_290 = arith.constant 1 : i32
    %dma_wait3A_291 = arith.constant 0 : i32
    %dma_wait3A_292 = arith.constant 0 : i32
    %dma_wait3A_293 = tpu.memref_slice %arg10[%dma_wait3A_289, %dma_wait3A_291, %dma_wait3A_292] : memref<4x1024x16xf32, #tpu.memory_space<vmem>> -> memref<1x1024x16xf32, #tpu.memory_space<vmem>>
    %dma_wait3A_294 = tpu.memref_squeeze %dma_wait3A_293 : memref<1x1024x16xf32, #tpu.memory_space<vmem>> -> memref<1024x16xf32, #tpu.memory_space<vmem>>
    %dma_wait3A_295 = arith.constant 0 : i32
    %dma_wait3A_296 = arith.constant 0 : i32
    %dma_wait3A_297 = tpu.memref_slice %dma_wait3A_294[%dma_wait3A_295, %dma_wait3A_296] : memref<1024x16xf32, #tpu.memory_space<vmem>> -> memref<128x16xf32, #tpu.memory_space<vmem>>
    %dma_wait3A_298 = arith.constant 0 : i32
    %dma_wait3A_299 = tpu.memref_slice %arg9[%dma_wait3A_298] : memref<10240xi32, #tpu.memory_space<vmem>> -> memref<128xi32, #tpu.memory_space<vmem>>
    %dma_wait3A_300 = arith.constant 0 : i32
    %dma_wait3A_301 = arith.constant 0 : i32
    %dma_wait3A_302 = tpu.memref_slice %arg6[%dma_wait3A_300, %dma_wait3A_301] : memref<10112x16xf32, #tpu.memory_space<vmem_shared>> -> memref<10112x16xf32, #tpu.memory_space<vmem_shared>>
    %dma_wait3A_303 = tpu.memref_slice %arg14[%dma_wait3A_290] : memref<4x!tpu.dma_semaphore, #tpu.memory_space<semaphore_mem>> -> memref<1x!tpu.dma_semaphore, #tpu.memory_space<semaphore_mem>>
    %dma_wait3A_304 = tpu.memref_squeeze %dma_wait3A_303 : memref<1x!tpu.dma_semaphore, #tpu.memory_space<semaphore_mem>> -> memref<!tpu.dma_semaphore, #tpu.memory_space<semaphore_mem>>
    tpu.wait_indirect_dma semaphore(%dma_wait3A_304 : memref<!tpu.dma_semaphore, #tpu.memory_space<semaphore_mem>>) src(%dma_wait3A_297 : memref<128x16xf32, #tpu.memory_space<vmem>>) dst(%dma_wait3A_302 : memref<10112x16xf32, #tpu.memory_space<vmem_shared>>)
    %dma_wait3A_305 = arith.constant 1 : i32
    %dma_wait3A_306 = arith.constant 1 : i32
    %dma_wait3A_307 = arith.constant 0 : i32
    %dma_wait3A_308 = arith.constant 0 : i32
    %dma_wait3A_309 = tpu.memref_slice %arg10[%dma_wait3A_305, %dma_wait3A_307, %dma_wait3A_308] : memref<4x1024x16xf32, #tpu.memory_space<vmem>> -> memref<1x1024x16xf32, #tpu.memory_space<vmem>>
    %dma_wait3A_310 = tpu.memref_squeeze %dma_wait3A_309 : memref<1x1024x16xf32, #tpu.memory_space<vmem>> -> memref<1024x16xf32, #tpu.memory_space<vmem>>
    %dma_wait3A_311 = arith.constant 0 : i32
    %dma_wait3A_312 = arith.constant 0 : i32
    %dma_wait3A_313 = tpu.memref_slice %dma_wait3A_310[%dma_wait3A_311, %dma_wait3A_312] : memref<1024x16xf32, #tpu.memory_space<vmem>> -> memref<128x16xf32, #tpu.memory_space<vmem>>
    %dma_wait3A_314 = arith.constant 0 : i32
    %dma_wait3A_315 = tpu.memref_slice %arg9[%dma_wait3A_314] : memref<10240xi32, #tpu.memory_space<vmem>> -> memref<128xi32, #tpu.memory_space<vmem>>
    %dma_wait3A_316 = arith.constant 0 : i32
    %dma_wait3A_317 = arith.constant 0 : i32
    %dma_wait3A_318 = tpu.memref_slice %arg6[%dma_wait3A_316, %dma_wait3A_317] : memref<10112x16xf32, #tpu.memory_space<vmem_shared>> -> memref<10112x16xf32, #tpu.memory_space<vmem_shared>>
    %dma_wait3A_319 = tpu.memref_slice %arg14[%dma_wait3A_306] : memref<4x!tpu.dma_semaphore, #tpu.memory_space<semaphore_mem>> -> memref<1x!tpu.dma_semaphore, #tpu.memory_space<semaphore_mem>>
    %dma_wait3A_320 = tpu.memref_squeeze %dma_wait3A_319 : memref<1x!tpu.dma_semaphore, #tpu.memory_space<semaphore_mem>> -> memref<!tpu.dma_semaphore, #tpu.memory_space<semaphore_mem>>
    tpu.wait_indirect_dma semaphore(%dma_wait3A_320 : memref<!tpu.dma_semaphore, #tpu.memory_space<semaphore_mem>>) src(%dma_wait3A_313 : memref<128x16xf32, #tpu.memory_space<vmem>>) dst(%dma_wait3A_318 : memref<10112x16xf32, #tpu.memory_space<vmem_shared>>)
    %dma_wait3A_321 = arith.constant 1 : i32
    %dma_wait3A_322 = arith.constant 1 : i32
    %dma_wait3A_323 = arith.constant 0 : i32
    %dma_wait3A_324 = arith.constant 0 : i32
    %dma_wait3A_325 = tpu.memref_slice %arg10[%dma_wait3A_321, %dma_wait3A_323, %dma_wait3A_324] : memref<4x1024x16xf32, #tpu.memory_space<vmem>> -> memref<1x1024x16xf32, #tpu.memory_space<vmem>>
    %dma_wait3A_326 = tpu.memref_squeeze %dma_wait3A_325 : memref<1x1024x16xf32, #tpu.memory_space<vmem>> -> memref<1024x16xf32, #tpu.memory_space<vmem>>
    %dma_wait3A_327 = arith.constant 0 : i32
    %dma_wait3A_328 = arith.constant 0 : i32
    %dma_wait3A_329 = tpu.memref_slice %dma_wait3A_326[%dma_wait3A_327, %dma_wait3A_328] : memref<1024x16xf32, #tpu.memory_space<vmem>> -> memref<128x16xf32, #tpu.memory_space<vmem>>
    %dma_wait3A_330 = arith.constant 0 : i32
    %dma_wait3A_331 = tpu.memref_slice %arg9[%dma_wait3A_330] : memref<10240xi32, #tpu.memory_space<vmem>> -> memref<128xi32, #tpu.memory_space<vmem>>
    %dma_wait3A_332 = arith.constant 0 : i32
    %dma_wait3A_333 = arith.constant 0 : i32
    %dma_wait3A_334 = tpu.memref_slice %arg6[%dma_wait3A_332, %dma_wait3A_333] : memref<10112x16xf32, #tpu.memory_space<vmem_shared>> -> memref<10112x16xf32, #tpu.memory_space<vmem_shared>>
    %dma_wait3A_335 = tpu.memref_slice %arg14[%dma_wait3A_322] : memref<4x!tpu.dma_semaphore, #tpu.memory_space<semaphore_mem>> -> memref<1x!tpu.dma_semaphore, #tpu.memory_space<semaphore_mem>>
    %dma_wait3A_336 = tpu.memref_squeeze %dma_wait3A_335 : memref<1x!tpu.dma_semaphore, #tpu.memory_space<semaphore_mem>> -> memref<!tpu.dma_semaphore, #tpu.memory_space<semaphore_mem>>
    tpu.wait_indirect_dma semaphore(%dma_wait3A_336 : memref<!tpu.dma_semaphore, #tpu.memory_space<semaphore_mem>>) src(%dma_wait3A_329 : memref<128x16xf32, #tpu.memory_space<vmem>>) dst(%dma_wait3A_334 : memref<10112x16xf32, #tpu.memory_space<vmem_shared>>)
    %dma_wait3A_337 = arith.constant 1 : i32
    %dma_wait3A_338 = arith.constant 1 : i32
    %dma_wait3A_339 = arith.constant 0 : i32
    %dma_wait3A_340 = arith.constant 0 : i32
    %dma_wait3A_341 = tpu.memref_slice %arg10[%dma_wait3A_337, %dma_wait3A_339, %dma_wait3A_340] : memref<4x1024x16xf32, #tpu.memory_space<vmem>> -> memref<1x1024x16xf32, #tpu.memory_space<vmem>>
    %dma_wait3A_342 = tpu.memref_squeeze %dma_wait3A_341 : memref<1x1024x16xf32, #tpu.memory_space<vmem>> -> memref<1024x16xf32, #tpu.memory_space<vmem>>
    %dma_wait3A_343 = arith.constant 0 : i32
    %dma_wait3A_344 = arith.constant 0 : i32
    %dma_wait3A_345 = tpu.memref_slice %dma_wait3A_342[%dma_wait3A_343, %dma_wait3A_344] : memref<1024x16xf32, #tpu.memory_space<vmem>> -> memref<128x16xf32, #tpu.memory_space<vmem>>
    %dma_wait3A_346 = arith.constant 0 : i32
    %dma_wait3A_347 = tpu.memref_slice %arg9[%dma_wait3A_346] : memref<10240xi32, #tpu.memory_space<vmem>> -> memref<128xi32, #tpu.memory_space<vmem>>
    %dma_wait3A_348 = arith.constant 0 : i32
    %dma_wait3A_349 = arith.constant 0 : i32
    %dma_wait3A_350 = tpu.memref_slice %arg6[%dma_wait3A_348, %dma_wait3A_349] : memref<10112x16xf32, #tpu.memory_space<vmem_shared>> -> memref<10112x16xf32, #tpu.memory_space<vmem_shared>>
    %dma_wait3A_351 = tpu.memref_slice %arg14[%dma_wait3A_338] : memref<4x!tpu.dma_semaphore, #tpu.memory_space<semaphore_mem>> -> memref<1x!tpu.dma_semaphore, #tpu.memory_space<semaphore_mem>>
    %dma_wait3A_352 = tpu.memref_squeeze %dma_wait3A_351 : memref<1x!tpu.dma_semaphore, #tpu.memory_space<semaphore_mem>> -> memref<!tpu.dma_semaphore, #tpu.memory_space<semaphore_mem>>
    tpu.wait_indirect_dma semaphore(%dma_wait3A_352 : memref<!tpu.dma_semaphore, #tpu.memory_space<semaphore_mem>>) src(%dma_wait3A_345 : memref<128x16xf32, #tpu.memory_space<vmem>>) dst(%dma_wait3A_350 : memref<10112x16xf32, #tpu.memory_space<vmem_shared>>)
    %dma_wait3A_353 = arith.constant 1 : i32
    %dma_wait3A_354 = arith.constant 1 : i32
    %dma_wait3A_355 = arith.constant 0 : i32
    %dma_wait3A_356 = arith.constant 0 : i32
    %dma_wait3A_357 = tpu.memref_slice %arg10[%dma_wait3A_353, %dma_wait3A_355, %dma_wait3A_356] : memref<4x1024x16xf32, #tpu.memory_space<vmem>> -> memref<1x1024x16xf32, #tpu.memory_space<vmem>>
    %dma_wait3A_358 = tpu.memref_squeeze %dma_wait3A_357 : memref<1x1024x16xf32, #tpu.memory_space<vmem>> -> memref<1024x16xf32, #tpu.memory_space<vmem>>
    %dma_wait3A_359 = arith.constant 0 : i32
    %dma_wait3A_360 = arith.constant 0 : i32
    %dma_wait3A_361 = tpu.memref_slice %dma_wait3A_358[%dma_wait3A_359, %dma_wait3A_360] : memref<1024x16xf32, #tpu.memory_space<vmem>> -> memref<128x16xf32, #tpu.memory_space<vmem>>
    %dma_wait3A_362 = arith.constant 0 : i32
    %dma_wait3A_363 = tpu.memref_slice %arg9[%dma_wait3A_362] : memref<10240xi32, #tpu.memory_space<vmem>> -> memref<128xi32, #tpu.memory_space<vmem>>
    %dma_wait3A_364 = arith.constant 0 : i32
    %dma_wait3A_365 = arith.constant 0 : i32
    %dma_wait3A_366 = tpu.memref_slice %arg6[%dma_wait3A_364, %dma_wait3A_365] : memref<10112x16xf32, #tpu.memory_space<vmem_shared>> -> memref<10112x16xf32, #tpu.memory_space<vmem_shared>>
    %dma_wait3A_367 = tpu.memref_slice %arg14[%dma_wait3A_354] : memref<4x!tpu.dma_semaphore, #tpu.memory_space<semaphore_mem>> -> memref<1x!tpu.dma_semaphore, #tpu.memory_space<semaphore_mem>>
    %dma_wait3A_368 = tpu.memref_squeeze %dma_wait3A_367 : memref<1x!tpu.dma_semaphore, #tpu.memory_space<semaphore_mem>> -> memref<!tpu.dma_semaphore, #tpu.memory_space<semaphore_mem>>
    tpu.wait_indirect_dma semaphore(%dma_wait3A_368 : memref<!tpu.dma_semaphore, #tpu.memory_space<semaphore_mem>>) src(%dma_wait3A_361 : memref<128x16xf32, #tpu.memory_space<vmem>>) dst(%dma_wait3A_366 : memref<10112x16xf32, #tpu.memory_space<vmem_shared>>)
    %dma_wait3A_369 = arith.constant 1 : i32
    %dma_wait3A_370 = arith.constant 1 : i32
    %dma_wait3A_371 = arith.constant 0 : i32
    %dma_wait3A_372 = arith.constant 0 : i32
    %dma_wait3A_373 = tpu.memref_slice %arg10[%dma_wait3A_369, %dma_wait3A_371, %dma_wait3A_372] : memref<4x1024x16xf32, #tpu.memory_space<vmem>> -> memref<1x1024x16xf32, #tpu.memory_space<vmem>>
    %dma_wait3A_374 = tpu.memref_squeeze %dma_wait3A_373 : memref<1x1024x16xf32, #tpu.memory_space<vmem>> -> memref<1024x16xf32, #tpu.memory_space<vmem>>
    %dma_wait3A_375 = arith.constant 0 : i32
    %dma_wait3A_376 = arith.constant 0 : i32
    %dma_wait3A_377 = tpu.memref_slice %dma_wait3A_374[%dma_wait3A_375, %dma_wait3A_376] : memref<1024x16xf32, #tpu.memory_space<vmem>> -> memref<128x16xf32, #tpu.memory_space<vmem>>
    %dma_wait3A_378 = arith.constant 0 : i32
    %dma_wait3A_379 = tpu.memref_slice %arg9[%dma_wait3A_378] : memref<10240xi32, #tpu.memory_space<vmem>> -> memref<128xi32, #tpu.memory_space<vmem>>
    %dma_wait3A_380 = arith.constant 0 : i32
    %dma_wait3A_381 = arith.constant 0 : i32
    %dma_wait3A_382 = tpu.memref_slice %arg6[%dma_wait3A_380, %dma_wait3A_381] : memref<10112x16xf32, #tpu.memory_space<vmem_shared>> -> memref<10112x16xf32, #tpu.memory_space<vmem_shared>>
    %dma_wait3A_383 = tpu.memref_slice %arg14[%dma_wait3A_370] : memref<4x!tpu.dma_semaphore, #tpu.memory_space<semaphore_mem>> -> memref<1x!tpu.dma_semaphore, #tpu.memory_space<semaphore_mem>>
    %dma_wait3A_384 = tpu.memref_squeeze %dma_wait3A_383 : memref<1x!tpu.dma_semaphore, #tpu.memory_space<semaphore_mem>> -> memref<!tpu.dma_semaphore, #tpu.memory_space<semaphore_mem>>
    tpu.wait_indirect_dma semaphore(%dma_wait3A_384 : memref<!tpu.dma_semaphore, #tpu.memory_space<semaphore_mem>>) src(%dma_wait3A_377 : memref<128x16xf32, #tpu.memory_space<vmem>>) dst(%dma_wait3A_382 : memref<10112x16xf32, #tpu.memory_space<vmem_shared>>)
    %dma_wait3A_385 = arith.constant 1 : i32
    %dma_wait3A_386 = arith.constant 1 : i32
    %dma_wait3A_387 = arith.constant 0 : i32
    %dma_wait3A_388 = arith.constant 0 : i32
    %dma_wait3A_389 = tpu.memref_slice %arg10[%dma_wait3A_385, %dma_wait3A_387, %dma_wait3A_388] : memref<4x1024x16xf32, #tpu.memory_space<vmem>> -> memref<1x1024x16xf32, #tpu.memory_space<vmem>>
    %dma_wait3A_390 = tpu.memref_squeeze %dma_wait3A_389 : memref<1x1024x16xf32, #tpu.memory_space<vmem>> -> memref<1024x16xf32, #tpu.memory_space<vmem>>
    %dma_wait3A_391 = arith.constant 0 : i32
    %dma_wait3A_392 = arith.constant 0 : i32
    %dma_wait3A_393 = tpu.memref_slice %dma_wait3A_390[%dma_wait3A_391, %dma_wait3A_392] : memref<1024x16xf32, #tpu.memory_space<vmem>> -> memref<128x16xf32, #tpu.memory_space<vmem>>
    %dma_wait3A_394 = arith.constant 0 : i32
    %dma_wait3A_395 = tpu.memref_slice %arg9[%dma_wait3A_394] : memref<10240xi32, #tpu.memory_space<vmem>> -> memref<128xi32, #tpu.memory_space<vmem>>
    %dma_wait3A_396 = arith.constant 0 : i32
    %dma_wait3A_397 = arith.constant 0 : i32
    %dma_wait3A_398 = tpu.memref_slice %arg6[%dma_wait3A_396, %dma_wait3A_397] : memref<10112x16xf32, #tpu.memory_space<vmem_shared>> -> memref<10112x16xf32, #tpu.memory_space<vmem_shared>>
    %dma_wait3A_399 = tpu.memref_slice %arg14[%dma_wait3A_386] : memref<4x!tpu.dma_semaphore, #tpu.memory_space<semaphore_mem>> -> memref<1x!tpu.dma_semaphore, #tpu.memory_space<semaphore_mem>>
    %dma_wait3A_400 = tpu.memref_squeeze %dma_wait3A_399 : memref<1x!tpu.dma_semaphore, #tpu.memory_space<semaphore_mem>> -> memref<!tpu.dma_semaphore, #tpu.memory_space<semaphore_mem>>
    tpu.wait_indirect_dma semaphore(%dma_wait3A_400 : memref<!tpu.dma_semaphore, #tpu.memory_space<semaphore_mem>>) src(%dma_wait3A_393 : memref<128x16xf32, #tpu.memory_space<vmem>>) dst(%dma_wait3A_398 : memref<10112x16xf32, #tpu.memory_space<vmem_shared>>)
    %dma_wait3A_401 = arith.constant 1 : i32
    %dma_wait3A_402 = arith.constant 1 : i32
    %dma_wait3A_403 = arith.constant 0 : i32
    %dma_wait3A_404 = arith.constant 0 : i32
    %dma_wait3A_405 = tpu.memref_slice %arg10[%dma_wait3A_401, %dma_wait3A_403, %dma_wait3A_404] : memref<4x1024x16xf32, #tpu.memory_space<vmem>> -> memref<1x1024x16xf32, #tpu.memory_space<vmem>>
    %dma_wait3A_406 = tpu.memref_squeeze %dma_wait3A_405 : memref<1x1024x16xf32, #tpu.memory_space<vmem>> -> memref<1024x16xf32, #tpu.memory_space<vmem>>
    %dma_wait3A_407 = arith.constant 0 : i32
    %dma_wait3A_408 = arith.constant 0 : i32
    %dma_wait3A_409 = tpu.memref_slice %dma_wait3A_406[%dma_wait3A_407, %dma_wait3A_408] : memref<1024x16xf32, #tpu.memory_space<vmem>> -> memref<128x16xf32, #tpu.memory_space<vmem>>
    %dma_wait3A_410 = arith.constant 0 : i32
    %dma_wait3A_411 = tpu.memref_slice %arg9[%dma_wait3A_410] : memref<10240xi32, #tpu.memory_space<vmem>> -> memref<128xi32, #tpu.memory_space<vmem>>
    %dma_wait3A_412 = arith.constant 0 : i32
    %dma_wait3A_413 = arith.constant 0 : i32
    %dma_wait3A_414 = tpu.memref_slice %arg6[%dma_wait3A_412, %dma_wait3A_413] : memref<10112x16xf32, #tpu.memory_space<vmem_shared>> -> memref<10112x16xf32, #tpu.memory_space<vmem_shared>>
    %dma_wait3A_415 = tpu.memref_slice %arg14[%dma_wait3A_402] : memref<4x!tpu.dma_semaphore, #tpu.memory_space<semaphore_mem>> -> memref<1x!tpu.dma_semaphore, #tpu.memory_space<semaphore_mem>>
    %dma_wait3A_416 = tpu.memref_squeeze %dma_wait3A_415 : memref<1x!tpu.dma_semaphore, #tpu.memory_space<semaphore_mem>> -> memref<!tpu.dma_semaphore, #tpu.memory_space<semaphore_mem>>
    tpu.wait_indirect_dma semaphore(%dma_wait3A_416 : memref<!tpu.dma_semaphore, #tpu.memory_space<semaphore_mem>>) src(%dma_wait3A_409 : memref<128x16xf32, #tpu.memory_space<vmem>>) dst(%dma_wait3A_414 : memref<10112x16xf32, #tpu.memory_space<vmem_shared>>)
    %dma_wait3A_417 = arith.constant 1 : i32
    %dma_wait3A_418 = arith.constant 1 : i32
    %dma_wait3A_419 = arith.constant 0 : i32
    %dma_wait3A_420 = arith.constant 0 : i32
    %dma_wait3A_421 = tpu.memref_slice %arg10[%dma_wait3A_417, %dma_wait3A_419, %dma_wait3A_420] : memref<4x1024x16xf32, #tpu.memory_space<vmem>> -> memref<1x1024x16xf32, #tpu.memory_space<vmem>>
    %dma_wait3A_422 = tpu.memref_squeeze %dma_wait3A_421 : memref<1x1024x16xf32, #tpu.memory_space<vmem>> -> memref<1024x16xf32, #tpu.memory_space<vmem>>
    %dma_wait3A_423 = arith.constant 0 : i32
    %dma_wait3A_424 = arith.constant 0 : i32
    %dma_wait3A_425 = tpu.memref_slice %dma_wait3A_422[%dma_wait3A_423, %dma_wait3A_424] : memref<1024x16xf32, #tpu.memory_space<vmem>> -> memref<128x16xf32, #tpu.memory_space<vmem>>
    %dma_wait3A_426 = arith.constant 0 : i32
    %dma_wait3A_427 = tpu.memref_slice %arg9[%dma_wait3A_426] : memref<10240xi32, #tpu.memory_space<vmem>> -> memref<128xi32, #tpu.memory_space<vmem>>
    %dma_wait3A_428 = arith.constant 0 : i32
    %dma_wait3A_429 = arith.constant 0 : i32
    %dma_wait3A_430 = tpu.memref_slice %arg6[%dma_wait3A_428, %dma_wait3A_429] : memref<10112x16xf32, #tpu.memory_space<vmem_shared>> -> memref<10112x16xf32, #tpu.memory_space<vmem_shared>>
    %dma_wait3A_431 = tpu.memref_slice %arg14[%dma_wait3A_418] : memref<4x!tpu.dma_semaphore, #tpu.memory_space<semaphore_mem>> -> memref<1x!tpu.dma_semaphore, #tpu.memory_space<semaphore_mem>>
    %dma_wait3A_432 = tpu.memref_squeeze %dma_wait3A_431 : memref<1x!tpu.dma_semaphore, #tpu.memory_space<semaphore_mem>> -> memref<!tpu.dma_semaphore, #tpu.memory_space<semaphore_mem>>
    tpu.wait_indirect_dma semaphore(%dma_wait3A_432 : memref<!tpu.dma_semaphore, #tpu.memory_space<semaphore_mem>>) src(%dma_wait3A_425 : memref<128x16xf32, #tpu.memory_space<vmem>>) dst(%dma_wait3A_430 : memref<10112x16xf32, #tpu.memory_space<vmem_shared>>)
    %dma_wait3A_433 = arith.constant 1 : i32
    %dma_wait3A_434 = arith.constant 1 : i32
    %dma_wait3A_435 = arith.constant 0 : i32
    %dma_wait3A_436 = arith.constant 0 : i32
    %dma_wait3A_437 = tpu.memref_slice %arg10[%dma_wait3A_433, %dma_wait3A_435, %dma_wait3A_436] : memref<4x1024x16xf32, #tpu.memory_space<vmem>> -> memref<1x1024x16xf32, #tpu.memory_space<vmem>>
    %dma_wait3A_438 = tpu.memref_squeeze %dma_wait3A_437 : memref<1x1024x16xf32, #tpu.memory_space<vmem>> -> memref<1024x16xf32, #tpu.memory_space<vmem>>
    %dma_wait3A_439 = arith.constant 0 : i32
    %dma_wait3A_440 = arith.constant 0 : i32
    %dma_wait3A_441 = tpu.memref_slice %dma_wait3A_438[%dma_wait3A_439, %dma_wait3A_440] : memref<1024x16xf32, #tpu.memory_space<vmem>> -> memref<128x16xf32, #tpu.memory_space<vmem>>
    %dma_wait3A_442 = arith.constant 0 : i32
    %dma_wait3A_443 = tpu.memref_slice %arg9[%dma_wait3A_442] : memref<10240xi32, #tpu.memory_space<vmem>> -> memref<128xi32, #tpu.memory_space<vmem>>
    %dma_wait3A_444 = arith.constant 0 : i32
    %dma_wait3A_445 = arith.constant 0 : i32
    %dma_wait3A_446 = tpu.memref_slice %arg6[%dma_wait3A_444, %dma_wait3A_445] : memref<10112x16xf32, #tpu.memory_space<vmem_shared>> -> memref<10112x16xf32, #tpu.memory_space<vmem_shared>>
    %dma_wait3A_447 = tpu.memref_slice %arg14[%dma_wait3A_434] : memref<4x!tpu.dma_semaphore, #tpu.memory_space<semaphore_mem>> -> memref<1x!tpu.dma_semaphore, #tpu.memory_space<semaphore_mem>>
    %dma_wait3A_448 = tpu.memref_squeeze %dma_wait3A_447 : memref<1x!tpu.dma_semaphore, #tpu.memory_space<semaphore_mem>> -> memref<!tpu.dma_semaphore, #tpu.memory_space<semaphore_mem>>
    tpu.wait_indirect_dma semaphore(%dma_wait3A_448 : memref<!tpu.dma_semaphore, #tpu.memory_space<semaphore_mem>>) src(%dma_wait3A_441 : memref<128x16xf32, #tpu.memory_space<vmem>>) dst(%dma_wait3A_446 : memref<10112x16xf32, #tpu.memory_space<vmem_shared>>)
    %dma_wait3A_449 = arith.constant 0 : i32
    %dma_wait3A_450 = arith.constant 0 : i32
    %dma_wait3A_451 = arith.constant 0 : i32
    %dma_wait3A_452 = arith.constant 0 : i32
    %dma_wait3A_453 = tpu.memref_slice %arg10[%dma_wait3A_449, %dma_wait3A_451, %dma_wait3A_452] : memref<4x1024x16xf32, #tpu.memory_space<vmem>> -> memref<1x1024x16xf32, #tpu.memory_space<vmem>>
    %dma_wait3A_454 = tpu.memref_squeeze %dma_wait3A_453 : memref<1x1024x16xf32, #tpu.memory_space<vmem>> -> memref<1024x16xf32, #tpu.memory_space<vmem>>
    %dma_wait3A_455 = arith.constant 0 : i32
    %dma_wait3A_456 = arith.constant 0 : i32
    %dma_wait3A_457 = tpu.memref_slice %dma_wait3A_454[%dma_wait3A_455, %dma_wait3A_456] : memref<1024x16xf32, #tpu.memory_space<vmem>> -> memref<128x16xf32, #tpu.memory_space<vmem>>
    %dma_wait3A_458 = arith.constant 0 : i32
    %dma_wait3A_459 = tpu.memref_slice %arg9[%dma_wait3A_458] : memref<10240xi32, #tpu.memory_space<vmem>> -> memref<128xi32, #tpu.memory_space<vmem>>
    %dma_wait3A_460 = arith.constant 0 : i32
    %dma_wait3A_461 = arith.constant 0 : i32
    %dma_wait3A_462 = tpu.memref_slice %arg6[%dma_wait3A_460, %dma_wait3A_461] : memref<10112x16xf32, #tpu.memory_space<vmem_shared>> -> memref<10112x16xf32, #tpu.memory_space<vmem_shared>>
    %dma_wait3A_463 = tpu.memref_slice %arg14[%dma_wait3A_450] : memref<4x!tpu.dma_semaphore, #tpu.memory_space<semaphore_mem>> -> memref<1x!tpu.dma_semaphore, #tpu.memory_space<semaphore_mem>>
    %dma_wait3A_464 = tpu.memref_squeeze %dma_wait3A_463 : memref<1x!tpu.dma_semaphore, #tpu.memory_space<semaphore_mem>> -> memref<!tpu.dma_semaphore, #tpu.memory_space<semaphore_mem>>
    tpu.wait_indirect_dma semaphore(%dma_wait3A_464 : memref<!tpu.dma_semaphore, #tpu.memory_space<semaphore_mem>>) src(%dma_wait3A_457 : memref<128x16xf32, #tpu.memory_space<vmem>>) dst(%dma_wait3A_462 : memref<10112x16xf32, #tpu.memory_space<vmem_shared>>)
    %dma_wait3A_465 = arith.constant 0 : i32
    %dma_wait3A_466 = arith.constant 0 : i32
    %dma_wait3A_467 = arith.constant 0 : i32
    %dma_wait3A_468 = arith.constant 0 : i32
    %dma_wait3A_469 = tpu.memref_slice %arg10[%dma_wait3A_465, %dma_wait3A_467, %dma_wait3A_468] : memref<4x1024x16xf32, #tpu.memory_space<vmem>> -> memref<1x1024x16xf32, #tpu.memory_space<vmem>>
    %dma_wait3A_470 = tpu.memref_squeeze %dma_wait3A_469 : memref<1x1024x16xf32, #tpu.memory_space<vmem>> -> memref<1024x16xf32, #tpu.memory_space<vmem>>
    %dma_wait3A_471 = arith.constant 0 : i32
    %dma_wait3A_472 = arith.constant 0 : i32
    %dma_wait3A_473 = tpu.memref_slice %dma_wait3A_470[%dma_wait3A_471, %dma_wait3A_472] : memref<1024x16xf32, #tpu.memory_space<vmem>> -> memref<128x16xf32, #tpu.memory_space<vmem>>
    %dma_wait3A_474 = arith.constant 0 : i32
    %dma_wait3A_475 = tpu.memref_slice %arg9[%dma_wait3A_474] : memref<10240xi32, #tpu.memory_space<vmem>> -> memref<128xi32, #tpu.memory_space<vmem>>
    %dma_wait3A_476 = arith.constant 0 : i32
    %dma_wait3A_477 = arith.constant 0 : i32
    %dma_wait3A_478 = tpu.memref_slice %arg6[%dma_wait3A_476, %dma_wait3A_477] : memref<10112x16xf32, #tpu.memory_space<vmem_shared>> -> memref<10112x16xf32, #tpu.memory_space<vmem_shared>>
    %dma_wait3A_479 = tpu.memref_slice %arg14[%dma_wait3A_466] : memref<4x!tpu.dma_semaphore, #tpu.memory_space<semaphore_mem>> -> memref<1x!tpu.dma_semaphore, #tpu.memory_space<semaphore_mem>>
    %dma_wait3A_480 = tpu.memref_squeeze %dma_wait3A_479 : memref<1x!tpu.dma_semaphore, #tpu.memory_space<semaphore_mem>> -> memref<!tpu.dma_semaphore, #tpu.memory_space<semaphore_mem>>
    tpu.wait_indirect_dma semaphore(%dma_wait3A_480 : memref<!tpu.dma_semaphore, #tpu.memory_space<semaphore_mem>>) src(%dma_wait3A_473 : memref<128x16xf32, #tpu.memory_space<vmem>>) dst(%dma_wait3A_478 : memref<10112x16xf32, #tpu.memory_space<vmem_shared>>)
    %dma_wait3A_481 = arith.constant 0 : i32
    %dma_wait3A_482 = arith.constant 0 : i32
    %dma_wait3A_483 = arith.constant 0 : i32
    %dma_wait3A_484 = arith.constant 0 : i32
    %dma_wait3A_485 = tpu.memref_slice %arg10[%dma_wait3A_481, %dma_wait3A_483, %dma_wait3A_484] : memref<4x1024x16xf32, #tpu.memory_space<vmem>> -> memref<1x1024x16xf32, #tpu.memory_space<vmem>>
    %dma_wait3A_486 = tpu.memref_squeeze %dma_wait3A_485 : memref<1x1024x16xf32, #tpu.memory_space<vmem>> -> memref<1024x16xf32, #tpu.memory_space<vmem>>
    %dma_wait3A_487 = arith.constant 0 : i32
    %dma_wait3A_488 = arith.constant 0 : i32
    %dma_wait3A_489 = tpu.memref_slice %dma_wait3A_486[%dma_wait3A_487, %dma_wait3A_488] : memref<1024x16xf32, #tpu.memory_space<vmem>> -> memref<128x16xf32, #tpu.memory_space<vmem>>
    %dma_wait3A_490 = arith.constant 0 : i32
    %dma_wait3A_491 = tpu.memref_slice %arg9[%dma_wait3A_490] : memref<10240xi32, #tpu.memory_space<vmem>> -> memref<128xi32, #tpu.memory_space<vmem>>
    %dma_wait3A_492 = arith.constant 0 : i32
    %dma_wait3A_493 = arith.constant 0 : i32
    %dma_wait3A_494 = tpu.memref_slice %arg6[%dma_wait3A_492, %dma_wait3A_493] : memref<10112x16xf32, #tpu.memory_space<vmem_shared>> -> memref<10112x16xf32, #tpu.memory_space<vmem_shared>>
    %dma_wait3A_495 = tpu.memref_slice %arg14[%dma_wait3A_482] : memref<4x!tpu.dma_semaphore, #tpu.memory_space<semaphore_mem>> -> memref<1x!tpu.dma_semaphore, #tpu.memory_space<semaphore_mem>>
    %dma_wait3A_496 = tpu.memref_squeeze %dma_wait3A_495 : memref<1x!tpu.dma_semaphore, #tpu.memory_space<semaphore_mem>> -> memref<!tpu.dma_semaphore, #tpu.memory_space<semaphore_mem>>
    tpu.wait_indirect_dma semaphore(%dma_wait3A_496 : memref<!tpu.dma_semaphore, #tpu.memory_space<semaphore_mem>>) src(%dma_wait3A_489 : memref<128x16xf32, #tpu.memory_space<vmem>>) dst(%dma_wait3A_494 : memref<10112x16xf32, #tpu.memory_space<vmem_shared>>)
    %dma_wait3A_497 = arith.constant 0 : i32
    %dma_wait3A_498 = arith.constant 0 : i32
    %dma_wait3A_499 = arith.constant 0 : i32
    %dma_wait3A_500 = arith.constant 0 : i32
    %dma_wait3A_501 = tpu.memref_slice %arg10[%dma_wait3A_497, %dma_wait3A_499, %dma_wait3A_500] : memref<4x1024x16xf32, #tpu.memory_space<vmem>> -> memref<1x1024x16xf32, #tpu.memory_space<vmem>>
    %dma_wait3A_502 = tpu.memref_squeeze %dma_wait3A_501 : memref<1x1024x16xf32, #tpu.memory_space<vmem>> -> memref<1024x16xf32, #tpu.memory_space<vmem>>
    %dma_wait3A_503 = arith.constant 0 : i32
    %dma_wait3A_504 = arith.constant 0 : i32
    %dma_wait3A_505 = tpu.memref_slice %dma_wait3A_502[%dma_wait3A_503, %dma_wait3A_504] : memref<1024x16xf32, #tpu.memory_space<vmem>> -> memref<128x16xf32, #tpu.memory_space<vmem>>
    %dma_wait3A_506 = arith.constant 0 : i32
    %dma_wait3A_507 = tpu.memref_slice %arg9[%dma_wait3A_506] : memref<10240xi32, #tpu.memory_space<vmem>> -> memref<128xi32, #tpu.memory_space<vmem>>
    %dma_wait3A_508 = arith.constant 0 : i32
    %dma_wait3A_509 = arith.constant 0 : i32
    %dma_wait3A_510 = tpu.memref_slice %arg6[%dma_wait3A_508, %dma_wait3A_509] : memref<10112x16xf32, #tpu.memory_space<vmem_shared>> -> memref<10112x16xf32, #tpu.memory_space<vmem_shared>>
    %dma_wait3A_511 = tpu.memref_slice %arg14[%dma_wait3A_498] : memref<4x!tpu.dma_semaphore, #tpu.memory_space<semaphore_mem>> -> memref<1x!tpu.dma_semaphore, #tpu.memory_space<semaphore_mem>>
    %dma_wait3A_512 = tpu.memref_squeeze %dma_wait3A_511 : memref<1x!tpu.dma_semaphore, #tpu.memory_space<semaphore_mem>> -> memref<!tpu.dma_semaphore, #tpu.memory_space<semaphore_mem>>
    tpu.wait_indirect_dma semaphore(%dma_wait3A_512 : memref<!tpu.dma_semaphore, #tpu.memory_space<semaphore_mem>>) src(%dma_wait3A_505 : memref<128x16xf32, #tpu.memory_space<vmem>>) dst(%dma_wait3A_510 : memref<10112x16xf32, #tpu.memory_space<vmem_shared>>)
    %dma_wait3A_513 = arith.constant 0 : i32
    %dma_wait3A_514 = arith.constant 0 : i32
    %dma_wait3A_515 = arith.constant 0 : i32
    %dma_wait3A_516 = arith.constant 0 : i32
    %dma_wait3A_517 = tpu.memref_slice %arg10[%dma_wait3A_513, %dma_wait3A_515, %dma_wait3A_516] : memref<4x1024x16xf32, #tpu.memory_space<vmem>> -> memref<1x1024x16xf32, #tpu.memory_space<vmem>>
    %dma_wait3A_518 = tpu.memref_squeeze %dma_wait3A_517 : memref<1x1024x16xf32, #tpu.memory_space<vmem>> -> memref<1024x16xf32, #tpu.memory_space<vmem>>
    %dma_wait3A_519 = arith.constant 0 : i32
    %dma_wait3A_520 = arith.constant 0 : i32
    %dma_wait3A_521 = tpu.memref_slice %dma_wait3A_518[%dma_wait3A_519, %dma_wait3A_520] : memref<1024x16xf32, #tpu.memory_space<vmem>> -> memref<128x16xf32, #tpu.memory_space<vmem>>
    %dma_wait3A_522 = arith.constant 0 : i32
    %dma_wait3A_523 = tpu.memref_slice %arg9[%dma_wait3A_522] : memref<10240xi32, #tpu.memory_space<vmem>> -> memref<128xi32, #tpu.memory_space<vmem>>
    %dma_wait3A_524 = arith.constant 0 : i32
    %dma_wait3A_525 = arith.constant 0 : i32
    %dma_wait3A_526 = tpu.memref_slice %arg6[%dma_wait3A_524, %dma_wait3A_525] : memref<10112x16xf32, #tpu.memory_space<vmem_shared>> -> memref<10112x16xf32, #tpu.memory_space<vmem_shared>>
    %dma_wait3A_527 = tpu.memref_slice %arg14[%dma_wait3A_514] : memref<4x!tpu.dma_semaphore, #tpu.memory_space<semaphore_mem>> -> memref<1x!tpu.dma_semaphore, #tpu.memory_space<semaphore_mem>>
    %dma_wait3A_528 = tpu.memref_squeeze %dma_wait3A_527 : memref<1x!tpu.dma_semaphore, #tpu.memory_space<semaphore_mem>> -> memref<!tpu.dma_semaphore, #tpu.memory_space<semaphore_mem>>
    tpu.wait_indirect_dma semaphore(%dma_wait3A_528 : memref<!tpu.dma_semaphore, #tpu.memory_space<semaphore_mem>>) src(%dma_wait3A_521 : memref<128x16xf32, #tpu.memory_space<vmem>>) dst(%dma_wait3A_526 : memref<10112x16xf32, #tpu.memory_space<vmem_shared>>)
    %dma_wait3A_529 = arith.constant 0 : i32
    %dma_wait3A_530 = arith.constant 0 : i32
    %dma_wait3A_531 = arith.constant 0 : i32
    %dma_wait3A_532 = arith.constant 0 : i32
    %dma_wait3A_533 = tpu.memref_slice %arg10[%dma_wait3A_529, %dma_wait3A_531, %dma_wait3A_532] : memref<4x1024x16xf32, #tpu.memory_space<vmem>> -> memref<1x1024x16xf32, #tpu.memory_space<vmem>>
    %dma_wait3A_534 = tpu.memref_squeeze %dma_wait3A_533 : memref<1x1024x16xf32, #tpu.memory_space<vmem>> -> memref<1024x16xf32, #tpu.memory_space<vmem>>
    %dma_wait3A_535 = arith.constant 0 : i32
    %dma_wait3A_536 = arith.constant 0 : i32
    %dma_wait3A_537 = tpu.memref_slice %dma_wait3A_534[%dma_wait3A_535, %dma_wait3A_536] : memref<1024x16xf32, #tpu.memory_space<vmem>> -> memref<128x16xf32, #tpu.memory_space<vmem>>
    %dma_wait3A_538 = arith.constant 0 : i32
    %dma_wait3A_539 = tpu.memref_slice %arg9[%dma_wait3A_538] : memref<10240xi32, #tpu.memory_space<vmem>> -> memref<128xi32, #tpu.memory_space<vmem>>
    %dma_wait3A_540 = arith.constant 0 : i32
    %dma_wait3A_541 = arith.constant 0 : i32
    %dma_wait3A_542 = tpu.memref_slice %arg6[%dma_wait3A_540, %dma_wait3A_541] : memref<10112x16xf32, #tpu.memory_space<vmem_shared>> -> memref<10112x16xf32, #tpu.memory_space<vmem_shared>>
    %dma_wait3A_543 = tpu.memref_slice %arg14[%dma_wait3A_530] : memref<4x!tpu.dma_semaphore, #tpu.memory_space<semaphore_mem>> -> memref<1x!tpu.dma_semaphore, #tpu.memory_space<semaphore_mem>>
    %dma_wait3A_544 = tpu.memref_squeeze %dma_wait3A_543 : memref<1x!tpu.dma_semaphore, #tpu.memory_space<semaphore_mem>> -> memref<!tpu.dma_semaphore, #tpu.memory_space<semaphore_mem>>
    tpu.wait_indirect_dma semaphore(%dma_wait3A_544 : memref<!tpu.dma_semaphore, #tpu.memory_space<semaphore_mem>>) src(%dma_wait3A_537 : memref<128x16xf32, #tpu.memory_space<vmem>>) dst(%dma_wait3A_542 : memref<10112x16xf32, #tpu.memory_space<vmem_shared>>)
    %dma_wait3A_545 = arith.constant 0 : i32
    %dma_wait3A_546 = arith.constant 0 : i32
    %dma_wait3A_547 = arith.constant 0 : i32
    %dma_wait3A_548 = arith.constant 0 : i32
    %dma_wait3A_549 = tpu.memref_slice %arg10[%dma_wait3A_545, %dma_wait3A_547, %dma_wait3A_548] : memref<4x1024x16xf32, #tpu.memory_space<vmem>> -> memref<1x1024x16xf32, #tpu.memory_space<vmem>>
    %dma_wait3A_550 = tpu.memref_squeeze %dma_wait3A_549 : memref<1x1024x16xf32, #tpu.memory_space<vmem>> -> memref<1024x16xf32, #tpu.memory_space<vmem>>
    %dma_wait3A_551 = arith.constant 0 : i32
    %dma_wait3A_552 = arith.constant 0 : i32
    %dma_wait3A_553 = tpu.memref_slice %dma_wait3A_550[%dma_wait3A_551, %dma_wait3A_552] : memref<1024x16xf32, #tpu.memory_space<vmem>> -> memref<128x16xf32, #tpu.memory_space<vmem>>
    %dma_wait3A_554 = arith.constant 0 : i32
    %dma_wait3A_555 = tpu.memref_slice %arg9[%dma_wait3A_554] : memref<10240xi32, #tpu.memory_space<vmem>> -> memref<128xi32, #tpu.memory_space<vmem>>
    %dma_wait3A_556 = arith.constant 0 : i32
    %dma_wait3A_557 = arith.constant 0 : i32
    %dma_wait3A_558 = tpu.memref_slice %arg6[%dma_wait3A_556, %dma_wait3A_557] : memref<10112x16xf32, #tpu.memory_space<vmem_shared>> -> memref<10112x16xf32, #tpu.memory_space<vmem_shared>>
    %dma_wait3A_559 = tpu.memref_slice %arg14[%dma_wait3A_546] : memref<4x!tpu.dma_semaphore, #tpu.memory_space<semaphore_mem>> -> memref<1x!tpu.dma_semaphore, #tpu.memory_space<semaphore_mem>>
    %dma_wait3A_560 = tpu.memref_squeeze %dma_wait3A_559 : memref<1x!tpu.dma_semaphore, #tpu.memory_space<semaphore_mem>> -> memref<!tpu.dma_semaphore, #tpu.memory_space<semaphore_mem>>
    tpu.wait_indirect_dma semaphore(%dma_wait3A_560 : memref<!tpu.dma_semaphore, #tpu.memory_space<semaphore_mem>>) src(%dma_wait3A_553 : memref<128x16xf32, #tpu.memory_space<vmem>>) dst(%dma_wait3A_558 : memref<10112x16xf32, #tpu.memory_space<vmem_shared>>)
    %dma_wait3A_561 = arith.constant 0 : i32
    %dma_wait3A_562 = arith.constant 0 : i32
    %dma_wait3A_563 = arith.constant 0 : i32
    %dma_wait3A_564 = arith.constant 0 : i32
    %dma_wait3A_565 = tpu.memref_slice %arg10[%dma_wait3A_561, %dma_wait3A_563, %dma_wait3A_564] : memref<4x1024x16xf32, #tpu.memory_space<vmem>> -> memref<1x1024x16xf32, #tpu.memory_space<vmem>>
    %dma_wait3A_566 = tpu.memref_squeeze %dma_wait3A_565 : memref<1x1024x16xf32, #tpu.memory_space<vmem>> -> memref<1024x16xf32, #tpu.memory_space<vmem>>
    %dma_wait3A_567 = arith.constant 0 : i32
    %dma_wait3A_568 = arith.constant 0 : i32
    %dma_wait3A_569 = tpu.memref_slice %dma_wait3A_566[%dma_wait3A_567, %dma_wait3A_568] : memref<1024x16xf32, #tpu.memory_space<vmem>> -> memref<128x16xf32, #tpu.memory_space<vmem>>
    %dma_wait3A_570 = arith.constant 0 : i32
    %dma_wait3A_571 = tpu.memref_slice %arg9[%dma_wait3A_570] : memref<10240xi32, #tpu.memory_space<vmem>> -> memref<128xi32, #tpu.memory_space<vmem>>
    %dma_wait3A_572 = arith.constant 0 : i32
    %dma_wait3A_573 = arith.constant 0 : i32
    %dma_wait3A_574 = tpu.memref_slice %arg6[%dma_wait3A_572, %dma_wait3A_573] : memref<10112x16xf32, #tpu.memory_space<vmem_shared>> -> memref<10112x16xf32, #tpu.memory_space<vmem_shared>>
    %dma_wait3A_575 = tpu.memref_slice %arg14[%dma_wait3A_562] : memref<4x!tpu.dma_semaphore, #tpu.memory_space<semaphore_mem>> -> memref<1x!tpu.dma_semaphore, #tpu.memory_space<semaphore_mem>>
    %dma_wait3A_576 = tpu.memref_squeeze %dma_wait3A_575 : memref<1x!tpu.dma_semaphore, #tpu.memory_space<semaphore_mem>> -> memref<!tpu.dma_semaphore, #tpu.memory_space<semaphore_mem>>
    tpu.wait_indirect_dma semaphore(%dma_wait3A_576 : memref<!tpu.dma_semaphore, #tpu.memory_space<semaphore_mem>>) src(%dma_wait3A_569 : memref<128x16xf32, #tpu.memory_space<vmem>>) dst(%dma_wait3A_574 : memref<10112x16xf32, #tpu.memory_space<vmem_shared>>)
    %dma_wait3A_577 = arith.constant 0 : i32
    %dma_wait3A_578 = arith.constant 0 : i32
    %dma_wait3A_579 = arith.constant 0 : i32
    %dma_wait3A_580 = arith.constant 0 : i32
    %dma_wait3A_581 = tpu.memref_slice %arg10[%dma_wait3A_577, %dma_wait3A_579, %dma_wait3A_580] : memref<4x1024x16xf32, #tpu.memory_space<vmem>> -> memref<1x1024x16xf32, #tpu.memory_space<vmem>>
    %dma_wait3A_582 = tpu.memref_squeeze %dma_wait3A_581 : memref<1x1024x16xf32, #tpu.memory_space<vmem>> -> memref<1024x16xf32, #tpu.memory_space<vmem>>
    %dma_wait3A_583 = arith.constant 0 : i32
    %dma_wait3A_584 = arith.constant 0 : i32
    %dma_wait3A_585 = tpu.memref_slice %dma_wait3A_582[%dma_wait3A_583, %dma_wait3A_584] : memref<1024x16xf32, #tpu.memory_space<vmem>> -> memref<128x16xf32, #tpu.memory_space<vmem>>
    %dma_wait3A_586 = arith.constant 0 : i32
    %dma_wait3A_587 = tpu.memref_slice %arg9[%dma_wait3A_586] : memref<10240xi32, #tpu.memory_space<vmem>> -> memref<128xi32, #tpu.memory_space<vmem>>
    %dma_wait3A_588 = arith.constant 0 : i32
    %dma_wait3A_589 = arith.constant 0 : i32
    %dma_wait3A_590 = tpu.memref_slice %arg6[%dma_wait3A_588, %dma_wait3A_589] : memref<10112x16xf32, #tpu.memory_space<vmem_shared>> -> memref<10112x16xf32, #tpu.memory_space<vmem_shared>>
    %dma_wait3A_591 = tpu.memref_slice %arg14[%dma_wait3A_578] : memref<4x!tpu.dma_semaphore, #tpu.memory_space<semaphore_mem>> -> memref<1x!tpu.dma_semaphore, #tpu.memory_space<semaphore_mem>>
    %dma_wait3A_592 = tpu.memref_squeeze %dma_wait3A_591 : memref<1x!tpu.dma_semaphore, #tpu.memory_space<semaphore_mem>> -> memref<!tpu.dma_semaphore, #tpu.memory_space<semaphore_mem>>
    tpu.wait_indirect_dma semaphore(%dma_wait3A_592 : memref<!tpu.dma_semaphore, #tpu.memory_space<semaphore_mem>>) src(%dma_wait3A_585 : memref<128x16xf32, #tpu.memory_space<vmem>>) dst(%dma_wait3A_590 : memref<10112x16xf32, #tpu.memory_space<vmem_shared>>)
    %dma_wait3A_593 = arith.constant 0 : i32
    %dma_wait3A_594 = arith.constant 0 : i32
    %dma_wait3A_595 = arith.constant 0 : i32
    %dma_wait3A_596 = arith.constant 0 : i32
    %dma_wait3A_597 = tpu.memref_slice %arg10[%dma_wait3A_593, %dma_wait3A_595, %dma_wait3A_596] : memref<4x1024x16xf32, #tpu.memory_space<vmem>> -> memref<1x1024x16xf32, #tpu.memory_space<vmem>>
    %dma_wait3A_598 = tpu.memref_squeeze %dma_wait3A_597 : memref<1x1024x16xf32, #tpu.memory_space<vmem>> -> memref<1024x16xf32, #tpu.memory_space<vmem>>
    %dma_wait3A_599 = arith.constant 0 : i32
    %dma_wait3A_600 = arith.constant 0 : i32
    %dma_wait3A_601 = tpu.memref_slice %dma_wait3A_598[%dma_wait3A_599, %dma_wait3A_600] : memref<1024x16xf32, #tpu.memory_space<vmem>> -> memref<128x16xf32, #tpu.memory_space<vmem>>
    %dma_wait3A_602 = arith.constant 0 : i32
    %dma_wait3A_603 = tpu.memref_slice %arg9[%dma_wait3A_602] : memref<10240xi32, #tpu.memory_space<vmem>> -> memref<128xi32, #tpu.memory_space<vmem>>
    %dma_wait3A_604 = arith.constant 0 : i32
    %dma_wait3A_605 = arith.constant 0 : i32
    %dma_wait3A_606 = tpu.memref_slice %arg6[%dma_wait3A_604, %dma_wait3A_605] : memref<10112x16xf32, #tpu.memory_space<vmem_shared>> -> memref<10112x16xf32, #tpu.memory_space<vmem_shared>>
    %dma_wait3A_607 = tpu.memref_slice %arg14[%dma_wait3A_594] : memref<4x!tpu.dma_semaphore, #tpu.memory_space<semaphore_mem>> -> memref<1x!tpu.dma_semaphore, #tpu.memory_space<semaphore_mem>>
    %dma_wait3A_608 = tpu.memref_squeeze %dma_wait3A_607 : memref<1x!tpu.dma_semaphore, #tpu.memory_space<semaphore_mem>> -> memref<!tpu.dma_semaphore, #tpu.memory_space<semaphore_mem>>
    tpu.wait_indirect_dma semaphore(%dma_wait3A_608 : memref<!tpu.dma_semaphore, #tpu.memory_space<semaphore_mem>>) src(%dma_wait3A_601 : memref<128x16xf32, #tpu.memory_space<vmem>>) dst(%dma_wait3A_606 : memref<10112x16xf32, #tpu.memory_space<vmem_shared>>)
    %dma_wait3A_609 = arith.constant 0 : i32
    %dma_wait3A_610 = arith.constant 0 : i32
    %dma_wait3A_611 = arith.constant 0 : i32
    %dma_wait3A_612 = arith.constant 0 : i32
    %dma_wait3A_613 = tpu.memref_slice %arg10[%dma_wait3A_609, %dma_wait3A_611, %dma_wait3A_612] : memref<4x1024x16xf32, #tpu.memory_space<vmem>> -> memref<1x1024x16xf32, #tpu.memory_space<vmem>>
    %dma_wait3A_614 = tpu.memref_squeeze %dma_wait3A_613 : memref<1x1024x16xf32, #tpu.memory_space<vmem>> -> memref<1024x16xf32, #tpu.memory_space<vmem>>
    %dma_wait3A_615 = arith.constant 0 : i32
    %dma_wait3A_616 = arith.constant 0 : i32
    %dma_wait3A_617 = tpu.memref_slice %dma_wait3A_614[%dma_wait3A_615, %dma_wait3A_616] : memref<1024x16xf32, #tpu.memory_space<vmem>> -> memref<128x16xf32, #tpu.memory_space<vmem>>
    %dma_wait3A_618 = arith.constant 0 : i32
    %dma_wait3A_619 = tpu.memref_slice %arg9[%dma_wait3A_618] : memref<10240xi32, #tpu.memory_space<vmem>> -> memref<128xi32, #tpu.memory_space<vmem>>
    %dma_wait3A_620 = arith.constant 0 : i32
    %dma_wait3A_621 = arith.constant 0 : i32
    %dma_wait3A_622 = tpu.memref_slice %arg6[%dma_wait3A_620, %dma_wait3A_621] : memref<10112x16xf32, #tpu.memory_space<vmem_shared>> -> memref<10112x16xf32, #tpu.memory_space<vmem_shared>>
    %dma_wait3A_623 = tpu.memref_slice %arg14[%dma_wait3A_610] : memref<4x!tpu.dma_semaphore, #tpu.memory_space<semaphore_mem>> -> memref<1x!tpu.dma_semaphore, #tpu.memory_space<semaphore_mem>>
    %dma_wait3A_624 = tpu.memref_squeeze %dma_wait3A_623 : memref<1x!tpu.dma_semaphore, #tpu.memory_space<semaphore_mem>> -> memref<!tpu.dma_semaphore, #tpu.memory_space<semaphore_mem>>
    tpu.wait_indirect_dma semaphore(%dma_wait3A_624 : memref<!tpu.dma_semaphore, #tpu.memory_space<semaphore_mem>>) src(%dma_wait3A_617 : memref<128x16xf32, #tpu.memory_space<vmem>>) dst(%dma_wait3A_622 : memref<10112x16xf32, #tpu.memory_space<vmem_shared>>)
    %dma_wait3A_625 = arith.constant 0 : i32
    %dma_wait3A_626 = arith.constant 0 : i32
    %dma_wait3A_627 = arith.constant 0 : i32
    %dma_wait3A_628 = arith.constant 0 : i32
    %dma_wait3A_629 = tpu.memref_slice %arg10[%dma_wait3A_625, %dma_wait3A_627, %dma_wait3A_628] : memref<4x1024x16xf32, #tpu.memory_space<vmem>> -> memref<1x1024x16xf32, #tpu.memory_space<vmem>>
    %dma_wait3A_630 = tpu.memref_squeeze %dma_wait3A_629 : memref<1x1024x16xf32, #tpu.memory_space<vmem>> -> memref<1024x16xf32, #tpu.memory_space<vmem>>
    %dma_wait3A_631 = arith.constant 0 : i32
    %dma_wait3A_632 = arith.constant 0 : i32
    %dma_wait3A_633 = tpu.memref_slice %dma_wait3A_630[%dma_wait3A_631, %dma_wait3A_632] : memref<1024x16xf32, #tpu.memory_space<vmem>> -> memref<128x16xf32, #tpu.memory_space<vmem>>
    %dma_wait3A_634 = arith.constant 0 : i32
    %dma_wait3A_635 = tpu.memref_slice %arg9[%dma_wait3A_634] : memref<10240xi32, #tpu.memory_space<vmem>> -> memref<128xi32, #tpu.memory_space<vmem>>
    %dma_wait3A_636 = arith.constant 0 : i32
    %dma_wait3A_637 = arith.constant 0 : i32
    %dma_wait3A_638 = tpu.memref_slice %arg6[%dma_wait3A_636, %dma_wait3A_637] : memref<10112x16xf32, #tpu.memory_space<vmem_shared>> -> memref<10112x16xf32, #tpu.memory_space<vmem_shared>>
    %dma_wait3A_639 = tpu.memref_slice %arg14[%dma_wait3A_626] : memref<4x!tpu.dma_semaphore, #tpu.memory_space<semaphore_mem>> -> memref<1x!tpu.dma_semaphore, #tpu.memory_space<semaphore_mem>>
    %dma_wait3A_640 = tpu.memref_squeeze %dma_wait3A_639 : memref<1x!tpu.dma_semaphore, #tpu.memory_space<semaphore_mem>> -> memref<!tpu.dma_semaphore, #tpu.memory_space<semaphore_mem>>
    tpu.wait_indirect_dma semaphore(%dma_wait3A_640 : memref<!tpu.dma_semaphore, #tpu.memory_space<semaphore_mem>>) src(%dma_wait3A_633 : memref<128x16xf32, #tpu.memory_space<vmem>>) dst(%dma_wait3A_638 : memref<10112x16xf32, #tpu.memory_space<vmem_shared>>)
    %dma_wait3A_641 = arith.constant 0 : i32
    %dma_wait3A_642 = arith.constant 0 : i32
    %dma_wait3A_643 = arith.constant 0 : i32
    %dma_wait3A_644 = arith.constant 0 : i32
    %dma_wait3A_645 = tpu.memref_slice %arg10[%dma_wait3A_641, %dma_wait3A_643, %dma_wait3A_644] : memref<4x1024x16xf32, #tpu.memory_space<vmem>> -> memref<1x1024x16xf32, #tpu.memory_space<vmem>>
    %dma_wait3A_646 = tpu.memref_squeeze %dma_wait3A_645 : memref<1x1024x16xf32, #tpu.memory_space<vmem>> -> memref<1024x16xf32, #tpu.memory_space<vmem>>
    %dma_wait3A_647 = arith.constant 0 : i32
    %dma_wait3A_648 = arith.constant 0 : i32
    %dma_wait3A_649 = tpu.memref_slice %dma_wait3A_646[%dma_wait3A_647, %dma_wait3A_648] : memref<1024x16xf32, #tpu.memory_space<vmem>> -> memref<128x16xf32, #tpu.memory_space<vmem>>
    %dma_wait3A_650 = arith.constant 0 : i32
    %dma_wait3A_651 = tpu.memref_slice %arg9[%dma_wait3A_650] : memref<10240xi32, #tpu.memory_space<vmem>> -> memref<128xi32, #tpu.memory_space<vmem>>
    %dma_wait3A_652 = arith.constant 0 : i32
    %dma_wait3A_653 = arith.constant 0 : i32
    %dma_wait3A_654 = tpu.memref_slice %arg6[%dma_wait3A_652, %dma_wait3A_653] : memref<10112x16xf32, #tpu.memory_space<vmem_shared>> -> memref<10112x16xf32, #tpu.memory_space<vmem_shared>>
    %dma_wait3A_655 = tpu.memref_slice %arg14[%dma_wait3A_642] : memref<4x!tpu.dma_semaphore, #tpu.memory_space<semaphore_mem>> -> memref<1x!tpu.dma_semaphore, #tpu.memory_space<semaphore_mem>>
    %dma_wait3A_656 = tpu.memref_squeeze %dma_wait3A_655 : memref<1x!tpu.dma_semaphore, #tpu.memory_space<semaphore_mem>> -> memref<!tpu.dma_semaphore, #tpu.memory_space<semaphore_mem>>
    tpu.wait_indirect_dma semaphore(%dma_wait3A_656 : memref<!tpu.dma_semaphore, #tpu.memory_space<semaphore_mem>>) src(%dma_wait3A_649 : memref<128x16xf32, #tpu.memory_space<vmem>>) dst(%dma_wait3A_654 : memref<10112x16xf32, #tpu.memory_space<vmem_shared>>)
    %dma_wait3A_657 = arith.constant 0 : i32
    %dma_wait3A_658 = arith.constant 0 : i32
    %dma_wait3A_659 = arith.constant 0 : i32
    %dma_wait3A_660 = arith.constant 0 : i32
    %dma_wait3A_661 = tpu.memref_slice %arg10[%dma_wait3A_657, %dma_wait3A_659, %dma_wait3A_660] : memref<4x1024x16xf32, #tpu.memory_space<vmem>> -> memref<1x1024x16xf32, #tpu.memory_space<vmem>>
    %dma_wait3A_662 = tpu.memref_squeeze %dma_wait3A_661 : memref<1x1024x16xf32, #tpu.memory_space<vmem>> -> memref<1024x16xf32, #tpu.memory_space<vmem>>
    %dma_wait3A_663 = arith.constant 0 : i32
    %dma_wait3A_664 = arith.constant 0 : i32
    %dma_wait3A_665 = tpu.memref_slice %dma_wait3A_662[%dma_wait3A_663, %dma_wait3A_664] : memref<1024x16xf32, #tpu.memory_space<vmem>> -> memref<128x16xf32, #tpu.memory_space<vmem>>
    %dma_wait3A_666 = arith.constant 0 : i32
    %dma_wait3A_667 = tpu.memref_slice %arg9[%dma_wait3A_666] : memref<10240xi32, #tpu.memory_space<vmem>> -> memref<128xi32, #tpu.memory_space<vmem>>
    %dma_wait3A_668 = arith.constant 0 : i32
    %dma_wait3A_669 = arith.constant 0 : i32
    %dma_wait3A_670 = tpu.memref_slice %arg6[%dma_wait3A_668, %dma_wait3A_669] : memref<10112x16xf32, #tpu.memory_space<vmem_shared>> -> memref<10112x16xf32, #tpu.memory_space<vmem_shared>>
    %dma_wait3A_671 = tpu.memref_slice %arg14[%dma_wait3A_658] : memref<4x!tpu.dma_semaphore, #tpu.memory_space<semaphore_mem>> -> memref<1x!tpu.dma_semaphore, #tpu.memory_space<semaphore_mem>>
    %dma_wait3A_672 = tpu.memref_squeeze %dma_wait3A_671 : memref<1x!tpu.dma_semaphore, #tpu.memory_space<semaphore_mem>> -> memref<!tpu.dma_semaphore, #tpu.memory_space<semaphore_mem>>
    tpu.wait_indirect_dma semaphore(%dma_wait3A_672 : memref<!tpu.dma_semaphore, #tpu.memory_space<semaphore_mem>>) src(%dma_wait3A_665 : memref<128x16xf32, #tpu.memory_space<vmem>>) dst(%dma_wait3A_670 : memref<10112x16xf32, #tpu.memory_space<vmem_shared>>)
    %dma_wait3A_673 = arith.constant 0 : i32
    %dma_wait3A_674 = arith.constant 0 : i32
    %dma_wait3A_675 = arith.constant 0 : i32
    %dma_wait3A_676 = arith.constant 0 : i32
    %dma_wait3A_677 = tpu.memref_slice %arg10[%dma_wait3A_673, %dma_wait3A_675, %dma_wait3A_676] : memref<4x1024x16xf32, #tpu.memory_space<vmem>> -> memref<1x1024x16xf32, #tpu.memory_space<vmem>>
    %dma_wait3A_678 = tpu.memref_squeeze %dma_wait3A_677 : memref<1x1024x16xf32, #tpu.memory_space<vmem>> -> memref<1024x16xf32, #tpu.memory_space<vmem>>
    %dma_wait3A_679 = arith.constant 0 : i32
    %dma_wait3A_680 = arith.constant 0 : i32
    %dma_wait3A_681 = tpu.memref_slice %dma_wait3A_678[%dma_wait3A_679, %dma_wait3A_680] : memref<1024x16xf32, #tpu.memory_space<vmem>> -> memref<128x16xf32, #tpu.memory_space<vmem>>
    %dma_wait3A_682 = arith.constant 0 : i32
    %dma_wait3A_683 = tpu.memref_slice %arg9[%dma_wait3A_682] : memref<10240xi32, #tpu.memory_space<vmem>> -> memref<128xi32, #tpu.memory_space<vmem>>
    %dma_wait3A_684 = arith.constant 0 : i32
    %dma_wait3A_685 = arith.constant 0 : i32
    %dma_wait3A_686 = tpu.memref_slice %arg6[%dma_wait3A_684, %dma_wait3A_685] : memref<10112x16xf32, #tpu.memory_space<vmem_shared>> -> memref<10112x16xf32, #tpu.memory_space<vmem_shared>>
    %dma_wait3A_687 = tpu.memref_slice %arg14[%dma_wait3A_674] : memref<4x!tpu.dma_semaphore, #tpu.memory_space<semaphore_mem>> -> memref<1x!tpu.dma_semaphore, #tpu.memory_space<semaphore_mem>>
    %dma_wait3A_688 = tpu.memref_squeeze %dma_wait3A_687 : memref<1x!tpu.dma_semaphore, #tpu.memory_space<semaphore_mem>> -> memref<!tpu.dma_semaphore, #tpu.memory_space<semaphore_mem>>
    tpu.wait_indirect_dma semaphore(%dma_wait3A_688 : memref<!tpu.dma_semaphore, #tpu.memory_space<semaphore_mem>>) src(%dma_wait3A_681 : memref<128x16xf32, #tpu.memory_space<vmem>>) dst(%dma_wait3A_686 : memref<10112x16xf32, #tpu.memory_space<vmem_shared>>)
    %dma_wait3A_689 = arith.constant 0 : i32
    %dma_wait3A_690 = arith.constant 0 : i32
    %dma_wait3A_691 = arith.constant 0 : i32
    %dma_wait3A_692 = arith.constant 0 : i32
    %dma_wait3A_693 = tpu.memref_slice %arg10[%dma_wait3A_689, %dma_wait3A_691, %dma_wait3A_692] : memref<4x1024x16xf32, #tpu.memory_space<vmem>> -> memref<1x1024x16xf32, #tpu.memory_space<vmem>>
    %dma_wait3A_694 = tpu.memref_squeeze %dma_wait3A_693 : memref<1x1024x16xf32, #tpu.memory_space<vmem>> -> memref<1024x16xf32, #tpu.memory_space<vmem>>
    %dma_wait3A_695 = arith.constant 0 : i32
    %dma_wait3A_696 = arith.constant 0 : i32
    %dma_wait3A_697 = tpu.memref_slice %dma_wait3A_694[%dma_wait3A_695, %dma_wait3A_696] : memref<1024x16xf32, #tpu.memory_space<vmem>> -> memref<128x16xf32, #tpu.memory_space<vmem>>
    %dma_wait3A_698 = arith.constant 0 : i32
    %dma_wait3A_699 = tpu.memref_slice %arg9[%dma_wait3A_698] : memref<10240xi32, #tpu.memory_space<vmem>> -> memref<128xi32, #tpu.memory_space<vmem>>
    %dma_wait3A_700 = arith.constant 0 : i32
    %dma_wait3A_701 = arith.constant 0 : i32
    %dma_wait3A_702 = tpu.memref_slice %arg6[%dma_wait3A_700, %dma_wait3A_701] : memref<10112x16xf32, #tpu.memory_space<vmem_shared>> -> memref<10112x16xf32, #tpu.memory_space<vmem_shared>>
    %dma_wait3A_703 = tpu.memref_slice %arg14[%dma_wait3A_690] : memref<4x!tpu.dma_semaphore, #tpu.memory_space<semaphore_mem>> -> memref<1x!tpu.dma_semaphore, #tpu.memory_space<semaphore_mem>>
    %dma_wait3A_704 = tpu.memref_squeeze %dma_wait3A_703 : memref<1x!tpu.dma_semaphore, #tpu.memory_space<semaphore_mem>> -> memref<!tpu.dma_semaphore, #tpu.memory_space<semaphore_mem>>
    tpu.wait_indirect_dma semaphore(%dma_wait3A_704 : memref<!tpu.dma_semaphore, #tpu.memory_space<semaphore_mem>>) src(%dma_wait3A_697 : memref<128x16xf32, #tpu.memory_space<vmem>>) dst(%dma_wait3A_702 : memref<10112x16xf32, #tpu.memory_space<vmem_shared>>)
    %dma_wait3A_705 = arith.constant 3 : i32
    %dma_wait3A_706 = arith.constant 3 : i32
    %dma_wait3A_707 = arith.constant 0 : i32
    %dma_wait3A_708 = arith.constant 0 : i32
    %dma_wait3A_709 = tpu.memref_slice %arg10[%dma_wait3A_705, %dma_wait3A_707, %dma_wait3A_708] : memref<4x1024x16xf32, #tpu.memory_space<vmem>> -> memref<1x1024x16xf32, #tpu.memory_space<vmem>>
    %dma_wait3A_710 = tpu.memref_squeeze %dma_wait3A_709 : memref<1x1024x16xf32, #tpu.memory_space<vmem>> -> memref<1024x16xf32, #tpu.memory_space<vmem>>
    %dma_wait3A_711 = arith.constant 0 : i32
    %dma_wait3A_712 = arith.constant 0 : i32
    %dma_wait3A_713 = tpu.memref_slice %dma_wait3A_710[%dma_wait3A_711, %dma_wait3A_712] : memref<1024x16xf32, #tpu.memory_space<vmem>> -> memref<128x16xf32, #tpu.memory_space<vmem>>
    %dma_wait3A_714 = arith.constant 0 : i32
    %dma_wait3A_715 = tpu.memref_slice %arg9[%dma_wait3A_714] : memref<10240xi32, #tpu.memory_space<vmem>> -> memref<128xi32, #tpu.memory_space<vmem>>
    %dma_wait3A_716 = arith.constant 0 : i32
    %dma_wait3A_717 = arith.constant 0 : i32
    %dma_wait3A_718 = tpu.memref_slice %arg6[%dma_wait3A_716, %dma_wait3A_717] : memref<10112x16xf32, #tpu.memory_space<vmem_shared>> -> memref<10112x16xf32, #tpu.memory_space<vmem_shared>>
    %dma_wait3A_719 = tpu.memref_slice %arg14[%dma_wait3A_706] : memref<4x!tpu.dma_semaphore, #tpu.memory_space<semaphore_mem>> -> memref<1x!tpu.dma_semaphore, #tpu.memory_space<semaphore_mem>>
    %dma_wait3A_720 = tpu.memref_squeeze %dma_wait3A_719 : memref<1x!tpu.dma_semaphore, #tpu.memory_space<semaphore_mem>> -> memref<!tpu.dma_semaphore, #tpu.memory_space<semaphore_mem>>
    tpu.wait_indirect_dma semaphore(%dma_wait3A_720 : memref<!tpu.dma_semaphore, #tpu.memory_space<semaphore_mem>>) src(%dma_wait3A_713 : memref<128x16xf32, #tpu.memory_space<vmem>>) dst(%dma_wait3A_718 : memref<10112x16xf32, #tpu.memory_space<vmem_shared>>)
    %dma_wait3A_721 = arith.constant 3 : i32
    %dma_wait3A_722 = arith.constant 3 : i32
    %dma_wait3A_723 = arith.constant 0 : i32
    %dma_wait3A_724 = arith.constant 0 : i32
    %dma_wait3A_725 = tpu.memref_slice %arg10[%dma_wait3A_721, %dma_wait3A_723, %dma_wait3A_724] : memref<4x1024x16xf32, #tpu.memory_space<vmem>> -> memref<1x1024x16xf32, #tpu.memory_space<vmem>>
    %dma_wait3A_726 = tpu.memref_squeeze %dma_wait3A_725 : memref<1x1024x16xf32, #tpu.memory_space<vmem>> -> memref<1024x16xf32, #tpu.memory_space<vmem>>
    %dma_wait3A_727 = arith.constant 0 : i32
    %dma_wait3A_728 = arith.constant 0 : i32
    %dma_wait3A_729 = tpu.memref_slice %dma_wait3A_726[%dma_wait3A_727, %dma_wait3A_728] : memref<1024x16xf32, #tpu.memory_space<vmem>> -> memref<128x16xf32, #tpu.memory_space<vmem>>
    %dma_wait3A_730 = arith.constant 0 : i32
    %dma_wait3A_731 = tpu.memref_slice %arg9[%dma_wait3A_730] : memref<10240xi32, #tpu.memory_space<vmem>> -> memref<128xi32, #tpu.memory_space<vmem>>
    %dma_wait3A_732 = arith.constant 0 : i32
    %dma_wait3A_733 = arith.constant 0 : i32
    %dma_wait3A_734 = tpu.memref_slice %arg6[%dma_wait3A_732, %dma_wait3A_733] : memref<10112x16xf32, #tpu.memory_space<vmem_shared>> -> memref<10112x16xf32, #tpu.memory_space<vmem_shared>>
    %dma_wait3A_735 = tpu.memref_slice %arg14[%dma_wait3A_722] : memref<4x!tpu.dma_semaphore, #tpu.memory_space<semaphore_mem>> -> memref<1x!tpu.dma_semaphore, #tpu.memory_space<semaphore_mem>>
    %dma_wait3A_736 = tpu.memref_squeeze %dma_wait3A_735 : memref<1x!tpu.dma_semaphore, #tpu.memory_space<semaphore_mem>> -> memref<!tpu.dma_semaphore, #tpu.memory_space<semaphore_mem>>
    tpu.wait_indirect_dma semaphore(%dma_wait3A_736 : memref<!tpu.dma_semaphore, #tpu.memory_space<semaphore_mem>>) src(%dma_wait3A_729 : memref<128x16xf32, #tpu.memory_space<vmem>>) dst(%dma_wait3A_734 : memref<10112x16xf32, #tpu.memory_space<vmem_shared>>)
    %dma_wait3A_737 = arith.constant 3 : i32
    %dma_wait3A_738 = arith.constant 3 : i32
    %dma_wait3A_739 = arith.constant 0 : i32
    %dma_wait3A_740 = arith.constant 0 : i32
    %dma_wait3A_741 = tpu.memref_slice %arg10[%dma_wait3A_737, %dma_wait3A_739, %dma_wait3A_740] : memref<4x1024x16xf32, #tpu.memory_space<vmem>> -> memref<1x1024x16xf32, #tpu.memory_space<vmem>>
    %dma_wait3A_742 = tpu.memref_squeeze %dma_wait3A_741 : memref<1x1024x16xf32, #tpu.memory_space<vmem>> -> memref<1024x16xf32, #tpu.memory_space<vmem>>
    %dma_wait3A_743 = arith.constant 0 : i32
    %dma_wait3A_744 = arith.constant 0 : i32
    %dma_wait3A_745 = tpu.memref_slice %dma_wait3A_742[%dma_wait3A_743, %dma_wait3A_744] : memref<1024x16xf32, #tpu.memory_space<vmem>> -> memref<128x16xf32, #tpu.memory_space<vmem>>
    %dma_wait3A_746 = arith.constant 0 : i32
    %dma_wait3A_747 = tpu.memref_slice %arg9[%dma_wait3A_746] : memref<10240xi32, #tpu.memory_space<vmem>> -> memref<128xi32, #tpu.memory_space<vmem>>
    %dma_wait3A_748 = arith.constant 0 : i32
    %dma_wait3A_749 = arith.constant 0 : i32
    %dma_wait3A_750 = tpu.memref_slice %arg6[%dma_wait3A_748, %dma_wait3A_749] : memref<10112x16xf32, #tpu.memory_space<vmem_shared>> -> memref<10112x16xf32, #tpu.memory_space<vmem_shared>>
    %dma_wait3A_751 = tpu.memref_slice %arg14[%dma_wait3A_738] : memref<4x!tpu.dma_semaphore, #tpu.memory_space<semaphore_mem>> -> memref<1x!tpu.dma_semaphore, #tpu.memory_space<semaphore_mem>>
    %dma_wait3A_752 = tpu.memref_squeeze %dma_wait3A_751 : memref<1x!tpu.dma_semaphore, #tpu.memory_space<semaphore_mem>> -> memref<!tpu.dma_semaphore, #tpu.memory_space<semaphore_mem>>
    tpu.wait_indirect_dma semaphore(%dma_wait3A_752 : memref<!tpu.dma_semaphore, #tpu.memory_space<semaphore_mem>>) src(%dma_wait3A_745 : memref<128x16xf32, #tpu.memory_space<vmem>>) dst(%dma_wait3A_750 : memref<10112x16xf32, #tpu.memory_space<vmem_shared>>)
    %dma_wait3A_753 = arith.constant 3 : i32
    %dma_wait3A_754 = arith.constant 3 : i32
    %dma_wait3A_755 = arith.constant 0 : i32
    %dma_wait3A_756 = arith.constant 0 : i32
    %dma_wait3A_757 = tpu.memref_slice %arg10[%dma_wait3A_753, %dma_wait3A_755, %dma_wait3A_756] : memref<4x1024x16xf32, #tpu.memory_space<vmem>> -> memref<1x1024x16xf32, #tpu.memory_space<vmem>>
    %dma_wait3A_758 = tpu.memref_squeeze %dma_wait3A_757 : memref<1x1024x16xf32, #tpu.memory_space<vmem>> -> memref<1024x16xf32, #tpu.memory_space<vmem>>
    %dma_wait3A_759 = arith.constant 0 : i32
    %dma_wait3A_760 = arith.constant 0 : i32
    %dma_wait3A_761 = tpu.memref_slice %dma_wait3A_758[%dma_wait3A_759, %dma_wait3A_760] : memref<1024x16xf32, #tpu.memory_space<vmem>> -> memref<128x16xf32, #tpu.memory_space<vmem>>
    %dma_wait3A_762 = arith.constant 0 : i32
    %dma_wait3A_763 = tpu.memref_slice %arg9[%dma_wait3A_762] : memref<10240xi32, #tpu.memory_space<vmem>> -> memref<128xi32, #tpu.memory_space<vmem>>
    %dma_wait3A_764 = arith.constant 0 : i32
    %dma_wait3A_765 = arith.constant 0 : i32
    %dma_wait3A_766 = tpu.memref_slice %arg6[%dma_wait3A_764, %dma_wait3A_765] : memref<10112x16xf32, #tpu.memory_space<vmem_shared>> -> memref<10112x16xf32, #tpu.memory_space<vmem_shared>>
    %dma_wait3A_767 = tpu.memref_slice %arg14[%dma_wait3A_754] : memref<4x!tpu.dma_semaphore, #tpu.memory_space<semaphore_mem>> -> memref<1x!tpu.dma_semaphore, #tpu.memory_space<semaphore_mem>>
    %dma_wait3A_768 = tpu.memref_squeeze %dma_wait3A_767 : memref<1x!tpu.dma_semaphore, #tpu.memory_space<semaphore_mem>> -> memref<!tpu.dma_semaphore, #tpu.memory_space<semaphore_mem>>
    tpu.wait_indirect_dma semaphore(%dma_wait3A_768 : memref<!tpu.dma_semaphore, #tpu.memory_space<semaphore_mem>>) src(%dma_wait3A_761 : memref<128x16xf32, #tpu.memory_space<vmem>>) dst(%dma_wait3A_766 : memref<10112x16xf32, #tpu.memory_space<vmem_shared>>)
    %dma_wait3A_769 = arith.constant 3 : i32
    %dma_wait3A_770 = arith.constant 3 : i32
    %dma_wait3A_771 = arith.constant 0 : i32
    %dma_wait3A_772 = arith.constant 0 : i32
    %dma_wait3A_773 = tpu.memref_slice %arg10[%dma_wait3A_769, %dma_wait3A_771, %dma_wait3A_772] : memref<4x1024x16xf32, #tpu.memory_space<vmem>> -> memref<1x1024x16xf32, #tpu.memory_space<vmem>>
    %dma_wait3A_774 = tpu.memref_squeeze %dma_wait3A_773 : memref<1x1024x16xf32, #tpu.memory_space<vmem>> -> memref<1024x16xf32, #tpu.memory_space<vmem>>
    %dma_wait3A_775 = arith.constant 0 : i32
    %dma_wait3A_776 = arith.constant 0 : i32
    %dma_wait3A_777 = tpu.memref_slice %dma_wait3A_774[%dma_wait3A_775, %dma_wait3A_776] : memref<1024x16xf32, #tpu.memory_space<vmem>> -> memref<128x16xf32, #tpu.memory_space<vmem>>
    %dma_wait3A_778 = arith.constant 0 : i32
    %dma_wait3A_779 = tpu.memref_slice %arg9[%dma_wait3A_778] : memref<10240xi32, #tpu.memory_space<vmem>> -> memref<128xi32, #tpu.memory_space<vmem>>
    %dma_wait3A_780 = arith.constant 0 : i32
    %dma_wait3A_781 = arith.constant 0 : i32
    %dma_wait3A_782 = tpu.memref_slice %arg6[%dma_wait3A_780, %dma_wait3A_781] : memref<10112x16xf32, #tpu.memory_space<vmem_shared>> -> memref<10112x16xf32, #tpu.memory_space<vmem_shared>>
    %dma_wait3A_783 = tpu.memref_slice %arg14[%dma_wait3A_770] : memref<4x!tpu.dma_semaphore, #tpu.memory_space<semaphore_mem>> -> memref<1x!tpu.dma_semaphore, #tpu.memory_space<semaphore_mem>>
    %dma_wait3A_784 = tpu.memref_squeeze %dma_wait3A_783 : memref<1x!tpu.dma_semaphore, #tpu.memory_space<semaphore_mem>> -> memref<!tpu.dma_semaphore, #tpu.memory_space<semaphore_mem>>
    tpu.wait_indirect_dma semaphore(%dma_wait3A_784 : memref<!tpu.dma_semaphore, #tpu.memory_space<semaphore_mem>>) src(%dma_wait3A_777 : memref<128x16xf32, #tpu.memory_space<vmem>>) dst(%dma_wait3A_782 : memref<10112x16xf32, #tpu.memory_space<vmem_shared>>)
    %dma_wait3A_785 = arith.constant 3 : i32
    %dma_wait3A_786 = arith.constant 3 : i32
    %dma_wait3A_787 = arith.constant 0 : i32
    %dma_wait3A_788 = arith.constant 0 : i32
    %dma_wait3A_789 = tpu.memref_slice %arg10[%dma_wait3A_785, %dma_wait3A_787, %dma_wait3A_788] : memref<4x1024x16xf32, #tpu.memory_space<vmem>> -> memref<1x1024x16xf32, #tpu.memory_space<vmem>>
    %dma_wait3A_790 = tpu.memref_squeeze %dma_wait3A_789 : memref<1x1024x16xf32, #tpu.memory_space<vmem>> -> memref<1024x16xf32, #tpu.memory_space<vmem>>
    %dma_wait3A_791 = arith.constant 0 : i32
    %dma_wait3A_792 = arith.constant 0 : i32
    %dma_wait3A_793 = tpu.memref_slice %dma_wait3A_790[%dma_wait3A_791, %dma_wait3A_792] : memref<1024x16xf32, #tpu.memory_space<vmem>> -> memref<128x16xf32, #tpu.memory_space<vmem>>
    %dma_wait3A_794 = arith.constant 0 : i32
    %dma_wait3A_795 = tpu.memref_slice %arg9[%dma_wait3A_794] : memref<10240xi32, #tpu.memory_space<vmem>> -> memref<128xi32, #tpu.memory_space<vmem>>
    %dma_wait3A_796 = arith.constant 0 : i32
    %dma_wait3A_797 = arith.constant 0 : i32
    %dma_wait3A_798 = tpu.memref_slice %arg6[%dma_wait3A_796, %dma_wait3A_797] : memref<10112x16xf32, #tpu.memory_space<vmem_shared>> -> memref<10112x16xf32, #tpu.memory_space<vmem_shared>>
    %dma_wait3A_799 = tpu.memref_slice %arg14[%dma_wait3A_786] : memref<4x!tpu.dma_semaphore, #tpu.memory_space<semaphore_mem>> -> memref<1x!tpu.dma_semaphore, #tpu.memory_space<semaphore_mem>>
    %dma_wait3A_800 = tpu.memref_squeeze %dma_wait3A_799 : memref<1x!tpu.dma_semaphore, #tpu.memory_space<semaphore_mem>> -> memref<!tpu.dma_semaphore, #tpu.memory_space<semaphore_mem>>
    tpu.wait_indirect_dma semaphore(%dma_wait3A_800 : memref<!tpu.dma_semaphore, #tpu.memory_space<semaphore_mem>>) src(%dma_wait3A_793 : memref<128x16xf32, #tpu.memory_space<vmem>>) dst(%dma_wait3A_798 : memref<10112x16xf32, #tpu.memory_space<vmem_shared>>)
    %dma_wait3A_801 = arith.constant 3 : i32
    %dma_wait3A_802 = arith.constant 3 : i32
    %dma_wait3A_803 = arith.constant 0 : i32
    %dma_wait3A_804 = arith.constant 0 : i32
    %dma_wait3A_805 = tpu.memref_slice %arg10[%dma_wait3A_801, %dma_wait3A_803, %dma_wait3A_804] : memref<4x1024x16xf32, #tpu.memory_space<vmem>> -> memref<1x1024x16xf32, #tpu.memory_space<vmem>>
    %dma_wait3A_806 = tpu.memref_squeeze %dma_wait3A_805 : memref<1x1024x16xf32, #tpu.memory_space<vmem>> -> memref<1024x16xf32, #tpu.memory_space<vmem>>
    %dma_wait3A_807 = arith.constant 0 : i32
    %dma_wait3A_808 = arith.constant 0 : i32
    %dma_wait3A_809 = tpu.memref_slice %dma_wait3A_806[%dma_wait3A_807, %dma_wait3A_808] : memref<1024x16xf32, #tpu.memory_space<vmem>> -> memref<128x16xf32, #tpu.memory_space<vmem>>
    %dma_wait3A_810 = arith.constant 0 : i32
    %dma_wait3A_811 = tpu.memref_slice %arg9[%dma_wait3A_810] : memref<10240xi32, #tpu.memory_space<vmem>> -> memref<128xi32, #tpu.memory_space<vmem>>
    %dma_wait3A_812 = arith.constant 0 : i32
    %dma_wait3A_813 = arith.constant 0 : i32
    %dma_wait3A_814 = tpu.memref_slice %arg6[%dma_wait3A_812, %dma_wait3A_813] : memref<10112x16xf32, #tpu.memory_space<vmem_shared>> -> memref<10112x16xf32, #tpu.memory_space<vmem_shared>>
    %dma_wait3A_815 = tpu.memref_slice %arg14[%dma_wait3A_802] : memref<4x!tpu.dma_semaphore, #tpu.memory_space<semaphore_mem>> -> memref<1x!tpu.dma_semaphore, #tpu.memory_space<semaphore_mem>>
    %dma_wait3A_816 = tpu.memref_squeeze %dma_wait3A_815 : memref<1x!tpu.dma_semaphore, #tpu.memory_space<semaphore_mem>> -> memref<!tpu.dma_semaphore, #tpu.memory_space<semaphore_mem>>
    tpu.wait_indirect_dma semaphore(%dma_wait3A_816 : memref<!tpu.dma_semaphore, #tpu.memory_space<semaphore_mem>>) src(%dma_wait3A_809 : memref<128x16xf32, #tpu.memory_space<vmem>>) dst(%dma_wait3A_814 : memref<10112x16xf32, #tpu.memory_space<vmem_shared>>)
    %dma_wait3A_817 = arith.constant 3 : i32
    %dma_wait3A_818 = arith.constant 3 : i32
    %dma_wait3A_819 = arith.constant 0 : i32
    %dma_wait3A_820 = arith.constant 0 : i32
    %dma_wait3A_821 = tpu.memref_slice %arg10[%dma_wait3A_817, %dma_wait3A_819, %dma_wait3A_820] : memref<4x1024x16xf32, #tpu.memory_space<vmem>> -> memref<1x1024x16xf32, #tpu.memory_space<vmem>>
    %dma_wait3A_822 = tpu.memref_squeeze %dma_wait3A_821 : memref<1x1024x16xf32, #tpu.memory_space<vmem>> -> memref<1024x16xf32, #tpu.memory_space<vmem>>
    %dma_wait3A_823 = arith.constant 0 : i32
    %dma_wait3A_824 = arith.constant 0 : i32
    %dma_wait3A_825 = tpu.memref_slice %dma_wait3A_822[%dma_wait3A_823, %dma_wait3A_824] : memref<1024x16xf32, #tpu.memory_space<vmem>> -> memref<128x16xf32, #tpu.memory_space<vmem>>
    %dma_wait3A_826 = arith.constant 0 : i32
    %dma_wait3A_827 = tpu.memref_slice %arg9[%dma_wait3A_826] : memref<10240xi32, #tpu.memory_space<vmem>> -> memref<128xi32, #tpu.memory_space<vmem>>
    %dma_wait3A_828 = arith.constant 0 : i32
    %dma_wait3A_829 = arith.constant 0 : i32
    %dma_wait3A_830 = tpu.memref_slice %arg6[%dma_wait3A_828, %dma_wait3A_829] : memref<10112x16xf32, #tpu.memory_space<vmem_shared>> -> memref<10112x16xf32, #tpu.memory_space<vmem_shared>>
    %dma_wait3A_831 = tpu.memref_slice %arg14[%dma_wait3A_818] : memref<4x!tpu.dma_semaphore, #tpu.memory_space<semaphore_mem>> -> memref<1x!tpu.dma_semaphore, #tpu.memory_space<semaphore_mem>>
    %dma_wait3A_832 = tpu.memref_squeeze %dma_wait3A_831 : memref<1x!tpu.dma_semaphore, #tpu.memory_space<semaphore_mem>> -> memref<!tpu.dma_semaphore, #tpu.memory_space<semaphore_mem>>
    tpu.wait_indirect_dma semaphore(%dma_wait3A_832 : memref<!tpu.dma_semaphore, #tpu.memory_space<semaphore_mem>>) src(%dma_wait3A_825 : memref<128x16xf32, #tpu.memory_space<vmem>>) dst(%dma_wait3A_830 : memref<10112x16xf32, #tpu.memory_space<vmem_shared>>)
    %dma_wait3A_833 = arith.constant 3 : i32
    %dma_wait3A_834 = arith.constant 3 : i32
    %dma_wait3A_835 = arith.constant 0 : i32
    %dma_wait3A_836 = arith.constant 0 : i32
    %dma_wait3A_837 = tpu.memref_slice %arg10[%dma_wait3A_833, %dma_wait3A_835, %dma_wait3A_836] : memref<4x1024x16xf32, #tpu.memory_space<vmem>> -> memref<1x1024x16xf32, #tpu.memory_space<vmem>>
    %dma_wait3A_838 = tpu.memref_squeeze %dma_wait3A_837 : memref<1x1024x16xf32, #tpu.memory_space<vmem>> -> memref<1024x16xf32, #tpu.memory_space<vmem>>
    %dma_wait3A_839 = arith.constant 0 : i32
    %dma_wait3A_840 = arith.constant 0 : i32
    %dma_wait3A_841 = tpu.memref_slice %dma_wait3A_838[%dma_wait3A_839, %dma_wait3A_840] : memref<1024x16xf32, #tpu.memory_space<vmem>> -> memref<128x16xf32, #tpu.memory_space<vmem>>
    %dma_wait3A_842 = arith.constant 0 : i32
    %dma_wait3A_843 = tpu.memref_slice %arg9[%dma_wait3A_842] : memref<10240xi32, #tpu.memory_space<vmem>> -> memref<128xi32, #tpu.memory_space<vmem>>
    %dma_wait3A_844 = arith.constant 0 : i32
    %dma_wait3A_845 = arith.constant 0 : i32
    %dma_wait3A_846 = tpu.memref_slice %arg6[%dma_wait3A_844, %dma_wait3A_845] : memref<10112x16xf32, #tpu.memory_space<vmem_shared>> -> memref<10112x16xf32, #tpu.memory_space<vmem_shared>>
    %dma_wait3A_847 = tpu.memref_slice %arg14[%dma_wait3A_834] : memref<4x!tpu.dma_semaphore, #tpu.memory_space<semaphore_mem>> -> memref<1x!tpu.dma_semaphore, #tpu.memory_space<semaphore_mem>>
    %dma_wait3A_848 = tpu.memref_squeeze %dma_wait3A_847 : memref<1x!tpu.dma_semaphore, #tpu.memory_space<semaphore_mem>> -> memref<!tpu.dma_semaphore, #tpu.memory_space<semaphore_mem>>
    tpu.wait_indirect_dma semaphore(%dma_wait3A_848 : memref<!tpu.dma_semaphore, #tpu.memory_space<semaphore_mem>>) src(%dma_wait3A_841 : memref<128x16xf32, #tpu.memory_space<vmem>>) dst(%dma_wait3A_846 : memref<10112x16xf32, #tpu.memory_space<vmem_shared>>)
    %dma_wait3A_849 = arith.constant 3 : i32
    %dma_wait3A_850 = arith.constant 3 : i32
    %dma_wait3A_851 = arith.constant 0 : i32
    %dma_wait3A_852 = arith.constant 0 : i32
    %dma_wait3A_853 = tpu.memref_slice %arg10[%dma_wait3A_849, %dma_wait3A_851, %dma_wait3A_852] : memref<4x1024x16xf32, #tpu.memory_space<vmem>> -> memref<1x1024x16xf32, #tpu.memory_space<vmem>>
    %dma_wait3A_854 = tpu.memref_squeeze %dma_wait3A_853 : memref<1x1024x16xf32, #tpu.memory_space<vmem>> -> memref<1024x16xf32, #tpu.memory_space<vmem>>
    %dma_wait3A_855 = arith.constant 0 : i32
    %dma_wait3A_856 = arith.constant 0 : i32
    %dma_wait3A_857 = tpu.memref_slice %dma_wait3A_854[%dma_wait3A_855, %dma_wait3A_856] : memref<1024x16xf32, #tpu.memory_space<vmem>> -> memref<128x16xf32, #tpu.memory_space<vmem>>
    %dma_wait3A_858 = arith.constant 0 : i32
    %dma_wait3A_859 = tpu.memref_slice %arg9[%dma_wait3A_858] : memref<10240xi32, #tpu.memory_space<vmem>> -> memref<128xi32, #tpu.memory_space<vmem>>
    %dma_wait3A_860 = arith.constant 0 : i32
    %dma_wait3A_861 = arith.constant 0 : i32
    %dma_wait3A_862 = tpu.memref_slice %arg6[%dma_wait3A_860, %dma_wait3A_861] : memref<10112x16xf32, #tpu.memory_space<vmem_shared>> -> memref<10112x16xf32, #tpu.memory_space<vmem_shared>>
    %dma_wait3A_863 = tpu.memref_slice %arg14[%dma_wait3A_850] : memref<4x!tpu.dma_semaphore, #tpu.memory_space<semaphore_mem>> -> memref<1x!tpu.dma_semaphore, #tpu.memory_space<semaphore_mem>>
    %dma_wait3A_864 = tpu.memref_squeeze %dma_wait3A_863 : memref<1x!tpu.dma_semaphore, #tpu.memory_space<semaphore_mem>> -> memref<!tpu.dma_semaphore, #tpu.memory_space<semaphore_mem>>
    tpu.wait_indirect_dma semaphore(%dma_wait3A_864 : memref<!tpu.dma_semaphore, #tpu.memory_space<semaphore_mem>>) src(%dma_wait3A_857 : memref<128x16xf32, #tpu.memory_space<vmem>>) dst(%dma_wait3A_862 : memref<10112x16xf32, #tpu.memory_space<vmem_shared>>)
    %dma_wait3A_865 = arith.constant 3 : i32
    %dma_wait3A_866 = arith.constant 3 : i32
    %dma_wait3A_867 = arith.constant 0 : i32
    %dma_wait3A_868 = arith.constant 0 : i32
    %dma_wait3A_869 = tpu.memref_slice %arg10[%dma_wait3A_865, %dma_wait3A_867, %dma_wait3A_868] : memref<4x1024x16xf32, #tpu.memory_space<vmem>> -> memref<1x1024x16xf32, #tpu.memory_space<vmem>>
    %dma_wait3A_870 = tpu.memref_squeeze %dma_wait3A_869 : memref<1x1024x16xf32, #tpu.memory_space<vmem>> -> memref<1024x16xf32, #tpu.memory_space<vmem>>
    %dma_wait3A_871 = arith.constant 0 : i32
    %dma_wait3A_872 = arith.constant 0 : i32
    %dma_wait3A_873 = tpu.memref_slice %dma_wait3A_870[%dma_wait3A_871, %dma_wait3A_872] : memref<1024x16xf32, #tpu.memory_space<vmem>> -> memref<128x16xf32, #tpu.memory_space<vmem>>
    %dma_wait3A_874 = arith.constant 0 : i32
    %dma_wait3A_875 = tpu.memref_slice %arg9[%dma_wait3A_874] : memref<10240xi32, #tpu.memory_space<vmem>> -> memref<128xi32, #tpu.memory_space<vmem>>
    %dma_wait3A_876 = arith.constant 0 : i32
    %dma_wait3A_877 = arith.constant 0 : i32
    %dma_wait3A_878 = tpu.memref_slice %arg6[%dma_wait3A_876, %dma_wait3A_877] : memref<10112x16xf32, #tpu.memory_space<vmem_shared>> -> memref<10112x16xf32, #tpu.memory_space<vmem_shared>>
    %dma_wait3A_879 = tpu.memref_slice %arg14[%dma_wait3A_866] : memref<4x!tpu.dma_semaphore, #tpu.memory_space<semaphore_mem>> -> memref<1x!tpu.dma_semaphore, #tpu.memory_space<semaphore_mem>>
    %dma_wait3A_880 = tpu.memref_squeeze %dma_wait3A_879 : memref<1x!tpu.dma_semaphore, #tpu.memory_space<semaphore_mem>> -> memref<!tpu.dma_semaphore, #tpu.memory_space<semaphore_mem>>
    tpu.wait_indirect_dma semaphore(%dma_wait3A_880 : memref<!tpu.dma_semaphore, #tpu.memory_space<semaphore_mem>>) src(%dma_wait3A_873 : memref<128x16xf32, #tpu.memory_space<vmem>>) dst(%dma_wait3A_878 : memref<10112x16xf32, #tpu.memory_space<vmem_shared>>)
    %dma_wait3A_881 = arith.constant 3 : i32
    %dma_wait3A_882 = arith.constant 3 : i32
    %dma_wait3A_883 = arith.constant 0 : i32
    %dma_wait3A_884 = arith.constant 0 : i32
    %dma_wait3A_885 = tpu.memref_slice %arg10[%dma_wait3A_881, %dma_wait3A_883, %dma_wait3A_884] : memref<4x1024x16xf32, #tpu.memory_space<vmem>> -> memref<1x1024x16xf32, #tpu.memory_space<vmem>>
    %dma_wait3A_886 = tpu.memref_squeeze %dma_wait3A_885 : memref<1x1024x16xf32, #tpu.memory_space<vmem>> -> memref<1024x16xf32, #tpu.memory_space<vmem>>
    %dma_wait3A_887 = arith.constant 0 : i32
    %dma_wait3A_888 = arith.constant 0 : i32
    %dma_wait3A_889 = tpu.memref_slice %dma_wait3A_886[%dma_wait3A_887, %dma_wait3A_888] : memref<1024x16xf32, #tpu.memory_space<vmem>> -> memref<128x16xf32, #tpu.memory_space<vmem>>
    %dma_wait3A_890 = arith.constant 0 : i32
    %dma_wait3A_891 = tpu.memref_slice %arg9[%dma_wait3A_890] : memref<10240xi32, #tpu.memory_space<vmem>> -> memref<128xi32, #tpu.memory_space<vmem>>
    %dma_wait3A_892 = arith.constant 0 : i32
    %dma_wait3A_893 = arith.constant 0 : i32
    %dma_wait3A_894 = tpu.memref_slice %arg6[%dma_wait3A_892, %dma_wait3A_893] : memref<10112x16xf32, #tpu.memory_space<vmem_shared>> -> memref<10112x16xf32, #tpu.memory_space<vmem_shared>>
    %dma_wait3A_895 = tpu.memref_slice %arg14[%dma_wait3A_882] : memref<4x!tpu.dma_semaphore, #tpu.memory_space<semaphore_mem>> -> memref<1x!tpu.dma_semaphore, #tpu.memory_space<semaphore_mem>>
    %dma_wait3A_896 = tpu.memref_squeeze %dma_wait3A_895 : memref<1x!tpu.dma_semaphore, #tpu.memory_space<semaphore_mem>> -> memref<!tpu.dma_semaphore, #tpu.memory_space<semaphore_mem>>
    tpu.wait_indirect_dma semaphore(%dma_wait3A_896 : memref<!tpu.dma_semaphore, #tpu.memory_space<semaphore_mem>>) src(%dma_wait3A_889 : memref<128x16xf32, #tpu.memory_space<vmem>>) dst(%dma_wait3A_894 : memref<10112x16xf32, #tpu.memory_space<vmem_shared>>)
    %dma_wait3A_897 = arith.constant 3 : i32
    %dma_wait3A_898 = arith.constant 3 : i32
    %dma_wait3A_899 = arith.constant 0 : i32
    %dma_wait3A_900 = arith.constant 0 : i32
    %dma_wait3A_901 = tpu.memref_slice %arg10[%dma_wait3A_897, %dma_wait3A_899, %dma_wait3A_900] : memref<4x1024x16xf32, #tpu.memory_space<vmem>> -> memref<1x1024x16xf32, #tpu.memory_space<vmem>>
    %dma_wait3A_902 = tpu.memref_squeeze %dma_wait3A_901 : memref<1x1024x16xf32, #tpu.memory_space<vmem>> -> memref<1024x16xf32, #tpu.memory_space<vmem>>
    %dma_wait3A_903 = arith.constant 0 : i32
    %dma_wait3A_904 = arith.constant 0 : i32
    %dma_wait3A_905 = tpu.memref_slice %dma_wait3A_902[%dma_wait3A_903, %dma_wait3A_904] : memref<1024x16xf32, #tpu.memory_space<vmem>> -> memref<128x16xf32, #tpu.memory_space<vmem>>
    %dma_wait3A_906 = arith.constant 0 : i32
    %dma_wait3A_907 = tpu.memref_slice %arg9[%dma_wait3A_906] : memref<10240xi32, #tpu.memory_space<vmem>> -> memref<128xi32, #tpu.memory_space<vmem>>
    %dma_wait3A_908 = arith.constant 0 : i32
    %dma_wait3A_909 = arith.constant 0 : i32
    %dma_wait3A_910 = tpu.memref_slice %arg6[%dma_wait3A_908, %dma_wait3A_909] : memref<10112x16xf32, #tpu.memory_space<vmem_shared>> -> memref<10112x16xf32, #tpu.memory_space<vmem_shared>>
    %dma_wait3A_911 = tpu.memref_slice %arg14[%dma_wait3A_898] : memref<4x!tpu.dma_semaphore, #tpu.memory_space<semaphore_mem>> -> memref<1x!tpu.dma_semaphore, #tpu.memory_space<semaphore_mem>>
    %dma_wait3A_912 = tpu.memref_squeeze %dma_wait3A_911 : memref<1x!tpu.dma_semaphore, #tpu.memory_space<semaphore_mem>> -> memref<!tpu.dma_semaphore, #tpu.memory_space<semaphore_mem>>
    tpu.wait_indirect_dma semaphore(%dma_wait3A_912 : memref<!tpu.dma_semaphore, #tpu.memory_space<semaphore_mem>>) src(%dma_wait3A_905 : memref<128x16xf32, #tpu.memory_space<vmem>>) dst(%dma_wait3A_910 : memref<10112x16xf32, #tpu.memory_space<vmem_shared>>)
    %dma_wait3A_913 = arith.constant 3 : i32
    %dma_wait3A_914 = arith.constant 3 : i32
    %dma_wait3A_915 = arith.constant 0 : i32
    %dma_wait3A_916 = arith.constant 0 : i32
    %dma_wait3A_917 = tpu.memref_slice %arg10[%dma_wait3A_913, %dma_wait3A_915, %dma_wait3A_916] : memref<4x1024x16xf32, #tpu.memory_space<vmem>> -> memref<1x1024x16xf32, #tpu.memory_space<vmem>>
    %dma_wait3A_918 = tpu.memref_squeeze %dma_wait3A_917 : memref<1x1024x16xf32, #tpu.memory_space<vmem>> -> memref<1024x16xf32, #tpu.memory_space<vmem>>
    %dma_wait3A_919 = arith.constant 0 : i32
    %dma_wait3A_920 = arith.constant 0 : i32
    %dma_wait3A_921 = tpu.memref_slice %dma_wait3A_918[%dma_wait3A_919, %dma_wait3A_920] : memref<1024x16xf32, #tpu.memory_space<vmem>> -> memref<128x16xf32, #tpu.memory_space<vmem>>
    %dma_wait3A_922 = arith.constant 0 : i32
    %dma_wait3A_923 = tpu.memref_slice %arg9[%dma_wait3A_922] : memref<10240xi32, #tpu.memory_space<vmem>> -> memref<128xi32, #tpu.memory_space<vmem>>
    %dma_wait3A_924 = arith.constant 0 : i32
    %dma_wait3A_925 = arith.constant 0 : i32
    %dma_wait3A_926 = tpu.memref_slice %arg6[%dma_wait3A_924, %dma_wait3A_925] : memref<10112x16xf32, #tpu.memory_space<vmem_shared>> -> memref<10112x16xf32, #tpu.memory_space<vmem_shared>>
    %dma_wait3A_927 = tpu.memref_slice %arg14[%dma_wait3A_914] : memref<4x!tpu.dma_semaphore, #tpu.memory_space<semaphore_mem>> -> memref<1x!tpu.dma_semaphore, #tpu.memory_space<semaphore_mem>>
    %dma_wait3A_928 = tpu.memref_squeeze %dma_wait3A_927 : memref<1x!tpu.dma_semaphore, #tpu.memory_space<semaphore_mem>> -> memref<!tpu.dma_semaphore, #tpu.memory_space<semaphore_mem>>
    tpu.wait_indirect_dma semaphore(%dma_wait3A_928 : memref<!tpu.dma_semaphore, #tpu.memory_space<semaphore_mem>>) src(%dma_wait3A_921 : memref<128x16xf32, #tpu.memory_space<vmem>>) dst(%dma_wait3A_926 : memref<10112x16xf32, #tpu.memory_space<vmem_shared>>)
    %dma_wait3A_929 = arith.constant 3 : i32
    %dma_wait3A_930 = arith.constant 3 : i32
    %dma_wait3A_931 = arith.constant 0 : i32
    %dma_wait3A_932 = arith.constant 0 : i32
    %dma_wait3A_933 = tpu.memref_slice %arg10[%dma_wait3A_929, %dma_wait3A_931, %dma_wait3A_932] : memref<4x1024x16xf32, #tpu.memory_space<vmem>> -> memref<1x1024x16xf32, #tpu.memory_space<vmem>>
    %dma_wait3A_934 = tpu.memref_squeeze %dma_wait3A_933 : memref<1x1024x16xf32, #tpu.memory_space<vmem>> -> memref<1024x16xf32, #tpu.memory_space<vmem>>
    %dma_wait3A_935 = arith.constant 0 : i32
    %dma_wait3A_936 = arith.constant 0 : i32
    %dma_wait3A_937 = tpu.memref_slice %dma_wait3A_934[%dma_wait3A_935, %dma_wait3A_936] : memref<1024x16xf32, #tpu.memory_space<vmem>> -> memref<128x16xf32, #tpu.memory_space<vmem>>
    %dma_wait3A_938 = arith.constant 0 : i32
    %dma_wait3A_939 = tpu.memref_slice %arg9[%dma_wait3A_938] : memref<10240xi32, #tpu.memory_space<vmem>> -> memref<128xi32, #tpu.memory_space<vmem>>
    %dma_wait3A_940 = arith.constant 0 : i32
    %dma_wait3A_941 = arith.constant 0 : i32
    %dma_wait3A_942 = tpu.memref_slice %arg6[%dma_wait3A_940, %dma_wait3A_941] : memref<10112x16xf32, #tpu.memory_space<vmem_shared>> -> memref<10112x16xf32, #tpu.memory_space<vmem_shared>>
    %dma_wait3A_943 = tpu.memref_slice %arg14[%dma_wait3A_930] : memref<4x!tpu.dma_semaphore, #tpu.memory_space<semaphore_mem>> -> memref<1x!tpu.dma_semaphore, #tpu.memory_space<semaphore_mem>>
    %dma_wait3A_944 = tpu.memref_squeeze %dma_wait3A_943 : memref<1x!tpu.dma_semaphore, #tpu.memory_space<semaphore_mem>> -> memref<!tpu.dma_semaphore, #tpu.memory_space<semaphore_mem>>
    tpu.wait_indirect_dma semaphore(%dma_wait3A_944 : memref<!tpu.dma_semaphore, #tpu.memory_space<semaphore_mem>>) src(%dma_wait3A_937 : memref<128x16xf32, #tpu.memory_space<vmem>>) dst(%dma_wait3A_942 : memref<10112x16xf32, #tpu.memory_space<vmem_shared>>)
    %dma_wait3A_945 = arith.constant 3 : i32
    %dma_wait3A_946 = arith.constant 3 : i32
    %dma_wait3A_947 = arith.constant 0 : i32
    %dma_wait3A_948 = arith.constant 0 : i32
    %dma_wait3A_949 = tpu.memref_slice %arg10[%dma_wait3A_945, %dma_wait3A_947, %dma_wait3A_948] : memref<4x1024x16xf32, #tpu.memory_space<vmem>> -> memref<1x1024x16xf32, #tpu.memory_space<vmem>>
    %dma_wait3A_950 = tpu.memref_squeeze %dma_wait3A_949 : memref<1x1024x16xf32, #tpu.memory_space<vmem>> -> memref<1024x16xf32, #tpu.memory_space<vmem>>
    %dma_wait3A_951 = arith.constant 0 : i32
    %dma_wait3A_952 = arith.constant 0 : i32
    %dma_wait3A_953 = tpu.memref_slice %dma_wait3A_950[%dma_wait3A_951, %dma_wait3A_952] : memref<1024x16xf32, #tpu.memory_space<vmem>> -> memref<128x16xf32, #tpu.memory_space<vmem>>
    %dma_wait3A_954 = arith.constant 0 : i32
    %dma_wait3A_955 = tpu.memref_slice %arg9[%dma_wait3A_954] : memref<10240xi32, #tpu.memory_space<vmem>> -> memref<128xi32, #tpu.memory_space<vmem>>
    %dma_wait3A_956 = arith.constant 0 : i32
    %dma_wait3A_957 = arith.constant 0 : i32
    %dma_wait3A_958 = tpu.memref_slice %arg6[%dma_wait3A_956, %dma_wait3A_957] : memref<10112x16xf32, #tpu.memory_space<vmem_shared>> -> memref<10112x16xf32, #tpu.memory_space<vmem_shared>>
    %dma_wait3A_959 = tpu.memref_slice %arg14[%dma_wait3A_946] : memref<4x!tpu.dma_semaphore, #tpu.memory_space<semaphore_mem>> -> memref<1x!tpu.dma_semaphore, #tpu.memory_space<semaphore_mem>>
    %dma_wait3A_960 = tpu.memref_squeeze %dma_wait3A_959 : memref<1x!tpu.dma_semaphore, #tpu.memory_space<semaphore_mem>> -> memref<!tpu.dma_semaphore, #tpu.memory_space<semaphore_mem>>
    tpu.wait_indirect_dma semaphore(%dma_wait3A_960 : memref<!tpu.dma_semaphore, #tpu.memory_space<semaphore_mem>>) src(%dma_wait3A_953 : memref<128x16xf32, #tpu.memory_space<vmem>>) dst(%dma_wait3A_958 : memref<10112x16xf32, #tpu.memory_space<vmem_shared>>)
    %dma_wait3A_961 = arith.constant 2 : i32
    %dma_wait3A_962 = arith.constant 2 : i32
    %dma_wait3A_963 = arith.constant 0 : i32
    %dma_wait3A_964 = arith.constant 0 : i32
    %dma_wait3A_965 = tpu.memref_slice %arg10[%dma_wait3A_961, %dma_wait3A_963, %dma_wait3A_964] : memref<4x1024x16xf32, #tpu.memory_space<vmem>> -> memref<1x1024x16xf32, #tpu.memory_space<vmem>>
    %dma_wait3A_966 = tpu.memref_squeeze %dma_wait3A_965 : memref<1x1024x16xf32, #tpu.memory_space<vmem>> -> memref<1024x16xf32, #tpu.memory_space<vmem>>
    %dma_wait3A_967 = arith.constant 0 : i32
    %dma_wait3A_968 = arith.constant 0 : i32
    %dma_wait3A_969 = tpu.memref_slice %dma_wait3A_966[%dma_wait3A_967, %dma_wait3A_968] : memref<1024x16xf32, #tpu.memory_space<vmem>> -> memref<128x16xf32, #tpu.memory_space<vmem>>
    %dma_wait3A_970 = arith.constant 0 : i32
    %dma_wait3A_971 = tpu.memref_slice %arg9[%dma_wait3A_970] : memref<10240xi32, #tpu.memory_space<vmem>> -> memref<128xi32, #tpu.memory_space<vmem>>
    %dma_wait3A_972 = arith.constant 0 : i32
    %dma_wait3A_973 = arith.constant 0 : i32
    %dma_wait3A_974 = tpu.memref_slice %arg6[%dma_wait3A_972, %dma_wait3A_973] : memref<10112x16xf32, #tpu.memory_space<vmem_shared>> -> memref<10112x16xf32, #tpu.memory_space<vmem_shared>>
    %dma_wait3A_975 = tpu.memref_slice %arg14[%dma_wait3A_962] : memref<4x!tpu.dma_semaphore, #tpu.memory_space<semaphore_mem>> -> memref<1x!tpu.dma_semaphore, #tpu.memory_space<semaphore_mem>>
    %dma_wait3A_976 = tpu.memref_squeeze %dma_wait3A_975 : memref<1x!tpu.dma_semaphore, #tpu.memory_space<semaphore_mem>> -> memref<!tpu.dma_semaphore, #tpu.memory_space<semaphore_mem>>
    tpu.wait_indirect_dma semaphore(%dma_wait3A_976 : memref<!tpu.dma_semaphore, #tpu.memory_space<semaphore_mem>>) src(%dma_wait3A_969 : memref<128x16xf32, #tpu.memory_space<vmem>>) dst(%dma_wait3A_974 : memref<10112x16xf32, #tpu.memory_space<vmem_shared>>)
    %dma_wait3A_977 = arith.constant 2 : i32
    %dma_wait3A_978 = arith.constant 2 : i32
    %dma_wait3A_979 = arith.constant 0 : i32
    %dma_wait3A_980 = arith.constant 0 : i32
    %dma_wait3A_981 = tpu.memref_slice %arg10[%dma_wait3A_977, %dma_wait3A_979, %dma_wait3A_980] : memref<4x1024x16xf32, #tpu.memory_space<vmem>> -> memref<1x1024x16xf32, #tpu.memory_space<vmem>>
    %dma_wait3A_982 = tpu.memref_squeeze %dma_wait3A_981 : memref<1x1024x16xf32, #tpu.memory_space<vmem>> -> memref<1024x16xf32, #tpu.memory_space<vmem>>
    %dma_wait3A_983 = arith.constant 0 : i32
    %dma_wait3A_984 = arith.constant 0 : i32
    %dma_wait3A_985 = tpu.memref_slice %dma_wait3A_982[%dma_wait3A_983, %dma_wait3A_984] : memref<1024x16xf32, #tpu.memory_space<vmem>> -> memref<128x16xf32, #tpu.memory_space<vmem>>
    %dma_wait3A_986 = arith.constant 0 : i32
    %dma_wait3A_987 = tpu.memref_slice %arg9[%dma_wait3A_986] : memref<10240xi32, #tpu.memory_space<vmem>> -> memref<128xi32, #tpu.memory_space<vmem>>
    %dma_wait3A_988 = arith.constant 0 : i32
    %dma_wait3A_989 = arith.constant 0 : i32
    %dma_wait3A_990 = tpu.memref_slice %arg6[%dma_wait3A_988, %dma_wait3A_989] : memref<10112x16xf32, #tpu.memory_space<vmem_shared>> -> memref<10112x16xf32, #tpu.memory_space<vmem_shared>>
    %dma_wait3A_991 = tpu.memref_slice %arg14[%dma_wait3A_978] : memref<4x!tpu.dma_semaphore, #tpu.memory_space<semaphore_mem>> -> memref<1x!tpu.dma_semaphore, #tpu.memory_space<semaphore_mem>>
    %dma_wait3A_992 = tpu.memref_squeeze %dma_wait3A_991 : memref<1x!tpu.dma_semaphore, #tpu.memory_space<semaphore_mem>> -> memref<!tpu.dma_semaphore, #tpu.memory_space<semaphore_mem>>
    tpu.wait_indirect_dma semaphore(%dma_wait3A_992 : memref<!tpu.dma_semaphore, #tpu.memory_space<semaphore_mem>>) src(%dma_wait3A_985 : memref<128x16xf32, #tpu.memory_space<vmem>>) dst(%dma_wait3A_990 : memref<10112x16xf32, #tpu.memory_space<vmem_shared>>)
    %dma_wait3A_993 = arith.constant 2 : i32
    %dma_wait3A_994 = arith.constant 2 : i32
    %dma_wait3A_995 = arith.constant 0 : i32
    %dma_wait3A_996 = arith.constant 0 : i32
    %dma_wait3A_997 = tpu.memref_slice %arg10[%dma_wait3A_993, %dma_wait3A_995, %dma_wait3A_996] : memref<4x1024x16xf32, #tpu.memory_space<vmem>> -> memref<1x1024x16xf32, #tpu.memory_space<vmem>>
    %dma_wait3A_998 = tpu.memref_squeeze %dma_wait3A_997 : memref<1x1024x16xf32, #tpu.memory_space<vmem>> -> memref<1024x16xf32, #tpu.memory_space<vmem>>
    %dma_wait3A_999 = arith.constant 0 : i32
    %dma_wait3A_1000 = arith.constant 0 : i32
    %dma_wait3A_1001 = tpu.memref_slice %dma_wait3A_998[%dma_wait3A_999, %dma_wait3A_1000] : memref<1024x16xf32, #tpu.memory_space<vmem>> -> memref<128x16xf32, #tpu.memory_space<vmem>>
    %dma_wait3A_1002 = arith.constant 0 : i32
    %dma_wait3A_1003 = tpu.memref_slice %arg9[%dma_wait3A_1002] : memref<10240xi32, #tpu.memory_space<vmem>> -> memref<128xi32, #tpu.memory_space<vmem>>
    %dma_wait3A_1004 = arith.constant 0 : i32
    %dma_wait3A_1005 = arith.constant 0 : i32
    %dma_wait3A_1006 = tpu.memref_slice %arg6[%dma_wait3A_1004, %dma_wait3A_1005] : memref<10112x16xf32, #tpu.memory_space<vmem_shared>> -> memref<10112x16xf32, #tpu.memory_space<vmem_shared>>
    %dma_wait3A_1007 = tpu.memref_slice %arg14[%dma_wait3A_994] : memref<4x!tpu.dma_semaphore, #tpu.memory_space<semaphore_mem>> -> memref<1x!tpu.dma_semaphore, #tpu.memory_space<semaphore_mem>>
    %dma_wait3A_1008 = tpu.memref_squeeze %dma_wait3A_1007 : memref<1x!tpu.dma_semaphore, #tpu.memory_space<semaphore_mem>> -> memref<!tpu.dma_semaphore, #tpu.memory_space<semaphore_mem>>
    tpu.wait_indirect_dma semaphore(%dma_wait3A_1008 : memref<!tpu.dma_semaphore, #tpu.memory_space<semaphore_mem>>) src(%dma_wait3A_1001 : memref<128x16xf32, #tpu.memory_space<vmem>>) dst(%dma_wait3A_1006 : memref<10112x16xf32, #tpu.memory_space<vmem_shared>>)
    %dma_wait3A_1009 = arith.constant 2 : i32
    %dma_wait3A_1010 = arith.constant 2 : i32
    %dma_wait3A_1011 = arith.constant 0 : i32
    %dma_wait3A_1012 = arith.constant 0 : i32
    %dma_wait3A_1013 = tpu.memref_slice %arg10[%dma_wait3A_1009, %dma_wait3A_1011, %dma_wait3A_1012] : memref<4x1024x16xf32, #tpu.memory_space<vmem>> -> memref<1x1024x16xf32, #tpu.memory_space<vmem>>
    %dma_wait3A_1014 = tpu.memref_squeeze %dma_wait3A_1013 : memref<1x1024x16xf32, #tpu.memory_space<vmem>> -> memref<1024x16xf32, #tpu.memory_space<vmem>>
    %dma_wait3A_1015 = arith.constant 0 : i32
    %dma_wait3A_1016 = arith.constant 0 : i32
    %dma_wait3A_1017 = tpu.memref_slice %dma_wait3A_1014[%dma_wait3A_1015, %dma_wait3A_1016] : memref<1024x16xf32, #tpu.memory_space<vmem>> -> memref<128x16xf32, #tpu.memory_space<vmem>>
    %dma_wait3A_1018 = arith.constant 0 : i32
    %dma_wait3A_1019 = tpu.memref_slice %arg9[%dma_wait3A_1018] : memref<10240xi32, #tpu.memory_space<vmem>> -> memref<128xi32, #tpu.memory_space<vmem>>
    %dma_wait3A_1020 = arith.constant 0 : i32
    %dma_wait3A_1021 = arith.constant 0 : i32
    %dma_wait3A_1022 = tpu.memref_slice %arg6[%dma_wait3A_1020, %dma_wait3A_1021] : memref<10112x16xf32, #tpu.memory_space<vmem_shared>> -> memref<10112x16xf32, #tpu.memory_space<vmem_shared>>
    %dma_wait3A_1023 = tpu.memref_slice %arg14[%dma_wait3A_1010] : memref<4x!tpu.dma_semaphore, #tpu.memory_space<semaphore_mem>> -> memref<1x!tpu.dma_semaphore, #tpu.memory_space<semaphore_mem>>
    %dma_wait3A_1024 = tpu.memref_squeeze %dma_wait3A_1023 : memref<1x!tpu.dma_semaphore, #tpu.memory_space<semaphore_mem>> -> memref<!tpu.dma_semaphore, #tpu.memory_space<semaphore_mem>>
    tpu.wait_indirect_dma semaphore(%dma_wait3A_1024 : memref<!tpu.dma_semaphore, #tpu.memory_space<semaphore_mem>>) src(%dma_wait3A_1017 : memref<128x16xf32, #tpu.memory_space<vmem>>) dst(%dma_wait3A_1022 : memref<10112x16xf32, #tpu.memory_space<vmem_shared>>)
    %dma_wait3A_1025 = arith.constant 2 : i32
    %dma_wait3A_1026 = arith.constant 2 : i32
    %dma_wait3A_1027 = arith.constant 0 : i32
    %dma_wait3A_1028 = arith.constant 0 : i32
    %dma_wait3A_1029 = tpu.memref_slice %arg10[%dma_wait3A_1025, %dma_wait3A_1027, %dma_wait3A_1028] : memref<4x1024x16xf32, #tpu.memory_space<vmem>> -> memref<1x1024x16xf32, #tpu.memory_space<vmem>>
    %dma_wait3A_1030 = tpu.memref_squeeze %dma_wait3A_1029 : memref<1x1024x16xf32, #tpu.memory_space<vmem>> -> memref<1024x16xf32, #tpu.memory_space<vmem>>
    %dma_wait3A_1031 = arith.constant 0 : i32
    %dma_wait3A_1032 = arith.constant 0 : i32
    %dma_wait3A_1033 = tpu.memref_slice %dma_wait3A_1030[%dma_wait3A_1031, %dma_wait3A_1032] : memref<1024x16xf32, #tpu.memory_space<vmem>> -> memref<128x16xf32, #tpu.memory_space<vmem>>
    %dma_wait3A_1034 = arith.constant 0 : i32
    %dma_wait3A_1035 = tpu.memref_slice %arg9[%dma_wait3A_1034] : memref<10240xi32, #tpu.memory_space<vmem>> -> memref<128xi32, #tpu.memory_space<vmem>>
    %dma_wait3A_1036 = arith.constant 0 : i32
    %dma_wait3A_1037 = arith.constant 0 : i32
    %dma_wait3A_1038 = tpu.memref_slice %arg6[%dma_wait3A_1036, %dma_wait3A_1037] : memref<10112x16xf32, #tpu.memory_space<vmem_shared>> -> memref<10112x16xf32, #tpu.memory_space<vmem_shared>>
    %dma_wait3A_1039 = tpu.memref_slice %arg14[%dma_wait3A_1026] : memref<4x!tpu.dma_semaphore, #tpu.memory_space<semaphore_mem>> -> memref<1x!tpu.dma_semaphore, #tpu.memory_space<semaphore_mem>>
    %dma_wait3A_1040 = tpu.memref_squeeze %dma_wait3A_1039 : memref<1x!tpu.dma_semaphore, #tpu.memory_space<semaphore_mem>> -> memref<!tpu.dma_semaphore, #tpu.memory_space<semaphore_mem>>
    tpu.wait_indirect_dma semaphore(%dma_wait3A_1040 : memref<!tpu.dma_semaphore, #tpu.memory_space<semaphore_mem>>) src(%dma_wait3A_1033 : memref<128x16xf32, #tpu.memory_space<vmem>>) dst(%dma_wait3A_1038 : memref<10112x16xf32, #tpu.memory_space<vmem_shared>>)
    %dma_wait3A_1041 = arith.constant 2 : i32
    %dma_wait3A_1042 = arith.constant 2 : i32
    %dma_wait3A_1043 = arith.constant 0 : i32
    %dma_wait3A_1044 = arith.constant 0 : i32
    %dma_wait3A_1045 = tpu.memref_slice %arg10[%dma_wait3A_1041, %dma_wait3A_1043, %dma_wait3A_1044] : memref<4x1024x16xf32, #tpu.memory_space<vmem>> -> memref<1x1024x16xf32, #tpu.memory_space<vmem>>
    %dma_wait3A_1046 = tpu.memref_squeeze %dma_wait3A_1045 : memref<1x1024x16xf32, #tpu.memory_space<vmem>> -> memref<1024x16xf32, #tpu.memory_space<vmem>>
    %dma_wait3A_1047 = arith.constant 0 : i32
    %dma_wait3A_1048 = arith.constant 0 : i32
    %dma_wait3A_1049 = tpu.memref_slice %dma_wait3A_1046[%dma_wait3A_1047, %dma_wait3A_1048] : memref<1024x16xf32, #tpu.memory_space<vmem>> -> memref<128x16xf32, #tpu.memory_space<vmem>>
    %dma_wait3A_1050 = arith.constant 0 : i32
    %dma_wait3A_1051 = tpu.memref_slice %arg9[%dma_wait3A_1050] : memref<10240xi32, #tpu.memory_space<vmem>> -> memref<128xi32, #tpu.memory_space<vmem>>
    %dma_wait3A_1052 = arith.constant 0 : i32
    %dma_wait3A_1053 = arith.constant 0 : i32
    %dma_wait3A_1054 = tpu.memref_slice %arg6[%dma_wait3A_1052, %dma_wait3A_1053] : memref<10112x16xf32, #tpu.memory_space<vmem_shared>> -> memref<10112x16xf32, #tpu.memory_space<vmem_shared>>
    %dma_wait3A_1055 = tpu.memref_slice %arg14[%dma_wait3A_1042] : memref<4x!tpu.dma_semaphore, #tpu.memory_space<semaphore_mem>> -> memref<1x!tpu.dma_semaphore, #tpu.memory_space<semaphore_mem>>
    %dma_wait3A_1056 = tpu.memref_squeeze %dma_wait3A_1055 : memref<1x!tpu.dma_semaphore, #tpu.memory_space<semaphore_mem>> -> memref<!tpu.dma_semaphore, #tpu.memory_space<semaphore_mem>>
    tpu.wait_indirect_dma semaphore(%dma_wait3A_1056 : memref<!tpu.dma_semaphore, #tpu.memory_space<semaphore_mem>>) src(%dma_wait3A_1049 : memref<128x16xf32, #tpu.memory_space<vmem>>) dst(%dma_wait3A_1054 : memref<10112x16xf32, #tpu.memory_space<vmem_shared>>)
    %dma_wait3A_1057 = arith.constant 2 : i32
    %dma_wait3A_1058 = arith.constant 2 : i32
    %dma_wait3A_1059 = arith.constant 0 : i32
    %dma_wait3A_1060 = arith.constant 0 : i32
    %dma_wait3A_1061 = tpu.memref_slice %arg10[%dma_wait3A_1057, %dma_wait3A_1059, %dma_wait3A_1060] : memref<4x1024x16xf32, #tpu.memory_space<vmem>> -> memref<1x1024x16xf32, #tpu.memory_space<vmem>>
    %dma_wait3A_1062 = tpu.memref_squeeze %dma_wait3A_1061 : memref<1x1024x16xf32, #tpu.memory_space<vmem>> -> memref<1024x16xf32, #tpu.memory_space<vmem>>
    %dma_wait3A_1063 = arith.constant 0 : i32
    %dma_wait3A_1064 = arith.constant 0 : i32
    %dma_wait3A_1065 = tpu.memref_slice %dma_wait3A_1062[%dma_wait3A_1063, %dma_wait3A_1064] : memref<1024x16xf32, #tpu.memory_space<vmem>> -> memref<128x16xf32, #tpu.memory_space<vmem>>
    %dma_wait3A_1066 = arith.constant 0 : i32
    %dma_wait3A_1067 = tpu.memref_slice %arg9[%dma_wait3A_1066] : memref<10240xi32, #tpu.memory_space<vmem>> -> memref<128xi32, #tpu.memory_space<vmem>>
    %dma_wait3A_1068 = arith.constant 0 : i32
    %dma_wait3A_1069 = arith.constant 0 : i32
    %dma_wait3A_1070 = tpu.memref_slice %arg6[%dma_wait3A_1068, %dma_wait3A_1069] : memref<10112x16xf32, #tpu.memory_space<vmem_shared>> -> memref<10112x16xf32, #tpu.memory_space<vmem_shared>>
    %dma_wait3A_1071 = tpu.memref_slice %arg14[%dma_wait3A_1058] : memref<4x!tpu.dma_semaphore, #tpu.memory_space<semaphore_mem>> -> memref<1x!tpu.dma_semaphore, #tpu.memory_space<semaphore_mem>>
    %dma_wait3A_1072 = tpu.memref_squeeze %dma_wait3A_1071 : memref<1x!tpu.dma_semaphore, #tpu.memory_space<semaphore_mem>> -> memref<!tpu.dma_semaphore, #tpu.memory_space<semaphore_mem>>
    tpu.wait_indirect_dma semaphore(%dma_wait3A_1072 : memref<!tpu.dma_semaphore, #tpu.memory_space<semaphore_mem>>) src(%dma_wait3A_1065 : memref<128x16xf32, #tpu.memory_space<vmem>>) dst(%dma_wait3A_1070 : memref<10112x16xf32, #tpu.memory_space<vmem_shared>>)
    %dma_wait3A_1073 = arith.constant 2 : i32
    %dma_wait3A_1074 = arith.constant 2 : i32
    %dma_wait3A_1075 = arith.constant 0 : i32
    %dma_wait3A_1076 = arith.constant 0 : i32
    %dma_wait3A_1077 = tpu.memref_slice %arg10[%dma_wait3A_1073, %dma_wait3A_1075, %dma_wait3A_1076] : memref<4x1024x16xf32, #tpu.memory_space<vmem>> -> memref<1x1024x16xf32, #tpu.memory_space<vmem>>
    %dma_wait3A_1078 = tpu.memref_squeeze %dma_wait3A_1077 : memref<1x1024x16xf32, #tpu.memory_space<vmem>> -> memref<1024x16xf32, #tpu.memory_space<vmem>>
    %dma_wait3A_1079 = arith.constant 0 : i32
    %dma_wait3A_1080 = arith.constant 0 : i32
    %dma_wait3A_1081 = tpu.memref_slice %dma_wait3A_1078[%dma_wait3A_1079, %dma_wait3A_1080] : memref<1024x16xf32, #tpu.memory_space<vmem>> -> memref<128x16xf32, #tpu.memory_space<vmem>>
    %dma_wait3A_1082 = arith.constant 0 : i32
    %dma_wait3A_1083 = tpu.memref_slice %arg9[%dma_wait3A_1082] : memref<10240xi32, #tpu.memory_space<vmem>> -> memref<128xi32, #tpu.memory_space<vmem>>
    %dma_wait3A_1084 = arith.constant 0 : i32
    %dma_wait3A_1085 = arith.constant 0 : i32
    %dma_wait3A_1086 = tpu.memref_slice %arg6[%dma_wait3A_1084, %dma_wait3A_1085] : memref<10112x16xf32, #tpu.memory_space<vmem_shared>> -> memref<10112x16xf32, #tpu.memory_space<vmem_shared>>
    %dma_wait3A_1087 = tpu.memref_slice %arg14[%dma_wait3A_1074] : memref<4x!tpu.dma_semaphore, #tpu.memory_space<semaphore_mem>> -> memref<1x!tpu.dma_semaphore, #tpu.memory_space<semaphore_mem>>
    %dma_wait3A_1088 = tpu.memref_squeeze %dma_wait3A_1087 : memref<1x!tpu.dma_semaphore, #tpu.memory_space<semaphore_mem>> -> memref<!tpu.dma_semaphore, #tpu.memory_space<semaphore_mem>>
    tpu.wait_indirect_dma semaphore(%dma_wait3A_1088 : memref<!tpu.dma_semaphore, #tpu.memory_space<semaphore_mem>>) src(%dma_wait3A_1081 : memref<128x16xf32, #tpu.memory_space<vmem>>) dst(%dma_wait3A_1086 : memref<10112x16xf32, #tpu.memory_space<vmem_shared>>)
    %dma_wait3A_1089 = arith.constant 2 : i32
    %dma_wait3A_1090 = arith.constant 2 : i32
    %dma_wait3A_1091 = arith.constant 0 : i32
    %dma_wait3A_1092 = arith.constant 0 : i32
    %dma_wait3A_1093 = tpu.memref_slice %arg10[%dma_wait3A_1089, %dma_wait3A_1091, %dma_wait3A_1092] : memref<4x1024x16xf32, #tpu.memory_space<vmem>> -> memref<1x1024x16xf32, #tpu.memory_space<vmem>>
    %dma_wait3A_1094 = tpu.memref_squeeze %dma_wait3A_1093 : memref<1x1024x16xf32, #tpu.memory_space<vmem>> -> memref<1024x16xf32, #tpu.memory_space<vmem>>
    %dma_wait3A_1095 = arith.constant 0 : i32
    %dma_wait3A_1096 = arith.constant 0 : i32
    %dma_wait3A_1097 = tpu.memref_slice %dma_wait3A_1094[%dma_wait3A_1095, %dma_wait3A_1096] : memref<1024x16xf32, #tpu.memory_space<vmem>> -> memref<128x16xf32, #tpu.memory_space<vmem>>
    %dma_wait3A_1098 = arith.constant 0 : i32
    %dma_wait3A_1099 = tpu.memref_slice %arg9[%dma_wait3A_1098] : memref<10240xi32, #tpu.memory_space<vmem>> -> memref<128xi32, #tpu.memory_space<vmem>>
    %dma_wait3A_1100 = arith.constant 0 : i32
    %dma_wait3A_1101 = arith.constant 0 : i32
    %dma_wait3A_1102 = tpu.memref_slice %arg6[%dma_wait3A_1100, %dma_wait3A_1101] : memref<10112x16xf32, #tpu.memory_space<vmem_shared>> -> memref<10112x16xf32, #tpu.memory_space<vmem_shared>>
    %dma_wait3A_1103 = tpu.memref_slice %arg14[%dma_wait3A_1090] : memref<4x!tpu.dma_semaphore, #tpu.memory_space<semaphore_mem>> -> memref<1x!tpu.dma_semaphore, #tpu.memory_space<semaphore_mem>>
    %dma_wait3A_1104 = tpu.memref_squeeze %dma_wait3A_1103 : memref<1x!tpu.dma_semaphore, #tpu.memory_space<semaphore_mem>> -> memref<!tpu.dma_semaphore, #tpu.memory_space<semaphore_mem>>
    tpu.wait_indirect_dma semaphore(%dma_wait3A_1104 : memref<!tpu.dma_semaphore, #tpu.memory_space<semaphore_mem>>) src(%dma_wait3A_1097 : memref<128x16xf32, #tpu.memory_space<vmem>>) dst(%dma_wait3A_1102 : memref<10112x16xf32, #tpu.memory_space<vmem_shared>>)
    %dma_wait3A_1105 = arith.constant 2 : i32
    %dma_wait3A_1106 = arith.constant 2 : i32
    %dma_wait3A_1107 = arith.constant 0 : i32
    %dma_wait3A_1108 = arith.constant 0 : i32
    %dma_wait3A_1109 = tpu.memref_slice %arg10[%dma_wait3A_1105, %dma_wait3A_1107, %dma_wait3A_1108] : memref<4x1024x16xf32, #tpu.memory_space<vmem>> -> memref<1x1024x16xf32, #tpu.memory_space<vmem>>
    %dma_wait3A_1110 = tpu.memref_squeeze %dma_wait3A_1109 : memref<1x1024x16xf32, #tpu.memory_space<vmem>> -> memref<1024x16xf32, #tpu.memory_space<vmem>>
    %dma_wait3A_1111 = arith.constant 0 : i32
    %dma_wait3A_1112 = arith.constant 0 : i32
    %dma_wait3A_1113 = tpu.memref_slice %dma_wait3A_1110[%dma_wait3A_1111, %dma_wait3A_1112] : memref<1024x16xf32, #tpu.memory_space<vmem>> -> memref<128x16xf32, #tpu.memory_space<vmem>>
    %dma_wait3A_1114 = arith.constant 0 : i32
    %dma_wait3A_1115 = tpu.memref_slice %arg9[%dma_wait3A_1114] : memref<10240xi32, #tpu.memory_space<vmem>> -> memref<128xi32, #tpu.memory_space<vmem>>
    %dma_wait3A_1116 = arith.constant 0 : i32
    %dma_wait3A_1117 = arith.constant 0 : i32
    %dma_wait3A_1118 = tpu.memref_slice %arg6[%dma_wait3A_1116, %dma_wait3A_1117] : memref<10112x16xf32, #tpu.memory_space<vmem_shared>> -> memref<10112x16xf32, #tpu.memory_space<vmem_shared>>
    %dma_wait3A_1119 = tpu.memref_slice %arg14[%dma_wait3A_1106] : memref<4x!tpu.dma_semaphore, #tpu.memory_space<semaphore_mem>> -> memref<1x!tpu.dma_semaphore, #tpu.memory_space<semaphore_mem>>
    %dma_wait3A_1120 = tpu.memref_squeeze %dma_wait3A_1119 : memref<1x!tpu.dma_semaphore, #tpu.memory_space<semaphore_mem>> -> memref<!tpu.dma_semaphore, #tpu.memory_space<semaphore_mem>>
    tpu.wait_indirect_dma semaphore(%dma_wait3A_1120 : memref<!tpu.dma_semaphore, #tpu.memory_space<semaphore_mem>>) src(%dma_wait3A_1113 : memref<128x16xf32, #tpu.memory_space<vmem>>) dst(%dma_wait3A_1118 : memref<10112x16xf32, #tpu.memory_space<vmem_shared>>)
    %dma_wait3A_1121 = arith.constant 2 : i32
    %dma_wait3A_1122 = arith.constant 2 : i32
    %dma_wait3A_1123 = arith.constant 0 : i32
    %dma_wait3A_1124 = arith.constant 0 : i32
    %dma_wait3A_1125 = tpu.memref_slice %arg10[%dma_wait3A_1121, %dma_wait3A_1123, %dma_wait3A_1124] : memref<4x1024x16xf32, #tpu.memory_space<vmem>> -> memref<1x1024x16xf32, #tpu.memory_space<vmem>>
    %dma_wait3A_1126 = tpu.memref_squeeze %dma_wait3A_1125 : memref<1x1024x16xf32, #tpu.memory_space<vmem>> -> memref<1024x16xf32, #tpu.memory_space<vmem>>
    %dma_wait3A_1127 = arith.constant 0 : i32
    %dma_wait3A_1128 = arith.constant 0 : i32
    %dma_wait3A_1129 = tpu.memref_slice %dma_wait3A_1126[%dma_wait3A_1127, %dma_wait3A_1128] : memref<1024x16xf32, #tpu.memory_space<vmem>> -> memref<128x16xf32, #tpu.memory_space<vmem>>
    %dma_wait3A_1130 = arith.constant 0 : i32
    %dma_wait3A_1131 = tpu.memref_slice %arg9[%dma_wait3A_1130] : memref<10240xi32, #tpu.memory_space<vmem>> -> memref<128xi32, #tpu.memory_space<vmem>>
    %dma_wait3A_1132 = arith.constant 0 : i32
    %dma_wait3A_1133 = arith.constant 0 : i32
    %dma_wait3A_1134 = tpu.memref_slice %arg6[%dma_wait3A_1132, %dma_wait3A_1133] : memref<10112x16xf32, #tpu.memory_space<vmem_shared>> -> memref<10112x16xf32, #tpu.memory_space<vmem_shared>>
    %dma_wait3A_1135 = tpu.memref_slice %arg14[%dma_wait3A_1122] : memref<4x!tpu.dma_semaphore, #tpu.memory_space<semaphore_mem>> -> memref<1x!tpu.dma_semaphore, #tpu.memory_space<semaphore_mem>>
    %dma_wait3A_1136 = tpu.memref_squeeze %dma_wait3A_1135 : memref<1x!tpu.dma_semaphore, #tpu.memory_space<semaphore_mem>> -> memref<!tpu.dma_semaphore, #tpu.memory_space<semaphore_mem>>
    tpu.wait_indirect_dma semaphore(%dma_wait3A_1136 : memref<!tpu.dma_semaphore, #tpu.memory_space<semaphore_mem>>) src(%dma_wait3A_1129 : memref<128x16xf32, #tpu.memory_space<vmem>>) dst(%dma_wait3A_1134 : memref<10112x16xf32, #tpu.memory_space<vmem_shared>>)
    %dma_wait3A_1137 = arith.constant 2 : i32
    %dma_wait3A_1138 = arith.constant 2 : i32
    %dma_wait3A_1139 = arith.constant 0 : i32
    %dma_wait3A_1140 = arith.constant 0 : i32
    %dma_wait3A_1141 = tpu.memref_slice %arg10[%dma_wait3A_1137, %dma_wait3A_1139, %dma_wait3A_1140] : memref<4x1024x16xf32, #tpu.memory_space<vmem>> -> memref<1x1024x16xf32, #tpu.memory_space<vmem>>
    %dma_wait3A_1142 = tpu.memref_squeeze %dma_wait3A_1141 : memref<1x1024x16xf32, #tpu.memory_space<vmem>> -> memref<1024x16xf32, #tpu.memory_space<vmem>>
    %dma_wait3A_1143 = arith.constant 0 : i32
    %dma_wait3A_1144 = arith.constant 0 : i32
    %dma_wait3A_1145 = tpu.memref_slice %dma_wait3A_1142[%dma_wait3A_1143, %dma_wait3A_1144] : memref<1024x16xf32, #tpu.memory_space<vmem>> -> memref<128x16xf32, #tpu.memory_space<vmem>>
    %dma_wait3A_1146 = arith.constant 0 : i32
    %dma_wait3A_1147 = tpu.memref_slice %arg9[%dma_wait3A_1146] : memref<10240xi32, #tpu.memory_space<vmem>> -> memref<128xi32, #tpu.memory_space<vmem>>
    %dma_wait3A_1148 = arith.constant 0 : i32
    %dma_wait3A_1149 = arith.constant 0 : i32
    %dma_wait3A_1150 = tpu.memref_slice %arg6[%dma_wait3A_1148, %dma_wait3A_1149] : memref<10112x16xf32, #tpu.memory_space<vmem_shared>> -> memref<10112x16xf32, #tpu.memory_space<vmem_shared>>
    %dma_wait3A_1151 = tpu.memref_slice %arg14[%dma_wait3A_1138] : memref<4x!tpu.dma_semaphore, #tpu.memory_space<semaphore_mem>> -> memref<1x!tpu.dma_semaphore, #tpu.memory_space<semaphore_mem>>
    %dma_wait3A_1152 = tpu.memref_squeeze %dma_wait3A_1151 : memref<1x!tpu.dma_semaphore, #tpu.memory_space<semaphore_mem>> -> memref<!tpu.dma_semaphore, #tpu.memory_space<semaphore_mem>>
    tpu.wait_indirect_dma semaphore(%dma_wait3A_1152 : memref<!tpu.dma_semaphore, #tpu.memory_space<semaphore_mem>>) src(%dma_wait3A_1145 : memref<128x16xf32, #tpu.memory_space<vmem>>) dst(%dma_wait3A_1150 : memref<10112x16xf32, #tpu.memory_space<vmem_shared>>)
    %dma_wait3A_1153 = arith.constant 2 : i32
    %dma_wait3A_1154 = arith.constant 2 : i32
    %dma_wait3A_1155 = arith.constant 0 : i32
    %dma_wait3A_1156 = arith.constant 0 : i32
    %dma_wait3A_1157 = tpu.memref_slice %arg10[%dma_wait3A_1153, %dma_wait3A_1155, %dma_wait3A_1156] : memref<4x1024x16xf32, #tpu.memory_space<vmem>> -> memref<1x1024x16xf32, #tpu.memory_space<vmem>>
    %dma_wait3A_1158 = tpu.memref_squeeze %dma_wait3A_1157 : memref<1x1024x16xf32, #tpu.memory_space<vmem>> -> memref<1024x16xf32, #tpu.memory_space<vmem>>
    %dma_wait3A_1159 = arith.constant 0 : i32
    %dma_wait3A_1160 = arith.constant 0 : i32
    %dma_wait3A_1161 = tpu.memref_slice %dma_wait3A_1158[%dma_wait3A_1159, %dma_wait3A_1160] : memref<1024x16xf32, #tpu.memory_space<vmem>> -> memref<128x16xf32, #tpu.memory_space<vmem>>
    %dma_wait3A_1162 = arith.constant 0 : i32
    %dma_wait3A_1163 = tpu.memref_slice %arg9[%dma_wait3A_1162] : memref<10240xi32, #tpu.memory_space<vmem>> -> memref<128xi32, #tpu.memory_space<vmem>>
    %dma_wait3A_1164 = arith.constant 0 : i32
    %dma_wait3A_1165 = arith.constant 0 : i32
    %dma_wait3A_1166 = tpu.memref_slice %arg6[%dma_wait3A_1164, %dma_wait3A_1165] : memref<10112x16xf32, #tpu.memory_space<vmem_shared>> -> memref<10112x16xf32, #tpu.memory_space<vmem_shared>>
    %dma_wait3A_1167 = tpu.memref_slice %arg14[%dma_wait3A_1154] : memref<4x!tpu.dma_semaphore, #tpu.memory_space<semaphore_mem>> -> memref<1x!tpu.dma_semaphore, #tpu.memory_space<semaphore_mem>>
    %dma_wait3A_1168 = tpu.memref_squeeze %dma_wait3A_1167 : memref<1x!tpu.dma_semaphore, #tpu.memory_space<semaphore_mem>> -> memref<!tpu.dma_semaphore, #tpu.memory_space<semaphore_mem>>
    tpu.wait_indirect_dma semaphore(%dma_wait3A_1168 : memref<!tpu.dma_semaphore, #tpu.memory_space<semaphore_mem>>) src(%dma_wait3A_1161 : memref<128x16xf32, #tpu.memory_space<vmem>>) dst(%dma_wait3A_1166 : memref<10112x16xf32, #tpu.memory_space<vmem_shared>>)
    %dma_wait3A_1169 = arith.constant 2 : i32
    %dma_wait3A_1170 = arith.constant 2 : i32
    %dma_wait3A_1171 = arith.constant 0 : i32
    %dma_wait3A_1172 = arith.constant 0 : i32
    %dma_wait3A_1173 = tpu.memref_slice %arg10[%dma_wait3A_1169, %dma_wait3A_1171, %dma_wait3A_1172] : memref<4x1024x16xf32, #tpu.memory_space<vmem>> -> memref<1x1024x16xf32, #tpu.memory_space<vmem>>
    %dma_wait3A_1174 = tpu.memref_squeeze %dma_wait3A_1173 : memref<1x1024x16xf32, #tpu.memory_space<vmem>> -> memref<1024x16xf32, #tpu.memory_space<vmem>>
    %dma_wait3A_1175 = arith.constant 0 : i32
    %dma_wait3A_1176 = arith.constant 0 : i32
    %dma_wait3A_1177 = tpu.memref_slice %dma_wait3A_1174[%dma_wait3A_1175, %dma_wait3A_1176] : memref<1024x16xf32, #tpu.memory_space<vmem>> -> memref<128x16xf32, #tpu.memory_space<vmem>>
    %dma_wait3A_1178 = arith.constant 0 : i32
    %dma_wait3A_1179 = tpu.memref_slice %arg9[%dma_wait3A_1178] : memref<10240xi32, #tpu.memory_space<vmem>> -> memref<128xi32, #tpu.memory_space<vmem>>
    %dma_wait3A_1180 = arith.constant 0 : i32
    %dma_wait3A_1181 = arith.constant 0 : i32
    %dma_wait3A_1182 = tpu.memref_slice %arg6[%dma_wait3A_1180, %dma_wait3A_1181] : memref<10112x16xf32, #tpu.memory_space<vmem_shared>> -> memref<10112x16xf32, #tpu.memory_space<vmem_shared>>
    %dma_wait3A_1183 = tpu.memref_slice %arg14[%dma_wait3A_1170] : memref<4x!tpu.dma_semaphore, #tpu.memory_space<semaphore_mem>> -> memref<1x!tpu.dma_semaphore, #tpu.memory_space<semaphore_mem>>
    %dma_wait3A_1184 = tpu.memref_squeeze %dma_wait3A_1183 : memref<1x!tpu.dma_semaphore, #tpu.memory_space<semaphore_mem>> -> memref<!tpu.dma_semaphore, #tpu.memory_space<semaphore_mem>>
    tpu.wait_indirect_dma semaphore(%dma_wait3A_1184 : memref<!tpu.dma_semaphore, #tpu.memory_space<semaphore_mem>>) src(%dma_wait3A_1177 : memref<128x16xf32, #tpu.memory_space<vmem>>) dst(%dma_wait3A_1182 : memref<10112x16xf32, #tpu.memory_space<vmem_shared>>)
    %dma_wait3A_1185 = arith.constant 2 : i32
    %dma_wait3A_1186 = arith.constant 2 : i32
    %dma_wait3A_1187 = arith.constant 0 : i32
    %dma_wait3A_1188 = arith.constant 0 : i32
    %dma_wait3A_1189 = tpu.memref_slice %arg10[%dma_wait3A_1185, %dma_wait3A_1187, %dma_wait3A_1188] : memref<4x1024x16xf32, #tpu.memory_space<vmem>> -> memref<1x1024x16xf32, #tpu.memory_space<vmem>>
    %dma_wait3A_1190 = tpu.memref_squeeze %dma_wait3A_1189 : memref<1x1024x16xf32, #tpu.memory_space<vmem>> -> memref<1024x16xf32, #tpu.memory_space<vmem>>
    %dma_wait3A_1191 = arith.constant 0 : i32
    %dma_wait3A_1192 = arith.constant 0 : i32
    %dma_wait3A_1193 = tpu.memref_slice %dma_wait3A_1190[%dma_wait3A_1191, %dma_wait3A_1192] : memref<1024x16xf32, #tpu.memory_space<vmem>> -> memref<128x16xf32, #tpu.memory_space<vmem>>
    %dma_wait3A_1194 = arith.constant 0 : i32
    %dma_wait3A_1195 = tpu.memref_slice %arg9[%dma_wait3A_1194] : memref<10240xi32, #tpu.memory_space<vmem>> -> memref<128xi32, #tpu.memory_space<vmem>>
    %dma_wait3A_1196 = arith.constant 0 : i32
    %dma_wait3A_1197 = arith.constant 0 : i32
    %dma_wait3A_1198 = tpu.memref_slice %arg6[%dma_wait3A_1196, %dma_wait3A_1197] : memref<10112x16xf32, #tpu.memory_space<vmem_shared>> -> memref<10112x16xf32, #tpu.memory_space<vmem_shared>>
    %dma_wait3A_1199 = tpu.memref_slice %arg14[%dma_wait3A_1186] : memref<4x!tpu.dma_semaphore, #tpu.memory_space<semaphore_mem>> -> memref<1x!tpu.dma_semaphore, #tpu.memory_space<semaphore_mem>>
    %dma_wait3A_1200 = tpu.memref_squeeze %dma_wait3A_1199 : memref<1x!tpu.dma_semaphore, #tpu.memory_space<semaphore_mem>> -> memref<!tpu.dma_semaphore, #tpu.memory_space<semaphore_mem>>
    tpu.wait_indirect_dma semaphore(%dma_wait3A_1200 : memref<!tpu.dma_semaphore, #tpu.memory_space<semaphore_mem>>) src(%dma_wait3A_1193 : memref<128x16xf32, #tpu.memory_space<vmem>>) dst(%dma_wait3A_1198 : memref<10112x16xf32, #tpu.memory_space<vmem_shared>>)
    %dma_wait3A_1201 = arith.constant 2 : i32
    %dma_wait3A_1202 = arith.constant 2 : i32
    %dma_wait3A_1203 = arith.constant 0 : i32
    %dma_wait3A_1204 = arith.constant 0 : i32
    %dma_wait3A_1205 = tpu.memref_slice %arg10[%dma_wait3A_1201, %dma_wait3A_1203, %dma_wait3A_1204] : memref<4x1024x16xf32, #tpu.memory_space<vmem>> -> memref<1x1024x16xf32, #tpu.memory_space<vmem>>
    %dma_wait3A_1206 = tpu.memref_squeeze %dma_wait3A_1205 : memref<1x1024x16xf32, #tpu.memory_space<vmem>> -> memref<1024x16xf32, #tpu.memory_space<vmem>>
    %dma_wait3A_1207 = arith.constant 0 : i32
    %dma_wait3A_1208 = arith.constant 0 : i32
    %dma_wait3A_1209 = tpu.memref_slice %dma_wait3A_1206[%dma_wait3A_1207, %dma_wait3A_1208] : memref<1024x16xf32, #tpu.memory_space<vmem>> -> memref<128x16xf32, #tpu.memory_space<vmem>>
    %dma_wait3A_1210 = arith.constant 0 : i32
    %dma_wait3A_1211 = tpu.memref_slice %arg9[%dma_wait3A_1210] : memref<10240xi32, #tpu.memory_space<vmem>> -> memref<128xi32, #tpu.memory_space<vmem>>
    %dma_wait3A_1212 = arith.constant 0 : i32
    %dma_wait3A_1213 = arith.constant 0 : i32
    %dma_wait3A_1214 = tpu.memref_slice %arg6[%dma_wait3A_1212, %dma_wait3A_1213] : memref<10112x16xf32, #tpu.memory_space<vmem_shared>> -> memref<10112x16xf32, #tpu.memory_space<vmem_shared>>
    %dma_wait3A_1215 = tpu.memref_slice %arg14[%dma_wait3A_1202] : memref<4x!tpu.dma_semaphore, #tpu.memory_space<semaphore_mem>> -> memref<1x!tpu.dma_semaphore, #tpu.memory_space<semaphore_mem>>
    %dma_wait3A_1216 = tpu.memref_squeeze %dma_wait3A_1215 : memref<1x!tpu.dma_semaphore, #tpu.memory_space<semaphore_mem>> -> memref<!tpu.dma_semaphore, #tpu.memory_space<semaphore_mem>>
    tpu.wait_indirect_dma semaphore(%dma_wait3A_1216 : memref<!tpu.dma_semaphore, #tpu.memory_space<semaphore_mem>>) src(%dma_wait3A_1209 : memref<128x16xf32, #tpu.memory_space<vmem>>) dst(%dma_wait3A_1214 : memref<10112x16xf32, #tpu.memory_space<vmem_shared>>)
    %barrier3A_1217 = arith.constant 0 : index
    tpu.barrier barrier_id(%barrier3A_1217)
    %mul3A_1218 = arith.constant 632 : i32
    %mul3A_1219 = arith.muli %arg1, %mul3A_1218 : i32
    "tpu.region"() ({
      %run_scoped3A = tpu.sem_alloc : memref<!tpu.dma_semaphore, #tpu.memory_space<semaphore_mem>>
      %dma_start3A_1226 = arith.constant 0 : i32
      %dma_start3A_1227 = tpu.memref_slice %arg6[%mul3A_1219, %dma_start3A_1226] : memref<10112x16xf32, #tpu.memory_space<vmem_shared>> -> memref<632x16xf32, #tpu.memory_space<vmem_shared>>
      %dma_start3A_1228 = arith.constant 0 : i32
      %dma_start3A_1229 = tpu.memref_slice %arg6[%mul3A_1219, %dma_start3A_1228] : memref<10112x16xf32, #tpu.memory_space<vmem_shared>> -> memref<632x16xf32, #tpu.memory_space<vmem_shared>>
      tpu.enqueue_dma source(%dma_start3A_1229 : memref<632x16xf32, #tpu.memory_space<vmem_shared>>) target(%arg12 : memref<632x16xf32, #tpu.memory_space<vmem>>) target_semaphore(%run_scoped3A : memref<!tpu.dma_semaphore, #tpu.memory_space<semaphore_mem>>)
      %dma_wait3A_1230 = arith.constant 0 : i32
      %dma_wait3A_1231 = tpu.memref_slice %arg6[%mul3A_1219, %dma_wait3A_1230] : memref<10112x16xf32, #tpu.memory_space<vmem_shared>> -> memref<632x16xf32, #tpu.memory_space<vmem_shared>>
      %dma_wait3A_1232 = arith.constant 0 : i32
      %dma_wait3A_1233 = tpu.memref_slice %arg6[%mul3A_1219, %dma_wait3A_1232] : memref<10112x16xf32, #tpu.memory_space<vmem_shared>> -> memref<632x16xf32, #tpu.memory_space<vmem_shared>>
      tpu.wait_dma2 semaphore(%run_scoped3A : memref<!tpu.dma_semaphore, #tpu.memory_space<semaphore_mem>>) src(%dma_wait3A_1233 : memref<632x16xf32, #tpu.memory_space<vmem_shared>>) dst(%arg12 : memref<632x16xf32, #tpu.memory_space<vmem>>)
      tpu.yield
    }) : () -> ()
    %mul3A_1220 = arith.constant 632 : i32
    %mul3A_1221 = arith.muli %arg1, %mul3A_1220 : i32
    "tpu.region"() ({
      %run_scoped3A = tpu.sem_alloc : memref<!tpu.dma_semaphore, #tpu.memory_space<semaphore_mem>>
      %dma_start3A_1226 = arith.constant 0 : i32
      %dma_start3A_1227 = arith.constant 0 : i32
      %dma_start3A_1228 = tpu.memref_slice %arg4[%arg0, %dma_start3A_1226, %dma_start3A_1227] : memref<2x10112x16xf32, #tpu.memory_space<hbm>> -> memref<1x10112x16xf32, #tpu.memory_space<hbm>>
      %dma_start3A_1229 = tpu.memref_squeeze %dma_start3A_1228 : memref<1x10112x16xf32, #tpu.memory_space<hbm>> -> memref<10112x16xf32, #tpu.memory_space<hbm>>
      %dma_start3A_1230 = arith.constant 0 : i32
      %dma_start3A_1231 = tpu.memref_slice %dma_start3A_1229[%mul3A_1221, %dma_start3A_1230] : memref<10112x16xf32, #tpu.memory_space<hbm>> -> memref<632x16xf32, #tpu.memory_space<hbm>>
      %dma_start3A_1232 = arith.constant 0 : i32
      %dma_start3A_1233 = arith.constant 0 : i32
      %dma_start3A_1234 = tpu.memref_slice %arg4[%arg0, %dma_start3A_1232, %dma_start3A_1233] : memref<2x10112x16xf32, #tpu.memory_space<hbm>> -> memref<1x10112x16xf32, #tpu.memory_space<hbm>>
      %dma_start3A_1235 = tpu.memref_squeeze %dma_start3A_1234 : memref<1x10112x16xf32, #tpu.memory_space<hbm>> -> memref<10112x16xf32, #tpu.memory_space<hbm>>
      %dma_start3A_1236 = arith.constant 0 : i32
      %dma_start3A_1237 = tpu.memref_slice %dma_start3A_1235[%mul3A_1221, %dma_start3A_1236] : memref<10112x16xf32, #tpu.memory_space<hbm>> -> memref<632x16xf32, #tpu.memory_space<hbm>>
      tpu.enqueue_dma source(%arg12 : memref<632x16xf32, #tpu.memory_space<vmem>>) target(%dma_start3A_1237 : memref<632x16xf32, #tpu.memory_space<hbm>>) target_semaphore(%run_scoped3A : memref<!tpu.dma_semaphore, #tpu.memory_space<semaphore_mem>>)
      %dma_wait3A_1238 = arith.constant 0 : i32
      %dma_wait3A_1239 = arith.constant 0 : i32
      %dma_wait3A_1240 = tpu.memref_slice %arg4[%arg0, %dma_wait3A_1238, %dma_wait3A_1239] : memref<2x10112x16xf32, #tpu.memory_space<hbm>> -> memref<1x10112x16xf32, #tpu.memory_space<hbm>>
      %dma_wait3A_1241 = tpu.memref_squeeze %dma_wait3A_1240 : memref<1x10112x16xf32, #tpu.memory_space<hbm>> -> memref<10112x16xf32, #tpu.memory_space<hbm>>
      %dma_wait3A_1242 = arith.constant 0 : i32
      %dma_wait3A_1243 = tpu.memref_slice %dma_wait3A_1241[%mul3A_1221, %dma_wait3A_1242] : memref<10112x16xf32, #tpu.memory_space<hbm>> -> memref<632x16xf32, #tpu.memory_space<hbm>>
      %dma_wait3A_1244 = arith.constant 0 : i32
      %dma_wait3A_1245 = arith.constant 0 : i32
      %dma_wait3A_1246 = tpu.memref_slice %arg4[%arg0, %dma_wait3A_1244, %dma_wait3A_1245] : memref<2x10112x16xf32, #tpu.memory_space<hbm>> -> memref<1x10112x16xf32, #tpu.memory_space<hbm>>
      %dma_wait3A_1247 = tpu.memref_squeeze %dma_wait3A_1246 : memref<1x10112x16xf32, #tpu.memory_space<hbm>> -> memref<10112x16xf32, #tpu.memory_space<hbm>>
      %dma_wait3A_1248 = arith.constant 0 : i32
      %dma_wait3A_1249 = tpu.memref_slice %dma_wait3A_1247[%mul3A_1221, %dma_wait3A_1248] : memref<10112x16xf32, #tpu.memory_space<hbm>> -> memref<632x16xf32, #tpu.memory_space<hbm>>
      tpu.wait_dma2 semaphore(%run_scoped3A : memref<!tpu.dma_semaphore, #tpu.memory_space<semaphore_mem>>) src(%arg12 : memref<632x16xf32, #tpu.memory_space<vmem>>) dst(%dma_wait3A_1249 : memref<632x16xf32, #tpu.memory_space<hbm>>)
      tpu.yield
    }) : () -> ()
    %mul3A_1222 = arith.constant 632 : i32
    %mul3A_1223 = arith.muli %arg1, %mul3A_1222 : i32
    "tpu.region"() ({
      %run_scoped3A = tpu.sem_alloc : memref<!tpu.dma_semaphore, #tpu.memory_space<semaphore_mem>>
      %dma_start3A_1226 = arith.constant 0 : i32
      %dma_start3A_1227 = tpu.memref_slice %arg7[%mul3A_1223, %dma_start3A_1226] : memref<10112x16xf32, #tpu.memory_space<vmem_shared>> -> memref<632x16xf32, #tpu.memory_space<vmem_shared>>
      %dma_start3A_1228 = arith.constant 0 : i32
      %dma_start3A_1229 = tpu.memref_slice %arg7[%mul3A_1223, %dma_start3A_1228] : memref<10112x16xf32, #tpu.memory_space<vmem_shared>> -> memref<632x16xf32, #tpu.memory_space<vmem_shared>>
      tpu.enqueue_dma source(%dma_start3A_1229 : memref<632x16xf32, #tpu.memory_space<vmem_shared>>) target(%arg12 : memref<632x16xf32, #tpu.memory_space<vmem>>) target_semaphore(%run_scoped3A : memref<!tpu.dma_semaphore, #tpu.memory_space<semaphore_mem>>)
      %dma_wait3A_1230 = arith.constant 0 : i32
      %dma_wait3A_1231 = tpu.memref_slice %arg7[%mul3A_1223, %dma_wait3A_1230] : memref<10112x16xf32, #tpu.memory_space<vmem_shared>> -> memref<632x16xf32, #tpu.memory_space<vmem_shared>>
      %dma_wait3A_1232 = arith.constant 0 : i32
      %dma_wait3A_1233 = tpu.memref_slice %arg7[%mul3A_1223, %dma_wait3A_1232] : memref<10112x16xf32, #tpu.memory_space<vmem_shared>> -> memref<632x16xf32, #tpu.memory_space<vmem_shared>>
      tpu.wait_dma2 semaphore(%run_scoped3A : memref<!tpu.dma_semaphore, #tpu.memory_space<semaphore_mem>>) src(%dma_wait3A_1233 : memref<632x16xf32, #tpu.memory_space<vmem_shared>>) dst(%arg12 : memref<632x16xf32, #tpu.memory_space<vmem>>)
      tpu.yield
    }) : () -> ()
    %mul3A_1224 = arith.constant 632 : i32
    %mul3A_1225 = arith.muli %arg1, %mul3A_1224 : i32
    "tpu.region"() ({
      %run_scoped3A = tpu.sem_alloc : memref<!tpu.dma_semaphore, #tpu.memory_space<semaphore_mem>>
      %dma_start3A_1226 = arith.constant 0 : i32
      %dma_start3A_1227 = arith.constant 0 : i32
      %dma_start3A_1228 = tpu.memref_slice %arg5[%arg0, %dma_start3A_1226, %dma_start3A_1227] : memref<2x10112x16xf32, #tpu.memory_space<hbm>> -> memref<1x10112x16xf32, #tpu.memory_space<hbm>>
      %dma_start3A_1229 = tpu.memref_squeeze %dma_start3A_1228 : memref<1x10112x16xf32, #tpu.memory_space<hbm>> -> memref<10112x16xf32, #tpu.memory_space<hbm>>
      %dma_start3A_1230 = arith.constant 0 : i32
      %dma_start3A_1231 = tpu.memref_slice %dma_start3A_1229[%mul3A_1225, %dma_start3A_1230] : memref<10112x16xf32, #tpu.memory_space<hbm>> -> memref<632x16xf32, #tpu.memory_space<hbm>>
      %dma_start3A_1232 = arith.constant 0 : i32
      %dma_start3A_1233 = arith.constant 0 : i32
      %dma_start3A_1234 = tpu.memref_slice %arg5[%arg0, %dma_start3A_1232, %dma_start3A_1233] : memref<2x10112x16xf32, #tpu.memory_space<hbm>> -> memref<1x10112x16xf32, #tpu.memory_space<hbm>>
      %dma_start3A_1235 = tpu.memref_squeeze %dma_start3A_1234 : memref<1x10112x16xf32, #tpu.memory_space<hbm>> -> memref<10112x16xf32, #tpu.memory_space<hbm>>
      %dma_start3A_1236 = arith.constant 0 : i32
      %dma_start3A_1237 = tpu.memref_slice %dma_start3A_1235[%mul3A_1225, %dma_start3A_1236] : memref<10112x16xf32, #tpu.memory_space<hbm>> -> memref<632x16xf32, #tpu.memory_space<hbm>>
      tpu.enqueue_dma source(%arg12 : memref<632x16xf32, #tpu.memory_space<vmem>>) target(%dma_start3A_1237 : memref<632x16xf32, #tpu.memory_space<hbm>>) target_semaphore(%run_scoped3A : memref<!tpu.dma_semaphore, #tpu.memory_space<semaphore_mem>>)
      %dma_wait3A_1238 = arith.constant 0 : i32
      %dma_wait3A_1239 = arith.constant 0 : i32
      %dma_wait3A_1240 = tpu.memref_slice %arg5[%arg0, %dma_wait3A_1238, %dma_wait3A_1239] : memref<2x10112x16xf32, #tpu.memory_space<hbm>> -> memref<1x10112x16xf32, #tpu.memory_space<hbm>>
      %dma_wait3A_1241 = tpu.memref_squeeze %dma_wait3A_1240 : memref<1x10112x16xf32, #tpu.memory_space<hbm>> -> memref<10112x16xf32, #tpu.memory_space<hbm>>
      %dma_wait3A_1242 = arith.constant 0 : i32
      %dma_wait3A_1243 = tpu.memref_slice %dma_wait3A_1241[%mul3A_1225, %dma_wait3A_1242] : memref<10112x16xf32, #tpu.memory_space<hbm>> -> memref<632x16xf32, #tpu.memory_space<hbm>>
      %dma_wait3A_1244 = arith.constant 0 : i32
      %dma_wait3A_1245 = arith.constant 0 : i32
      %dma_wait3A_1246 = tpu.memref_slice %arg5[%arg0, %dma_wait3A_1244, %dma_wait3A_1245] : memref<2x10112x16xf32, #tpu.memory_space<hbm>> -> memref<1x10112x16xf32, #tpu.memory_space<hbm>>
      %dma_wait3A_1247 = tpu.memref_squeeze %dma_wait3A_1246 : memref<1x10112x16xf32, #tpu.memory_space<hbm>> -> memref<10112x16xf32, #tpu.memory_space<hbm>>
      %dma_wait3A_1248 = arith.constant 0 : i32
      %dma_wait3A_1249 = tpu.memref_slice %dma_wait3A_1247[%mul3A_1225, %dma_wait3A_1248] : memref<10112x16xf32, #tpu.memory_space<hbm>> -> memref<632x16xf32, #tpu.memory_space<hbm>>
      tpu.wait_dma2 semaphore(%run_scoped3A : memref<!tpu.dma_semaphore, #tpu.memory_space<semaphore_mem>>) src(%arg12 : memref<632x16xf32, #tpu.memory_space<vmem>>) dst(%dma_wait3A_1249 : memref<632x16xf32, #tpu.memory_space<hbm>>)
      tpu.yield
    }) : () -> ()
    return
  }
}

module attributes {stable_mosaic.version = 14 : i64} {
  func.func @_proj1_body(%arg0: memref<10000x128xf32, #tpu.memory_space<vmem>>, %arg1: memref<1024x128xf32, #tpu.memory_space<vmem>>, %arg2: memref<1024x128xf32, #tpu.memory_space<vmem>>, %arg3: memref<1250x128xf32, #tpu.memory_space<vmem>>, %arg4: memref<1250x128xf32, #tpu.memory_space<vmem>>) attributes {dimension_semantics = [], scalar_prefetch = 0 : i64, scratch_operands = 0 : i64, tpu.core_type = #tpu.core_type<tc>} {
    %get3A = arith.constant 0 : index
    %get3A_0 = arith.constant 0 : index
    %get3A_1 = vector.load %arg0[%get3A, %get3A_0] : memref<10000x128xf32, #tpu.memory_space<vmem>>, vector<10000x128xf32>
    %reshape3A = vector.shape_cast %get3A_1 : vector<10000x128xf32> to vector<1250x1024xf32>
    %get3A_2 = arith.constant 0 : index
    %get3A_3 = arith.constant 0 : index
    %get3A_4 = vector.load %arg1[%get3A_2, %get3A_3] : memref<1024x128xf32, #tpu.memory_space<vmem>>, vector<1024x128xf32>
    %dot_general3A = arith.constant dense<0.000000e+00> : vector<1250x128xf32>
    %dot_general3A_5 = tpu.matmul %reshape3A, %get3A_4, %dot_general3A {dimension_numbers = #tpu.dot_dimension_numbers<[1], [0], [0], [1], [0, 0, 1, 1], [], []>, transpose_lhs_hint = false} : vector<1250x1024xf32>, vector<1024x128xf32>, vector<1250x128xf32> -> vector<1250x128xf32>
    %swap3A = arith.constant 0 : index
    %swap3A_6 = arith.constant 0 : index
    %swap3A_7 = vector.load %arg3[%swap3A, %swap3A_6] : memref<1250x128xf32, #tpu.memory_space<vmem>>, vector<1250x128xf32>
    tpu.vector_store %arg3[%swap3A, %swap3A_6], %dot_general3A_5 {strides = array<i32>} : memref<1250x128xf32, #tpu.memory_space<vmem>>, vector<1250x128xf32>,
    %get3A_8 = arith.constant 0 : index
    %get3A_9 = arith.constant 0 : index
    %get3A_10 = vector.load %arg2[%get3A_8, %get3A_9] : memref<1024x128xf32, #tpu.memory_space<vmem>>, vector<1024x128xf32>
    %dot_general3A_11 = arith.constant dense<0.000000e+00> : vector<1250x128xf32>
    %dot_general3A_12 = tpu.matmul %reshape3A, %get3A_10, %dot_general3A_11 {dimension_numbers = #tpu.dot_dimension_numbers<[1], [0], [0], [1], [0, 0, 1, 1], [], []>, transpose_lhs_hint = false} : vector<1250x1024xf32>, vector<1024x128xf32>, vector<1250x128xf32> -> vector<1250x128xf32>
    %swap3A_13 = arith.constant 0 : index
    %swap3A_14 = arith.constant 0 : index
    %swap3A_15 = vector.load %arg4[%swap3A_13, %swap3A_14] : memref<1250x128xf32, #tpu.memory_space<vmem>>, vector<1250x128xf32>
    tpu.vector_store %arg4[%swap3A_13, %swap3A_14], %dot_general3A_12 {strides = array<i32>} : memref<1250x128xf32, #tpu.memory_space<vmem>>, vector<1250x128xf32>,
    return
  }
}

module attributes {stable_mosaic.version = 14 : i64} {
  func.func @_h_body(%arg0: memref<2x1264x128xf32, #tpu.memory_space<vmem>>, %arg1: memref<2x1264x128xf32, #tpu.memory_space<vmem>>, %arg2: memref<1250x128xf32, #tpu.memory_space<vmem>>, %arg3: memref<1x128xf32, #tpu.memory_space<vmem>>, %arg4: memref<1250x128xf32, #tpu.memory_space<vmem>>) attributes {dimension_semantics = [], scalar_prefetch = 0 : i64, scratch_operands = 0 : i64, tpu.core_type = #tpu.core_type<tc>} {
    %get3A = arith.constant 0 : index
    %get3A_0 = arith.constant 0 : index
    %get3A_1 = arith.constant 0 : index
    %get3A_2 = vector.load %arg0[%get3A, %get3A_0, %get3A_1] : memref<2x1264x128xf32, #tpu.memory_space<vmem>>, vector<1x1264x128xf32>
    %get3A_3 = vector.shape_cast %get3A_2 : vector<1x1264x128xf32> to vector<1264x128xf32>
    %get3A_4 = arith.constant 1 : index
    %get3A_5 = arith.constant 0 : index
    %get3A_6 = arith.constant 0 : index
    %get3A_7 = vector.load %arg0[%get3A_4, %get3A_5, %get3A_6] : memref<2x1264x128xf32, #tpu.memory_space<vmem>>, vector<1x1264x128xf32>
    %get3A_8 = vector.shape_cast %get3A_7 : vector<1x1264x128xf32> to vector<1264x128xf32>
    %add3A = arith.addf %get3A_3, %get3A_8 : vector<1264x128xf32>
    %get3A_9 = arith.constant 0 : index
    %get3A_10 = arith.constant 0 : index
    %get3A_11 = arith.constant 0 : index
    %get3A_12 = vector.load %arg1[%get3A_9, %get3A_10, %get3A_11] : memref<2x1264x128xf32, #tpu.memory_space<vmem>>, vector<1x1264x128xf32>
    %get3A_13 = vector.shape_cast %get3A_12 : vector<1x1264x128xf32> to vector<1264x128xf32>
    %get3A_14 = arith.constant 1 : index
    %get3A_15 = arith.constant 0 : index
    %get3A_16 = arith.constant 0 : index
    %get3A_17 = vector.load %arg1[%get3A_14, %get3A_15, %get3A_16] : memref<2x1264x128xf32, #tpu.memory_space<vmem>>, vector<1x1264x128xf32>
    %get3A_18 = vector.shape_cast %get3A_17 : vector<1x1264x128xf32> to vector<1264x128xf32>
    %add3A_19 = arith.addf %get3A_13, %get3A_18 : vector<1264x128xf32>
    %slice3A = vector.extract_strided_slice %add3A {offsets = [0, 0], sizes = [1250, 128], strides = [1, 1]} : vector<1264x128xf32> to vector<1250x128xf32>
    %slice3A_20 = vector.extract_strided_slice %add3A_19 {offsets = [0, 0], sizes = [1250, 128], strides = [1, 1]} : vector<1264x128xf32> to vector<1250x128xf32>
    %max3A = arith.constant 1.000000e+00 : f32
    %max3A_21 = vector.broadcast %max3A : f32 to vector<1250x128xf32>
    %max3A_22 = arith.maximumf %slice3A_20, %max3A_21 : vector<1250x128xf32>
    %div3A = arith.divf %slice3A, %max3A_22 : vector<1250x128xf32>
    %get3A_23 = arith.constant 0 : index
    %get3A_24 = arith.constant 0 : index
    %get3A_25 = vector.load %arg2[%get3A_23, %get3A_24] : memref<1250x128xf32, #tpu.memory_space<vmem>>, vector<1250x128xf32>
    %add3A_26 = arith.addf %div3A, %get3A_25 : vector<1250x128xf32>
    %get3A_27 = arith.constant 0 : index
    %get3A_28 = arith.constant 0 : index
    %get3A_29 = vector.load %arg3[%get3A_27, %get3A_28] : memref<1x128xf32, #tpu.memory_space<vmem>>, vector<1x128xf32>
    %add3A_30 = vector.broadcast %get3A_29 : vector<1x128xf32> to vector<1250x128xf32>
    %add3A_31 = arith.addf %add3A_26, %add3A_30 : vector<1250x128xf32>
    %max3A_32 = arith.constant 0.000000e+00 : f32
    %max3A_33 = vector.broadcast %max3A_32 : f32 to vector<1250x128xf32>
    %max3A_34 = arith.maximumf %add3A_31, %max3A_33 : vector<1250x128xf32>
    %swap3A = arith.constant 0 : index
    %swap3A_35 = arith.constant 0 : index
    %swap3A_36 = vector.load %arg4[%swap3A, %swap3A_35] : memref<1250x128xf32, #tpu.memory_space<vmem>>, vector<1250x128xf32>
    tpu.vector_store %arg4[%swap3A, %swap3A_35], %max3A_34 {strides = array<i32>} : memref<1250x128xf32, #tpu.memory_space<vmem>>, vector<1250x128xf32>,
    return
  }
}

module attributes {stable_mosaic.version = 14 : i64} {
  func.func @_out_body(%arg0: memref<2x1264x128xf32, #tpu.memory_space<vmem>>, %arg1: memref<2x1264x128xf32, #tpu.memory_space<vmem>>, %arg2: memref<1250x128xf32, #tpu.memory_space<vmem>>, %arg3: memref<128x1024xf32, #tpu.memory_space<vmem>>, %arg4: memref<128x1024xf32, #tpu.memory_space<vmem>>, %arg5: memref<1x1024xf32, #tpu.memory_space<vmem>>, %arg6: memref<10000x128xf32, #tpu.memory_space<vmem>>) attributes {dimension_semantics = [], scalar_prefetch = 0 : i64, scratch_operands = 0 : i64, tpu.core_type = #tpu.core_type<tc>} {
    %get3A = arith.constant 0 : index
    %get3A_0 = arith.constant 0 : index
    %get3A_1 = arith.constant 0 : index
    %get3A_2 = vector.load %arg0[%get3A, %get3A_0, %get3A_1] : memref<2x1264x128xf32, #tpu.memory_space<vmem>>, vector<1x1264x128xf32>
    %get3A_3 = vector.shape_cast %get3A_2 : vector<1x1264x128xf32> to vector<1264x128xf32>
    %get3A_4 = arith.constant 1 : index
    %get3A_5 = arith.constant 0 : index
    %get3A_6 = arith.constant 0 : index
    %get3A_7 = vector.load %arg0[%get3A_4, %get3A_5, %get3A_6] : memref<2x1264x128xf32, #tpu.memory_space<vmem>>, vector<1x1264x128xf32>
    %get3A_8 = vector.shape_cast %get3A_7 : vector<1x1264x128xf32> to vector<1264x128xf32>
    %add3A = arith.addf %get3A_3, %get3A_8 : vector<1264x128xf32>
    %get3A_9 = arith.constant 0 : index
    %get3A_10 = arith.constant 0 : index
    %get3A_11 = arith.constant 0 : index
    %get3A_12 = vector.load %arg1[%get3A_9, %get3A_10, %get3A_11] : memref<2x1264x128xf32, #tpu.memory_space<vmem>>, vector<1x1264x128xf32>
    %get3A_13 = vector.shape_cast %get3A_12 : vector<1x1264x128xf32> to vector<1264x128xf32>
    %get3A_14 = arith.constant 1 : index
    %get3A_15 = arith.constant 0 : index
    %get3A_16 = arith.constant 0 : index
    %get3A_17 = vector.load %arg1[%get3A_14, %get3A_15, %get3A_16] : memref<2x1264x128xf32, #tpu.memory_space<vmem>>, vector<1x1264x128xf32>
    %get3A_18 = vector.shape_cast %get3A_17 : vector<1x1264x128xf32> to vector<1264x128xf32>
    %add3A_19 = arith.addf %get3A_13, %get3A_18 : vector<1264x128xf32>
    %slice3A = vector.extract_strided_slice %add3A {offsets = [0, 0], sizes = [1250, 128], strides = [1, 1]} : vector<1264x128xf32> to vector<1250x128xf32>
    %slice3A_20 = vector.extract_strided_slice %add3A_19 {offsets = [0, 0], sizes = [1250, 128], strides = [1, 1]} : vector<1264x128xf32> to vector<1250x128xf32>
    %max3A = arith.constant 1.000000e+00 : f32
    %max3A_21 = vector.broadcast %max3A : f32 to vector<1250x128xf32>
    %max3A_22 = arith.maximumf %slice3A_20, %max3A_21 : vector<1250x128xf32>
    %div3A = arith.divf %slice3A, %max3A_22 : vector<1250x128xf32>
    %get3A_23 = arith.constant 0 : index
    %get3A_24 = arith.constant 0 : index
    %get3A_25 = vector.load %arg3[%get3A_23, %get3A_24] : memref<128x1024xf32, #tpu.memory_space<vmem>>, vector<128x1024xf32>
    %dot_general3A = arith.constant dense<0.000000e+00> : vector<1250x1024xf32>
    %dot_general3A_26 = tpu.matmul %div3A, %get3A_25, %dot_general3A {dimension_numbers = #tpu.dot_dimension_numbers<[1], [0], [0], [1], [0, 0, 1, 1], [], []>, transpose_lhs_hint = false} : vector<1250x128xf32>, vector<128x1024xf32>, vector<1250x1024xf32> -> vector<1250x1024xf32>
    %get3A_27 = arith.constant 0 : index
    %get3A_28 = arith.constant 0 : index
    %get3A_29 = vector.load %arg2[%get3A_27, %get3A_28] : memref<1250x128xf32, #tpu.memory_space<vmem>>, vector<1250x128xf32>
    %get3A_30 = arith.constant 0 : index
    %get3A_31 = arith.constant 0 : index
    %get3A_32 = vector.load %arg4[%get3A_30, %get3A_31] : memref<128x1024xf32, #tpu.memory_space<vmem>>, vector<128x1024xf32>
    %dot_general3A_33 = arith.constant dense<0.000000e+00> : vector<1250x1024xf32>
    %dot_general3A_34 = tpu.matmul %get3A_29, %get3A_32, %dot_general3A_33 {dimension_numbers = #tpu.dot_dimension_numbers<[1], [0], [0], [1], [0, 0, 1, 1], [], []>, transpose_lhs_hint = false} : vector<1250x128xf32>, vector<128x1024xf32>, vector<1250x1024xf32> -> vector<1250x1024xf32>
    %add3A_35 = arith.addf %dot_general3A_26, %dot_general3A_34 : vector<1250x1024xf32>
    %get3A_36 = arith.constant 0 : index
    %get3A_37 = arith.constant 0 : index
    %get3A_38 = vector.load %arg5[%get3A_36, %get3A_37] : memref<1x1024xf32, #tpu.memory_space<vmem>>, vector<1x1024xf32>
    %add3A_39 = vector.broadcast %get3A_38 : vector<1x1024xf32> to vector<1250x1024xf32>
    %add3A_40 = arith.addf %add3A_35, %add3A_39 : vector<1250x1024xf32>
    %reshape3A = vector.shape_cast %add3A_40 : vector<1250x1024xf32> to vector<10000x128xf32>
    %swap3A = arith.constant 0 : index
    %swap3A_41 = arith.constant 0 : index
    %swap3A_42 = vector.load %arg6[%swap3A, %swap3A_41] : memref<10000x128xf32, #tpu.memory_space<vmem>>, vector<10000x128xf32>
    tpu.vector_store %arg6[%swap3A, %swap3A_41], %reshape3A {strides = array<i32>} : memref<10000x128xf32, #tpu.memory_space<vmem>>, vector<10000x128xf32>,
    return
  }
}

</mosaic_0001>

<sc_bundles>
// kernel: kernel.10.cloned.1.call-start
scs
__scs_entry_jumppad:
0x0: {  	(pc) =	sbr.rel $0x88, $3  }
0x1: {  	(tag) =	ssettag $0x0;
	lr =	simm.s32 $0x1  }
0x2: {  	[smem:$0x3F99] =	sst lr;
	_ =	strace $0xD0000000  }
0x3: {  	_ = 	snop  }
0x4: {  	_ = 	snop  }
0x5: {  	_ = 	snop  }
0x6: {  	_ = 	snop  }
0x7: {  	_ = 	snop  }
__scs_overlays_trampoline_lowered:
0x8: {  	[smem:$0x3FA8] =	sst s0  }
0x9: {  	[smem:$0x3FA9] =	sst s1  }
0xa: {  	[smem:$0x3FAA] =	sst s2  }
0xb: {  	[smem:$0x3FAB] =	sst s3  }
0xc: {  	[smem:$0x3FAC] =	sst s4  }
0xd: {  	[smem:$0x3FAD] =	sst s5  }
0xe: {  	[smem:$0x3FAE] =	sst s6  }
0xf: {  	[smem:$0x3FAF] =	sst s7  }
0x10: {  	[smem:$0x3FB0] =	sst s8  }
0x11: {  	[smem:$0x3FB1] =	sst s9;
	s0 =	simm.s32 @!p0 $0x0  }
0x12: {  	s1 =	sld [smem:$0x3F97];
	s0 =	simm.s32 @p0 $0x1  }
0x13: {  	[smem:$0x3FB2] =	sst s0;
	s0 =	simm.s32 @!p1 $0x0  }
0x14: {  	s2 =	sld [smem:$0x3F96];
	s0 =	simm.s32 @p1 $0x1  }
0x15: {  	[smem:$0x3FB3] =	sst s0;
	s0 =	simm.s32 @!p2 $0x0  }
0x16: {  	s3 =	sld [smem:$0x3FDB];
	s0 =	simm.s32 @p2 $0x1  }
0x17: {  	s4 =	simm.s32 $0x1BF5;
	[smem:$0x3FB5] =	sst s0  }
0x18: {  	s0 =	sld [smem:$0x3F98];
	_ =	swait.ge [sflag:s4], $0x0  }
0x19: {  	s7 =	sld [smem:$0x3F99]  }
0x1a: {  	s8 =	sadd.s32 $0xFFFFE003, lr  }
0x1b: {  	s9 =	sadd.s32 $0xFFFFFEF7, lr;
	s5 =	simm.s32 $0xFFFFFFFF;
	p2 =	slt.u32 s8, $0xFFFFF086  }
0x1c: {  	p1 =	slt.u32 s9, $0xF7A;
	s5 =	simm.s32 @!p2 $0x0  }
0x1d: {  	s5 =	simm.s32 @p1 $0x1;
	p0 =	seq.s32 s7, s2  }
0x1e: {  	s7 =	smul.u32 @!p0 $0xF7A, s2;
	p2 =	seq.s32 @!p0 s5, $0x0  }
0x1f: {  	s9 =	smul.u32 $0xF7A, s1;
	s8 =	simm.s32 @!p0 $0x1BF5;
	p2 =	por !p2, p0  }
0x20: {  	[sflag:s8] =	ssyncset.s32 @!p0 $0xFFFFF086;
	s6 =	sadd.s32 @!p0 s3, s7;
	s7 =	simm.s32 @!p0 $0x108  }
0x21: {  	s3 =	sadd.s32 s3, s9;
	s6 =	sadd.s32 @!p0 $0x88, s6;
	s7 =	simm.s32 @p2 $0x1082  }
0x22: {  	[simem:s7], [sflag:s8] =	dma.local @!p0 [hbm:s6], $0xF7A  }
0x23: {  	s9 =	sor.u32 $0xD0000000, s2;
	s6 =	simm.s32 $0x108;
	_ =	swait.ge @!p0 [sflag:s8], $0x0  }
0x24: {  	s3 =	sadd.s32 $0x88, s3;
	s6 =	simm.s32 @!p1 $0x1082;
	[sflag:s4] =	ssyncset.s32 $0xFFFFF086  }
0x25: {  	[simem:s6], [sflag:s4] =	dma.local [hbm:s3], $0xF7A  }
0x26: {  	[smem:$0x3F99] =	sst s1;
	(tag) =	ssettag s2;
	_ =	strace s9  }
0x27: {  	s1 =	sld [smem:$0x3FA9]  }
0x28: {  	s2 =	sld [smem:$0x3FAA]  }
0x29: {  	s4 =	sld [smem:$0x3FAC]  }
0x2a: {  	p0 =	seq.s32 s5, $0x0;
	s5 =	sld [smem:$0x3FAD]  }
0x2b: {  	s6 =	sld [smem:$0x3FAE]  }
0x2c: {  	s7 =	sld [smem:$0x3FAF]  }
0x2d: {  	s3 =	simm.s32 $0x108;
	s8 =	sld [smem:$0x3FB0]  }
0x2e: {  	s3 =	simm.s32 @!p0 $0x1082;
	s9 =	sld [smem:$0x3FB1]  }
0x2f: {  	lr =	sadd.s32 s0, s3;
	s0 =	sld [smem:$0x3FA8]  }
0x30: {  	s3 =	sld [smem:$0x3FAB]  }
0x31: {  	[smem:$0x3FB4] =	sst s10  }
0x32: {  	s10 =	sld [smem:$0x3FB2];
	_ =	sdelay $0x3  }
0x33: {  	p0 =	seq.s32 s10, $0x1;
	s10 =	sld [smem:$0x3FB4];
	_ =	sdelay $0x3  }
0x34: {  	[smem:$0x3FB4] =	sst s10  }
0x35: {  	s10 =	sld [smem:$0x3FB3];
	_ =	sdelay $0x3  }
0x36: {  	p1 =	seq.s32 s10, $0x1;
	s10 =	sld [smem:$0x3FB4];
	_ =	sdelay $0x3  }
0x37: {  	[smem:$0x3FB4] =	sst s10  }
0x38: {  	s10 =	sld [smem:$0x3FB5]  }
0x39: {  	_ = 	snop;
	(pc) =	sbr.ind lr, $3  }
0x3a: {  	_ = 	snop  }
0x3b: {  	_ = 	snop  }
0x3c: {  	p2 =	seq.s32 s10, $0x1;
	s10 =	sld [smem:$0x3FB4]  }
0x3d: {  	_ =	shalt  }
0x3e: {  	_ =	shalt  }
0x3f: {  	_ =	shalt  }
0x40: {  	_ =	shalt  }
0x41: {  	_ =	shalt  }
0x42: {  	_ =	shalt  }
0x43: {  	_ =	shalt  }
0x44: {  	_ =	shalt  }
0x45: {  	_ =	shalt  }
0x46: {  	_ =	shalt  }
0x47: {  	_ =	shalt  }
0x48: {  	_ =	shalt  }
0x49: {  	_ =	shalt  }
0x4a: {  	_ =	shalt  }
0x4b: {  	_ =	shalt  }
0x4c: {  	_ =	shalt  }
0x4d: {  	_ =	shalt  }
0x4e: {  	_ =	shalt  }
0x4f: {  	_ =	shalt  }
0x50: {  	_ =	shalt  }
0x51: {  	_ =	shalt  }
0x52: {  	_ =	shalt  }
0x53: {  	_ =	shalt  }
0x54: {  	_ =	shalt  }
0x55: {  	_ =	shalt  }
0x56: {  	_ =	shalt  }
0x57: {  	_ =	shalt  }
0x58: {  	_ =	shalt  }
0x59: {  	_ =	shalt  }
0x5a: {  	_ =	shalt  }
0x5b: {  	_ =	shalt  }
0x5c: {  	_ =	shalt  }
0x5d: {  	_ =	shalt  }
0x5e: {  	_ =	shalt  }
0x5f: {  	_ =	shalt  }
0x60: {  	_ =	shalt  }
0x61: {  	_ =	shalt  }
0x62: {  	_ =	shalt  }
0x63: {  	_ =	shalt  }
0x64: {  	_ =	shalt  }
0x65: {  	_ =	shalt  }
0x66: {  	_ =	shalt  }
0x67: {  	_ =	shalt  }
0x68: {  	_ =	shalt  }
0x69: {  	_ =	shalt  }
0x6a: {  	_ =	shalt  }
0x6b: {  	_ =	shalt  }
0x6c: {  	_ =	shalt  }
0x6d: {  	_ =	shalt  }
0x6e: {  	_ =	shalt  }
0x6f: {  	_ =	shalt  }
0x70: {  	_ =	shalt  }
0x71: {  	_ =	shalt  }
0x72: {  	_ =	shalt  }
0x73: {  	_ =	shalt  }
0x74: {  	_ =	shalt  }
0x75: {  	_ =	shalt  }
0x76: {  	_ =	shalt  }
0x77: {  	_ =	shalt  }
0x78: {  	_ =	shalt  }
0x79: {  	_ =	shalt  }
0x7a: {  	_ =	shalt  }
0x7b: {  	_ =	shalt  }
0x7c: {  	_ =	shalt  }
0x7d: {  	_ =	shalt  }
0x7e: {  	_ =	shalt  }
0x7f: {  	_ =	shalt  }
0x80: {  	_ =	shalt  }
0x81: {  	_ =	shalt  }
0x82: {  	_ =	shalt  }
0x83: {  	_ =	shalt  }
0x84: {  	_ =	shalt  }
0x85: {  	_ =	shalt  }
0x86: {  	_ =	shalt  }
0x87: {  	_ =	shalt  }
.Lfunc_end0:
.L_simem_size_0:
called_computation.1_lowered:
.L_overlay_start_0:
0x88: {  	s2 =	sld [smem:$0x3FD9]  }
0x89: {  	s3 =	sld [smem:$0x3FFE];
	_ =	sdelay $0x1  }
0x8a: {  	s1 =	srdreg.scid  }
0x8b: {  	s0 =	sand.u32 $0x1, s1  }
0x8c: {  	s17 =	sshll.u32 s0, $0xA;
	s2 =	sadd.s32 s3, s2  }
0x8d: {  	s2 =	sadd.s32 s2, s17  }
0x8e: {  	[smem:$0x3FC0] =	sst s2  }
0x8f: {  	_ = 	snop  }
0x90: {  	s2 =	sld [smem:$0x3FD0];
	(tm) =	ssettm $0x1  }
0x91: {  	s18 =	sld [smem:$0x3FFB];
	_ =	sdelay $0x3  }
0x92: {  	_ =	strace s18  }
0x93: {  	s3 =	sld [smem:$0x3FFC];
	_ =	sdelay $0x3  }
0x94: {  	_ =	strace s3  }
0x95: {  	s3 =	sld [smem:$0x3FFD];
	_ =	sdelay $0x3  }
0x96: {  	_ =	strace s3  }
0x97: {  	_ =	strace $0x8FFFFFFF  }
0x98: {  	s19 =	sld [smem:$0x3FDB];
	_ =	sdelay $0x1  }
0x99: {  	s4 =	simm.s32 $_scs_section_size  }
0x9a: {  	s5 =	simm.s32 $_size__tile_overlayer_lowered;
	s6 =	simm.s32 $_tile_overlayer_lowered  }
0x9b: {  	s22 =	simm.s32 $0x1BFF;
	s21 =	sshll.u32 s6, $0x1;
	s3 =	sadd.s32 s4, s19  }
0x9c: {  	s7 =	simm.s32 $0x0;
	s20 =	sshll.u32 s5, $0x1;
	s5 =	sadd.s32 s21, s3  }
0x9d: {  	[timem:s7], [sflag:s22] =	dma.local [hbm:s5], s20  }
0x9e: {  	_ =	swait.ge [sflag:s22], s20  }
0x9f: {  	s4 =	ssub.s32 $0x0, s20;
	[sflag:s22] =	ssyncset.done $0x0  }
0xa0: {  	[sflag:s22] =	ssyncadd.s32 s4;
	_ =	sdelay $0x1  }
0xa1: {  	s23 =	simm.s32 $0x1B8B  }
0xa2: {  	_ =	swait.ge [sflag:s23], $0x1  }
0xa3: {  	[sflag:s23] =	ssyncset.done $0x0  }
0xa4: {  	s25 =	simm.s32 $0x1B8E;
	s24 =	sld [smem:$0x3FFE];
	[sflag:s23] =	ssyncadd.s32 $0xFFFFFFFF  }
0xa5: {  	s26 =	simm.s32 $execute0_lowered;
	[smem:$0x3FD2] =	sst s25  }
0xa6: {  	s5 =	sshll.u32 s26, $0x1;
	_ =	strace $0x80000049;
	[dreg:$0x1] =	wrdreg $0xFFFFFFFF  }
0xa7: {  	s28 =	simm.s32 $_size_execute0_lowered;
	s3 =	sadd.s32 s3, s5;
	[dreg:$0x0] =	wrdreg $0x0  }
0xa8: {  	s5 =	sshll.u32 s28, $0x1;
	[dreg:$0x2] =	wrdreg s3  }
0xa9: {  	[dreg:$0x3] =	wrdreg s5  }
0xaa: {  	[dreg:$0x4] =	wrdreg $0xC0  }
0xab: {  	_ =	task [dreg:s7], $0x5FFFF  }
0xac: {  	[dreg:$0x1] =	wrdreg $0xFFFFFFFF  }
0xad: {  	[dreg:$0x0] =	wrdreg $0x60  }
0xae: {  	[dreg:$0x2] =	wrdreg s24  }
0xaf: {  	[dreg:$0x3] =	wrdreg s2  }
0xb0: {  	[dreg:$0x4] =	wrdreg $0x0  }
0xb1: {  	[dreg:$0x5] =	wrdreg $0x9  }
0xb2: {  	_ =	task.clear_ibuf [dreg:s7], $0x6FFFF;
	_ =	strace $0x90000049  }
0xb3: {  	s29 =	simm.s32 $0x9;
	_ =	strace $0x8000004B  }
0xb4: {  	_ =	swait.ge [sflag:s29], $0x1  }
0xb5: {  	[sflag:s29] =	ssyncadd.s32 $0xFFFFFFFF  }
0xb6: {  	_ =	strace $0x9000004B  }
0xb7: {  	_ =	sfence  }
0xb8: {  	s30 =	sld [smem:$0x0];
	_ =	sdelay $0x2  }
0xb9: {  	s31 =	sshll.u32 s1, $0xD;
	s1 =	sshrl.u32 s1, $0x2  }
0xba: {  	s3 =	sand.u32 $0x4000, s31;
	s1 =	sadd.s32 s1, s30  }
0xbb: {  	s0 =	sor.u32 s3, s0;
	s1 =	sshll.u32 s1, $0x11  }
0xbc: {  	s0 =	sor.u32 s1, s0  }
0xbd: {  	s0 =	sadd.s32 $0x8F2B, s0  }
0xbe: {  	[sflag:s0] =	ssyncadd.remote.s32 $0x1  }
0xbf: {  	_ =	sfence.sel $0xFFFF  }
0xc0: {  	[dreg:$0x0] =	wrdreg $0xFFFFFFFF;
	(pc) =	sbr.abs _section_cstart, $3  }
0xc1: {  	[dreg:$0x1] =	wrdreg $0xFFFFFFFF  }
0xc2: {  	_ =	task.clear_ibuf [dreg:s7], $0x2FFFF;
	_ =	strace $0x9FFFFFFF  }
0xc3: {  	(tm) =	ssettm $0x7FFFFFFF  }
tec
execute0_lowered:
.L_overlay_start_1:
0x0: {  	(tag) =	ssettag $0x1  }
0x1: {  	s0 =	rddreg [dreg:$0x0]  }
0x2: {  	s2 =	rddreg [dreg:$0x1]  }
0x3: {  	s1 =	rddreg [dreg:$0x2]  }
0x4: {  	s3 =	srdreg.scid;
	s5 =	simm.s32 $0x0;
	s11 =	stileid.u32  }
0x5: {  	s9 =	simm.s32 $0x17780;
	s10 =	simm.s32 $0x9;
	s12 =	simm.s32 $0x4F80  }
0x6: {  	s13 =	simm.s32 $0x400;
	s14 =	simm.s32 $0x7780;
	s19 =	simm.s32 $0x1  }
0x7: {  	s20 =	simm.s32 $0x80;
	s21 =	simm.s32 $0x6;
	s22 =	simm.s32 $0x5  }
0x8: {  	s23 =	simm.s32 $0x8;
	s25 =	simm.s32 $0x7;
	s3 =	sand.u32 $0x1, s3  }
0x9: {  	s26 =	simm.s32 $0x0;
	s8 =	smul.u32 $0x2780, s11;
	s4 =	sshll.u32 s3, $0x4  }
0xa: {  	[smem:$0x7FF] =	sst s5;
	s6 =	smul.u32 $0x4F00, s3;
	s4 =	sor.u32 s11, s4  }
0xb: {  	_ =	strace $0x8000004A;
	s3 =	ssub.s32 $0x2, s3;
	s30 =	smul.u32 $0x2710, s4  }
0xc: {  	s7 =	sshrl.u32 s3, $0x1;
	s31 =	sshrl.u32 s8, $0x3;
	s4 =	sadd.s32 $0x2A00, s0  }
0xd: {  	v0 =	vmov s11;
	s0 =	sadd.s32 s6, s0;
	s3 =	ssub.s32 s3, s7;
	s5 =	sshrl.u32 s30, $0x3  }
0xe: {  	v0 =	vor.u32 $0x2710, v0;
	s6 =	sadd.s32 s8, s1;
	s0 =	sadd.s32 $0x7A00, s0;
	s5 =	sadd.s32 s2, s5  }
0xf: {  	v1 =	vimm.f32 $0.0e+00;
	v2 =	vimm.s32 $0x0;
	v0 =	vbroadcast v0, $0x0;
	s8 =	smax.u32 s3, $0x1;
	s24 =	sadd.s32 s31, s0;
	s7 =	sadd.s32 $0x9C40, s5  }
.LBB2_1:
0x10: {  	s0 =	simm.s32 $0x40;
	s2 =	simm.s32 $0x0  }
.LBB2_2:
0x11: {  	p0 =	sne.s32 s0, $0x9DC0;
	[tilespmem:s2+$0x17780] =	vst v1;
	s2 =	smov.u32 s0;
	s0 =	sadd.s32 $0x40, s0  }
.Ltmp0:
0x12: {  	(pc) =	sbr.rel @p0 .LBB2_2-.Ltmp0, $2  }
0x13: {  	_ =	sdelay $0x2  }
0x14: {  	s2 =	sshra.s32 s2, $0x2  }
0x15: {  	[tilespmem:s2+$0x17780] =	vst v1  }
0x16: {  	[spmem:s6] =	stream.linear.scatter [tilespmem:s9], [sflag:$0x9], $0x2780, $0x38;
	[tilespmem:$0x19F00] =	vst v63  }
0x17: {  	_ =	swait.ge [sflag:s10], $0x2780  }
0x18: {  	[sflag:s10] =	ssyncset.done $0x0  }
0x19: {  	s0 =	simm.s32 $0x0;
	s11 =	simm.s32 $0x2780;
	[sflag:s10] =	ssyncadd.s32 $0xFFFFD880  }
0x1a: {  	[tilespmem:s11], [sflag:$0x9] =	stream.linear.gather [hbm4b:s5+s0], $0x2710, $0x38;
	[tilespmem:$0x19F00] =	vst v63  }
0x1b: {  	_ =	swait.ge [sflag:s10], $0x2710  }
0x1c: {  	[sflag:s10] =	ssyncset.done $0x0  }
0x1d: {  	[sflag:s10] =	ssyncadd.s32 $0xFFFFD8F0  }
0x1e: {  	[tilespmem:s12], [sflag:$0x9] =	stream.linear.gather [hbm4b:s7+s0], $0x2710, $0x38;
	[tilespmem:$0x19F00] =	vst v63  }
0x1f: {  	_ =	swait.ge [sflag:s10], $0x2710  }
0x20: {  	[sflag:s10] =	ssyncset.done $0x0  }
0x21: {  	[sflag:s10] =	ssyncadd.s32 $0xFFFFD8F0  }
0x22: {  	[tilespmem:$0x4E90] =	vst v2  }
0x23: {  	[tilespmem:$0x7690] =	vst v0  }
0x24: {  	[tilespmem:$0x4EA0] =	vst v2  }
0x25: {  	[tilespmem:$0x76A0] =	vst v0  }
0x26: {  	[tilespmem:$0x4EB0] =	vst v2  }
0x27: {  	[tilespmem:$0x76B0] =	vst v0  }
0x28: {  	[tilespmem:$0x4EC0] =	vst v2  }
0x29: {  	[tilespmem:$0x76C0] =	vst v0  }
0x2a: {  	[tilespmem:$0x4ED0] =	vst v2  }
0x2b: {  	[tilespmem:$0x76D0] =	vst v0  }
0x2c: {  	[tilespmem:$0x4EE0] =	vst v2  }
0x2d: {  	[tilespmem:$0x76E0] =	vst v0  }
0x2e: {  	[tilespmem:$0x4EF0] =	vst v2  }
0x2f: {  	[tilespmem:$0x76F0] =	vst v0  }
0x30: {  	[tilespmem:$0x4F00] =	vst v2  }
0x31: {  	[tilespmem:$0x7700] =	vst v0  }
0x32: {  	[tilespmem:$0x4F10] =	vst v2  }
0x33: {  	[tilespmem:$0x7710] =	vst v0  }
0x34: {  	[tilespmem:$0x4F20] =	vst v2  }
0x35: {  	[tilespmem:$0x7720] =	vst v0  }
0x36: {  	[tilespmem:$0x4F30] =	vst v2  }
0x37: {  	[tilespmem:$0x7730] =	vst v0  }
0x38: {  	[tilespmem:$0x4F40] =	vst v2  }
0x39: {  	[tilespmem:$0x7740] =	vst v0  }
0x3a: {  	[tilespmem:$0x4F50] =	vst v2  }
0x3b: {  	[tilespmem:$0x7750] =	vst v0  }
0x3c: {  	[tilespmem:$0x4F60] =	vst v2  }
0x3d: {  	[tilespmem:$0x7760] =	vst v0  }
0x3e: {  	[tilespmem:$0x4F70] =	vst v2  }
0x3f: {  	[tilespmem:$0x7770] =	vst v0  }
0x40: {  	[bflag:$0x0] =	sbarrier.arrive $0xFFFF  }
0x41: {  	[tilespmem:s14], [sflag:$0x1] =	stream.indirect.gather [hbm4b:s4+s13], $0x10, s11, s13, $0xb8;
	[tilespmem:$0x19F00] =	vst v63  }
0x42: {  	s15 =	simm.s32 $0x2B80;
	s16 =	simm.s32 $0xB780  }
0x43: {  	[tilespmem:s16], [sflag:$0x2] =	stream.indirect.gather [hbm4b:s4+s13], $0x10, s15, s13, $0xb8;
	[tilespmem:$0x19F00] =	vst v63  }
0x44: {  	s17 =	simm.s32 $0x2F80;
	s18 =	simm.s32 $0xF780  }
0x45: {  	[tilespmem:s18], [sflag:$0x3] =	stream.indirect.gather [hbm4b:s4+s13], $0x10, s17, s13, $0xb8;
	[tilespmem:$0x19F00] =	vst v63  }
0x46: {  	_ =	swait.ge [sflag:s19], $0x4000  }
0x47: {  	[sflag:s19] =	ssyncset.done $0x0  }
0x48: {  	[sflag:s19] =	ssyncadd.s32 $0xFFFFC000  }
0x49: {  	[spmem:s1] =	stream.indirect.scatter.add.f32 [tilespmem:s14], [sflag:$0x5], $0x10, s12, s20, $0xb8;
	[tilespmem:$0x19F00] =	vst v63  }
0x4a: {  	s3 =	simm.s32 $0x5000;
	s11 =	simm.s32 $0x7F80  }
0x4b: {  	[spmem:s1] =	stream.indirect.scatter.add.f32 [tilespmem:s11], [sflag:$0x5], $0x10, s3, s20, $0xb8;
	[tilespmem:$0x19F00] =	vst v63  }
0x4c: {  	s15 =	simm.s32 $0x5080;
	s16 =	simm.s32 $0x8780  }
0x4d: {  	[spmem:s1] =	stream.indirect.scatter.add.f32 [tilespmem:s16], [sflag:$0x5], $0x10, s15, s20, $0xb8;
	[tilespmem:$0x19F00] =	vst v63  }
0x4e: {  	s17 =	simm.s32 $0x5100;
	s18 =	simm.s32 $0x8F80  }
0x4f: {  	[spmem:s1] =	stream.indirect.scatter.add.f32 [tilespmem:s18], [sflag:$0x5], $0x10, s17, s20, $0xb8;
	[tilespmem:$0x19F00] =	vst v63  }
0x50: {  	s3 =	simm.s32 $0x5180;
	s11 =	simm.s32 $0x9780  }
0x51: {  	[spmem:s1] =	stream.indirect.scatter.add.f32 [tilespmem:s11], [sflag:$0x5], $0x10, s3, s20, $0xb8;
	[tilespmem:$0x19F00] =	vst v63  }
0x52: {  	s15 =	simm.s32 $0x5200;
	s16 =	simm.s32 $0x9F80  }
0x53: {  	[spmem:s1] =	stream.indirect.scatter.add.f32 [tilespmem:s16], [sflag:$0x5], $0x10, s15, s20, $0xb8;
	[tilespmem:$0x19F00] =	vst v63  }
0x54: {  	s17 =	simm.s32 $0x5280;
	s18 =	simm.s32 $0xA780  }
0x55: {  	[spmem:s1] =	stream.indirect.scatter.add.f32 [tilespmem:s18], [sflag:$0x5], $0x10, s17, s20, $0xb8;
	[tilespmem:$0x19F00] =	vst v63  }
0x56: {  	s17 =	simm.s32 $0x1  }
0x57: {  	s3 =	simm.s32 $0x5300;
	s11 =	simm.s32 $0xAF80;
	s0 =	sand.u32 $0x3, s17  }
0x58: {  	[spmem:s1] =	stream.indirect.scatter.add.f32 [tilespmem:s11], [sflag:$0x5], $0x10, s3, s20, $0xb8;
	[tilespmem:$0x19F00] =	vst v63  }
0x59: {  	s15 =	simm.s32 $0x3380;
	s16 =	simm.s32 $0x13780;
	s18 =	sadd.s32 $0x1, s0  }
0x5a: {  	[tilespmem:s16], [sflag:$0x4] =	stream.indirect.gather [hbm4b:s4+s13], $0x10, s15, s13, $0xb8;
	[tilespmem:$0x19F00] =	vst v63  }
0x5b: {  	_ =	swait.ge [sflag:s18], $0x4000  }
0x5c: {  	s3 =	sshll.u32 s0, $0xE;
	s0 =	sadd.s32 $0x5, s0;
	[sflag:s18] =	ssyncset.done $0x0  }
0x5d: {  	s11 =	simm.s32 $0x5380;
	s15 =	sadd.s32 $0x7780, s3;
	[sflag:s18] =	ssyncadd.s32 $0xFFFFC000  }
0x5e: {  	[spmem:s1] =	stream.indirect.scatter.add.f32 [tilespmem:s15], [sflag:s0], $0x10, s11, s20, $0xb8;
	[tilespmem:$0x19F00] =	vst v63  }
0x5f: {  	s17 =	simm.s32 $0x5400;
	s16 =	sadd.s32 $0x7F80, s3  }
0x60: {  	[spmem:s1] =	stream.indirect.scatter.add.f32 [tilespmem:s16], [sflag:s0], $0x10, s17, s20, $0xb8;
	[tilespmem:$0x19F00] =	vst v63  }
0x61: {  	s18 =	sadd.s32 $0x8780, s3;
	s11 =	simm.s32 $0x5480  }
0x62: {  	[spmem:s1] =	stream.indirect.scatter.add.f32 [tilespmem:s18], [sflag:s0], $0x10, s11, s20, $0xb8;
	[tilespmem:$0x19F00] =	vst v63  }
0x63: {  	s16 =	sadd.s32 $0x8F80, s3;
	s17 =	simm.s32 $0x5500  }
0x64: {  	[spmem:s1] =	stream.indirect.scatter.add.f32 [tilespmem:s16], [sflag:s0], $0x10, s17, s20, $0xb8;
	[tilespmem:$0x19F00] =	vst v63  }
0x65: {  	s2 =	simm.s32 $0x4;
	s18 =	sadd.s32 $0x9780, s3;
	s11 =	simm.s32 $0x5580  }
0x66: {  	[spmem:s1] =	stream.indirect.scatter.add.f32 [tilespmem:s18], [sflag:s0], $0x10, s11, s20, $0xb8;
	[tilespmem:$0x19F00] =	vst v63  }
0x67: {  	s28 =	simm.s32 $0x5600;
	p0 =	por $0x0, $0x0;
	s16 =	sadd.s32 $0x9F80, s3  }
0x68: {  	[spmem:s1] =	stream.indirect.scatter.add.f32 [tilespmem:s16], [sflag:s0], $0x10, s28, s20, $0xb8;
	[tilespmem:$0x19F00] =	vst v63  }
0x69: {  	s2 =	sand.u32 @!p0 $0x3, s2;
	s17 =	sadd.s32 $0xA780, s3;
	s28 =	simm.s32 $0x5680  }
0x6a: {  	[spmem:s1] =	stream.indirect.scatter.add.f32 [tilespmem:s17], [sflag:s0], $0x10, s28, s20, $0xb8;
	[tilespmem:$0x19F00] =	vst v63  }
0x6b: {  	s31 =	sadd.s32 @!p0 $0x5, s2;
	s3 =	sadd.s32 $0xAF80, s3;
	s18 =	simm.s32 $0x5700  }
0x6c: {  	[spmem:s1] =	stream.indirect.scatter.add.f32 [tilespmem:s3], [sflag:s0], $0x10, s18, s20, $0xb8;
	[tilespmem:$0x19F00] =	vst v63  }
0x6d: {  	_ =	swait.ge @!p0 [sflag:s31], $0x800  }
0x6e: {  	[sflag:s31] =	ssyncset.done @!p0 $0x0  }
0x6f: {  	[sflag:s31] =	ssyncadd.s32 @!p0 $0xFFFFF800  }
0x70: {  	_ =	swait.ge @!p0 [sflag:s31], $0x800  }
0x71: {  	[sflag:s31] =	ssyncset.done @!p0 $0x0  }
0x72: {  	[sflag:s31] =	ssyncadd.s32 @!p0 $0xFFFFF800  }
0x73: {  	_ =	swait.ge @!p0 [sflag:s31], $0x800  }
0x74: {  	[sflag:s31] =	ssyncset.done @!p0 $0x0  }
0x75: {  	[sflag:s31] =	ssyncadd.s32 @!p0 $0xFFFFF800  }
0x76: {  	_ =	swait.ge @!p0 [sflag:s31], $0x800  }
0x77: {  	[sflag:s31] =	ssyncset.done @!p0 $0x0  }
0x78: {  	[sflag:s31] =	ssyncadd.s32 @!p0 $0xFFFFF800  }
0x79: {  	_ =	swait.ge @!p0 [sflag:s31], $0x800  }
0x7a: {  	[sflag:s31] =	ssyncset.done @!p0 $0x0  }
0x7b: {  	[sflag:s31] =	ssyncadd.s32 @!p0 $0xFFFFF800  }
0x7c: {  	_ =	swait.ge @!p0 [sflag:s31], $0x800  }
0x7d: {  	[sflag:s31] =	ssyncset.done @!p0 $0x0  }
0x7e: {  	[sflag:s31] =	ssyncadd.s32 @!p0 $0xFFFFF800  }
0x7f: {  	s30 =	simm.s32 $0x2000;
	s29 =	simm.s32 $0x5;
	_ =	swait.ge @!p0 [sflag:s31], $0x800  }
0x80: {  	s15 =	simm.s32 @!p0 $0x3780;
	s28 =	simm.s32 $0x1000;
	[sflag:s31] =	ssyncset.done @!p0 $0x0  }
0x81: {  	s0 =	sshll.u32 @!p0 s2, $0xE;
	s2 =	sadd.s32 @!p0 $0x1, s2;
	[sflag:s31] =	ssyncadd.s32 @!p0 $0xFFFFF800  }
0x82: {  	s3 =	sadd.s32 @!p0 $0x7780, s0;
	s0 =	simm.s32 $0x2;
	_ =	swait.ge @!p0 [sflag:s31], $0x800  }
.LBB2_4:
0x83: {  	s16 =	sand.u32 $0x3, s0;
	[sflag:s31] =	ssyncset.done @!p0 $0x0;
	s17 =	simm.s32 @!p0 $0x400  }
0x84: {  	s18 =	sshll.u32 s16, $0xE;
	s11 =	sadd.s32 $0x1, s16;
	[sflag:s31] =	ssyncadd.s32 @!p0 $0xFFFFF800  }
0x85: {  	[tilespmem:s3], [sflag:s2] =	stream.indirect.gather @!p0 [hbm4b:s4+s17], $0x10, s15, s17, $0xb8;
	[tilespmem:$0x19F00] =	vst v63  }
0x86: {  	s17 =	smov.u32 s30;
	s30 =	sadd.s32 $0x1000, s30;
	_ =	swait.ge [sflag:s11], $0x4000  }
0x87: {  	s2 =	sshra.s32 s28, $0x2;
	s3 =	sadd.s32 $0x5, s16;
	[sflag:s11] =	ssyncset.done $0x0  }
0x88: {  	s15 =	sadd.s32 $0x7780, s18;
	[sflag:s11] =	ssyncadd.s32 $0xFFFFC000;
	s11 =	sadd.s32 $0x5380, s2  }
0x89: {  	[spmem:s1] =	stream.indirect.scatter.add.f32 [tilespmem:s15], [sflag:s3], $0x10, s11, s20, $0xb8;
	[tilespmem:$0x19F00] =	vst v63  }
0x8a: {  	p1 =	sne.s32 s30, $0x9000;
	s11 =	sadd.s32 $0x7F80, s18;
	s15 =	sadd.s32 $0x5400, s2  }
0x8b: {  	[spmem:s1] =	stream.indirect.scatter.add.f32 [tilespmem:s11], [sflag:s3], $0x10, s15, s20, $0xb8;
	[tilespmem:$0x19F00] =	vst v63  }
0x8c: {  	s11 =	sadd.s32 $0x8780, s18;
	s15 =	sadd.s32 $0x5480, s2  }
0x8d: {  	[spmem:s1] =	stream.indirect.scatter.add.f32 [tilespmem:s11], [sflag:s3], $0x10, s15, s20, $0xb8;
	[tilespmem:$0x19F00] =	vst v63  }
0x8e: {  	s11 =	sadd.s32 $0x8F80, s18;
	s15 =	sadd.s32 $0x5500, s2  }
0x8f: {  	[spmem:s1] =	stream.indirect.scatter.add.f32 [tilespmem:s11], [sflag:s3], $0x10, s15, s20, $0xb8;
	[tilespmem:$0x19F00] =	vst v63  }
0x90: {  	s11 =	sadd.s32 $0x9780, s18;
	s15 =	sadd.s32 $0x5580, s2  }
0x91: {  	[spmem:s1] =	stream.indirect.scatter.add.f32 [tilespmem:s11], [sflag:s3], $0x10, s15, s20, $0xb8;
	[tilespmem:$0x19F00] =	vst v63  }
0x92: {  	s16 =	sadd.s32 $0x5700, s2;
	s11 =	sadd.s32 $0x9F80, s18;
	s15 =	sadd.s32 $0x5600, s2  }
0x93: {  	[spmem:s1] =	stream.indirect.scatter.add.f32 [tilespmem:s11], [sflag:s3], $0x10, s15, s20, $0xb8;
	[tilespmem:$0x19F00] =	vst v63  }
0x94: {  	p0 =	sgt.u32 s0, $0x6;
	s2 =	sadd.s32 $0x5680, s2;
	s11 =	sadd.s32 $0xA780, s18  }
0x95: {  	[spmem:s1] =	stream.indirect.scatter.add.f32 [tilespmem:s11], [sflag:s3], $0x10, s2, s20, $0xb8;
	[tilespmem:$0x19F00] =	vst v63  }
0x96: {  	s0 =	sadd.s32 $0xAF80, s18;
	s2 =	sand.u32 @!p0 $0x3, s29;
	s11 =	sshra.s32 @!p0 s28, $0x2  }
0x97: {  	[spmem:s1] =	stream.indirect.scatter.add.f32 [tilespmem:s0], [sflag:s3], $0x10, s16, s20, $0xb8;
	[tilespmem:$0x19F00] =	vst v63  }
0x98: {  	s31 =	sadd.s32 @!p0 $0x5, s2;
	s0 =	sshll.u32 @!p0 s2, $0xE;
	s2 =	sadd.s32 @!p0 $0x1, s2  }
0x99: {  	s15 =	sadd.s32 @!p0 $0x3780, s11;
	s3 =	sadd.s32 @!p0 $0x7780, s0;
	_ =	swait.ge @!p0 [sflag:s31], $0x800  }
0x9a: {  	s28 =	smov.u32 s17;
	[sflag:s31] =	ssyncset.done @!p0 $0x0  }
0x9b: {  	[sflag:s31] =	ssyncadd.s32 @!p0 $0xFFFFF800  }
0x9c: {  	_ =	swait.ge @!p0 [sflag:s31], $0x800  }
0x9d: {  	[sflag:s31] =	ssyncset.done @!p0 $0x0  }
0x9e: {  	[sflag:s31] =	ssyncadd.s32 @!p0 $0xFFFFF800  }
0x9f: {  	_ =	swait.ge @!p0 [sflag:s31], $0x800  }
0xa0: {  	[sflag:s31] =	ssyncset.done @!p0 $0x0  }
0xa1: {  	[sflag:s31] =	ssyncadd.s32 @!p0 $0xFFFFF800  }
0xa2: {  	_ =	swait.ge @!p0 [sflag:s31], $0x800  }
0xa3: {  	[sflag:s31] =	ssyncset.done @!p0 $0x0  }
0xa4: {  	[sflag:s31] =	ssyncadd.s32 @!p0 $0xFFFFF800  }
0xa5: {  	_ =	swait.ge @!p0 [sflag:s31], $0x800  }
0xa6: {  	[sflag:s31] =	ssyncset.done @!p0 $0x0  }
0xa7: {  	[sflag:s31] =	ssyncadd.s32 @!p0 $0xFFFFF800  }
0xa8: {  	_ =	swait.ge @!p0 [sflag:s31], $0x800  }
0xa9: {  	[sflag:s31] =	ssyncset.done @!p0 $0x0  }
.Ltmp1:
0xaa: {  	[sflag:s31] =	ssyncadd.s32 @!p0 $0xFFFFF800;
	(pc) =	sbr.rel @p1 .LBB2_4-.Ltmp1, $4  }
0xab: {  	_ =	swait.ge @!p0 [sflag:s31], $0x800  }
0xac: {  	[sflag:s31] =	ssyncset.done @!p0 $0x0  }
0xad: {  	s29 =	sadd.s32 $0x1, s29;
	[sflag:s31] =	ssyncadd.s32 @!p0 $0xFFFFF800  }
0xae: {  	s0 =	sadd.s32 $0xFFFFFFFD, s29;
	_ =	swait.ge @!p0 [sflag:s31], $0x800  }
0xaf: {  	s11 =	sand.u32 $0x3, s0;
	[sflag:s31] =	ssyncset.done @!p0 $0x0  }
0xb0: {  	s16 =	simm.s32 @!p0 $0x400;
	s17 =	sadd.s32 $0x1, s11;
	[sflag:s31] =	ssyncadd.s32 @!p0 $0xFFFFF800  }
0xb1: {  	[tilespmem:s3], [sflag:s2] =	stream.indirect.gather @!p0 [hbm4b:s4+s16], $0x10, s15, s16, $0xb8;
	[tilespmem:$0x19F00] =	vst v63  }
0xb2: {  	s2 =	sshll.u32 s11, $0xE;
	_ =	swait.ge [sflag:s17], $0x4000  }
0xb3: {  	s3 =	sshra.s32 s28, $0x2;
	s11 =	sadd.s32 $0x5, s11;
	[sflag:s17] =	ssyncset.done $0x0  }
0xb4: {  	s16 =	sadd.s32 $0x7780, s2;
	s18 =	sadd.s32 $0x5380, s3;
	[sflag:s17] =	ssyncadd.s32 $0xFFFFC000  }
0xb5: {  	[spmem:s1] =	stream.indirect.scatter.add.f32 [tilespmem:s16], [sflag:s11], $0x10, s18, s20, $0xb8;
	[tilespmem:$0x19F00] =	vst v63  }
0xb6: {  	s30 =	sadd.s32 $0x7F80, s2;
	s31 =	sadd.s32 $0x5400, s3  }
0xb7: {  	[spmem:s1] =	stream.indirect.scatter.add.f32 [tilespmem:s30], [sflag:s11], $0x10, s31, s20, $0xb8;
	[tilespmem:$0x19F00] =	vst v63  }
0xb8: {  	s17 =	sadd.s32 $0x8780, s2;
	s18 =	sadd.s32 $0x5480, s3  }
0xb9: {  	[spmem:s1] =	stream.indirect.scatter.add.f32 [tilespmem:s17], [sflag:s11], $0x10, s18, s20, $0xb8;
	[tilespmem:$0x19F00] =	vst v63  }
0xba: {  	s30 =	sadd.s32 $0x8F80, s2;
	s31 =	sadd.s32 $0x5500, s3  }
0xbb: {  	[spmem:s1] =	stream.indirect.scatter.add.f32 [tilespmem:s30], [sflag:s11], $0x10, s31, s20, $0xb8;
	[tilespmem:$0x19F00] =	vst v63  }
0xbc: {  	p0 =	sgt.u32 s0, $0x6;
	s17 =	sadd.s32 $0x9780, s2;
	s18 =	sadd.s32 $0x5580, s3  }
0xbd: {  	[spmem:s1] =	stream.indirect.scatter.add.f32 [tilespmem:s17], [sflag:s11], $0x10, s18, s20, $0xb8;
	[tilespmem:$0x19F00] =	vst v63  }
0xbe: {  	s30 =	sadd.s32 $0x9F80, s2;
	s31 =	sadd.s32 $0x5600, s3;
	s17 =	sadd.s32 $0xA780, s2  }
0xbf: {  	[spmem:s1] =	stream.indirect.scatter.add.f32 [tilespmem:s30], [sflag:s11], $0x10, s31, s20, $0xb8;
	[tilespmem:$0x19F00] =	vst v63  }
0xc0: {  	s18 =	sadd.s32 $0x5680, s3;
	s30 =	sadd.s32 $0x5700, s3;
	s3 =	sand.u32 @!p0 $0x3, s29  }
0xc1: {  	[spmem:s1] =	stream.indirect.scatter.add.f32 [tilespmem:s17], [sflag:s11], $0x10, s18, s20, $0xb8;
	[tilespmem:$0x19F00] =	vst v63  }
0xc2: {  	s2 =	sadd.s32 $0xAF80, s2;
	s0 =	sadd.s32 @!p0 $0x5, s3  }
0xc3: {  	[spmem:s1] =	stream.indirect.scatter.add.f32 [tilespmem:s2], [sflag:s11], $0x10, s30, s20, $0xb8;
	[tilespmem:$0x19F00] =	vst v63  }
0xc4: {  	_ =	swait.ge @!p0 [sflag:s0], $0x800  }
0xc5: {  	[sflag:s0] =	ssyncset.done @!p0 $0x0  }
0xc6: {  	[sflag:s0] =	ssyncadd.s32 @!p0 $0xFFFFF800  }
0xc7: {  	_ =	swait.ge @!p0 [sflag:s0], $0x800  }
0xc8: {  	[sflag:s0] =	ssyncset.done @!p0 $0x0  }
0xc9: {  	[sflag:s0] =	ssyncadd.s32 @!p0 $0xFFFFF800  }
0xca: {  	_ =	swait.ge @!p0 [sflag:s0], $0x800  }
0xcb: {  	[sflag:s0] =	ssyncset.done @!p0 $0x0  }
0xcc: {  	[sflag:s0] =	ssyncadd.s32 @!p0 $0xFFFFF800  }
0xcd: {  	_ =	swait.ge @!p0 [sflag:s0], $0x800  }
0xce: {  	[sflag:s0] =	ssyncset.done @!p0 $0x0  }
0xcf: {  	[sflag:s0] =	ssyncadd.s32 @!p0 $0xFFFFF800  }
0xd0: {  	_ =	swait.ge @!p0 [sflag:s0], $0x800  }
0xd1: {  	[sflag:s0] =	ssyncset.done @!p0 $0x0  }
0xd2: {  	[sflag:s0] =	ssyncadd.s32 @!p0 $0xFFFFF800  }
0xd3: {  	_ =	swait.ge @!p0 [sflag:s0], $0x800  }
0xd4: {  	[sflag:s0] =	ssyncset.done @!p0 $0x0  }
0xd5: {  	[sflag:s0] =	ssyncadd.s32 @!p0 $0xFFFFF800  }
0xd6: {  	_ =	swait.ge @!p0 [sflag:s0], $0x800  }
0xd7: {  	[sflag:s0] =	ssyncset.done @!p0 $0x0  }
0xd8: {  	[sflag:s0] =	ssyncadd.s32 @!p0 $0xFFFFF800  }
0xd9: {  	s15 =	simm.s32 @!p0 $0x400;
	s2 =	sshra.s32 @!p0 s28, $0x2;
	_ =	swait.ge @!p0 [sflag:s0], $0x800  }
0xda: {  	s11 =	sshll.u32 @!p0 s3, $0xE;
	s3 =	sadd.s32 @!p0 $0x1, s3;
	[sflag:s0] =	ssyncset.done @!p0 $0x0  }
0xdb: {  	s11 =	sadd.s32 @!p0 $0x7780, s11;
	s2 =	sadd.s32 @!p0 $0x3780, s2;
	[sflag:s0] =	ssyncadd.s32 @!p0 $0xFFFFF800  }
0xdc: {  	[tilespmem:s11], [sflag:s3] =	stream.indirect.gather @!p0 [hbm4b:s4+s15], $0x10, s2, s15, $0xb8;
	[tilespmem:$0x19F00] =	vst v63  }
0xdd: {  	_ =	swait.ge [sflag:s21], $0x800  }
0xde: {  	[sflag:s21] =	ssyncset.done $0x0  }
0xdf: {  	[sflag:s21] =	ssyncadd.s32 $0xFFFFF800  }
0xe0: {  	_ =	swait.ge [sflag:s21], $0x800  }
0xe1: {  	[sflag:s21] =	ssyncset.done $0x0  }
0xe2: {  	[sflag:s21] =	ssyncadd.s32 $0xFFFFF800  }
0xe3: {  	_ =	swait.ge [sflag:s21], $0x800  }
0xe4: {  	[sflag:s21] =	ssyncset.done $0x0  }
0xe5: {  	[sflag:s21] =	ssyncadd.s32 $0xFFFFF800  }
0xe6: {  	_ =	swait.ge [sflag:s21], $0x800  }
0xe7: {  	[sflag:s21] =	ssyncset.done $0x0  }
0xe8: {  	[sflag:s21] =	ssyncadd.s32 $0xFFFFF800  }
0xe9: {  	_ =	swait.ge [sflag:s21], $0x800  }
0xea: {  	[sflag:s21] =	ssyncset.done $0x0  }
0xeb: {  	[sflag:s21] =	ssyncadd.s32 $0xFFFFF800  }
0xec: {  	_ =	swait.ge [sflag:s21], $0x800  }
0xed: {  	[sflag:s21] =	ssyncset.done $0x0  }
0xee: {  	[sflag:s21] =	ssyncadd.s32 $0xFFFFF800  }
0xef: {  	_ =	swait.ge [sflag:s21], $0x800  }
0xf0: {  	[sflag:s21] =	ssyncset.done $0x0  }
0xf1: {  	[sflag:s21] =	ssyncadd.s32 $0xFFFFF800  }
0xf2: {  	_ =	swait.ge [sflag:s21], $0x800  }
0xf3: {  	[sflag:s21] =	ssyncset.done $0x0  }
0xf4: {  	[sflag:s21] =	ssyncadd.s32 $0xFFFFF800  }
0xf5: {  	_ =	swait.ge [sflag:s22], $0x800  }
0xf6: {  	[sflag:s22] =	ssyncset.done $0x0  }
0xf7: {  	[sflag:s22] =	ssyncadd.s32 $0xFFFFF800  }
0xf8: {  	_ =	swait.ge [sflag:s22], $0x800  }
0xf9: {  	[sflag:s22] =	ssyncset.done $0x0  }
0xfa: {  	[sflag:s22] =	ssyncadd.s32 $0xFFFFF800  }
0xfb: {  	_ =	swait.ge [sflag:s22], $0x800  }
0xfc: {  	[sflag:s22] =	ssyncset.done $0x0  }
0xfd: {  	[sflag:s22] =	ssyncadd.s32 $0xFFFFF800  }
0xfe: {  	_ =	swait.ge [sflag:s22], $0x800  }
0xff: {  	[sflag:s22] =	ssyncset.done $0x0  }
0x100: {  	[sflag:s22] =	ssyncadd.s32 $0xFFFFF800  }
0x101: {  	_ =	swait.ge [sflag:s22], $0x800  }
0x102: {  	[sflag:s22] =	ssyncset.done $0x0  }
0x103: {  	[sflag:s22] =	ssyncadd.s32 $0xFFFFF800  }
0x104: {  	_ =	swait.ge [sflag:s22], $0x800  }
0x105: {  	[sflag:s22] =	ssyncset.done $0x0  }
0x106: {  	[sflag:s22] =	ssyncadd.s32 $0xFFFFF800  }
0x107: {  	_ =	swait.ge [sflag:s22], $0x800  }
0x108: {  	[sflag:s22] =	ssyncset.done $0x0  }
0x109: {  	[sflag:s22] =	ssyncadd.s32 $0xFFFFF800  }
0x10a: {  	_ =	swait.ge [sflag:s22], $0x800  }
0x10b: {  	[sflag:s22] =	ssyncset.done $0x0  }
0x10c: {  	[sflag:s22] =	ssyncadd.s32 $0xFFFFF800  }
0x10d: {  	_ =	swait.ge [sflag:s23], $0x800  }
0x10e: {  	[sflag:s23] =	ssyncset.done $0x0  }
0x10f: {  	[sflag:s23] =	ssyncadd.s32 $0xFFFFF800  }
0x110: {  	_ =	swait.ge [sflag:s23], $0x800  }
0x111: {  	[sflag:s23] =	ssyncset.done $0x0  }
0x112: {  	[sflag:s23] =	ssyncadd.s32 $0xFFFFF800  }
0x113: {  	_ =	swait.ge [sflag:s23], $0x800  }
0x114: {  	[sflag:s23] =	ssyncset.done $0x0  }
0x115: {  	[sflag:s23] =	ssyncadd.s32 $0xFFFFF800  }
0x116: {  	_ =	swait.ge [sflag:s23], $0x800  }
0x117: {  	[sflag:s23] =	ssyncset.done $0x0  }
0x118: {  	[sflag:s23] =	ssyncadd.s32 $0xFFFFF800  }
0x119: {  	_ =	swait.ge [sflag:s23], $0x800  }
0x11a: {  	[sflag:s23] =	ssyncset.done $0x0  }
0x11b: {  	[sflag:s23] =	ssyncadd.s32 $0xFFFFF800  }
0x11c: {  	_ =	swait.ge [sflag:s23], $0x800  }
0x11d: {  	[sflag:s23] =	ssyncset.done $0x0  }
0x11e: {  	[sflag:s23] =	ssyncadd.s32 $0xFFFFF800  }
0x11f: {  	_ =	swait.ge [sflag:s23], $0x800  }
0x120: {  	[sflag:s23] =	ssyncset.done $0x0  }
0x121: {  	[sflag:s23] =	ssyncadd.s32 $0xFFFFF800  }
0x122: {  	_ =	swait.ge [sflag:s23], $0x800  }
0x123: {  	[sflag:s23] =	ssyncset.done $0x0  }
0x124: {  	[sflag:s23] =	ssyncadd.s32 $0xFFFFF800  }
0x125: {  	_ =	swait.ge [sflag:s25], $0x800  }
0x126: {  	[sflag:s25] =	ssyncset.done $0x0  }
0x127: {  	[sflag:s25] =	ssyncadd.s32 $0xFFFFF800  }
0x128: {  	_ =	swait.ge [sflag:s25], $0x800  }
0x129: {  	[sflag:s25] =	ssyncset.done $0x0  }
0x12a: {  	[sflag:s25] =	ssyncadd.s32 $0xFFFFF800  }
0x12b: {  	_ =	swait.ge [sflag:s25], $0x800  }
0x12c: {  	[sflag:s25] =	ssyncset.done $0x0  }
0x12d: {  	[sflag:s25] =	ssyncadd.s32 $0xFFFFF800  }
0x12e: {  	_ =	swait.ge [sflag:s25], $0x800  }
0x12f: {  	[sflag:s25] =	ssyncset.done $0x0  }
0x130: {  	[sflag:s25] =	ssyncadd.s32 $0xFFFFF800  }
0x131: {  	_ =	swait.ge [sflag:s25], $0x800  }
0x132: {  	[sflag:s25] =	ssyncset.done $0x0  }
0x133: {  	[sflag:s25] =	ssyncadd.s32 $0xFFFFF800  }
0x134: {  	_ =	swait.ge [sflag:s25], $0x800  }
0x135: {  	[sflag:s25] =	ssyncset.done $0x0  }
0x136: {  	[sflag:s25] =	ssyncadd.s32 $0xFFFFF800  }
0x137: {  	_ =	swait.ge [sflag:s25], $0x800  }
0x138: {  	[sflag:s25] =	ssyncset.done $0x0  }
0x139: {  	[sflag:s25] =	ssyncadd.s32 $0xFFFFF800  }
0x13a: {  	_ =	swait.ge [sflag:s25], $0x800  }
0x13b: {  	[sflag:s25] =	ssyncset.done $0x0  }
0x13c: {  	[sflag:s25] =	ssyncadd.s32 $0xFFFFF800  }
0x13d: {  	[bflag:$0x0] =	sbarrier.arrive $0xFFFF  }
0x13e: {  	[tilespmem:s9], [sflag:$0x9] =	stream.linear.gather [spmem:s6], $0x2780, $0x38;
	[tilespmem:$0x19F00] =	vst v63  }
0x13f: {  	s26 =	sadd.s32 $0x1, s26;
	_ =	swait.ge [sflag:s10], $0x2780  }
0x140: {  	p0 =	sne.s32 s26, s8;
	[sflag:s10] =	ssyncset.done $0x0  }
.Ltmp2:
0x141: {  	s31 =	simm.s32 $0x0;
	[sflag:s10] =	ssyncadd.s32 $0xFFFFD880;
	(pc) =	sbr.rel @p0 .LBB2_1-.Ltmp2, $4  }
0x142: {  	[hbm4b:s24+s31] =	stream.linear.scatter [tilespmem:s9], [sflag:$0x9], $0x2780, $0x38;
	[tilespmem:$0x19F00] =	vst v63  }
0x143: {  	_ =	swait.ge [sflag:s10], $0x2780  }
0x144: {  	[sflag:s10] =	ssyncset.done $0x0  }
0x145: {  	[sflag:s10] =	ssyncadd.s32 $0xFFFFD880  }
0x146: {  	_ =	sfence.sel $0x180000  }
0x147: {  	[bflag:$0x0] =	sbarrier.arrive $0xFFFF  }
0x148: {  	_ =	strace $0x9000004A  }
0x149: {  	s0 =	stileid.u32;
	[bflag:$0x2] =	sbarrier.arrive $0xFFFF  }
0x14a: {  	p0 =	sne.s32 s0, $0x0;
	s0 =	rddreg [dreg:$0x3]  }
0x14b: {  	s0 =	sadd.s32 @!p0 $0x100000, s0  }
0x14c: {  	[sflag:s0] =	ssyncadd.tile.s32 @!p0 $0x1;
	_ =	shalt  }
.Lfunc_end2:
_tile_overlayer_lowered:
.L_overlay_start_2:
0x14d: {  	(tag) =	ssettag $0x2  }
0x14e: {  	s0 =	rddreg [dreg:$0x0];
	s2 =	stileid.u32  }
0x14f: {  	s1 =	rddreg [dreg:$0x1];
	p0 =	sne.s32 s2, $0x0  }
0x150: {  	s3 =	rddreg [dreg:$0x2];
	[bflag:$0x3] =	sbarrier.arrive $0xFFFF;
	s2 =	simm.s32 @!p0 $0x1C09  }
0x151: {  	[timem:s3], [sflag:s2] =	dma.local @!p0 [hbm:s0], s1  }
0x152: {  	s0 =	simm.s32 @!p0 $0x9  }
0x153: {  	_ =	swait.ge @!p0 [sflag:s0], s1  }
0x154: {  	s1 =	ssub.s32 @!p0 $0x0, s1;
	[sflag:s0] =	ssyncset.done @!p0 $0x0  }
0x155: {  	[sflag:s0] =	ssyncadd.s32 @!p0 s1  }
0x156: {  	[bflag:$0x3] =	sbarrier.arrive $0xFFFF  }
0x157: {  	_ =	shalt  }

// kernel: kernel.7.cloned.1.call-start
scs
__scs_entry_jumppad:
0x0: {  	(pc) =	sbr.rel $0x88, $3  }
0x1: {  	(tag) =	ssettag $0x0;
	lr =	simm.s32 $0x1  }
0x2: {  	[smem:$0x3F99] =	sst lr;
	_ =	strace $0xD0000000  }
0x3: {  	_ = 	snop  }
0x4: {  	_ = 	snop  }
0x5: {  	_ = 	snop  }
0x6: {  	_ = 	snop  }
0x7: {  	_ = 	snop  }
__scs_overlays_trampoline_lowered:
0x8: {  	[smem:$0x3FA8] =	sst s0  }
0x9: {  	[smem:$0x3FA9] =	sst s1  }
0xa: {  	[smem:$0x3FAA] =	sst s2  }
0xb: {  	[smem:$0x3FAB] =	sst s3  }
0xc: {  	[smem:$0x3FAC] =	sst s4  }
0xd: {  	[smem:$0x3FAD] =	sst s5  }
0xe: {  	[smem:$0x3FAE] =	sst s6  }
0xf: {  	[smem:$0x3FAF] =	sst s7  }
0x10: {  	[smem:$0x3FB0] =	sst s8  }
0x11: {  	[smem:$0x3FB1] =	sst s9;
	s0 =	simm.s32 @!p0 $0x0  }
0x12: {  	s1 =	sld [smem:$0x3F97];
	s0 =	simm.s32 @p0 $0x1  }
0x13: {  	[smem:$0x3FB2] =	sst s0;
	s0 =	simm.s32 @!p1 $0x0  }
0x14: {  	s2 =	sld [smem:$0x3F96];
	s0 =	simm.s32 @p1 $0x1  }
0x15: {  	[smem:$0x3FB3] =	sst s0;
	s0 =	simm.s32 @!p2 $0x0  }
0x16: {  	s3 =	sld [smem:$0x3FDB];
	s0 =	simm.s32 @p2 $0x1  }
0x17: {  	s4 =	simm.s32 $0x1BF5;
	[smem:$0x3FB5] =	sst s0  }
0x18: {  	s0 =	sld [smem:$0x3F98];
	_ =	swait.ge [sflag:s4], $0x0  }
0x19: {  	s7 =	sld [smem:$0x3F99]  }
0x1a: {  	s8 =	sadd.s32 $0xFFFFE003, lr  }
0x1b: {  	s9 =	sadd.s32 $0xFFFFFEF7, lr;
	s5 =	simm.s32 $0xFFFFFFFF;
	p2 =	slt.u32 s8, $0xFFFFF086  }
0x1c: {  	p1 =	slt.u32 s9, $0xF7A;
	s5 =	simm.s32 @!p2 $0x0  }
0x1d: {  	s5 =	simm.s32 @p1 $0x1;
	p0 =	seq.s32 s7, s2  }
0x1e: {  	s7 =	smul.u32 @!p0 $0xF7A, s2;
	p2 =	seq.s32 @!p0 s5, $0x0  }
0x1f: {  	s9 =	smul.u32 $0xF7A, s1;
	s8 =	simm.s32 @!p0 $0x1BF5;
	p2 =	por !p2, p0  }
0x20: {  	[sflag:s8] =	ssyncset.s32 @!p0 $0xFFFFF086;
	s6 =	sadd.s32 @!p0 s3, s7;
	s7 =	simm.s32 @!p0 $0x108  }
0x21: {  	s3 =	sadd.s32 s3, s9;
	s6 =	sadd.s32 @!p0 $0x88, s6;
	s7 =	simm.s32 @p2 $0x1082  }
0x22: {  	[simem:s7], [sflag:s8] =	dma.local @!p0 [hbm:s6], $0xF7A  }
0x23: {  	s9 =	sor.u32 $0xD0000000, s2;
	s6 =	simm.s32 $0x108;
	_ =	swait.ge @!p0 [sflag:s8], $0x0  }
0x24: {  	s3 =	sadd.s32 $0x88, s3;
	s6 =	simm.s32 @!p1 $0x1082;
	[sflag:s4] =	ssyncset.s32 $0xFFFFF086  }
0x25: {  	[simem:s6], [sflag:s4] =	dma.local [hbm:s3], $0xF7A  }
0x26: {  	[smem:$0x3F99] =	sst s1;
	(tag) =	ssettag s2;
	_ =	strace s9  }
0x27: {  	s1 =	sld [smem:$0x3FA9]  }
0x28: {  	s2 =	sld [smem:$0x3FAA]  }
0x29: {  	s4 =	sld [smem:$0x3FAC]  }
0x2a: {  	p0 =	seq.s32 s5, $0x0;
	s5 =	sld [smem:$0x3FAD]  }
0x2b: {  	s6 =	sld [smem:$0x3FAE]  }
0x2c: {  	s7 =	sld [smem:$0x3FAF]  }
0x2d: {  	s3 =	simm.s32 $0x108;
	s8 =	sld [smem:$0x3FB0]  }
0x2e: {  	s3 =	simm.s32 @!p0 $0x1082;
	s9 =	sld [smem:$0x3FB1]  }
0x2f: {  	lr =	sadd.s32 s0, s3;
	s0 =	sld [smem:$0x3FA8]  }
0x30: {  	s3 =	sld [smem:$0x3FAB]  }
0x31: {  	[smem:$0x3FB4] =	sst s10  }
0x32: {  	s10 =	sld [smem:$0x3FB2];
	_ =	sdelay $0x3  }
0x33: {  	p0 =	seq.s32 s10, $0x1;
	s10 =	sld [smem:$0x3FB4];
	_ =	sdelay $0x3  }
0x34: {  	[smem:$0x3FB4] =	sst s10  }
0x35: {  	s10 =	sld [smem:$0x3FB3];
	_ =	sdelay $0x3  }
0x36: {  	p1 =	seq.s32 s10, $0x1;
	s10 =	sld [smem:$0x3FB4];
	_ =	sdelay $0x3  }
0x37: {  	[smem:$0x3FB4] =	sst s10  }
0x38: {  	s10 =	sld [smem:$0x3FB5]  }
0x39: {  	_ = 	snop;
	(pc) =	sbr.ind lr, $3  }
0x3a: {  	_ = 	snop  }
0x3b: {  	_ = 	snop  }
0x3c: {  	p2 =	seq.s32 s10, $0x1;
	s10 =	sld [smem:$0x3FB4]  }
0x3d: {  	_ =	shalt  }
0x3e: {  	_ =	shalt  }
0x3f: {  	_ =	shalt  }
0x40: {  	_ =	shalt  }
0x41: {  	_ =	shalt  }
0x42: {  	_ =	shalt  }
0x43: {  	_ =	shalt  }
0x44: {  	_ =	shalt  }
0x45: {  	_ =	shalt  }
0x46: {  	_ =	shalt  }
0x47: {  	_ =	shalt  }
0x48: {  	_ =	shalt  }
0x49: {  	_ =	shalt  }
0x4a: {  	_ =	shalt  }
0x4b: {  	_ =	shalt  }
0x4c: {  	_ =	shalt  }
0x4d: {  	_ =	shalt  }
0x4e: {  	_ =	shalt  }
0x4f: {  	_ =	shalt  }
0x50: {  	_ =	shalt  }
0x51: {  	_ =	shalt  }
0x52: {  	_ =	shalt  }
0x53: {  	_ =	shalt  }
0x54: {  	_ =	shalt  }
0x55: {  	_ =	shalt  }
0x56: {  	_ =	shalt  }
0x57: {  	_ =	shalt  }
0x58: {  	_ =	shalt  }
0x59: {  	_ =	shalt  }
0x5a: {  	_ =	shalt  }
0x5b: {  	_ =	shalt  }
0x5c: {  	_ =	shalt  }
0x5d: {  	_ =	shalt  }
0x5e: {  	_ =	shalt  }
0x5f: {  	_ =	shalt  }
0x60: {  	_ =	shalt  }
0x61: {  	_ =	shalt  }
0x62: {  	_ =	shalt  }
0x63: {  	_ =	shalt  }
0x64: {  	_ =	shalt  }
0x65: {  	_ =	shalt  }
0x66: {  	_ =	shalt  }
0x67: {  	_ =	shalt  }
0x68: {  	_ =	shalt  }
0x69: {  	_ =	shalt  }
0x6a: {  	_ =	shalt  }
0x6b: {  	_ =	shalt  }
0x6c: {  	_ =	shalt  }
0x6d: {  	_ =	shalt  }
0x6e: {  	_ =	shalt  }
0x6f: {  	_ =	shalt  }
0x70: {  	_ =	shalt  }
0x71: {  	_ =	shalt  }
0x72: {  	_ =	shalt  }
0x73: {  	_ =	shalt  }
0x74: {  	_ =	shalt  }
0x75: {  	_ =	shalt  }
0x76: {  	_ =	shalt  }
0x77: {  	_ =	shalt  }
0x78: {  	_ =	shalt  }
0x79: {  	_ =	shalt  }
0x7a: {  	_ =	shalt  }
0x7b: {  	_ =	shalt  }
0x7c: {  	_ =	shalt  }
0x7d: {  	_ =	shalt  }
0x7e: {  	_ =	shalt  }
0x7f: {  	_ =	shalt  }
0x80: {  	_ =	shalt  }
0x81: {  	_ =	shalt  }
0x82: {  	_ =	shalt  }
0x83: {  	_ =	shalt  }
0x84: {  	_ =	shalt  }
0x85: {  	_ =	shalt  }
0x86: {  	_ =	shalt  }
0x87: {  	_ =	shalt  }
.Lfunc_end0:
.L_simem_size_0:
called_computation_lowered:
.L_overlay_start_0:
0x88: {  	s2 =	sld [smem:$0x3FD9]  }
0x89: {  	s3 =	sld [smem:$0x3FFE];
	_ =	sdelay $0x1  }
0x8a: {  	s1 =	srdreg.scid  }
0x8b: {  	s0 =	sand.u32 $0x1, s1  }
0x8c: {  	s17 =	sshll.u32 s0, $0xA;
	s2 =	sadd.s32 s3, s2  }
0x8d: {  	s2 =	sadd.s32 s2, s17  }
0x8e: {  	[smem:$0x3FC0] =	sst s2  }
0x8f: {  	_ = 	snop  }
0x90: {  	s2 =	sld [smem:$0x3FD0];
	(tm) =	ssettm $0x1  }
0x91: {  	s18 =	sld [smem:$0x3FFB];
	_ =	sdelay $0x3  }
0x92: {  	_ =	strace s18  }
0x93: {  	s3 =	sld [smem:$0x3FFC];
	_ =	sdelay $0x3  }
0x94: {  	_ =	strace s3  }
0x95: {  	s3 =	sld [smem:$0x3FFD];
	_ =	sdelay $0x3  }
0x96: {  	_ =	strace s3  }
0x97: {  	_ =	strace $0x8FFFFFFF  }
0x98: {  	s19 =	sld [smem:$0x3FDB];
	_ =	sdelay $0x1  }
0x99: {  	s4 =	simm.s32 $_scs_section_size  }
0x9a: {  	s5 =	simm.s32 $_size__tile_overlayer_lowered;
	s6 =	simm.s32 $_tile_overlayer_lowered  }
0x9b: {  	s22 =	simm.s32 $0x1BFF;
	s21 =	sshll.u32 s6, $0x1;
	s3 =	sadd.s32 s4, s19  }
0x9c: {  	s7 =	simm.s32 $0x0;
	s20 =	sshll.u32 s5, $0x1;
	s5 =	sadd.s32 s21, s3  }
0x9d: {  	[timem:s7], [sflag:s22] =	dma.local [hbm:s5], s20  }
0x9e: {  	_ =	swait.ge [sflag:s22], s20  }
0x9f: {  	s4 =	ssub.s32 $0x0, s20;
	[sflag:s22] =	ssyncset.done $0x0  }
0xa0: {  	[sflag:s22] =	ssyncadd.s32 s4;
	_ =	sdelay $0x1  }
0xa1: {  	s23 =	simm.s32 $0x1B8B  }
0xa2: {  	_ =	swait.ge [sflag:s23], $0x1  }
0xa3: {  	[sflag:s23] =	ssyncset.done $0x0  }
0xa4: {  	s25 =	simm.s32 $0x1B8E;
	s24 =	sld [smem:$0x3FFE];
	[sflag:s23] =	ssyncadd.s32 $0xFFFFFFFF  }
0xa5: {  	s26 =	simm.s32 $execute0_lowered;
	[smem:$0x3FD2] =	sst s25  }
0xa6: {  	s5 =	sshll.u32 s26, $0x1;
	_ =	strace $0x80000046;
	[dreg:$0x1] =	wrdreg $0xFFFFFFFF  }
0xa7: {  	s28 =	simm.s32 $_size_execute0_lowered;
	s3 =	sadd.s32 s3, s5;
	[dreg:$0x0] =	wrdreg $0x0  }
0xa8: {  	s5 =	sshll.u32 s28, $0x1;
	[dreg:$0x2] =	wrdreg s3  }
0xa9: {  	[dreg:$0x3] =	wrdreg s5  }
0xaa: {  	[dreg:$0x4] =	wrdreg $0xC0  }
0xab: {  	_ =	task [dreg:s7], $0x5FFFF  }
0xac: {  	[dreg:$0x1] =	wrdreg $0xFFFFFFFF  }
0xad: {  	[dreg:$0x0] =	wrdreg $0x60  }
0xae: {  	[dreg:$0x2] =	wrdreg s24  }
0xaf: {  	[dreg:$0x3] =	wrdreg s2  }
0xb0: {  	[dreg:$0x4] =	wrdreg $0x0  }
0xb1: {  	[dreg:$0x5] =	wrdreg $0x27800  }
0xb2: {  	[dreg:$0x6] =	wrdreg $0x9  }
0xb3: {  	_ =	task.clear_ibuf [dreg:s7], $0x7FFFF;
	_ =	strace $0x90000046  }
0xb4: {  	s29 =	simm.s32 $0x9;
	_ =	strace $0x80000048  }
0xb5: {  	_ =	swait.ge [sflag:s29], $0x1  }
0xb6: {  	[sflag:s29] =	ssyncadd.s32 $0xFFFFFFFF  }
0xb7: {  	_ =	strace $0x90000048  }
0xb8: {  	_ =	sfence  }
0xb9: {  	s30 =	sld [smem:$0x0];
	_ =	sdelay $0x2  }
0xba: {  	s31 =	sshll.u32 s1, $0xD;
	s1 =	sshrl.u32 s1, $0x2  }
0xbb: {  	s3 =	sand.u32 $0x4000, s31;
	s1 =	sadd.s32 s1, s30  }
0xbc: {  	s0 =	sor.u32 s3, s0;
	s1 =	sshll.u32 s1, $0x11  }
0xbd: {  	s0 =	sor.u32 s1, s0  }
0xbe: {  	s0 =	sadd.s32 $0x8F2B, s0  }
0xbf: {  	[sflag:s0] =	ssyncadd.remote.s32 $0x1  }
0xc0: {  	_ =	sfence.sel $0xFFFF  }
0xc1: {  	[dreg:$0x0] =	wrdreg $0xFFFFFFFF;
	(pc) =	sbr.abs _section_cstart, $3  }
0xc2: {  	[dreg:$0x1] =	wrdreg $0xFFFFFFFF  }
0xc3: {  	_ =	task.clear_ibuf [dreg:s7], $0x2FFFF;
	_ =	strace $0x9FFFFFFF  }
0xc4: {  	(tm) =	ssettm $0x7FFFFFFF  }
0xc5: {  	_ =	shalt  }
tec
execute0_lowered:
.L_overlay_start_1:
0x0: {  	(tag) =	ssettag $0x1  }
0x1: {  	s0 =	rddreg [dreg:$0x0]  }
0x2: {  	s3 =	rddreg [dreg:$0x1]  }
0x3: {  	s1 =	rddreg [dreg:$0x2]  }
0x4: {  	s2 =	rddreg [dreg:$0x3]  }
0x5: {  	s4 =	srdreg.scid;
	s6 =	simm.s32 $0x0;
	s9 =	stileid.u32  }
0x6: {  	s11 =	simm.s32 $0x1A700;
	s12 =	simm.s32 $0x9;
	s15 =	simm.s32 $0x400  }
0x7: {  	s21 =	simm.s32 $0x80;
	s22 =	simm.s32 $0x19F00;
	s28 =	simm.s32 $0x8  }
0x8: {  	s29 =	simm.s32 $0x7;
	s30 =	simm.s32 $0x0;
	s4 =	sand.u32 $0x1, s4  }
0x9: {  	[smem:$0x7FF] =	sst s6;
	s10 =	smul.u32 $0x2780, s9;
	s5 =	sshll.u32 s4, $0x4  }
0xa: {  	s25 =	smul.u32 $0x4F00, s4;
	_ =	strace $0x80000047;
	s4 =	ssub.s32 $0x2, s4  }
0xb: {  	s5 =	sor.u32 s9, s5;
	s8 =	sshrl.u32 s4, $0x1;
	s6 =	sadd.s32 s10, s1  }
0xc: {  	s14 =	sshrl.u32 s10, $0x3;
	s7 =	smul.u32 $0x2710, s5;
	s5 =	sadd.s32 $0x2A00, s0  }
0xd: {  	s0 =	sadd.s32 s25, s0;
	s4 =	ssub.s32 s4, s8;
	s25 =	simm.s32 $0x6  }
0xe: {  	s31 =	sadd.s32 $0x7A00, s0;
	s0 =	sadd.s32 $0x11800, s0;
	s26 =	sshrl.u32 s7, $0x3  }
0xf: {  	v0 =	vmov s9;
	s4 =	smax.u32 s4, $0x1;
	s7 =	sadd.s32 s10, s2;
	s8 =	sadd.s32 s3, s26  }
0x10: {  	v1 =	vimm.f32 $0.0e+00;
	v0 =	vor.u32 $0x2710, v0;
	[dreg:$0x6] =	wrdreg s4;
	s23 =	sadd.s32 s14, s31;
	s3 =	sadd.s32 $0x9C40, s8  }
0x11: {  	v2 =	vimm.f32 $1.000000000e+00;
	v3 =	vimm.s32 $0x0;
	v0 =	vbroadcast v0, $0x0;
	s24 =	sadd.s32 s14, s0;
	s26 =	simm.s32 $0x5;
	[dreg:$0x5] =	wrdreg s3  }
.LBB2_1:
0x12: {  	s0 =	simm.s32 $0x40;
	s3 =	simm.s32 $0x0  }
.LBB2_2:
0x13: {  	p0 =	sne.s32 s0, $0x9DC0;
	[tilespmem:s3+$0x1A700] =	vst v1;
	s3 =	smov.u32 s0;
	s0 =	sadd.s32 $0x40, s0  }
.Ltmp0:
0x14: {  	(pc) =	sbr.rel @p0 .LBB2_2-.Ltmp0, $2  }
0x15: {  	_ =	sdelay $0x2  }
0x16: {  	s3 =	sshra.s32 s3, $0x2  }
0x17: {  	[tilespmem:s3+$0x1A700] =	vst v1  }
0x18: {  	[spmem:s6] =	stream.linear.scatter [tilespmem:s11], [sflag:$0x9], $0x2780, $0x38;
	[tilespmem:$0x1CE80] =	vst v63  }
0x19: {  	_ =	swait.ge [sflag:s12], $0x2780  }
0x1a: {  	[sflag:s12] =	ssyncset.done $0x0  }
0x1b: {  	[sflag:s12] =	ssyncadd.s32 $0xFFFFD880  }
0x1c: {  	[spmem:s7] =	stream.linear.scatter [tilespmem:s11], [sflag:$0x9], $0x2780, $0x38;
	[tilespmem:$0x1CE80] =	vst v63  }
0x1d: {  	_ =	swait.ge [sflag:s12], $0x2780  }
0x1e: {  	[sflag:s12] =	ssyncset.done $0x0  }
0x1f: {  	s0 =	simm.s32 $0x40;
	s3 =	simm.s32 $0x0;
	[sflag:s12] =	ssyncadd.s32 $0xFFFFD880  }
.LBB2_4:
0x20: {  	p0 =	sne.s32 s0, $0x1FC0;
	[tilespmem:s3+$0x19F00] =	vst v2;
	s3 =	smov.u32 s0;
	s0 =	sadd.s32 $0x40, s0  }
.Ltmp1:
0x21: {  	(pc) =	sbr.rel @p0 .LBB2_4-.Ltmp1, $2  }
0x22: {  	_ =	sdelay $0x2  }
0x23: {  	s3 =	sshra.s32 s3, $0x2  }
0x24: {  	[tilespmem:s3+$0x19F00] =	vst v2;
	s0 =	simm.s32 $0x0;
	s4 =	simm.s32 $0x4F00  }
0x25: {  	[tilespmem:s4], [sflag:$0x9] =	stream.linear.gather [hbm4b:s8+s0], $0x2710, $0x38;
	[tilespmem:$0x1CE80] =	vst v63  }
0x26: {  	_ =	swait.ge [sflag:s12], $0x2710  }
0x27: {  	[sflag:s12] =	ssyncset.done $0x0  }
0x28: {  	s9 =	simm.s32 $0x7700;
	s20 =	rddreg [dreg:$0x5];
	[sflag:s12] =	ssyncadd.s32 $0xFFFFD8F0  }
0x29: {  	[tilespmem:s9], [sflag:$0x9] =	stream.linear.gather [hbm4b:s20+s0], $0x2710, $0x38;
	[tilespmem:$0x1CE80] =	vst v63  }
0x2a: {  	_ =	swait.ge [sflag:s12], $0x2710  }
0x2b: {  	[sflag:s12] =	ssyncset.done $0x0  }
0x2c: {  	[sflag:s12] =	ssyncadd.s32 $0xFFFFD8F0  }
0x2d: {  	[tilespmem:$0x7610] =	vst v3  }
0x2e: {  	[tilespmem:$0x9E10] =	vst v0  }
0x2f: {  	[tilespmem:$0x7620] =	vst v3  }
0x30: {  	[tilespmem:$0x9E20] =	vst v0  }
0x31: {  	[tilespmem:$0x7630] =	vst v3  }
0x32: {  	[tilespmem:$0x9E30] =	vst v0  }
0x33: {  	[tilespmem:$0x7640] =	vst v3  }
0x34: {  	[tilespmem:$0x9E40] =	vst v0  }
0x35: {  	[tilespmem:$0x7650] =	vst v3  }
0x36: {  	[tilespmem:$0x9E50] =	vst v0  }
0x37: {  	[tilespmem:$0x7660] =	vst v3  }
0x38: {  	[tilespmem:$0x9E60] =	vst v0  }
0x39: {  	[tilespmem:$0x7670] =	vst v3  }
0x3a: {  	[tilespmem:$0x9E70] =	vst v0  }
0x3b: {  	[tilespmem:$0x7680] =	vst v3  }
0x3c: {  	[tilespmem:$0x9E80] =	vst v0  }
0x3d: {  	[tilespmem:$0x7690] =	vst v3  }
0x3e: {  	[tilespmem:$0x9E90] =	vst v0  }
0x3f: {  	[tilespmem:$0x76A0] =	vst v3  }
0x40: {  	[tilespmem:$0x9EA0] =	vst v0  }
0x41: {  	[tilespmem:$0x76B0] =	vst v3  }
0x42: {  	[tilespmem:$0x9EB0] =	vst v0  }
0x43: {  	[tilespmem:$0x76C0] =	vst v3  }
0x44: {  	[tilespmem:$0x9EC0] =	vst v0  }
0x45: {  	[tilespmem:$0x76D0] =	vst v3  }
0x46: {  	[tilespmem:$0x9ED0] =	vst v0  }
0x47: {  	[tilespmem:$0x76E0] =	vst v3  }
0x48: {  	[tilespmem:$0x9EE0] =	vst v0  }
0x49: {  	[tilespmem:$0x76F0] =	vst v3  }
0x4a: {  	[tilespmem:$0x9EF0] =	vst v0  }
0x4b: {  	s3 =	simm.s32 $0x9F00;
	s14 =	simm.s32 $0x0;
	[bflag:$0x0] =	sbarrier.arrive $0xFFFF  }
0x4c: {  	[tilespmem:s3], [sflag:$0x1] =	stream.indirect.gather [hbm4b:s5+s15], $0x10, s4, s15, $0xb8;
	[tilespmem:$0x1CE80] =	vst v63  }
0x4d: {  	s9 =	simm.s32 $0xDF00;
	s0 =	sand.u32 $0x3, s14;
	s4 =	simm.s32 $0x5300  }
0x4e: {  	[tilespmem:s9], [sflag:$0x2] =	stream.indirect.gather [hbm4b:s5+s15], $0x10, s4, s15, $0xb8;
	[tilespmem:$0x1CE80] =	vst v63  }
0x4f: {  	s10 =	simm.s32 $0x5700;
	s13 =	simm.s32 $0x11F00;
	s16 =	sadd.s32 $0x1, s0  }
0x50: {  	[tilespmem:s13], [sflag:$0x3] =	stream.indirect.gather [hbm4b:s5+s15], $0x10, s10, s15, $0xb8;
	[tilespmem:$0x1CE80] =	vst v63  }
0x51: {  	_ =	swait.ge [sflag:s16], $0x4000  }
0x52: {  	s17 =	simm.s32 $0x7700;
	s4 =	sshll.u32 s0, $0xE;
	[sflag:s16] =	ssyncset.done $0x0  }
0x53: {  	s0 =	sadd.s32 $0x5, s0;
	s14 =	sadd.s32 $0x9F00, s4;
	[sflag:s16] =	ssyncadd.s32 $0xFFFFC000  }
0x54: {  	[spmem:s1] =	stream.indirect.scatter.add.f32 [tilespmem:s14], [sflag:s0], $0x10, s17, s21, $0xb8;
	[tilespmem:$0x1CE80] =	vst v63  }
0x55: {  	_ = 	snop  }
0x56: {  	[spmem:s2] =	stream.indirect.scatter.add.f32 [tilespmem:s22], [sflag:s0], $0x10, s17, s21, $0xb8;
	[tilespmem:$0x1CE80] =	vst v63  }
0x57: {  	s19 =	simm.s32 $0x7780;
	s18 =	sadd.s32 $0xA700, s4  }
0x58: {  	[spmem:s1] =	stream.indirect.scatter.add.f32 [tilespmem:s18], [sflag:s0], $0x10, s19, s21, $0xb8;
	[tilespmem:$0x1CE80] =	vst v63  }
0x59: {  	_ = 	snop  }
0x5a: {  	[spmem:s2] =	stream.indirect.scatter.add.f32 [tilespmem:s22], [sflag:s0], $0x10, s19, s21, $0xb8;
	[tilespmem:$0x1CE80] =	vst v63  }
0x5b: {  	s9 =	simm.s32 $0x7800;
	s20 =	sadd.s32 $0xAF00, s4  }
0x5c: {  	[spmem:s1] =	stream.indirect.scatter.add.f32 [tilespmem:s20], [sflag:s0], $0x10, s9, s21, $0xb8;
	[tilespmem:$0x1CE80] =	vst v63  }
0x5d: {  	_ = 	snop  }
0x5e: {  	[spmem:s2] =	stream.indirect.scatter.add.f32 [tilespmem:s22], [sflag:s0], $0x10, s9, s21, $0xb8;
	[tilespmem:$0x1CE80] =	vst v63  }
0x5f: {  	s10 =	sadd.s32 $0xB700, s4;
	s13 =	simm.s32 $0x7880  }
0x60: {  	[spmem:s1] =	stream.indirect.scatter.add.f32 [tilespmem:s10], [sflag:s0], $0x10, s13, s21, $0xb8;
	[tilespmem:$0x1CE80] =	vst v63  }
0x61: {  	_ = 	snop  }
0x62: {  	[spmem:s2] =	stream.indirect.scatter.add.f32 [tilespmem:s22], [sflag:s0], $0x10, s13, s21, $0xb8;
	[tilespmem:$0x1CE80] =	vst v63  }
0x63: {  	s16 =	simm.s32 $0x7900;
	s14 =	sadd.s32 $0xBF00, s4  }
0x64: {  	[spmem:s1] =	stream.indirect.scatter.add.f32 [tilespmem:s14], [sflag:s0], $0x10, s16, s21, $0xb8;
	[tilespmem:$0x1CE80] =	vst v63  }
0x65: {  	_ = 	snop  }
0x66: {  	[spmem:s2] =	stream.indirect.scatter.add.f32 [tilespmem:s22], [sflag:s0], $0x10, s16, s21, $0xb8;
	[tilespmem:$0x1CE80] =	vst v63  }
0x67: {  	s17 =	sadd.s32 $0xC700, s4;
	s18 =	simm.s32 $0x7980  }
0x68: {  	[spmem:s1] =	stream.indirect.scatter.add.f32 [tilespmem:s17], [sflag:s0], $0x10, s18, s21, $0xb8;
	[tilespmem:$0x1CE80] =	vst v63  }
0x69: {  	_ = 	snop  }
0x6a: {  	[spmem:s2] =	stream.indirect.scatter.add.f32 [tilespmem:s22], [sflag:s0], $0x10, s18, s21, $0xb8;
	[tilespmem:$0x1CE80] =	vst v63  }
0x6b: {  	p0 =	por $0x0, $0x0;
	s19 =	sadd.s32 $0xCF00, s4;
	s20 =	simm.s32 $0x7A00  }
0x6c: {  	[spmem:s1] =	stream.indirect.scatter.add.f32 [tilespmem:s19], [sflag:s0], $0x10, s20, s21, $0xb8;
	[tilespmem:$0x1CE80] =	vst v63  }
0x6d: {  	p1 =	por @!p0 $0x1, $0x1  }
0x6e: {  	[spmem:s2] =	stream.indirect.scatter.add.f32 [tilespmem:s22], [sflag:s0], $0x10, s20, s21, $0xb8;
	[tilespmem:$0x1CE80] =	vst v63  }
0x6f: {  	s3 =	simm.s32 $0x3;
	s4 =	sadd.s32 $0xD700, s4;
	s16 =	simm.s32 $0x7A80  }
0x70: {  	[spmem:s1] =	stream.indirect.scatter.add.f32 [tilespmem:s4], [sflag:s0], $0x10, s16, s21, $0xb8;
	[tilespmem:$0x1CE80] =	vst v63  }
0x71: {  	p2 =	por p1, p0;
	s4 =	sand.u32 @!p0 $0x3, s3  }
0x72: {  	s14 =	sadd.s32 @!p2 $0x5, s4  }
0x73: {  	[spmem:s2] =	stream.indirect.scatter.add.f32 [tilespmem:s22], [sflag:s0], $0x10, s16, s21, $0xb8;
	[tilespmem:$0x1CE80] =	vst v63  }
0x74: {  	_ =	swait.ge @!p2 [sflag:s14], $0x800  }
0x75: {  	[sflag:s14] =	ssyncset.done @!p2 $0x0  }
0x76: {  	[sflag:s14] =	ssyncadd.s32 @!p2 $0xFFFFF800  }
0x77: {  	_ =	swait.ge @!p2 [sflag:s14], $0x800  }
0x78: {  	[sflag:s14] =	ssyncset.done @!p2 $0x0  }
0x79: {  	[sflag:s14] =	ssyncadd.s32 @!p2 $0xFFFFF800  }
0x7a: {  	_ =	swait.ge @!p2 [sflag:s14], $0x800  }
0x7b: {  	[sflag:s14] =	ssyncset.done @!p2 $0x0  }
0x7c: {  	[sflag:s14] =	ssyncadd.s32 @!p2 $0xFFFFF800  }
0x7d: {  	_ =	swait.ge @!p2 [sflag:s14], $0x800  }
0x7e: {  	[sflag:s14] =	ssyncset.done @!p2 $0x0  }
0x7f: {  	[sflag:s14] =	ssyncadd.s32 @!p2 $0xFFFFF800  }
0x80: {  	_ =	swait.ge @!p2 [sflag:s14], $0x800  }
0x81: {  	[sflag:s14] =	ssyncset.done @!p2 $0x0  }
0x82: {  	[sflag:s14] =	ssyncadd.s32 @!p2 $0xFFFFF800  }
0x83: {  	_ =	swait.ge @!p2 [sflag:s14], $0x800  }
0x84: {  	[sflag:s14] =	ssyncset.done @!p2 $0x0  }
0x85: {  	[sflag:s14] =	ssyncadd.s32 @!p2 $0xFFFFF800  }
0x86: {  	_ =	swait.ge @!p2 [sflag:s14], $0x800  }
0x87: {  	[sflag:s14] =	ssyncset.done @!p2 $0x0  }
0x88: {  	[sflag:s14] =	ssyncadd.s32 @!p2 $0xFFFFF800  }
0x89: {  	_ =	swait.ge @!p2 [sflag:s14], $0x800  }
0x8a: {  	[sflag:s14] =	ssyncset.done @!p2 $0x0  }
0x8b: {  	[sflag:s14] =	ssyncadd.s32 @!p2 $0xFFFFF800  }
0x8c: {  	_ =	swait.ge @!p2 [sflag:s14], $0x800  }
0x8d: {  	[sflag:s14] =	ssyncset.done @!p2 $0x0  }
0x8e: {  	[sflag:s14] =	ssyncadd.s32 @!p2 $0xFFFFF800  }
0x8f: {  	_ =	swait.ge @!p2 [sflag:s14], $0x800  }
0x90: {  	[sflag:s14] =	ssyncset.done @!p2 $0x0  }
0x91: {  	[sflag:s14] =	ssyncadd.s32 @!p2 $0xFFFFF800  }
0x92: {  	_ =	swait.ge @!p2 [sflag:s14], $0x800  }
0x93: {  	[sflag:s14] =	ssyncset.done @!p2 $0x0  }
0x94: {  	[sflag:s14] =	ssyncadd.s32 @!p2 $0xFFFFF800  }
0x95: {  	_ =	swait.ge @!p2 [sflag:s14], $0x800  }
0x96: {  	[sflag:s14] =	ssyncset.done @!p2 $0x0  }
0x97: {  	[sflag:s14] =	ssyncadd.s32 @!p2 $0xFFFFF800  }
0x98: {  	_ =	swait.ge @!p2 [sflag:s14], $0x800  }
0x99: {  	[sflag:s14] =	ssyncset.done @!p2 $0x0  }
0x9a: {  	[sflag:s14] =	ssyncadd.s32 @!p2 $0xFFFFF800  }
0x9b: {  	_ =	swait.ge @!p2 [sflag:s14], $0x800  }
0x9c: {  	s31 =	simm.s32 $0x1000;
	s17 =	simm.s32 $0x1;
	[sflag:s14] =	ssyncset.done @!p2 $0x0  }
0x9d: {  	s3 =	simm.s32 $0x2000;
	s18 =	sadd.s32 @!p0 $0x1, s4;
	[sflag:s14] =	ssyncadd.s32 @!p2 $0xFFFFF800  }
0x9e: {  	s16 =	simm.s32 @!p0 $0x5B00;
	s0 =	sshll.u32 @!p0 s4, $0xE;
	_ =	swait.ge @!p2 [sflag:s14], $0x800  }
0x9f: {  	s19 =	sadd.s32 @!p0 $0x9F00, s0;
	s0 =	simm.s32 $0x4;
	[sflag:s14] =	ssyncset.done @!p2 $0x0  }
.LBB2_6:
0xa0: {  	s13 =	sand.u32 $0x3, s17  }
0xa1: {  	[sflag:s14] =	ssyncadd.s32 @!p2 $0xFFFFF800;
	s20 =	smov.u32 s3;
	s3 =	sadd.s32 $0x1000, s3  }
0xa2: {  	s4 =	sshll.u32 s13, $0xE;
	s9 =	sadd.s32 $0x1, s13;
	_ =	swait.ge @!p2 [sflag:s14], $0x800  }
0xa3: {  	s10 =	simm.s32 @!p0 $0x400;
	p1 =	sne.s32 s3, $0xA000;
	[sflag:s14] =	ssyncset.done @!p2 $0x0  }
0xa4: {  	[sflag:s14] =	ssyncadd.s32 @!p2 $0xFFFFF800  }
0xa5: {  	[tilespmem:s19], [sflag:s18] =	stream.indirect.gather @!p0 [hbm4b:s5+s10], $0x10, s16, s10, $0xb8;
	[tilespmem:$0x1CE80] =	vst v63  }
0xa6: {  	s10 =	sadd.s32 $0x9F00, s4;
	s19 =	sadd.s32 $0x5, s13;
	_ =	swait.ge [sflag:s9], $0x4000  }
0xa7: {  	s13 =	sshra.s32 s31, $0x2;
	[sflag:s9] =	ssyncset.done $0x0  }
0xa8: {  	[sflag:s9] =	ssyncadd.s32 $0xFFFFC000;
	s9 =	sadd.s32 $0x7700, s13  }
0xa9: {  	[spmem:s1] =	stream.indirect.scatter.add.f32 [tilespmem:s10], [sflag:s19], $0x10, s9, s21, $0xb8;
	[tilespmem:$0x1CE80] =	vst v63  }
0xaa: {  	s10 =	sadd.s32 $0xA700, s4  }
0xab: {  	[spmem:s2] =	stream.indirect.scatter.add.f32 [tilespmem:s22], [sflag:s19], $0x10, s9, s21, $0xb8;
	[tilespmem:$0x1CE80] =	vst v63  }
0xac: {  	s9 =	sadd.s32 $0x7780, s13  }
0xad: {  	[spmem:s1] =	stream.indirect.scatter.add.f32 [tilespmem:s10], [sflag:s19], $0x10, s9, s21, $0xb8;
	[tilespmem:$0x1CE80] =	vst v63  }
0xae: {  	s10 =	sadd.s32 $0xAF00, s4  }
0xaf: {  	[spmem:s2] =	stream.indirect.scatter.add.f32 [tilespmem:s22], [sflag:s19], $0x10, s9, s21, $0xb8;
	[tilespmem:$0x1CE80] =	vst v63  }
0xb0: {  	s9 =	sadd.s32 $0x7800, s13  }
0xb1: {  	[spmem:s1] =	stream.indirect.scatter.add.f32 [tilespmem:s10], [sflag:s19], $0x10, s9, s21, $0xb8;
	[tilespmem:$0x1CE80] =	vst v63  }
0xb2: {  	s10 =	sadd.s32 $0xB700, s4  }
0xb3: {  	[spmem:s2] =	stream.indirect.scatter.add.f32 [tilespmem:s22], [sflag:s19], $0x10, s9, s21, $0xb8;
	[tilespmem:$0x1CE80] =	vst v63  }
0xb4: {  	s9 =	sadd.s32 $0x7880, s13  }
0xb5: {  	[spmem:s1] =	stream.indirect.scatter.add.f32 [tilespmem:s10], [sflag:s19], $0x10, s9, s21, $0xb8;
	[tilespmem:$0x1CE80] =	vst v63  }
0xb6: {  	s10 =	sadd.s32 $0xBF00, s4  }
0xb7: {  	[spmem:s2] =	stream.indirect.scatter.add.f32 [tilespmem:s22], [sflag:s19], $0x10, s9, s21, $0xb8;
	[tilespmem:$0x1CE80] =	vst v63  }
0xb8: {  	s9 =	sadd.s32 $0x7900, s13  }
0xb9: {  	[spmem:s1] =	stream.indirect.scatter.add.f32 [tilespmem:s10], [sflag:s19], $0x10, s9, s21, $0xb8;
	[tilespmem:$0x1CE80] =	vst v63  }
0xba: {  	s10 =	sadd.s32 $0xC700, s4  }
0xbb: {  	[spmem:s2] =	stream.indirect.scatter.add.f32 [tilespmem:s22], [sflag:s19], $0x10, s9, s21, $0xb8;
	[tilespmem:$0x1CE80] =	vst v63  }
0xbc: {  	s9 =	sadd.s32 $0x7980, s13  }
0xbd: {  	[spmem:s1] =	stream.indirect.scatter.add.f32 [tilespmem:s10], [sflag:s19], $0x10, s9, s21, $0xb8;
	[tilespmem:$0x1CE80] =	vst v63  }
0xbe: {  	s10 =	sadd.s32 $0xCF00, s4  }
0xbf: {  	[spmem:s2] =	stream.indirect.scatter.add.f32 [tilespmem:s22], [sflag:s19], $0x10, s9, s21, $0xb8;
	[tilespmem:$0x1CE80] =	vst v63  }
0xc0: {  	s9 =	sadd.s32 $0x7A00, s13  }
0xc1: {  	[spmem:s1] =	stream.indirect.scatter.add.f32 [tilespmem:s10], [sflag:s19], $0x10, s9, s21, $0xb8;
	[tilespmem:$0x1CE80] =	vst v63  }
0xc2: {  	p0 =	sgt.u32 s17, $0x6;
	s4 =	sadd.s32 $0xD700, s4  }
0xc3: {  	[spmem:s2] =	stream.indirect.scatter.add.f32 [tilespmem:s22], [sflag:s19], $0x10, s9, s21, $0xb8;
	[tilespmem:$0x1CE80] =	vst v63  }
0xc4: {  	p2 =	seq.s32 @!p0 s31, $0x0;
	s10 =	sshra.s32 @!p0 s31, $0x2;
	s9 =	sadd.s32 $0x7A80, s13  }
0xc5: {  	[spmem:s1] =	stream.indirect.scatter.add.f32 [tilespmem:s4], [sflag:s19], $0x10, s9, s21, $0xb8;
	[tilespmem:$0x1CE80] =	vst v63  }
0xc6: {  	p2 =	por p2, p0;
	s16 =	sadd.s32 @!p0 $0x5B00, s10;
	s4 =	sand.u32 @!p0 $0x3, s0  }
0xc7: {  	s14 =	sadd.s32 @!p2 $0x5, s4;
	s10 =	sshll.u32 @!p0 s4, $0xE;
	s18 =	sadd.s32 @!p0 $0x1, s4  }
0xc8: {  	[spmem:s2] =	stream.indirect.scatter.add.f32 [tilespmem:s22], [sflag:s19], $0x10, s9, s21, $0xb8;
	[tilespmem:$0x1CE80] =	vst v63  }
0xc9: {  	s31 =	smov.u32 s20;
	s19 =	sadd.s32 @!p0 $0x9F00, s10;
	_ =	swait.ge @!p2 [sflag:s14], $0x800  }
0xca: {  	[sflag:s14] =	ssyncset.done @!p2 $0x0  }
0xcb: {  	[sflag:s14] =	ssyncadd.s32 @!p2 $0xFFFFF800  }
0xcc: {  	_ =	swait.ge @!p2 [sflag:s14], $0x800  }
0xcd: {  	[sflag:s14] =	ssyncset.done @!p2 $0x0  }
0xce: {  	[sflag:s14] =	ssyncadd.s32 @!p2 $0xFFFFF800  }
0xcf: {  	_ =	swait.ge @!p2 [sflag:s14], $0x800  }
0xd0: {  	[sflag:s14] =	ssyncset.done @!p2 $0x0  }
0xd1: {  	[sflag:s14] =	ssyncadd.s32 @!p2 $0xFFFFF800  }
0xd2: {  	_ =	swait.ge @!p2 [sflag:s14], $0x800  }
0xd3: {  	[sflag:s14] =	ssyncset.done @!p2 $0x0  }
0xd4: {  	[sflag:s14] =	ssyncadd.s32 @!p2 $0xFFFFF800  }
0xd5: {  	_ =	swait.ge @!p2 [sflag:s14], $0x800  }
0xd6: {  	[sflag:s14] =	ssyncset.done @!p2 $0x0  }
0xd7: {  	[sflag:s14] =	ssyncadd.s32 @!p2 $0xFFFFF800  }
0xd8: {  	_ =	swait.ge @!p2 [sflag:s14], $0x800  }
0xd9: {  	[sflag:s14] =	ssyncset.done @!p2 $0x0  }
0xda: {  	[sflag:s14] =	ssyncadd.s32 @!p2 $0xFFFFF800  }
0xdb: {  	_ =	swait.ge @!p2 [sflag:s14], $0x800  }
0xdc: {  	[sflag:s14] =	ssyncset.done @!p2 $0x0  }
0xdd: {  	[sflag:s14] =	ssyncadd.s32 @!p2 $0xFFFFF800  }
0xde: {  	_ =	swait.ge @!p2 [sflag:s14], $0x800  }
0xdf: {  	[sflag:s14] =	ssyncset.done @!p2 $0x0  }
0xe0: {  	[sflag:s14] =	ssyncadd.s32 @!p2 $0xFFFFF800  }
0xe1: {  	_ =	swait.ge @!p2 [sflag:s14], $0x800  }
0xe2: {  	[sflag:s14] =	ssyncset.done @!p2 $0x0  }
0xe3: {  	[sflag:s14] =	ssyncadd.s32 @!p2 $0xFFFFF800  }
0xe4: {  	_ =	swait.ge @!p2 [sflag:s14], $0x800  }
0xe5: {  	[sflag:s14] =	ssyncset.done @!p2 $0x0  }
0xe6: {  	[sflag:s14] =	ssyncadd.s32 @!p2 $0xFFFFF800  }
0xe7: {  	_ =	swait.ge @!p2 [sflag:s14], $0x800  }
0xe8: {  	[sflag:s14] =	ssyncset.done @!p2 $0x0  }
0xe9: {  	[sflag:s14] =	ssyncadd.s32 @!p2 $0xFFFFF800  }
0xea: {  	_ =	swait.ge @!p2 [sflag:s14], $0x800  }
0xeb: {  	[sflag:s14] =	ssyncset.done @!p2 $0x0  }
0xec: {  	[sflag:s14] =	ssyncadd.s32 @!p2 $0xFFFFF800  }
0xed: {  	_ =	swait.ge @!p2 [sflag:s14], $0x800  }
0xee: {  	[sflag:s14] =	ssyncset.done @!p2 $0x0  }
0xef: {  	[sflag:s14] =	ssyncadd.s32 @!p2 $0xFFFFF800  }
.Ltmp2:
0xf0: {  	_ =	swait.ge @!p2 [sflag:s14], $0x800;
	(pc) =	sbr.rel @p1 .LBB2_6-.Ltmp2, $4  }
0xf1: {  	[sflag:s14] =	ssyncset.done @!p2 $0x0  }
0xf2: {  	[sflag:s14] =	ssyncadd.s32 @!p2 $0xFFFFF800  }
0xf3: {  	s0 =	sadd.s32 $0x1, s0;
	_ =	swait.ge @!p2 [sflag:s14], $0x800  }
0xf4: {  	s17 =	sadd.s32 $0xFFFFFFFD, s0;
	[sflag:s14] =	ssyncset.done @!p2 $0x0  }
0xf5: {  	[sflag:s14] =	ssyncadd.s32 @!p2 $0xFFFFF800  }
0xf6: {  	_ =	swait.ge @!p2 [sflag:s14], $0x800  }
0xf7: {  	s3 =	sand.u32 $0x3, s17;
	[sflag:s14] =	ssyncset.done @!p2 $0x0  }
0xf8: {  	s4 =	simm.s32 @!p0 $0x400;
	s20 =	sadd.s32 $0x1, s3;
	[sflag:s14] =	ssyncadd.s32 @!p2 $0xFFFFF800  }
0xf9: {  	[tilespmem:s19], [sflag:s18] =	stream.indirect.gather @!p0 [hbm4b:s5+s4], $0x10, s16, s4, $0xb8;
	[tilespmem:$0x1CE80] =	vst v63  }
0xfa: {  	s13 =	sshra.s32 s31, $0x2;
	_ =	swait.ge [sflag:s20], $0x4000  }
0xfb: {  	s9 =	sshll.u32 s3, $0xE;
	s3 =	sadd.s32 $0x5, s3;
	[sflag:s20] =	ssyncset.done $0x0  }
0xfc: {  	s10 =	sadd.s32 $0x9F00, s9;
	s14 =	sadd.s32 $0x7700, s13;
	[sflag:s20] =	ssyncadd.s32 $0xFFFFC000  }
0xfd: {  	[spmem:s1] =	stream.indirect.scatter.add.f32 [tilespmem:s10], [sflag:s3], $0x10, s14, s21, $0xb8;
	[tilespmem:$0x1CE80] =	vst v63  }
0xfe: {  	_ = 	snop  }
0xff: {  	[spmem:s2] =	stream.indirect.scatter.add.f32 [tilespmem:s22], [sflag:s3], $0x10, s14, s21, $0xb8;
	[tilespmem:$0x1CE80] =	vst v63  }
0x100: {  	s16 =	sadd.s32 $0xA700, s9;
	s18 =	sadd.s32 $0x7780, s13  }
0x101: {  	[spmem:s1] =	stream.indirect.scatter.add.f32 [tilespmem:s16], [sflag:s3], $0x10, s18, s21, $0xb8;
	[tilespmem:$0x1CE80] =	vst v63  }
0x102: {  	_ = 	snop  }
0x103: {  	[spmem:s2] =	stream.indirect.scatter.add.f32 [tilespmem:s22], [sflag:s3], $0x10, s18, s21, $0xb8;
	[tilespmem:$0x1CE80] =	vst v63  }
0x104: {  	s19 =	sadd.s32 $0xAF00, s9;
	s20 =	sadd.s32 $0x7800, s13  }
0x105: {  	[spmem:s1] =	stream.indirect.scatter.add.f32 [tilespmem:s19], [sflag:s3], $0x10, s20, s21, $0xb8;
	[tilespmem:$0x1CE80] =	vst v63  }
0x106: {  	_ = 	snop  }
0x107: {  	[spmem:s2] =	stream.indirect.scatter.add.f32 [tilespmem:s22], [sflag:s3], $0x10, s20, s21, $0xb8;
	[tilespmem:$0x1CE80] =	vst v63  }
0x108: {  	s10 =	sadd.s32 $0xB700, s9;
	s14 =	sadd.s32 $0x7880, s13  }
0x109: {  	[spmem:s1] =	stream.indirect.scatter.add.f32 [tilespmem:s10], [sflag:s3], $0x10, s14, s21, $0xb8;
	[tilespmem:$0x1CE80] =	vst v63  }
0x10a: {  	_ = 	snop  }
0x10b: {  	[spmem:s2] =	stream.indirect.scatter.add.f32 [tilespmem:s22], [sflag:s3], $0x10, s14, s21, $0xb8;
	[tilespmem:$0x1CE80] =	vst v63  }
0x10c: {  	s16 =	sadd.s32 $0xBF00, s9;
	s18 =	sadd.s32 $0x7900, s13  }
0x10d: {  	[spmem:s1] =	stream.indirect.scatter.add.f32 [tilespmem:s16], [sflag:s3], $0x10, s18, s21, $0xb8;
	[tilespmem:$0x1CE80] =	vst v63  }
0x10e: {  	_ = 	snop  }
0x10f: {  	[spmem:s2] =	stream.indirect.scatter.add.f32 [tilespmem:s22], [sflag:s3], $0x10, s18, s21, $0xb8;
	[tilespmem:$0x1CE80] =	vst v63  }
0x110: {  	s19 =	sadd.s32 $0xC700, s9;
	s20 =	sadd.s32 $0x7980, s13  }
0x111: {  	[spmem:s1] =	stream.indirect.scatter.add.f32 [tilespmem:s19], [sflag:s3], $0x10, s20, s21, $0xb8;
	[tilespmem:$0x1CE80] =	vst v63  }
0x112: {  	_ = 	snop  }
0x113: {  	[spmem:s2] =	stream.indirect.scatter.add.f32 [tilespmem:s22], [sflag:s3], $0x10, s20, s21, $0xb8;
	[tilespmem:$0x1CE80] =	vst v63  }
0x114: {  	s14 =	sadd.s32 $0xCF00, s9;
	s16 =	sadd.s32 $0x7A00, s13  }
0x115: {  	[spmem:s1] =	stream.indirect.scatter.add.f32 [tilespmem:s14], [sflag:s3], $0x10, s16, s21, $0xb8;
	[tilespmem:$0x1CE80] =	vst v63  }
0x116: {  	p0 =	sgt.u32 s17, $0x6  }
0x117: {  	[spmem:s2] =	stream.indirect.scatter.add.f32 [tilespmem:s22], [sflag:s3], $0x10, s16, s21, $0xb8;
	[tilespmem:$0x1CE80] =	vst v63  }
0x118: {  	p1 =	seq.s32 @!p0 s31, $0x0;
	s18 =	sadd.s32 $0xD700, s9;
	s19 =	sadd.s32 $0x7A80, s13  }
0x119: {  	[spmem:s1] =	stream.indirect.scatter.add.f32 [tilespmem:s18], [sflag:s3], $0x10, s19, s21, $0xb8;
	[tilespmem:$0x1CE80] =	vst v63  }
0x11a: {  	s0 =	sand.u32 @!p0 $0x3, s0;
	p1 =	por p1, p0  }
0x11b: {  	[spmem:s2] =	stream.indirect.scatter.add.f32 [tilespmem:s22], [sflag:s3], $0x10, s19, s21, $0xb8;
	[tilespmem:$0x1CE80] =	vst v63  }
0x11c: {  	s3 =	sadd.s32 @!p1 $0x5, s0  }
0x11d: {  	_ =	swait.ge @!p1 [sflag:s3], $0x800  }
0x11e: {  	[sflag:s3] =	ssyncset.done @!p1 $0x0  }
0x11f: {  	[sflag:s3] =	ssyncadd.s32 @!p1 $0xFFFFF800  }
0x120: {  	_ =	swait.ge @!p1 [sflag:s3], $0x800  }
0x121: {  	[sflag:s3] =	ssyncset.done @!p1 $0x0  }
0x122: {  	[sflag:s3] =	ssyncadd.s32 @!p1 $0xFFFFF800  }
0x123: {  	_ =	swait.ge @!p1 [sflag:s3], $0x800  }
0x124: {  	[sflag:s3] =	ssyncset.done @!p1 $0x0  }
0x125: {  	[sflag:s3] =	ssyncadd.s32 @!p1 $0xFFFFF800  }
0x126: {  	_ =	swait.ge @!p1 [sflag:s3], $0x800  }
0x127: {  	[sflag:s3] =	ssyncset.done @!p1 $0x0  }
0x128: {  	[sflag:s3] =	ssyncadd.s32 @!p1 $0xFFFFF800  }
0x129: {  	_ =	swait.ge @!p1 [sflag:s3], $0x800  }
0x12a: {  	[sflag:s3] =	ssyncset.done @!p1 $0x0  }
0x12b: {  	[sflag:s3] =	ssyncadd.s32 @!p1 $0xFFFFF800  }
0x12c: {  	_ =	swait.ge @!p1 [sflag:s3], $0x800  }
0x12d: {  	[sflag:s3] =	ssyncset.done @!p1 $0x0  }
0x12e: {  	[sflag:s3] =	ssyncadd.s32 @!p1 $0xFFFFF800  }
0x12f: {  	_ =	swait.ge @!p1 [sflag:s3], $0x800  }
0x130: {  	[sflag:s3] =	ssyncset.done @!p1 $0x0  }
0x131: {  	[sflag:s3] =	ssyncadd.s32 @!p1 $0xFFFFF800  }
0x132: {  	_ =	swait.ge @!p1 [sflag:s3], $0x800  }
0x133: {  	[sflag:s3] =	ssyncset.done @!p1 $0x0  }
0x134: {  	[sflag:s3] =	ssyncadd.s32 @!p1 $0xFFFFF800  }
0x135: {  	_ =	swait.ge @!p1 [sflag:s3], $0x800  }
0x136: {  	[sflag:s3] =	ssyncset.done @!p1 $0x0  }
0x137: {  	[sflag:s3] =	ssyncadd.s32 @!p1 $0xFFFFF800  }
0x138: {  	_ =	swait.ge @!p1 [sflag:s3], $0x800  }
0x139: {  	[sflag:s3] =	ssyncset.done @!p1 $0x0  }
0x13a: {  	[sflag:s3] =	ssyncadd.s32 @!p1 $0xFFFFF800  }
0x13b: {  	_ =	swait.ge @!p1 [sflag:s3], $0x800  }
0x13c: {  	[sflag:s3] =	ssyncset.done @!p1 $0x0  }
0x13d: {  	[sflag:s3] =	ssyncadd.s32 @!p1 $0xFFFFF800  }
0x13e: {  	_ =	swait.ge @!p1 [sflag:s3], $0x800  }
0x13f: {  	[sflag:s3] =	ssyncset.done @!p1 $0x0  }
0x140: {  	[sflag:s3] =	ssyncadd.s32 @!p1 $0xFFFFF800  }
0x141: {  	_ =	swait.ge @!p1 [sflag:s3], $0x800  }
0x142: {  	[sflag:s3] =	ssyncset.done @!p1 $0x0  }
0x143: {  	[sflag:s3] =	ssyncadd.s32 @!p1 $0xFFFFF800  }
0x144: {  	_ =	swait.ge @!p1 [sflag:s3], $0x800  }
0x145: {  	[sflag:s3] =	ssyncset.done @!p1 $0x0  }
0x146: {  	[sflag:s3] =	ssyncadd.s32 @!p1 $0xFFFFF800  }
0x147: {  	_ =	swait.ge @!p1 [sflag:s3], $0x800  }
0x148: {  	[sflag:s3] =	ssyncset.done @!p1 $0x0  }
0x149: {  	[sflag:s3] =	ssyncadd.s32 @!p1 $0xFFFFF800  }
0x14a: {  	s4 =	sshra.s32 @!p0 s31, $0x2;
	s9 =	sshll.u32 @!p0 s0, $0xE;
	_ =	swait.ge @!p1 [sflag:s3], $0x800  }
0x14b: {  	s4 =	sadd.s32 @!p0 $0x5B00, s4;
	s9 =	sadd.s32 @!p0 $0x9F00, s9;
	[sflag:s3] =	ssyncset.done @!p1 $0x0  }
0x14c: {  	s0 =	sadd.s32 @!p0 $0x1, s0;
	[sflag:s3] =	ssyncadd.s32 @!p1 $0xFFFFF800;
	s3 =	simm.s32 @!p0 $0x400  }
0x14d: {  	[tilespmem:s9], [sflag:s0] =	stream.indirect.gather @!p0 [hbm4b:s5+s3], $0x10, s4, s3, $0xb8;
	[tilespmem:$0x1CE80] =	vst v63  }
0x14e: {  	_ =	swait.ge [sflag:s25], $0x800  }
0x14f: {  	[sflag:s25] =	ssyncset.done $0x0  }
0x150: {  	[sflag:s25] =	ssyncadd.s32 $0xFFFFF800  }
0x151: {  	_ =	swait.ge [sflag:s25], $0x800  }
0x152: {  	[sflag:s25] =	ssyncset.done $0x0  }
0x153: {  	[sflag:s25] =	ssyncadd.s32 $0xFFFFF800  }
0x154: {  	_ =	swait.ge [sflag:s25], $0x800  }
0x155: {  	[sflag:s25] =	ssyncset.done $0x0  }
0x156: {  	[sflag:s25] =	ssyncadd.s32 $0xFFFFF800  }
0x157: {  	_ =	swait.ge [sflag:s25], $0x800  }
0x158: {  	[sflag:s25] =	ssyncset.done $0x0  }
0x159: {  	[sflag:s25] =	ssyncadd.s32 $0xFFFFF800  }
0x15a: {  	_ =	swait.ge [sflag:s25], $0x800  }
0x15b: {  	[sflag:s25] =	ssyncset.done $0x0  }
0x15c: {  	[sflag:s25] =	ssyncadd.s32 $0xFFFFF800  }
0x15d: {  	_ =	swait.ge [sflag:s25], $0x800  }
0x15e: {  	[sflag:s25] =	ssyncset.done $0x0  }
0x15f: {  	[sflag:s25] =	ssyncadd.s32 $0xFFFFF800  }
0x160: {  	_ =	swait.ge [sflag:s25], $0x800  }
0x161: {  	[sflag:s25] =	ssyncset.done $0x0  }
0x162: {  	[sflag:s25] =	ssyncadd.s32 $0xFFFFF800  }
0x163: {  	_ =	swait.ge [sflag:s25], $0x800  }
0x164: {  	[sflag:s25] =	ssyncset.done $0x0  }
0x165: {  	[sflag:s25] =	ssyncadd.s32 $0xFFFFF800  }
0x166: {  	_ =	swait.ge [sflag:s25], $0x800  }
0x167: {  	[sflag:s25] =	ssyncset.done $0x0  }
0x168: {  	[sflag:s25] =	ssyncadd.s32 $0xFFFFF800  }
0x169: {  	_ =	swait.ge [sflag:s25], $0x800  }
0x16a: {  	[sflag:s25] =	ssyncset.done $0x0  }
0x16b: {  	[sflag:s25] =	ssyncadd.s32 $0xFFFFF800  }
0x16c: {  	_ =	swait.ge [sflag:s25], $0x800  }
0x16d: {  	[sflag:s25] =	ssyncset.done $0x0  }
0x16e: {  	[sflag:s25] =	ssyncadd.s32 $0xFFFFF800  }
0x16f: {  	_ =	swait.ge [sflag:s25], $0x800  }
0x170: {  	[sflag:s25] =	ssyncset.done $0x0  }
0x171: {  	[sflag:s25] =	ssyncadd.s32 $0xFFFFF800  }
0x172: {  	_ =	swait.ge [sflag:s25], $0x800  }
0x173: {  	[sflag:s25] =	ssyncset.done $0x0  }
0x174: {  	[sflag:s25] =	ssyncadd.s32 $0xFFFFF800  }
0x175: {  	_ =	swait.ge [sflag:s25], $0x800  }
0x176: {  	[sflag:s25] =	ssyncset.done $0x0  }
0x177: {  	[sflag:s25] =	ssyncadd.s32 $0xFFFFF800  }
0x178: {  	_ =	swait.ge [sflag:s25], $0x800  }
0x179: {  	[sflag:s25] =	ssyncset.done $0x0  }
0x17a: {  	[sflag:s25] =	ssyncadd.s32 $0xFFFFF800  }
0x17b: {  	_ =	swait.ge [sflag:s25], $0x800  }
0x17c: {  	[sflag:s25] =	ssyncset.done $0x0  }
0x17d: {  	[sflag:s25] =	ssyncadd.s32 $0xFFFFF800  }
0x17e: {  	_ =	swait.ge [sflag:s26], $0x800  }
0x17f: {  	[sflag:s26] =	ssyncset.done $0x0  }
0x180: {  	[sflag:s26] =	ssyncadd.s32 $0xFFFFF800  }
0x181: {  	_ =	swait.ge [sflag:s26], $0x800  }
0x182: {  	[sflag:s26] =	ssyncset.done $0x0  }
0x183: {  	[sflag:s26] =	ssyncadd.s32 $0xFFFFF800  }
0x184: {  	_ =	swait.ge [sflag:s26], $0x800  }
0x185: {  	[sflag:s26] =	ssyncset.done $0x0  }
0x186: {  	[sflag:s26] =	ssyncadd.s32 $0xFFFFF800  }
0x187: {  	_ =	swait.ge [sflag:s26], $0x800  }
0x188: {  	[sflag:s26] =	ssyncset.done $0x0  }
0x189: {  	[sflag:s26] =	ssyncadd.s32 $0xFFFFF800  }
0x18a: {  	_ =	swait.ge [sflag:s26], $0x800  }
0x18b: {  	[sflag:s26] =	ssyncset.done $0x0  }
0x18c: {  	[sflag:s26] =	ssyncadd.s32 $0xFFFFF800  }
0x18d: {  	_ =	swait.ge [sflag:s26], $0x800  }
0x18e: {  	[sflag:s26] =	ssyncset.done $0x0  }
0x18f: {  	[sflag:s26] =	ssyncadd.s32 $0xFFFFF800  }
0x190: {  	_ =	swait.ge [sflag:s26], $0x800  }
0x191: {  	[sflag:s26] =	ssyncset.done $0x0  }
0x192: {  	[sflag:s26] =	ssyncadd.s32 $0xFFFFF800  }
0x193: {  	_ =	swait.ge [sflag:s26], $0x800  }
0x194: {  	[sflag:s26] =	ssyncset.done $0x0  }
0x195: {  	[sflag:s26] =	ssyncadd.s32 $0xFFFFF800  }
0x196: {  	_ =	swait.ge [sflag:s26], $0x800  }
0x197: {  	[sflag:s26] =	ssyncset.done $0x0  }
0x198: {  	[sflag:s26] =	ssyncadd.s32 $0xFFFFF800  }
0x199: {  	_ =	swait.ge [sflag:s26], $0x800  }
0x19a: {  	[sflag:s26] =	ssyncset.done $0x0  }
0x19b: {  	[sflag:s26] =	ssyncadd.s32 $0xFFFFF800  }
0x19c: {  	_ =	swait.ge [sflag:s26], $0x800  }
0x19d: {  	[sflag:s26] =	ssyncset.done $0x0  }
0x19e: {  	[sflag:s26] =	ssyncadd.s32 $0xFFFFF800  }
0x19f: {  	_ =	swait.ge [sflag:s26], $0x800  }
0x1a0: {  	[sflag:s26] =	ssyncset.done $0x0  }
0x1a1: {  	[sflag:s26] =	ssyncadd.s32 $0xFFFFF800  }
0x1a2: {  	_ =	swait.ge [sflag:s26], $0x800  }
0x1a3: {  	[sflag:s26] =	ssyncset.done $0x0  }
0x1a4: {  	[sflag:s26] =	ssyncadd.s32 $0xFFFFF800  }
0x1a5: {  	_ =	swait.ge [sflag:s26], $0x800  }
0x1a6: {  	[sflag:s26] =	ssyncset.done $0x0  }
0x1a7: {  	[sflag:s26] =	ssyncadd.s32 $0xFFFFF800  }
0x1a8: {  	_ =	swait.ge [sflag:s26], $0x800  }
0x1a9: {  	[sflag:s26] =	ssyncset.done $0x0  }
0x1aa: {  	[sflag:s26] =	ssyncadd.s32 $0xFFFFF800  }
0x1ab: {  	_ =	swait.ge [sflag:s26], $0x800  }
0x1ac: {  	[sflag:s26] =	ssyncset.done $0x0  }
0x1ad: {  	[sflag:s26] =	ssyncadd.s32 $0xFFFFF800  }
0x1ae: {  	_ =	swait.ge [sflag:s28], $0x800  }
0x1af: {  	[sflag:s28] =	ssyncset.done $0x0  }
0x1b0: {  	[sflag:s28] =	ssyncadd.s32 $0xFFFFF800  }
0x1b1: {  	_ =	swait.ge [sflag:s28], $0x800  }
0x1b2: {  	[sflag:s28] =	ssyncset.done $0x0  }
0x1b3: {  	[sflag:s28] =	ssyncadd.s32 $0xFFFFF800  }
0x1b4: {  	_ =	swait.ge [sflag:s28], $0x800  }
0x1b5: {  	[sflag:s28] =	ssyncset.done $0x0  }
0x1b6: {  	[sflag:s28] =	ssyncadd.s32 $0xFFFFF800  }
0x1b7: {  	_ =	swait.ge [sflag:s28], $0x800  }
0x1b8: {  	[sflag:s28] =	ssyncset.done $0x0  }
0x1b9: {  	[sflag:s28] =	ssyncadd.s32 $0xFFFFF800  }
0x1ba: {  	_ =	swait.ge [sflag:s28], $0x800  }
0x1bb: {  	[sflag:s28] =	ssyncset.done $0x0  }
0x1bc: {  	[sflag:s28] =	ssyncadd.s32 $0xFFFFF800  }
0x1bd: {  	_ =	swait.ge [sflag:s28], $0x800  }
0x1be: {  	[sflag:s28] =	ssyncset.done $0x0  }
0x1bf: {  	[sflag:s28] =	ssyncadd.s32 $0xFFFFF800  }
0x1c0: {  	_ =	swait.ge [sflag:s28], $0x800  }
0x1c1: {  	[sflag:s28] =	ssyncset.done $0x0  }
0x1c2: {  	[sflag:s28] =	ssyncadd.s32 $0xFFFFF800  }
0x1c3: {  	_ =	swait.ge [sflag:s28], $0x800  }
0x1c4: {  	[sflag:s28] =	ssyncset.done $0x0  }
0x1c5: {  	[sflag:s28] =	ssyncadd.s32 $0xFFFFF800  }
0x1c6: {  	_ =	swait.ge [sflag:s28], $0x800  }
0x1c7: {  	[sflag:s28] =	ssyncset.done $0x0  }
0x1c8: {  	[sflag:s28] =	ssyncadd.s32 $0xFFFFF800  }
0x1c9: {  	_ =	swait.ge [sflag:s28], $0x800  }
0x1ca: {  	[sflag:s28] =	ssyncset.done $0x0  }
0x1cb: {  	[sflag:s28] =	ssyncadd.s32 $0xFFFFF800  }
0x1cc: {  	_ =	swait.ge [sflag:s28], $0x800  }
0x1cd: {  	[sflag:s28] =	ssyncset.done $0x0  }
0x1ce: {  	[sflag:s28] =	ssyncadd.s32 $0xFFFFF800  }
0x1cf: {  	_ =	swait.ge [sflag:s28], $0x800  }
0x1d0: {  	[sflag:s28] =	ssyncset.done $0x0  }
0x1d1: {  	[sflag:s28] =	ssyncadd.s32 $0xFFFFF800  }
0x1d2: {  	_ =	swait.ge [sflag:s28], $0x800  }
0x1d3: {  	[sflag:s28] =	ssyncset.done $0x0  }
0x1d4: {  	[sflag:s28] =	ssyncadd.s32 $0xFFFFF800  }
0x1d5: {  	_ =	swait.ge [sflag:s28], $0x800  }
0x1d6: {  	[sflag:s28] =	ssyncset.done $0x0  }
0x1d7: {  	[sflag:s28] =	ssyncadd.s32 $0xFFFFF800  }
0x1d8: {  	_ =	swait.ge [sflag:s28], $0x800  }
0x1d9: {  	[sflag:s28] =	ssyncset.done $0x0  }
0x1da: {  	[sflag:s28] =	ssyncadd.s32 $0xFFFFF800  }
0x1db: {  	_ =	swait.ge [sflag:s28], $0x800  }
0x1dc: {  	[sflag:s28] =	ssyncset.done $0x0  }
0x1dd: {  	[sflag:s28] =	ssyncadd.s32 $0xFFFFF800  }
0x1de: {  	_ =	swait.ge [sflag:s29], $0x800  }
0x1df: {  	[sflag:s29] =	ssyncset.done $0x0  }
0x1e0: {  	[sflag:s29] =	ssyncadd.s32 $0xFFFFF800  }
0x1e1: {  	_ =	swait.ge [sflag:s29], $0x800  }
0x1e2: {  	[sflag:s29] =	ssyncset.done $0x0  }
0x1e3: {  	[sflag:s29] =	ssyncadd.s32 $0xFFFFF800  }
0x1e4: {  	_ =	swait.ge [sflag:s29], $0x800  }
0x1e5: {  	[sflag:s29] =	ssyncset.done $0x0  }
0x1e6: {  	[sflag:s29] =	ssyncadd.s32 $0xFFFFF800  }
0x1e7: {  	_ =	swait.ge [sflag:s29], $0x800  }
0x1e8: {  	[sflag:s29] =	ssyncset.done $0x0  }
0x1e9: {  	[sflag:s29] =	ssyncadd.s32 $0xFFFFF800  }
0x1ea: {  	_ =	swait.ge [sflag:s29], $0x800  }
0x1eb: {  	[sflag:s29] =	ssyncset.done $0x0  }
0x1ec: {  	[sflag:s29] =	ssyncadd.s32 $0xFFFFF800  }
0x1ed: {  	_ =	swait.ge [sflag:s29], $0x800  }
0x1ee: {  	[sflag:s29] =	ssyncset.done $0x0  }
0x1ef: {  	[sflag:s29] =	ssyncadd.s32 $0xFFFFF800  }
0x1f0: {  	_ =	swait.ge [sflag:s29], $0x800  }
0x1f1: {  	[sflag:s29] =	ssyncset.done $0x0  }
0x1f2: {  	[sflag:s29] =	ssyncadd.s32 $0xFFFFF800  }
0x1f3: {  	_ =	swait.ge [sflag:s29], $0x800  }
0x1f4: {  	[sflag:s29] =	ssyncset.done $0x0  }
0x1f5: {  	[sflag:s29] =	ssyncadd.s32 $0xFFFFF800  }
0x1f6: {  	_ =	swait.ge [sflag:s29], $0x800  }
0x1f7: {  	[sflag:s29] =	ssyncset.done $0x0  }
0x1f8: {  	[sflag:s29] =	ssyncadd.s32 $0xFFFFF800  }
0x1f9: {  	_ =	swait.ge [sflag:s29], $0x800  }
0x1fa: {  	[sflag:s29] =	ssyncset.done $0x0  }
0x1fb: {  	[sflag:s29] =	ssyncadd.s32 $0xFFFFF800  }
0x1fc: {  	_ =	swait.ge [sflag:s29], $0x800  }
0x1fd: {  	[sflag:s29] =	ssyncset.done $0x0  }
0x1fe: {  	[sflag:s29] =	ssyncadd.s32 $0xFFFFF800  }
0x1ff: {  	_ =	swait.ge [sflag:s29], $0x800  }
0x200: {  	[sflag:s29] =	ssyncset.done $0x0  }
0x201: {  	[sflag:s29] =	ssyncadd.s32 $0xFFFFF800  }
0x202: {  	_ =	swait.ge [sflag:s29], $0x800  }
0x203: {  	[sflag:s29] =	ssyncset.done $0x0  }
0x204: {  	[sflag:s29] =	ssyncadd.s32 $0xFFFFF800  }
0x205: {  	_ =	swait.ge [sflag:s29], $0x800  }
0x206: {  	[sflag:s29] =	ssyncset.done $0x0  }
0x207: {  	[sflag:s29] =	ssyncadd.s32 $0xFFFFF800  }
0x208: {  	_ =	swait.ge [sflag:s29], $0x800  }
0x209: {  	[sflag:s29] =	ssyncset.done $0x0  }
0x20a: {  	[sflag:s29] =	ssyncadd.s32 $0xFFFFF800  }
0x20b: {  	_ =	swait.ge [sflag:s29], $0x800  }
0x20c: {  	[sflag:s29] =	ssyncset.done $0x0  }
0x20d: {  	[sflag:s29] =	ssyncadd.s32 $0xFFFFF800  }
0x20e: {  	[bflag:$0x0] =	sbarrier.arrive $0xFFFF  }
0x20f: {  	[tilespmem:s11], [sflag:$0x9] =	stream.linear.gather [spmem:s6], $0x2780, $0x38;
	[tilespmem:$0x1CE80] =	vst v63  }
0x210: {  	_ =	swait.ge [sflag:s12], $0x2780  }
0x211: {  	[sflag:s12] =	ssyncset.done $0x0  }
0x212: {  	s20 =	simm.s32 $0x0;
	[sflag:s12] =	ssyncadd.s32 $0xFFFFD880  }
0x213: {  	[hbm4b:s23+s20] =	stream.linear.scatter [tilespmem:s11], [sflag:$0x9], $0x2780, $0x38;
	[tilespmem:$0x1CE80] =	vst v63  }
0x214: {  	_ =	swait.ge [sflag:s12], $0x2780  }
0x215: {  	[sflag:s12] =	ssyncset.done $0x0  }
0x216: {  	[sflag:s12] =	ssyncadd.s32 $0xFFFFD880  }
0x217: {  	[tilespmem:s11], [sflag:$0x9] =	stream.linear.gather [spmem:s7], $0x2780, $0x38;
	[tilespmem:$0x1CE80] =	vst v63  }
0x218: {  	_ =	swait.ge [sflag:s12], $0x2780  }
0x219: {  	[sflag:s12] =	ssyncset.done $0x0  }
0x21a: {  	[sflag:s12] =	ssyncadd.s32 $0xFFFFD880  }
0x21b: {  	[hbm4b:s24+s20] =	stream.linear.scatter [tilespmem:s11], [sflag:$0x9], $0x2780, $0x38;
	[tilespmem:$0x1CE80] =	vst v63  }
0x21c: {  	_ =	swait.ge [sflag:s12], $0x2780  }
0x21d: {  	s30 =	sadd.s32 $0x1, s30;
	s31 =	rddreg [dreg:$0x6]  }
0x21e: {  	p0 =	sne.s32 s30, s31  }
.Ltmp3:
0x21f: {  	_ = 	snop;
	(pc) =	sbr.rel @p0 .LBB2_1-.Ltmp3, $3  }
0x220: {  	_ =	sdelay $0x1  }
0x221: {  	[sflag:s12] =	ssyncset.done $0x0  }
0x222: {  	[sflag:s12] =	ssyncadd.s32 $0xFFFFD880  }
0x223: {  	_ =	sfence.sel $0x180000  }
0x224: {  	[bflag:$0x0] =	sbarrier.arrive $0xFFFF  }
0x225: {  	_ =	strace $0x90000047  }
0x226: {  	s0 =	stileid.u32;
	[bflag:$0x2] =	sbarrier.arrive $0xFFFF  }
0x227: {  	p0 =	sne.s32 s0, $0x0;
	s0 =	rddreg [dreg:$0x4]  }
0x228: {  	s0 =	sadd.s32 @!p0 $0x100000, s0  }
0x229: {  	[sflag:s0] =	ssyncadd.tile.s32 @!p0 $0x1;
	_ =	shalt  }
.Lfunc_end2:
_tile_overlayer_lowered:
.L_overlay_start_2:
0x22a: {  	(tag) =	ssettag $0x2  }
0x22b: {  	s0 =	rddreg [dreg:$0x0];
	s2 =	stileid.u32  }
0x22c: {  	s1 =	rddreg [dreg:$0x1];
	p0 =	sne.s32 s2, $0x0  }
0x22d: {  	s3 =	rddreg [dreg:$0x2];
	[bflag:$0x3] =	sbarrier.arrive $0xFFFF;
	s2 =	simm.s32 @!p0 $0x1C09  }
0x22e: {  	[timem:s3], [sflag:s2] =	dma.local @!p0 [hbm:s0], s1  }
0x22f: {  	s0 =	simm.s32 @!p0 $0x9  }
0x230: {  	_ =	swait.ge @!p0 [sflag:s0], s1  }
0x231: {  	s1 =	ssub.s32 @!p0 $0x0, s1;
	[sflag:s0] =	ssyncset.done @!p0 $0x0  }
0x232: {  	[sflag:s0] =	ssyncadd.s32 @!p0 s1  }
0x233: {  	[bflag:$0x3] =	sbarrier.arrive $0xFFFF  }
0x234: {  	_ =	shalt  }

</sc_bundles>
